<compile_context>
chip_gen: v7x
topology: tpu7x:2x2x1
jax: 0.10.2.dev20260603
libtpu: 0.0.44.dev20260713+nightly
codegen_flags: <defaults>
</compile_context>

<pallas_src>
import functools

import jax
import jax.numpy as jnp
from jax import lax
from jax.experimental import pallas as pl
from jax.experimental.pallas import tpu as pltpu
from jax.experimental.pallas import tpu_sc as plsc

B = 4096
NF = 26
V = 100000
D = 16
ND = 13
H1, H2 = 256, 128
NV = NF * V
BNF = B * NF
NC, NS = 2, 16
NW = NC * NS
PER_W = BNF // NW

TL = 65536
NVP = NV + 64
DSTEP = -(-NVP // TL)
TAILW = NVP - (DSTEP - 1) * TL


def _detile_body(in_ref, out_hbm, sem):
    i = pl.program_id(0)

    @pl.when(i < DSTEP - 1)
    def _():
        for c in range(D):
            pltpu.async_copy(in_ref.at[c],
                             out_hbm.at[pl.ds(c * NVP + i * TL, TL)], sem)
        for c in range(D):
            pltpu.make_async_copy(in_ref.at[c],
                                  out_hbm.at[pl.ds(0, TL)], sem).wait()

    @pl.when(i == DSTEP - 1)
    def _():
        for c in range(D):
            pltpu.async_copy(in_ref.at[c, pl.ds(0, TAILW)],
                             out_hbm.at[pl.ds(c * NVP + i * TL, TAILW)], sem)
        for c in range(D):
            pltpu.make_async_copy(in_ref.at[c, pl.ds(0, TAILW)],
                                  out_hbm.at[pl.ds(0, TAILW)], sem).wait()


def _detile(emb_t):
    return pl.pallas_call(
        _detile_body,
        grid=(DSTEP,),
        in_specs=[pl.BlockSpec((D, TL), lambda i: (0, i))],
        out_specs=pl.BlockSpec(memory_space=pl.ANY),
        out_shape=jax.ShapeDtypeStruct((D * NVP,), jnp.float32),
        scratch_shapes=[pltpu.SemaphoreType.DMA],
    )(emb_t)


CHUNK = 128
NCHUNK = PER_W // CHUNK
NVG = NV // D
NVGP = NVG + 4
NT = D + 1
RING = 8


def _sc_gather(emb16, lin16, idxh3d, idxlo3d):
    mesh = plsc.VectorSubcoreMesh(core_axis_name="c", subcore_axis_name="s")

    @functools.partial(
        pl.kernel,
        mesh=mesh,
        compiler_params=pltpu.CompilerParams(use_tc_tiling_on_sc=False,
                                             needs_layout_passes=False),
        out_type=[
            jax.ShapeDtypeStruct((D, BNF), jnp.float32),
            jax.ShapeDtypeStruct((BNF,), jnp.float32),
        ],
        scratch_types=[
            pltpu.VMEM((NCHUNK, CHUNK), jnp.int32),
            pltpu.VMEM((NCHUNK, CHUNK), jnp.int32),
            pltpu.VMEM((RING, CHUNK, D), jnp.float32),
            pltpu.VMEM((NT, PER_W), jnp.float32),
            pltpu.SemaphoreType.DMA((RING,)),
        ],
    )
    def gather_k(emb_hbm, lin_hbm, idxh_hbm, idxlo_hbm, e_out, l_out,
                 idxh_v, idxlo_v, bufs, vals, sems):
        wid = lax.axis_index("s") * NC + lax.axis_index("c")
        base = wid * PER_W
        pltpu.sync_copy(idxh_hbm.at[wid], idxh_v)
        pltpu.sync_copy(idxlo_hbm.at[wid], idxlo_v)
        iota16 = lax.iota(jnp.int32, 16)

        def do_table(t, tbl):
            def fire(k, j):
                pltpu.async_copy(tbl.at[idxh_v.at[k]], bufs.at[j], sems.at[j])

            def extract(k, j):
                pltpu.make_async_copy(lin_hbm.at[pl.ds(0, CHUNK)],
                                      bufs.at[j], sems.at[j]).wait()

                @pl.loop(0, CHUNK // 16)
                def _(i):
                    lo16 = idxlo_v[k, pl.ds(i * 16, 16)]
                    rows = iota16 + i * 16
                    val = plsc.load_gather(bufs.at[j], [rows, lo16])
                    vals[t, pl.ds(k * CHUNK + i * 16, 16)] = val

            for j in range(RING):
                fire(j, j)

            @pl.loop(0, NCHUNK // RING - 1)
            def _(g):
                k0 = g * RING
                for j in range(RING):
                    extract(k0 + j, j)
                    fire(k0 + RING + j, j)

            tail = (NCHUNK // RING - 1) * RING
            for j in range(RING):
                extract(tail + j, j)
                if tail + RING + j < NCHUNK:
                    fire(tail + RING + j, j)
            for j in range(NCHUNK - tail - RING):
                extract(tail + RING + j, j)

        @pl.loop(0, D)
        def _(t):
            do_table(t, emb_hbm.at[pl.ds(t * NVGP, NVG)])

        do_table(D, lin_hbm)

        pltpu.sync_copy(vals.at[pl.ds(0, D)], e_out.at[:, pl.ds(base, PER_W)])
        pltpu.sync_copy(vals.at[D], l_out.at[pl.ds(base, PER_W)])

    return gather_k(emb16, lin16, idxh3d, idxlo3d)


BC = 512
NCH = B // BC

_HI = jax.lax.Precision.HIGHEST


def _dot(a, b):
    return jnp.dot(a, b, precision=_HI, preferred_element_type=jnp.float32)


def _tc_body(dense_ref, e_ref, lin_ref,
             Wd_ref, W1a_ref, W1bs_ref,
             b1_ref, g1_ref, be1_ref, W2_ref, b2_ref, g2_ref, be2_ref,
             Wo_ref, bias_ref, out_ref,
             z1_scr, z2_scr, a1s, a1q, a2s, a2q):
    p = pl.program_id(0)
    i = pl.program_id(1)

    @pl.when((p == 0) & (i == 0))
    def _():
        a1s[...] = jnp.zeros_like(a1s)
        a1q[...] = jnp.zeros_like(a1q)
        a2s[...] = jnp.zeros_like(a2s)
        a2q[...] = jnp.zeros_like(a2q)

    @pl.when(p == 0)
    def _():
        z1 = _dot(dense_ref[...], W1a_ref[...]) + b1_ref[...]
        for c in range(D):
            z1 = z1 + _dot(e_ref[c], W1bs_ref[c])
        z1_scr[pl.ds(i * BC, BC), :] = z1
        a1s[...] += jnp.sum(z1, axis=0, keepdims=True)
        a1q[...] += jnp.sum(z1 * z1, axis=0, keepdims=True)
        out_ref[...] = jnp.zeros_like(out_ref)

    @pl.when(p == 1)
    def _():
        m1 = a1s[...] * (1.0 / B)
        v1 = a1q[...] * (1.0 / B) - m1 * m1
        z1 = z1_scr[pl.ds(i * BC, BC), :]
        h1 = jnp.maximum((z1 - m1) * lax.rsqrt(v1 + 1e-5) * g1_ref[...]
                         + be1_ref[...], 0.0)
        z2 = _dot(h1, W2_ref[...]) + b2_ref[...]
        z2_scr[pl.ds(i * BC, BC), :] = z2
        a2s[...] += jnp.sum(z2, axis=0, keepdims=True)
        a2q[...] += jnp.sum(z2 * z2, axis=0, keepdims=True)
        out_ref[...] = jnp.zeros_like(out_ref)

    @pl.when(p == 2)
    def _():
        linear = (_dot(dense_ref[...], Wd_ref[...])
                  + jnp.sum(lin_ref[...], axis=1, keepdims=True))
        fm = jnp.zeros((BC, 1), jnp.float32)
        for c in range(D):
            ec = e_ref[c]
            sc = jnp.sum(ec, axis=1, keepdims=True)
            ssc = jnp.sum(ec * ec, axis=1, keepdims=True)
            fm = fm + (sc * sc - ssc)
        fm = 0.5 * fm

        m2 = a2s[...] * (1.0 / B)
        v2 = a2q[...] * (1.0 / B) - m2 * m2
        z2 = z2_scr[pl.ds(i * BC, BC), :]
        h2 = jnp.maximum((z2 - m2) * lax.rsqrt(v2 + 1e-5) * g2_ref[...]
                         + be2_ref[...], 0.0)
        deep = _dot(h2, Wo_ref[...])
        out_ref[...] = linear + fm + deep + bias_ref[...]


def _tc_forward(dense_features, e3, lin_vals, W_dense, b_dense,
                W1, b1, g1, be1, W2, b2, g2, be2, W_out, b_out):
    W1bs = W1[ND:].reshape(NF, D, H1).transpose(1, 0, 2)
    bias = (b_dense + b_out).reshape(1, 1).astype(jnp.float32)

    chunk = lambda p, i: (i, 0)
    chunk3 = lambda p, i: (0, i, 0)
    whole = lambda p, i: (0, 0)
    whole3 = lambda p, i: (0, 0, 0)
    out = pl.pallas_call(
        _tc_body,
        grid=(3, NCH),
        in_specs=[
            pl.BlockSpec((BC, ND), chunk),
            pl.BlockSpec((D, BC, NF), chunk3),
            pl.BlockSpec((BC, NF), chunk),
            pl.BlockSpec((ND, 1), whole),
            pl.BlockSpec((ND, H1), whole),
            pl.BlockSpec((D, NF, H1), whole3),
            pl.BlockSpec((1, H1), whole),
            pl.BlockSpec((1, H1), whole),
            pl.BlockSpec((1, H1), whole),
            pl.BlockSpec((H1, H2), whole),
            pl.BlockSpec((1, H2), whole),
            pl.BlockSpec((1, H2), whole),
            pl.BlockSpec((1, H2), whole),
            pl.BlockSpec((H2, 1), whole),
            pl.BlockSpec((1, 1), whole),
        ],
        out_specs=pl.BlockSpec((BC, 1), chunk),
        scratch_shapes=[
            pltpu.VMEM((B, H1), jnp.float32),
            pltpu.VMEM((B, H2), jnp.float32),
            pltpu.VMEM((1, H1), jnp.float32),
            pltpu.VMEM((1, H1), jnp.float32),
            pltpu.VMEM((1, H2), jnp.float32),
            pltpu.VMEM((1, H2), jnp.float32),
        ],
        out_shape=jax.ShapeDtypeStruct((B, 1), jnp.float32),
    )(dense_features, e3, lin_vals,
      W_dense.reshape(ND, 1), W1[:ND], W1bs, b1.reshape(1, H1),
      g1.reshape(1, H1), be1.reshape(1, H1), W2, b2.reshape(1, H2),
      g2.reshape(1, H2), be2.reshape(1, H2), W_out.reshape(H2, 1), bias)
    return out.reshape(B)


def kernel(dense_features, sparse_features, emb_table, lin_table, W_dense,
           b_dense, W1, b1, g1, be1, W2, b2, g2, be2, W_out, b_out):
    offsets = sparse_features + jnp.arange(NF, dtype=jnp.int32)[None, :] * V
    idxh3d = (offsets // D).reshape(NW, NCHUNK, CHUNK)
    idxlo3d = (offsets % D).reshape(NW, NCHUNK, CHUNK)

    emb16 = _detile(emb_table.T).reshape(D * NVGP, D)
    lin16 = lin_table.reshape(NVG, D)
    e_cm, l_rows = _sc_gather(emb16, lin16, idxh3d, idxlo3d)
    e3 = e_cm.reshape(D, B, NF)
    lin_vals = l_rows.reshape(B, NF)

    return _tc_forward(dense_features, e3, lin_vals, W_dense, b_dense,
                       W1, b1, g1, be1, W2, b2, g2, be2, W_out, b_out)

# --- scband reference (transcript-rebuilt; emitter-appended) ---
"""Pipeline reference for scband-deep-fm-5746666242050 (READ-ONLY COPY).

The authoritative reference and input builder live on the scoring server;
editing this copy changes nothing except your own understanding.
"""

import jax, jax.numpy as jnp
import numpy as np

B = 4096
NF = 26
V = 100000
D = 16
ND = 13
H1, H2 = 256, 128
IN_DIM = ND + NF * D


def setup_inputs(seed: int = 0) -> dict:
    key = jax.random.key(seed)
    ks = jax.random.split(key, 16)
    dense_features = jax.random.normal(ks[0], (B, ND), dtype=jnp.float32)
    sparse_features = jax.random.randint(ks[1], (B, NF), 0, V, dtype=jnp.int32)
    emb_table = jax.random.normal(ks[2], (NF * V, D), dtype=jnp.float32) * 0.01
    lin_table = jax.random.normal(ks[3], (NF * V,), dtype=jnp.float32) * 0.01
    W_dense = jax.random.normal(ks[4], (ND,), dtype=jnp.float32) * 0.1
    b_dense = jnp.zeros((), dtype=jnp.float32)
    W1 = jax.random.normal(ks[5], (IN_DIM, H1), dtype=jnp.float32) * 0.05
    b1 = jnp.zeros((H1,), dtype=jnp.float32)
    g1 = jnp.ones((H1,), dtype=jnp.float32)
    be1 = jnp.zeros((H1,), dtype=jnp.float32)
    W2 = jax.random.normal(ks[6], (H1, H2), dtype=jnp.float32) * 0.05
    b2 = jnp.zeros((H2,), dtype=jnp.float32)
    g2 = jnp.ones((H2,), dtype=jnp.float32)
    be2 = jnp.zeros((H2,), dtype=jnp.float32)
    W_out = jax.random.normal(ks[7], (H2,), dtype=jnp.float32) * 0.05
    b_out = jnp.zeros((), dtype=jnp.float32)
    return {
        'dense_features': dense_features,
        'sparse_features': sparse_features,
        'emb_table': emb_table,
        'lin_table': lin_table,
        'W_dense': W_dense,
        'b_dense': b_dense,
        'W1': W1, 'b1': b1, 'g1': g1, 'be1': be1,
        'W2': W2, 'b2': b2, 'g2': g2, 'be2': be2,
        'W_out': W_out, 'b_out': b_out,
    }


def _bn(x, g, b):
    m = jnp.mean(x, axis=0)
    v = jnp.var(x, axis=0)
    return (x - m) / jnp.sqrt(v + 1e-5) * g + b


def reference(dense_features, sparse_features, emb_table, lin_table,
              W_dense, b_dense, W1, b1, g1, be1, W2, b2, g2, be2, W_out, b_out):
    nf = sparse_features.shape[1]
    v = emb_table.shape[0] // nf
    offsets = sparse_features + jnp.arange(nf, dtype=sparse_features.dtype)[None, :] * v
    # linear (1st-order) part
    linear = dense_features @ W_dense + b_dense + jnp.take(lin_table, offsets, axis=0).sum(axis=1)
    # embedding gather: [B, NF, D]
    e = jnp.take(emb_table, offsets, axis=0)
    # FM 2nd-order part
    square_of_sum = jnp.sum(e, axis=1) ** 2
    sum_of_square = jnp.sum(e ** 2, axis=1)
    fm = 0.5 * jnp.sum(square_of_sum - sum_of_square, axis=1)
    # deep part (dropout is identity; BN uses batch statistics like torch train-mode math)
    deep_in = jnp.concatenate([dense_features, e.reshape(e.shape[0], -1)], axis=1)
    h = jax.nn.relu(_bn(deep_in @ W1 + b1, g1, be1))
    h = jax.nn.relu(_bn(h @ W2 + b2, g2, be2))
    deep = h @ W_out + b_out
    return linear + fm + deep

if __name__ == "__main__":
    import jax
    _d = setup_inputs()
    print(jax.jit(kernel)(*tuple(_d.values())))

</pallas_src>

<mosaic_0001>
#map = affine_map<(d0, d1) -> (0, 0)>
#map1 = affine_map<(d0, d1) -> (0, 0, 0)>
#map2 = affine_map<(d0, d1) -> (0)>
module attributes {stable_mosaic.version = 14 : i64} {
  func.func @gather_k(%arg0: i32, %arg1: i32, %arg2: memref<2600064x16xf32, #tpu.memory_space<hbm>>, %arg3: memref<162500x16xf32, #tpu.memory_space<hbm>>, %arg4: memref<32x26x128xi32, #tpu.memory_space<hbm>>, %arg5: memref<32x26x128xi32, #tpu.memory_space<hbm>>, %arg6: memref<16x106496xf32, #tpu.memory_space<hbm>>, %arg7: memref<106496xf32, #tpu.memory_space<hbm>>, %arg8: memref<26x128xi32, #tpu.memory_space<vmem>>, %arg9: memref<26x128xi32, #tpu.memory_space<vmem>>, %arg10: memref<8x128x16xf32, #tpu.memory_space<vmem>>, %arg11: memref<17x3328xf32, #tpu.memory_space<vmem>>, %arg12: memref<8x!tpu.dma_semaphore, #tpu.memory_space<semaphore_mem>>) attributes {dimension_semantics = [#tpu.dimension_semantics<core_parallel>, #tpu.dimension_semantics<subcore_parallel>], iteration_bounds = array<i64: 2, 16>, scalar_prefetch = 0 : i64, scratch_operands = 5 : i64, tpu.core_type = #tpu.core_type<sc_vector_subcore>, window_params = [{transform_indices = #map}, {transform_indices = #map}, {transform_indices = #map1}, {transform_indices = #map1}, {transform_indices = #map}, {transform_indices = #map2}]} {
    %mul3A = arith.constant 2 : i32
    %mul3A_0 = arith.muli %arg1, %mul3A : i32
    %add3A = arith.addi %mul3A_0, %arg0 : i32
    %mul3A_1 = arith.constant 3328 : i32
    %mul3A_2 = arith.muli %add3A, %mul3A_1 : i32
    "tpu.region"() ({
      %run_scoped3A_390 = tpu.sem_alloc : memref<!tpu.dma_semaphore, #tpu.memory_space<semaphore_mem>>
      %dma_start3A_391 = arith.constant 0 : i32
      %dma_start3A_392 = arith.constant 0 : i32
      %dma_start3A_393 = tpu.memref_slice %arg4[%add3A, %dma_start3A_391, %dma_start3A_392] : memref<32x26x128xi32, #tpu.memory_space<hbm>> -> memref<1x26x128xi32, #tpu.memory_space<hbm>>
      %dma_start3A_394 = tpu.memref_squeeze %dma_start3A_393 : memref<1x26x128xi32, #tpu.memory_space<hbm>> -> memref<26x128xi32, #tpu.memory_space<hbm>>
      %dma_start3A_395 = arith.constant 0 : i32
      %dma_start3A_396 = arith.constant 0 : i32
      %dma_start3A_397 = tpu.memref_slice %arg4[%add3A, %dma_start3A_395, %dma_start3A_396] : memref<32x26x128xi32, #tpu.memory_space<hbm>> -> memref<1x26x128xi32, #tpu.memory_space<hbm>>
      %dma_start3A_398 = tpu.memref_squeeze %dma_start3A_397 : memref<1x26x128xi32, #tpu.memory_space<hbm>> -> memref<26x128xi32, #tpu.memory_space<hbm>>
      tpu.enqueue_dma source(%dma_start3A_398 : memref<26x128xi32, #tpu.memory_space<hbm>>) target(%arg8 : memref<26x128xi32, #tpu.memory_space<vmem>>) target_semaphore(%run_scoped3A_390 : memref<!tpu.dma_semaphore, #tpu.memory_space<semaphore_mem>>)
      %dma_wait3A_399 = arith.constant 0 : i32
      %dma_wait3A_400 = arith.constant 0 : i32
      %dma_wait3A_401 = tpu.memref_slice %arg4[%add3A, %dma_wait3A_399, %dma_wait3A_400] : memref<32x26x128xi32, #tpu.memory_space<hbm>> -> memref<1x26x128xi32, #tpu.memory_space<hbm>>
      %dma_wait3A_402 = tpu.memref_squeeze %dma_wait3A_401 : memref<1x26x128xi32, #tpu.memory_space<hbm>> -> memref<26x128xi32, #tpu.memory_space<hbm>>
      %dma_wait3A_403 = arith.constant 0 : i32
      %dma_wait3A_404 = arith.constant 0 : i32
      %dma_wait3A_405 = tpu.memref_slice %arg4[%add3A, %dma_wait3A_403, %dma_wait3A_404] : memref<32x26x128xi32, #tpu.memory_space<hbm>> -> memref<1x26x128xi32, #tpu.memory_space<hbm>>
      %dma_wait3A_406 = tpu.memref_squeeze %dma_wait3A_405 : memref<1x26x128xi32, #tpu.memory_space<hbm>> -> memref<26x128xi32, #tpu.memory_space<hbm>>
      tpu.wait_dma2 semaphore(%run_scoped3A_390 : memref<!tpu.dma_semaphore, #tpu.memory_space<semaphore_mem>>) src(%dma_wait3A_406 : memref<26x128xi32, #tpu.memory_space<hbm>>) dst(%arg8 : memref<26x128xi32, #tpu.memory_space<vmem>>)
      tpu.yield
    }) : () -> ()
    "tpu.region"() ({
      %run_scoped3A_390 = tpu.sem_alloc : memref<!tpu.dma_semaphore, #tpu.memory_space<semaphore_mem>>
      %dma_start3A_391 = arith.constant 0 : i32
      %dma_start3A_392 = arith.constant 0 : i32
      %dma_start3A_393 = tpu.memref_slice %arg5[%add3A, %dma_start3A_391, %dma_start3A_392] : memref<32x26x128xi32, #tpu.memory_space<hbm>> -> memref<1x26x128xi32, #tpu.memory_space<hbm>>
      %dma_start3A_394 = tpu.memref_squeeze %dma_start3A_393 : memref<1x26x128xi32, #tpu.memory_space<hbm>> -> memref<26x128xi32, #tpu.memory_space<hbm>>
      %dma_start3A_395 = arith.constant 0 : i32
      %dma_start3A_396 = arith.constant 0 : i32
      %dma_start3A_397 = tpu.memref_slice %arg5[%add3A, %dma_start3A_395, %dma_start3A_396] : memref<32x26x128xi32, #tpu.memory_space<hbm>> -> memref<1x26x128xi32, #tpu.memory_space<hbm>>
      %dma_start3A_398 = tpu.memref_squeeze %dma_start3A_397 : memref<1x26x128xi32, #tpu.memory_space<hbm>> -> memref<26x128xi32, #tpu.memory_space<hbm>>
      tpu.enqueue_dma source(%dma_start3A_398 : memref<26x128xi32, #tpu.memory_space<hbm>>) target(%arg9 : memref<26x128xi32, #tpu.memory_space<vmem>>) target_semaphore(%run_scoped3A_390 : memref<!tpu.dma_semaphore, #tpu.memory_space<semaphore_mem>>)
      %dma_wait3A_399 = arith.constant 0 : i32
      %dma_wait3A_400 = arith.constant 0 : i32
      %dma_wait3A_401 = tpu.memref_slice %arg5[%add3A, %dma_wait3A_399, %dma_wait3A_400] : memref<32x26x128xi32, #tpu.memory_space<hbm>> -> memref<1x26x128xi32, #tpu.memory_space<hbm>>
      %dma_wait3A_402 = tpu.memref_squeeze %dma_wait3A_401 : memref<1x26x128xi32, #tpu.memory_space<hbm>> -> memref<26x128xi32, #tpu.memory_space<hbm>>
      %dma_wait3A_403 = arith.constant 0 : i32
      %dma_wait3A_404 = arith.constant 0 : i32
      %dma_wait3A_405 = tpu.memref_slice %arg5[%add3A, %dma_wait3A_403, %dma_wait3A_404] : memref<32x26x128xi32, #tpu.memory_space<hbm>> -> memref<1x26x128xi32, #tpu.memory_space<hbm>>
      %dma_wait3A_406 = tpu.memref_squeeze %dma_wait3A_405 : memref<1x26x128xi32, #tpu.memory_space<hbm>> -> memref<26x128xi32, #tpu.memory_space<hbm>>
      tpu.wait_dma2 semaphore(%run_scoped3A_390 : memref<!tpu.dma_semaphore, #tpu.memory_space<semaphore_mem>>) src(%dma_wait3A_406 : memref<26x128xi32, #tpu.memory_space<hbm>>) dst(%arg9 : memref<26x128xi32, #tpu.memory_space<vmem>>)
      tpu.yield
    }) : () -> ()
    %iota3A = tpu.iota {dimensions = array<i32: 0>} : vector<16xi32>
    %scan3A = arith.constant 0 : i32
    %scan3A_3 = arith.constant 16 : i32
    %scan3A_4 = arith.addi %scan3A, %scan3A_3 : i32
    %scan3A_5 = arith.constant 1 : i32
    scf.for %scan3A_390 = %scan3A to %scan3A_4 step %scan3A_5  : i32 {
      %mul3A_391 = arith.constant 1 : i32
      %mul3A_392 = arith.muli %scan3A_390, %mul3A_391 : i32
      %add3A_393 = arith.constant 0 : i32
      %add3A_394 = arith.addi %add3A_393, %mul3A_392 : i32
      %mul3A_395 = arith.constant 162504 : i32
      %mul3A_396 = arith.muli %add3A_394, %mul3A_395 : i32
      %dma_start3A_397 = arith.constant 0 : i32
      %dma_start3A_398 = arith.constant 0 : i32
      %dma_start3A_399 = arith.constant 0 : i32
      %dma_start3A_400 = arith.constant 0 : i32
      %dma_start3A_401 = arith.constant 0 : i32
      %dma_start3A_402 = tpu.memref_slice %arg10[%dma_start3A_398, %dma_start3A_400, %dma_start3A_401] : memref<8x128x16xf32, #tpu.memory_space<vmem>> -> memref<1x128x16xf32, #tpu.memory_space<vmem>>
      %dma_start3A_403 = tpu.memref_squeeze %dma_start3A_402 : memref<1x128x16xf32, #tpu.memory_space<vmem>> -> memref<128x16xf32, #tpu.memory_space<vmem>>
      %dma_start3A_404 = arith.constant 0 : i32
      %dma_start3A_405 = tpu.memref_slice %arg8[%dma_start3A_397, %dma_start3A_404] : memref<26x128xi32, #tpu.memory_space<vmem>> -> memref<1x128xi32, #tpu.memory_space<vmem>>
      %dma_start3A_406 = tpu.memref_squeeze %dma_start3A_405 : memref<1x128xi32, #tpu.memory_space<vmem>> -> memref<128xi32, #tpu.memory_space<vmem>>
      %dma_start3A_407 = arith.constant 0 : i32
      %dma_start3A_408 = tpu.memref_slice %arg2[%mul3A_396, %dma_start3A_407] : memref<2600064x16xf32, #tpu.memory_space<hbm>> -> memref<162500x16xf32, #tpu.memory_space<hbm>>
      %dma_start3A_409 = arith.constant 0 : i32
      %dma_start3A_410 = arith.constant 0 : i32
      %dma_start3A_411 = tpu.memref_slice %dma_start3A_408[%dma_start3A_409, %dma_start3A_410] : memref<162500x16xf32, #tpu.memory_space<hbm>> -> memref<162500x16xf32, #tpu.memory_space<hbm>>
      %dma_start3A_412 = tpu.memref_slice %arg12[%dma_start3A_399] : memref<8x!tpu.dma_semaphore, #tpu.memory_space<semaphore_mem>> -> memref<1x!tpu.dma_semaphore, #tpu.memory_space<semaphore_mem>>
      %dma_start3A_413 = tpu.memref_squeeze %dma_start3A_412 : memref<1x!tpu.dma_semaphore, #tpu.memory_space<semaphore_mem>> -> memref<!tpu.dma_semaphore, #tpu.memory_space<semaphore_mem>>
      tpu.enqueue_indirect_dma source(%dma_start3A_411 : memref<162500x16xf32, #tpu.memory_space<hbm>>) target(%dma_start3A_403 : memref<128x16xf32, #tpu.memory_space<vmem>>) offsets(%dma_start3A_406 : memref<128xi32, #tpu.memory_space<vmem>>) semaphore(%dma_start3A_413 : memref<!tpu.dma_semaphore, #tpu.memory_space<semaphore_mem>>)
      %dma_start3A_414 = arith.constant 1 : i32
      %dma_start3A_415 = arith.constant 1 : i32
      %dma_start3A_416 = arith.constant 1 : i32
      %dma_start3A_417 = arith.constant 0 : i32
      %dma_start3A_418 = arith.constant 0 : i32
      %dma_start3A_419 = tpu.memref_slice %arg10[%dma_start3A_415, %dma_start3A_417, %dma_start3A_418] : memref<8x128x16xf32, #tpu.memory_space<vmem>> -> memref<1x128x16xf32, #tpu.memory_space<vmem>>
      %dma_start3A_420 = tpu.memref_squeeze %dma_start3A_419 : memref<1x128x16xf32, #tpu.memory_space<vmem>> -> memref<128x16xf32, #tpu.memory_space<vmem>>
      %dma_start3A_421 = arith.constant 0 : i32
      %dma_start3A_422 = tpu.memref_slice %arg8[%dma_start3A_414, %dma_start3A_421] : memref<26x128xi32, #tpu.memory_space<vmem>> -> memref<1x128xi32, #tpu.memory_space<vmem>>
      %dma_start3A_423 = tpu.memref_squeeze %dma_start3A_422 : memref<1x128xi32, #tpu.memory_space<vmem>> -> memref<128xi32, #tpu.memory_space<vmem>>
      %dma_start3A_424 = arith.constant 0 : i32
      %dma_start3A_425 = tpu.memref_slice %arg2[%mul3A_396, %dma_start3A_424] : memref<2600064x16xf32, #tpu.memory_space<hbm>> -> memref<162500x16xf32, #tpu.memory_space<hbm>>
      %dma_start3A_426 = arith.constant 0 : i32
      %dma_start3A_427 = arith.constant 0 : i32
      %dma_start3A_428 = tpu.memref_slice %dma_start3A_425[%dma_start3A_426, %dma_start3A_427] : memref<162500x16xf32, #tpu.memory_space<hbm>> -> memref<162500x16xf32, #tpu.memory_space<hbm>>
      %dma_start3A_429 = tpu.memref_slice %arg12[%dma_start3A_416] : memref<8x!tpu.dma_semaphore, #tpu.memory_space<semaphore_mem>> -> memref<1x!tpu.dma_semaphore, #tpu.memory_space<semaphore_mem>>
      %dma_start3A_430 = tpu.memref_squeeze %dma_start3A_429 : memref<1x!tpu.dma_semaphore, #tpu.memory_space<semaphore_mem>> -> memref<!tpu.dma_semaphore, #tpu.memory_space<semaphore_mem>>
      tpu.enqueue_indirect_dma source(%dma_start3A_428 : memref<162500x16xf32, #tpu.memory_space<hbm>>) target(%dma_start3A_420 : memref<128x16xf32, #tpu.memory_space<vmem>>) offsets(%dma_start3A_423 : memref<128xi32, #tpu.memory_space<vmem>>) semaphore(%dma_start3A_430 : memref<!tpu.dma_semaphore, #tpu.memory_space<semaphore_mem>>)
      %dma_start3A_431 = arith.constant 2 : i32
      %dma_start3A_432 = arith.constant 2 : i32
      %dma_start3A_433 = arith.constant 2 : i32
      %dma_start3A_434 = arith.constant 0 : i32
      %dma_start3A_435 = arith.constant 0 : i32
      %dma_start3A_436 = tpu.memref_slice %arg10[%dma_start3A_432, %dma_start3A_434, %dma_start3A_435] : memref<8x128x16xf32, #tpu.memory_space<vmem>> -> memref<1x128x16xf32, #tpu.memory_space<vmem>>
      %dma_start3A_437 = tpu.memref_squeeze %dma_start3A_436 : memref<1x128x16xf32, #tpu.memory_space<vmem>> -> memref<128x16xf32, #tpu.memory_space<vmem>>
      %dma_start3A_438 = arith.constant 0 : i32
      %dma_start3A_439 = tpu.memref_slice %arg8[%dma_start3A_431, %dma_start3A_438] : memref<26x128xi32, #tpu.memory_space<vmem>> -> memref<1x128xi32, #tpu.memory_space<vmem>>
      %dma_start3A_440 = tpu.memref_squeeze %dma_start3A_439 : memref<1x128xi32, #tpu.memory_space<vmem>> -> memref<128xi32, #tpu.memory_space<vmem>>
      %dma_start3A_441 = arith.constant 0 : i32
      %dma_start3A_442 = tpu.memref_slice %arg2[%mul3A_396, %dma_start3A_441] : memref<2600064x16xf32, #tpu.memory_space<hbm>> -> memref<162500x16xf32, #tpu.memory_space<hbm>>
      %dma_start3A_443 = arith.constant 0 : i32
      %dma_start3A_444 = arith.constant 0 : i32
      %dma_start3A_445 = tpu.memref_slice %dma_start3A_442[%dma_start3A_443, %dma_start3A_444] : memref<162500x16xf32, #tpu.memory_space<hbm>> -> memref<162500x16xf32, #tpu.memory_space<hbm>>
      %dma_start3A_446 = tpu.memref_slice %arg12[%dma_start3A_433] : memref<8x!tpu.dma_semaphore, #tpu.memory_space<semaphore_mem>> -> memref<1x!tpu.dma_semaphore, #tpu.memory_space<semaphore_mem>>
      %dma_start3A_447 = tpu.memref_squeeze %dma_start3A_446 : memref<1x!tpu.dma_semaphore, #tpu.memory_space<semaphore_mem>> -> memref<!tpu.dma_semaphore, #tpu.memory_space<semaphore_mem>>
      tpu.enqueue_indirect_dma source(%dma_start3A_445 : memref<162500x16xf32, #tpu.memory_space<hbm>>) target(%dma_start3A_437 : memref<128x16xf32, #tpu.memory_space<vmem>>) offsets(%dma_start3A_440 : memref<128xi32, #tpu.memory_space<vmem>>) semaphore(%dma_start3A_447 : memref<!tpu.dma_semaphore, #tpu.memory_space<semaphore_mem>>)
      %dma_start3A_448 = arith.constant 3 : i32
      %dma_start3A_449 = arith.constant 3 : i32
      %dma_start3A_450 = arith.constant 3 : i32
      %dma_start3A_451 = arith.constant 0 : i32
      %dma_start3A_452 = arith.constant 0 : i32
      %dma_start3A_453 = tpu.memref_slice %arg10[%dma_start3A_449, %dma_start3A_451, %dma_start3A_452] : memref<8x128x16xf32, #tpu.memory_space<vmem>> -> memref<1x128x16xf32, #tpu.memory_space<vmem>>
      %dma_start3A_454 = tpu.memref_squeeze %dma_start3A_453 : memref<1x128x16xf32, #tpu.memory_space<vmem>> -> memref<128x16xf32, #tpu.memory_space<vmem>>
      %dma_start3A_455 = arith.constant 0 : i32
      %dma_start3A_456 = tpu.memref_slice %arg8[%dma_start3A_448, %dma_start3A_455] : memref<26x128xi32, #tpu.memory_space<vmem>> -> memref<1x128xi32, #tpu.memory_space<vmem>>
      %dma_start3A_457 = tpu.memref_squeeze %dma_start3A_456 : memref<1x128xi32, #tpu.memory_space<vmem>> -> memref<128xi32, #tpu.memory_space<vmem>>
      %dma_start3A_458 = arith.constant 0 : i32
      %dma_start3A_459 = tpu.memref_slice %arg2[%mul3A_396, %dma_start3A_458] : memref<2600064x16xf32, #tpu.memory_space<hbm>> -> memref<162500x16xf32, #tpu.memory_space<hbm>>
      %dma_start3A_460 = arith.constant 0 : i32
      %dma_start3A_461 = arith.constant 0 : i32
      %dma_start3A_462 = tpu.memref_slice %dma_start3A_459[%dma_start3A_460, %dma_start3A_461] : memref<162500x16xf32, #tpu.memory_space<hbm>> -> memref<162500x16xf32, #tpu.memory_space<hbm>>
      %dma_start3A_463 = tpu.memref_slice %arg12[%dma_start3A_450] : memref<8x!tpu.dma_semaphore, #tpu.memory_space<semaphore_mem>> -> memref<1x!tpu.dma_semaphore, #tpu.memory_space<semaphore_mem>>
      %dma_start3A_464 = tpu.memref_squeeze %dma_start3A_463 : memref<1x!tpu.dma_semaphore, #tpu.memory_space<semaphore_mem>> -> memref<!tpu.dma_semaphore, #tpu.memory_space<semaphore_mem>>
      tpu.enqueue_indirect_dma source(%dma_start3A_462 : memref<162500x16xf32, #tpu.memory_space<hbm>>) target(%dma_start3A_454 : memref<128x16xf32, #tpu.memory_space<vmem>>) offsets(%dma_start3A_457 : memref<128xi32, #tpu.memory_space<vmem>>) semaphore(%dma_start3A_464 : memref<!tpu.dma_semaphore, #tpu.memory_space<semaphore_mem>>)
      %dma_start3A_465 = arith.constant 4 : i32
      %dma_start3A_466 = arith.constant 4 : i32
      %dma_start3A_467 = arith.constant 4 : i32
      %dma_start3A_468 = arith.constant 0 : i32
      %dma_start3A_469 = arith.constant 0 : i32
      %dma_start3A_470 = tpu.memref_slice %arg10[%dma_start3A_466, %dma_start3A_468, %dma_start3A_469] : memref<8x128x16xf32, #tpu.memory_space<vmem>> -> memref<1x128x16xf32, #tpu.memory_space<vmem>>
      %dma_start3A_471 = tpu.memref_squeeze %dma_start3A_470 : memref<1x128x16xf32, #tpu.memory_space<vmem>> -> memref<128x16xf32, #tpu.memory_space<vmem>>
      %dma_start3A_472 = arith.constant 0 : i32
      %dma_start3A_473 = tpu.memref_slice %arg8[%dma_start3A_465, %dma_start3A_472] : memref<26x128xi32, #tpu.memory_space<vmem>> -> memref<1x128xi32, #tpu.memory_space<vmem>>
      %dma_start3A_474 = tpu.memref_squeeze %dma_start3A_473 : memref<1x128xi32, #tpu.memory_space<vmem>> -> memref<128xi32, #tpu.memory_space<vmem>>
      %dma_start3A_475 = arith.constant 0 : i32
      %dma_start3A_476 = tpu.memref_slice %arg2[%mul3A_396, %dma_start3A_475] : memref<2600064x16xf32, #tpu.memory_space<hbm>> -> memref<162500x16xf32, #tpu.memory_space<hbm>>
      %dma_start3A_477 = arith.constant 0 : i32
      %dma_start3A_478 = arith.constant 0 : i32
      %dma_start3A_479 = tpu.memref_slice %dma_start3A_476[%dma_start3A_477, %dma_start3A_478] : memref<162500x16xf32, #tpu.memory_space<hbm>> -> memref<162500x16xf32, #tpu.memory_space<hbm>>
      %dma_start3A_480 = tpu.memref_slice %arg12[%dma_start3A_467] : memref<8x!tpu.dma_semaphore, #tpu.memory_space<semaphore_mem>> -> memref<1x!tpu.dma_semaphore, #tpu.memory_space<semaphore_mem>>
      %dma_start3A_481 = tpu.memref_squeeze %dma_start3A_480 : memref<1x!tpu.dma_semaphore, #tpu.memory_space<semaphore_mem>> -> memref<!tpu.dma_semaphore, #tpu.memory_space<semaphore_mem>>
      tpu.enqueue_indirect_dma source(%dma_start3A_479 : memref<162500x16xf32, #tpu.memory_space<hbm>>) target(%dma_start3A_471 : memref<128x16xf32, #tpu.memory_space<vmem>>) offsets(%dma_start3A_474 : memref<128xi32, #tpu.memory_space<vmem>>) semaphore(%dma_start3A_481 : memref<!tpu.dma_semaphore, #tpu.memory_space<semaphore_mem>>)
      %dma_start3A_482 = arith.constant 5 : i32
      %dma_start3A_483 = arith.constant 5 : i32
      %dma_start3A_484 = arith.constant 5 : i32
      %dma_start3A_485 = arith.constant 0 : i32
      %dma_start3A_486 = arith.constant 0 : i32
      %dma_start3A_487 = tpu.memref_slice %arg10[%dma_start3A_483, %dma_start3A_485, %dma_start3A_486] : memref<8x128x16xf32, #tpu.memory_space<vmem>> -> memref<1x128x16xf32, #tpu.memory_space<vmem>>
      %dma_start3A_488 = tpu.memref_squeeze %dma_start3A_487 : memref<1x128x16xf32, #tpu.memory_space<vmem>> -> memref<128x16xf32, #tpu.memory_space<vmem>>
      %dma_start3A_489 = arith.constant 0 : i32
      %dma_start3A_490 = tpu.memref_slice %arg8[%dma_start3A_482, %dma_start3A_489] : memref<26x128xi32, #tpu.memory_space<vmem>> -> memref<1x128xi32, #tpu.memory_space<vmem>>
      %dma_start3A_491 = tpu.memref_squeeze %dma_start3A_490 : memref<1x128xi32, #tpu.memory_space<vmem>> -> memref<128xi32, #tpu.memory_space<vmem>>
      %dma_start3A_492 = arith.constant 0 : i32
      %dma_start3A_493 = tpu.memref_slice %arg2[%mul3A_396, %dma_start3A_492] : memref<2600064x16xf32, #tpu.memory_space<hbm>> -> memref<162500x16xf32, #tpu.memory_space<hbm>>
      %dma_start3A_494 = arith.constant 0 : i32
      %dma_start3A_495 = arith.constant 0 : i32
      %dma_start3A_496 = tpu.memref_slice %dma_start3A_493[%dma_start3A_494, %dma_start3A_495] : memref<162500x16xf32, #tpu.memory_space<hbm>> -> memref<162500x16xf32, #tpu.memory_space<hbm>>
      %dma_start3A_497 = tpu.memref_slice %arg12[%dma_start3A_484] : memref<8x!tpu.dma_semaphore, #tpu.memory_space<semaphore_mem>> -> memref<1x!tpu.dma_semaphore, #tpu.memory_space<semaphore_mem>>
      %dma_start3A_498 = tpu.memref_squeeze %dma_start3A_497 : memref<1x!tpu.dma_semaphore, #tpu.memory_space<semaphore_mem>> -> memref<!tpu.dma_semaphore, #tpu.memory_space<semaphore_mem>>
      tpu.enqueue_indirect_dma source(%dma_start3A_496 : memref<162500x16xf32, #tpu.memory_space<hbm>>) target(%dma_start3A_488 : memref<128x16xf32, #tpu.memory_space<vmem>>) offsets(%dma_start3A_491 : memref<128xi32, #tpu.memory_space<vmem>>) semaphore(%dma_start3A_498 : memref<!tpu.dma_semaphore, #tpu.memory_space<semaphore_mem>>)
      %dma_start3A_499 = arith.constant 6 : i32
      %dma_start3A_500 = arith.constant 6 : i32
      %dma_start3A_501 = arith.constant 6 : i32
      %dma_start3A_502 = arith.constant 0 : i32
      %dma_start3A_503 = arith.constant 0 : i32
      %dma_start3A_504 = tpu.memref_slice %arg10[%dma_start3A_500, %dma_start3A_502, %dma_start3A_503] : memref<8x128x16xf32, #tpu.memory_space<vmem>> -> memref<1x128x16xf32, #tpu.memory_space<vmem>>
      %dma_start3A_505 = tpu.memref_squeeze %dma_start3A_504 : memref<1x128x16xf32, #tpu.memory_space<vmem>> -> memref<128x16xf32, #tpu.memory_space<vmem>>
      %dma_start3A_506 = arith.constant 0 : i32
      %dma_start3A_507 = tpu.memref_slice %arg8[%dma_start3A_499, %dma_start3A_506] : memref<26x128xi32, #tpu.memory_space<vmem>> -> memref<1x128xi32, #tpu.memory_space<vmem>>
      %dma_start3A_508 = tpu.memref_squeeze %dma_start3A_507 : memref<1x128xi32, #tpu.memory_space<vmem>> -> memref<128xi32, #tpu.memory_space<vmem>>
      %dma_start3A_509 = arith.constant 0 : i32
      %dma_start3A_510 = tpu.memref_slice %arg2[%mul3A_396, %dma_start3A_509] : memref<2600064x16xf32, #tpu.memory_space<hbm>> -> memref<162500x16xf32, #tpu.memory_space<hbm>>
      %dma_start3A_511 = arith.constant 0 : i32
      %dma_start3A_512 = arith.constant 0 : i32
      %dma_start3A_513 = tpu.memref_slice %dma_start3A_510[%dma_start3A_511, %dma_start3A_512] : memref<162500x16xf32, #tpu.memory_space<hbm>> -> memref<162500x16xf32, #tpu.memory_space<hbm>>
      %dma_start3A_514 = tpu.memref_slice %arg12[%dma_start3A_501] : memref<8x!tpu.dma_semaphore, #tpu.memory_space<semaphore_mem>> -> memref<1x!tpu.dma_semaphore, #tpu.memory_space<semaphore_mem>>
      %dma_start3A_515 = tpu.memref_squeeze %dma_start3A_514 : memref<1x!tpu.dma_semaphore, #tpu.memory_space<semaphore_mem>> -> memref<!tpu.dma_semaphore, #tpu.memory_space<semaphore_mem>>
      tpu.enqueue_indirect_dma source(%dma_start3A_513 : memref<162500x16xf32, #tpu.memory_space<hbm>>) target(%dma_start3A_505 : memref<128x16xf32, #tpu.memory_space<vmem>>) offsets(%dma_start3A_508 : memref<128xi32, #tpu.memory_space<vmem>>) semaphore(%dma_start3A_515 : memref<!tpu.dma_semaphore, #tpu.memory_space<semaphore_mem>>)
      %dma_start3A_516 = arith.constant 7 : i32
      %dma_start3A_517 = arith.constant 7 : i32
      %dma_start3A_518 = arith.constant 7 : i32
      %dma_start3A_519 = arith.constant 0 : i32
      %dma_start3A_520 = arith.constant 0 : i32
      %dma_start3A_521 = tpu.memref_slice %arg10[%dma_start3A_517, %dma_start3A_519, %dma_start3A_520] : memref<8x128x16xf32, #tpu.memory_space<vmem>> -> memref<1x128x16xf32, #tpu.memory_space<vmem>>
      %dma_start3A_522 = tpu.memref_squeeze %dma_start3A_521 : memref<1x128x16xf32, #tpu.memory_space<vmem>> -> memref<128x16xf32, #tpu.memory_space<vmem>>
      %dma_start3A_523 = arith.constant 0 : i32
      %dma_start3A_524 = tpu.memref_slice %arg8[%dma_start3A_516, %dma_start3A_523] : memref<26x128xi32, #tpu.memory_space<vmem>> -> memref<1x128xi32, #tpu.memory_space<vmem>>
      %dma_start3A_525 = tpu.memref_squeeze %dma_start3A_524 : memref<1x128xi32, #tpu.memory_space<vmem>> -> memref<128xi32, #tpu.memory_space<vmem>>
      %dma_start3A_526 = arith.constant 0 : i32
      %dma_start3A_527 = tpu.memref_slice %arg2[%mul3A_396, %dma_start3A_526] : memref<2600064x16xf32, #tpu.memory_space<hbm>> -> memref<162500x16xf32, #tpu.memory_space<hbm>>
      %dma_start3A_528 = arith.constant 0 : i32
      %dma_start3A_529 = arith.constant 0 : i32
      %dma_start3A_530 = tpu.memref_slice %dma_start3A_527[%dma_start3A_528, %dma_start3A_529] : memref<162500x16xf32, #tpu.memory_space<hbm>> -> memref<162500x16xf32, #tpu.memory_space<hbm>>
      %dma_start3A_531 = tpu.memref_slice %arg12[%dma_start3A_518] : memref<8x!tpu.dma_semaphore, #tpu.memory_space<semaphore_mem>> -> memref<1x!tpu.dma_semaphore, #tpu.memory_space<semaphore_mem>>
      %dma_start3A_532 = tpu.memref_squeeze %dma_start3A_531 : memref<1x!tpu.dma_semaphore, #tpu.memory_space<semaphore_mem>> -> memref<!tpu.dma_semaphore, #tpu.memory_space<semaphore_mem>>
      tpu.enqueue_indirect_dma source(%dma_start3A_530 : memref<162500x16xf32, #tpu.memory_space<hbm>>) target(%dma_start3A_522 : memref<128x16xf32, #tpu.memory_space<vmem>>) offsets(%dma_start3A_525 : memref<128xi32, #tpu.memory_space<vmem>>) semaphore(%dma_start3A_532 : memref<!tpu.dma_semaphore, #tpu.memory_space<semaphore_mem>>)
      %scan3A_533 = arith.constant 0 : i32
      %scan3A_534 = arith.constant 2 : i32
      %scan3A_535 = arith.addi %scan3A_533, %scan3A_534 : i32
      %scan3A_536 = arith.constant 1 : i32
      scf.for %scan3A_802 = %scan3A_533 to %scan3A_535 step %scan3A_536  : i32 {
        %mul3A_803 = arith.constant 1 : i32
        %mul3A_804 = arith.muli %scan3A_802, %mul3A_803 : i32
        %add3A_805 = arith.constant 0 : i32
        %add3A_806 = arith.addi %add3A_805, %mul3A_804 : i32
        %mul3A_807 = arith.constant 8 : i32
        %mul3A_808 = arith.muli %add3A_806, %mul3A_807 : i32
        %add3A_809 = arith.constant 0 : i32
        %add3A_810 = arith.addi %mul3A_808, %add3A_809 : i32
        %dma_wait3A_811 = arith.constant 0 : i32
        %dma_wait3A_812 = arith.constant 0 : i32
        %dma_wait3A_813 = arith.constant 0 : i32
        %dma_wait3A_814 = arith.constant 0 : i32
        %dma_wait3A_815 = tpu.memref_slice %arg10[%dma_wait3A_811, %dma_wait3A_813, %dma_wait3A_814] : memref<8x128x16xf32, #tpu.memory_space<vmem>> -> memref<1x128x16xf32, #tpu.memory_space<vmem>>
        %dma_wait3A_816 = tpu.memref_squeeze %dma_wait3A_815 : memref<1x128x16xf32, #tpu.memory_space<vmem>> -> memref<128x16xf32, #tpu.memory_space<vmem>>
        %dma_wait3A_817 = arith.constant 0 : i32
        %dma_wait3A_818 = arith.constant 0 : i32
        %dma_wait3A_819 = tpu.memref_slice %arg3[%dma_wait3A_817, %dma_wait3A_818] : memref<162500x16xf32, #tpu.memory_space<hbm>> -> memref<128x16xf32, #tpu.memory_space<hbm>>
        %dma_wait3A_820 = tpu.memref_slice %arg12[%dma_wait3A_812] : memref<8x!tpu.dma_semaphore, #tpu.memory_space<semaphore_mem>> -> memref<1x!tpu.dma_semaphore, #tpu.memory_space<semaphore_mem>>
        %dma_wait3A_821 = tpu.memref_squeeze %dma_wait3A_820 : memref<1x!tpu.dma_semaphore, #tpu.memory_space<semaphore_mem>> -> memref<!tpu.dma_semaphore, #tpu.memory_space<semaphore_mem>>
        %dma_wait3A_822 = arith.constant 0 : i32
        %dma_wait3A_823 = arith.constant 0 : i32
        %dma_wait3A_824 = tpu.memref_slice %arg10[%dma_wait3A_811, %dma_wait3A_822, %dma_wait3A_823] : memref<8x128x16xf32, #tpu.memory_space<vmem>> -> memref<1x128x16xf32, #tpu.memory_space<vmem>>
        %dma_wait3A_825 = tpu.memref_squeeze %dma_wait3A_824 : memref<1x128x16xf32, #tpu.memory_space<vmem>> -> memref<128x16xf32, #tpu.memory_space<vmem>>
        %dma_wait3A_826 = arith.constant 0 : i32
        %dma_wait3A_827 = arith.constant 0 : i32
        %dma_wait3A_828 = tpu.memref_slice %arg3[%dma_wait3A_826, %dma_wait3A_827] : memref<162500x16xf32, #tpu.memory_space<hbm>> -> memref<128x16xf32, #tpu.memory_space<hbm>>
        tpu.wait_dma2 semaphore(%dma_wait3A_821 : memref<!tpu.dma_semaphore, #tpu.memory_space<semaphore_mem>>) src(%dma_wait3A_828 : memref<128x16xf32, #tpu.memory_space<hbm>>) dst(%dma_wait3A_825 : memref<128x16xf32, #tpu.memory_space<vmem>>)
        %scan3A_829 = arith.constant 0 : i32
        %scan3A_830 = arith.constant 8 : i32
        %scan3A_831 = arith.addi %scan3A_829, %scan3A_830 : i32
        %scan3A_832 = arith.constant 1 : i32
        scf.for %scan3A_1169 = %scan3A_829 to %scan3A_831 step %scan3A_832  : i32 {
          %mul3A_1170 = arith.constant 1 : i32
          %mul3A_1171 = arith.muli %scan3A_1169, %mul3A_1170 : i32
          %add3A_1172 = arith.constant 0 : i32
          %add3A_1173 = arith.addi %add3A_1172, %mul3A_1171 : i32
          %mul3A_1174 = arith.constant 16 : i32
          %mul3A_1175 = arith.muli %add3A_1173, %mul3A_1174 : i32
          %get3A = arith.index_cast %add3A_810 : i32 to index
          %get3A_1176 = arith.index_cast %mul3A_1175 : i32 to index
          %get3A_1177 = tpu.vector_load %arg9[%get3A, %get3A_1176] {strides = array<i32>} : memref<26x128xi32, #tpu.memory_space<vmem>>, vector<16xi32>,
          %mul3A_1178 = arith.constant 16 : i32
          %mul3A_1179 = arith.muli %add3A_1173, %mul3A_1178 : i32
          %add3A_1180 = vector.broadcast %mul3A_1179 : i32 to vector<16xi32>
          %add3A_1181 = arith.addi %iota3A, %add3A_1180 : vector<16xi32>
          %gather3A = arith.constant 0 : i32
          %gather3A_1182 = arith.constant 0 : i32
          %gather3A_1183 = arith.constant 0 : i32
          %gather3A_1184 = tpu.memref_slice %arg10[%gather3A, %gather3A_1182, %gather3A_1183] : memref<8x128x16xf32, #tpu.memory_space<vmem>> -> memref<1x128x16xf32, #tpu.memory_space<vmem>>
          %gather3A_1185 = tpu.memref_squeeze %gather3A_1184 : memref<1x128x16xf32, #tpu.memory_space<vmem>> -> memref<128x16xf32, #tpu.memory_space<vmem>>
          %gather3A_1186 = tpu.vector_load_idx %gather3A_1185[%add3A_1181, %get3A_1177] : memref<128x16xf32, #tpu.memory_space<vmem>>[vector<16xi32>, vector<16xi32>], vector<16xf32>,
          %mul3A_1187 = arith.constant 128 : i32
          %mul3A_1188 = arith.muli %add3A_810, %mul3A_1187 : i32
          %mul3A_1189 = arith.constant 16 : i32
          %mul3A_1190 = arith.muli %add3A_1173, %mul3A_1189 : i32
          %add3A_1191 = arith.addi %mul3A_1188, %mul3A_1190 : i32
          %swap3A = arith.index_cast %add3A_394 : i32 to index
          %swap3A_1192 = arith.index_cast %add3A_1191 : i32 to index
          %swap3A_1193 = tpu.vector_load %arg11[%swap3A, %swap3A_1192] {strides = array<i32>} : memref<17x3328xf32, #tpu.memory_space<vmem>>, vector<16xf32>,
          tpu.vector_store %arg11[%swap3A, %swap3A_1192], %gather3A_1186 {strides = array<i32>} : memref<17x3328xf32, #tpu.memory_space<vmem>>, vector<16xf32>,
        }
        %scan3A_833 = arith.constant 8 : i32
        %add3A_834 = arith.constant 8 : i32
        %add3A_835 = arith.addi %mul3A_808, %add3A_834 : i32
        %add3A_836 = arith.constant 0 : i32
        %add3A_837 = arith.addi %add3A_835, %add3A_836 : i32
        %dma_start3A_838 = arith.constant 0 : i32
        %dma_start3A_839 = arith.constant 0 : i32
        %dma_start3A_840 = arith.constant 0 : i32
        %dma_start3A_841 = arith.constant 0 : i32
        %dma_start3A_842 = tpu.memref_slice %arg10[%dma_start3A_838, %dma_start3A_840, %dma_start3A_841] : memref<8x128x16xf32, #tpu.memory_space<vmem>> -> memref<1x128x16xf32, #tpu.memory_space<vmem>>
        %dma_start3A_843 = tpu.memref_squeeze %dma_start3A_842 : memref<1x128x16xf32, #tpu.memory_space<vmem>> -> memref<128x16xf32, #tpu.memory_space<vmem>>
        %dma_start3A_844 = arith.constant 0 : i32
        %dma_start3A_845 = tpu.memref_slice %arg8[%add3A_837, %dma_start3A_844] : memref<26x128xi32, #tpu.memory_space<vmem>> -> memref<1x128xi32, #tpu.memory_space<vmem>>
        %dma_start3A_846 = tpu.memref_squeeze %dma_start3A_845 : memref<1x128xi32, #tpu.memory_space<vmem>> -> memref<128xi32, #tpu.memory_space<vmem>>
        %dma_start3A_847 = arith.constant 0 : i32
        %dma_start3A_848 = tpu.memref_slice %arg2[%mul3A_396, %dma_start3A_847] : memref<2600064x16xf32, #tpu.memory_space<hbm>> -> memref<162500x16xf32, #tpu.memory_space<hbm>>
        %dma_start3A_849 = arith.constant 0 : i32
        %dma_start3A_850 = arith.constant 0 : i32
        %dma_start3A_851 = tpu.memref_slice %dma_start3A_848[%dma_start3A_849, %dma_start3A_850] : memref<162500x16xf32, #tpu.memory_space<hbm>> -> memref<162500x16xf32, #tpu.memory_space<hbm>>
        %dma_start3A_852 = tpu.memref_slice %arg12[%dma_start3A_839] : memref<8x!tpu.dma_semaphore, #tpu.memory_space<semaphore_mem>> -> memref<1x!tpu.dma_semaphore, #tpu.memory_space<semaphore_mem>>
        %dma_start3A_853 = tpu.memref_squeeze %dma_start3A_852 : memref<1x!tpu.dma_semaphore, #tpu.memory_space<semaphore_mem>> -> memref<!tpu.dma_semaphore, #tpu.memory_space<semaphore_mem>>
        tpu.enqueue_indirect_dma source(%dma_start3A_851 : memref<162500x16xf32, #tpu.memory_space<hbm>>) target(%dma_start3A_843 : memref<128x16xf32, #tpu.memory_space<vmem>>) offsets(%dma_start3A_846 : memref<128xi32, #tpu.memory_space<vmem>>) semaphore(%dma_start3A_853 : memref<!tpu.dma_semaphore, #tpu.memory_space<semaphore_mem>>)
        %add3A_854 = arith.constant 1 : i32
        %add3A_855 = arith.addi %mul3A_808, %add3A_854 : i32
        %dma_wait3A_856 = arith.constant 1 : i32
        %dma_wait3A_857 = arith.constant 1 : i32
        %dma_wait3A_858 = arith.constant 0 : i32
        %dma_wait3A_859 = arith.constant 0 : i32
        %dma_wait3A_860 = tpu.memref_slice %arg10[%dma_wait3A_856, %dma_wait3A_858, %dma_wait3A_859] : memref<8x128x16xf32, #tpu.memory_space<vmem>> -> memref<1x128x16xf32, #tpu.memory_space<vmem>>
        %dma_wait3A_861 = tpu.memref_squeeze %dma_wait3A_860 : memref<1x128x16xf32, #tpu.memory_space<vmem>> -> memref<128x16xf32, #tpu.memory_space<vmem>>
        %dma_wait3A_862 = arith.constant 0 : i32
        %dma_wait3A_863 = arith.constant 0 : i32
        %dma_wait3A_864 = tpu.memref_slice %arg3[%dma_wait3A_862, %dma_wait3A_863] : memref<162500x16xf32, #tpu.memory_space<hbm>> -> memref<128x16xf32, #tpu.memory_space<hbm>>
        %dma_wait3A_865 = tpu.memref_slice %arg12[%dma_wait3A_857] : memref<8x!tpu.dma_semaphore, #tpu.memory_space<semaphore_mem>> -> memref<1x!tpu.dma_semaphore, #tpu.memory_space<semaphore_mem>>
        %dma_wait3A_866 = tpu.memref_squeeze %dma_wait3A_865 : memref<1x!tpu.dma_semaphore, #tpu.memory_space<semaphore_mem>> -> memref<!tpu.dma_semaphore, #tpu.memory_space<semaphore_mem>>
        %dma_wait3A_867 = arith.constant 0 : i32
        %dma_wait3A_868 = arith.constant 0 : i32
        %dma_wait3A_869 = tpu.memref_slice %arg10[%dma_wait3A_856, %dma_wait3A_867, %dma_wait3A_868] : memref<8x128x16xf32, #tpu.memory_space<vmem>> -> memref<1x128x16xf32, #tpu.memory_space<vmem>>
        %dma_wait3A_870 = tpu.memref_squeeze %dma_wait3A_869 : memref<1x128x16xf32, #tpu.memory_space<vmem>> -> memref<128x16xf32, #tpu.memory_space<vmem>>
        %dma_wait3A_871 = arith.constant 0 : i32
        %dma_wait3A_872 = arith.constant 0 : i32
        %dma_wait3A_873 = tpu.memref_slice %arg3[%dma_wait3A_871, %dma_wait3A_872] : memref<162500x16xf32, #tpu.memory_space<hbm>> -> memref<128x16xf32, #tpu.memory_space<hbm>>
        tpu.wait_dma2 semaphore(%dma_wait3A_866 : memref<!tpu.dma_semaphore, #tpu.memory_space<semaphore_mem>>) src(%dma_wait3A_873 : memref<128x16xf32, #tpu.memory_space<hbm>>) dst(%dma_wait3A_870 : memref<128x16xf32, #tpu.memory_space<vmem>>)
        %scan3A_874 = arith.constant 0 : i32
        %scan3A_875 = arith.constant 8 : i32
        %scan3A_876 = arith.addi %scan3A_874, %scan3A_875 : i32
        %scan3A_877 = arith.constant 1 : i32
        scf.for %scan3A_1169 = %scan3A_874 to %scan3A_876 step %scan3A_877  : i32 {
          %mul3A_1170 = arith.constant 1 : i32
          %mul3A_1171 = arith.muli %scan3A_1169, %mul3A_1170 : i32
          %add3A_1172 = arith.constant 0 : i32
          %add3A_1173 = arith.addi %add3A_1172, %mul3A_1171 : i32
          %mul3A_1174 = arith.constant 16 : i32
          %mul3A_1175 = arith.muli %add3A_1173, %mul3A_1174 : i32
          %get3A = arith.index_cast %add3A_855 : i32 to index
          %get3A_1176 = arith.index_cast %mul3A_1175 : i32 to index
          %get3A_1177 = tpu.vector_load %arg9[%get3A, %get3A_1176] {strides = array<i32>} : memref<26x128xi32, #tpu.memory_space<vmem>>, vector<16xi32>,
          %mul3A_1178 = arith.constant 16 : i32
          %mul3A_1179 = arith.muli %add3A_1173, %mul3A_1178 : i32
          %add3A_1180 = vector.broadcast %mul3A_1179 : i32 to vector<16xi32>
          %add3A_1181 = arith.addi %iota3A, %add3A_1180 : vector<16xi32>
          %gather3A = arith.constant 1 : i32
          %gather3A_1182 = arith.constant 0 : i32
          %gather3A_1183 = arith.constant 0 : i32
          %gather3A_1184 = tpu.memref_slice %arg10[%gather3A, %gather3A_1182, %gather3A_1183] : memref<8x128x16xf32, #tpu.memory_space<vmem>> -> memref<1x128x16xf32, #tpu.memory_space<vmem>>
          %gather3A_1185 = tpu.memref_squeeze %gather3A_1184 : memref<1x128x16xf32, #tpu.memory_space<vmem>> -> memref<128x16xf32, #tpu.memory_space<vmem>>
          %gather3A_1186 = tpu.vector_load_idx %gather3A_1185[%add3A_1181, %get3A_1177] : memref<128x16xf32, #tpu.memory_space<vmem>>[vector<16xi32>, vector<16xi32>], vector<16xf32>,
          %mul3A_1187 = arith.constant 128 : i32
          %mul3A_1188 = arith.muli %add3A_855, %mul3A_1187 : i32
          %mul3A_1189 = arith.constant 16 : i32
          %mul3A_1190 = arith.muli %add3A_1173, %mul3A_1189 : i32
          %add3A_1191 = arith.addi %mul3A_1188, %mul3A_1190 : i32
          %swap3A = arith.index_cast %add3A_394 : i32 to index
          %swap3A_1192 = arith.index_cast %add3A_1191 : i32 to index
          %swap3A_1193 = tpu.vector_load %arg11[%swap3A, %swap3A_1192] {strides = array<i32>} : memref<17x3328xf32, #tpu.memory_space<vmem>>, vector<16xf32>,
          tpu.vector_store %arg11[%swap3A, %swap3A_1192], %gather3A_1186 {strides = array<i32>} : memref<17x3328xf32, #tpu.memory_space<vmem>>, vector<16xf32>,
        }
        %scan3A_878 = arith.constant 8 : i32
        %add3A_879 = arith.constant 8 : i32
        %add3A_880 = arith.addi %mul3A_808, %add3A_879 : i32
        %add3A_881 = arith.constant 1 : i32
        %add3A_882 = arith.addi %add3A_880, %add3A_881 : i32
        %dma_start3A_883 = arith.constant 1 : i32
        %dma_start3A_884 = arith.constant 1 : i32
        %dma_start3A_885 = arith.constant 0 : i32
        %dma_start3A_886 = arith.constant 0 : i32
        %dma_start3A_887 = tpu.memref_slice %arg10[%dma_start3A_883, %dma_start3A_885, %dma_start3A_886] : memref<8x128x16xf32, #tpu.memory_space<vmem>> -> memref<1x128x16xf32, #tpu.memory_space<vmem>>
        %dma_start3A_888 = tpu.memref_squeeze %dma_start3A_887 : memref<1x128x16xf32, #tpu.memory_space<vmem>> -> memref<128x16xf32, #tpu.memory_space<vmem>>
        %dma_start3A_889 = arith.constant 0 : i32
        %dma_start3A_890 = tpu.memref_slice %arg8[%add3A_882, %dma_start3A_889] : memref<26x128xi32, #tpu.memory_space<vmem>> -> memref<1x128xi32, #tpu.memory_space<vmem>>
        %dma_start3A_891 = tpu.memref_squeeze %dma_start3A_890 : memref<1x128xi32, #tpu.memory_space<vmem>> -> memref<128xi32, #tpu.memory_space<vmem>>
        %dma_start3A_892 = arith.constant 0 : i32
        %dma_start3A_893 = tpu.memref_slice %arg2[%mul3A_396, %dma_start3A_892] : memref<2600064x16xf32, #tpu.memory_space<hbm>> -> memref<162500x16xf32, #tpu.memory_space<hbm>>
        %dma_start3A_894 = arith.constant 0 : i32
        %dma_start3A_895 = arith.constant 0 : i32
        %dma_start3A_896 = tpu.memref_slice %dma_start3A_893[%dma_start3A_894, %dma_start3A_895] : memref<162500x16xf32, #tpu.memory_space<hbm>> -> memref<162500x16xf32, #tpu.memory_space<hbm>>
        %dma_start3A_897 = tpu.memref_slice %arg12[%dma_start3A_884] : memref<8x!tpu.dma_semaphore, #tpu.memory_space<semaphore_mem>> -> memref<1x!tpu.dma_semaphore, #tpu.memory_space<semaphore_mem>>
        %dma_start3A_898 = tpu.memref_squeeze %dma_start3A_897 : memref<1x!tpu.dma_semaphore, #tpu.memory_space<semaphore_mem>> -> memref<!tpu.dma_semaphore, #tpu.memory_space<semaphore_mem>>
        tpu.enqueue_indirect_dma source(%dma_start3A_896 : memref<162500x16xf32, #tpu.memory_space<hbm>>) target(%dma_start3A_888 : memref<128x16xf32, #tpu.memory_space<vmem>>) offsets(%dma_start3A_891 : memref<128xi32, #tpu.memory_space<vmem>>) semaphore(%dma_start3A_898 : memref<!tpu.dma_semaphore, #tpu.memory_space<semaphore_mem>>)
        %add3A_899 = arith.constant 2 : i32
        %add3A_900 = arith.addi %mul3A_808, %add3A_899 : i32
        %dma_wait3A_901 = arith.constant 2 : i32
        %dma_wait3A_902 = arith.constant 2 : i32
        %dma_wait3A_903 = arith.constant 0 : i32
        %dma_wait3A_904 = arith.constant 0 : i32
        %dma_wait3A_905 = tpu.memref_slice %arg10[%dma_wait3A_901, %dma_wait3A_903, %dma_wait3A_904] : memref<8x128x16xf32, #tpu.memory_space<vmem>> -> memref<1x128x16xf32, #tpu.memory_space<vmem>>
        %dma_wait3A_906 = tpu.memref_squeeze %dma_wait3A_905 : memref<1x128x16xf32, #tpu.memory_space<vmem>> -> memref<128x16xf32, #tpu.memory_space<vmem>>
        %dma_wait3A_907 = arith.constant 0 : i32
        %dma_wait3A_908 = arith.constant 0 : i32
        %dma_wait3A_909 = tpu.memref_slice %arg3[%dma_wait3A_907, %dma_wait3A_908] : memref<162500x16xf32, #tpu.memory_space<hbm>> -> memref<128x16xf32, #tpu.memory_space<hbm>>
        %dma_wait3A_910 = tpu.memref_slice %arg12[%dma_wait3A_902] : memref<8x!tpu.dma_semaphore, #tpu.memory_space<semaphore_mem>> -> memref<1x!tpu.dma_semaphore, #tpu.memory_space<semaphore_mem>>
        %dma_wait3A_911 = tpu.memref_squeeze %dma_wait3A_910 : memref<1x!tpu.dma_semaphore, #tpu.memory_space<semaphore_mem>> -> memref<!tpu.dma_semaphore, #tpu.memory_space<semaphore_mem>>
        %dma_wait3A_912 = arith.constant 0 : i32
        %dma_wait3A_913 = arith.constant 0 : i32
        %dma_wait3A_914 = tpu.memref_slice %arg10[%dma_wait3A_901, %dma_wait3A_912, %dma_wait3A_913] : memref<8x128x16xf32, #tpu.memory_space<vmem>> -> memref<1x128x16xf32, #tpu.memory_space<vmem>>
        %dma_wait3A_915 = tpu.memref_squeeze %dma_wait3A_914 : memref<1x128x16xf32, #tpu.memory_space<vmem>> -> memref<128x16xf32, #tpu.memory_space<vmem>>
        %dma_wait3A_916 = arith.constant 0 : i32
        %dma_wait3A_917 = arith.constant 0 : i32
        %dma_wait3A_918 = tpu.memref_slice %arg3[%dma_wait3A_916, %dma_wait3A_917] : memref<162500x16xf32, #tpu.memory_space<hbm>> -> memref<128x16xf32, #tpu.memory_space<hbm>>
        tpu.wait_dma2 semaphore(%dma_wait3A_911 : memref<!tpu.dma_semaphore, #tpu.memory_space<semaphore_mem>>) src(%dma_wait3A_918 : memref<128x16xf32, #tpu.memory_space<hbm>>) dst(%dma_wait3A_915 : memref<128x16xf32, #tpu.memory_space<vmem>>)
        %scan3A_919 = arith.constant 0 : i32
        %scan3A_920 = arith.constant 8 : i32
        %scan3A_921 = arith.addi %scan3A_919, %scan3A_920 : i32
        %scan3A_922 = arith.constant 1 : i32
        scf.for %scan3A_1169 = %scan3A_919 to %scan3A_921 step %scan3A_922  : i32 {
          %mul3A_1170 = arith.constant 1 : i32
          %mul3A_1171 = arith.muli %scan3A_1169, %mul3A_1170 : i32
          %add3A_1172 = arith.constant 0 : i32
          %add3A_1173 = arith.addi %add3A_1172, %mul3A_1171 : i32
          %mul3A_1174 = arith.constant 16 : i32
          %mul3A_1175 = arith.muli %add3A_1173, %mul3A_1174 : i32
          %get3A = arith.index_cast %add3A_900 : i32 to index
          %get3A_1176 = arith.index_cast %mul3A_1175 : i32 to index
          %get3A_1177 = tpu.vector_load %arg9[%get3A, %get3A_1176] {strides = array<i32>} : memref<26x128xi32, #tpu.memory_space<vmem>>, vector<16xi32>,
          %mul3A_1178 = arith.constant 16 : i32
          %mul3A_1179 = arith.muli %add3A_1173, %mul3A_1178 : i32
          %add3A_1180 = vector.broadcast %mul3A_1179 : i32 to vector<16xi32>
          %add3A_1181 = arith.addi %iota3A, %add3A_1180 : vector<16xi32>
          %gather3A = arith.constant 2 : i32
          %gather3A_1182 = arith.constant 0 : i32
          %gather3A_1183 = arith.constant 0 : i32
          %gather3A_1184 = tpu.memref_slice %arg10[%gather3A, %gather3A_1182, %gather3A_1183] : memref<8x128x16xf32, #tpu.memory_space<vmem>> -> memref<1x128x16xf32, #tpu.memory_space<vmem>>
          %gather3A_1185 = tpu.memref_squeeze %gather3A_1184 : memref<1x128x16xf32, #tpu.memory_space<vmem>> -> memref<128x16xf32, #tpu.memory_space<vmem>>
          %gather3A_1186 = tpu.vector_load_idx %gather3A_1185[%add3A_1181, %get3A_1177] : memref<128x16xf32, #tpu.memory_space<vmem>>[vector<16xi32>, vector<16xi32>], vector<16xf32>,
          %mul3A_1187 = arith.constant 128 : i32
          %mul3A_1188 = arith.muli %add3A_900, %mul3A_1187 : i32
          %mul3A_1189 = arith.constant 16 : i32
          %mul3A_1190 = arith.muli %add3A_1173, %mul3A_1189 : i32
          %add3A_1191 = arith.addi %mul3A_1188, %mul3A_1190 : i32
          %swap3A = arith.index_cast %add3A_394 : i32 to index
          %swap3A_1192 = arith.index_cast %add3A_1191 : i32 to index
          %swap3A_1193 = tpu.vector_load %arg11[%swap3A, %swap3A_1192] {strides = array<i32>} : memref<17x3328xf32, #tpu.memory_space<vmem>>, vector<16xf32>,
          tpu.vector_store %arg11[%swap3A, %swap3A_1192], %gather3A_1186 {strides = array<i32>} : memref<17x3328xf32, #tpu.memory_space<vmem>>, vector<16xf32>,
        }
        %scan3A_923 = arith.constant 8 : i32
        %add3A_924 = arith.constant 8 : i32
        %add3A_925 = arith.addi %mul3A_808, %add3A_924 : i32
        %add3A_926 = arith.constant 2 : i32
        %add3A_927 = arith.addi %add3A_925, %add3A_926 : i32
        %dma_start3A_928 = arith.constant 2 : i32
        %dma_start3A_929 = arith.constant 2 : i32
        %dma_start3A_930 = arith.constant 0 : i32
        %dma_start3A_931 = arith.constant 0 : i32
        %dma_start3A_932 = tpu.memref_slice %arg10[%dma_start3A_928, %dma_start3A_930, %dma_start3A_931] : memref<8x128x16xf32, #tpu.memory_space<vmem>> -> memref<1x128x16xf32, #tpu.memory_space<vmem>>
        %dma_start3A_933 = tpu.memref_squeeze %dma_start3A_932 : memref<1x128x16xf32, #tpu.memory_space<vmem>> -> memref<128x16xf32, #tpu.memory_space<vmem>>
        %dma_start3A_934 = arith.constant 0 : i32
        %dma_start3A_935 = tpu.memref_slice %arg8[%add3A_927, %dma_start3A_934] : memref<26x128xi32, #tpu.memory_space<vmem>> -> memref<1x128xi32, #tpu.memory_space<vmem>>
        %dma_start3A_936 = tpu.memref_squeeze %dma_start3A_935 : memref<1x128xi32, #tpu.memory_space<vmem>> -> memref<128xi32, #tpu.memory_space<vmem>>
        %dma_start3A_937 = arith.constant 0 : i32
        %dma_start3A_938 = tpu.memref_slice %arg2[%mul3A_396, %dma_start3A_937] : memref<2600064x16xf32, #tpu.memory_space<hbm>> -> memref<162500x16xf32, #tpu.memory_space<hbm>>
        %dma_start3A_939 = arith.constant 0 : i32
        %dma_start3A_940 = arith.constant 0 : i32
        %dma_start3A_941 = tpu.memref_slice %dma_start3A_938[%dma_start3A_939, %dma_start3A_940] : memref<162500x16xf32, #tpu.memory_space<hbm>> -> memref<162500x16xf32, #tpu.memory_space<hbm>>
        %dma_start3A_942 = tpu.memref_slice %arg12[%dma_start3A_929] : memref<8x!tpu.dma_semaphore, #tpu.memory_space<semaphore_mem>> -> memref<1x!tpu.dma_semaphore, #tpu.memory_space<semaphore_mem>>
        %dma_start3A_943 = tpu.memref_squeeze %dma_start3A_942 : memref<1x!tpu.dma_semaphore, #tpu.memory_space<semaphore_mem>> -> memref<!tpu.dma_semaphore, #tpu.memory_space<semaphore_mem>>
        tpu.enqueue_indirect_dma source(%dma_start3A_941 : memref<162500x16xf32, #tpu.memory_space<hbm>>) target(%dma_start3A_933 : memref<128x16xf32, #tpu.memory_space<vmem>>) offsets(%dma_start3A_936 : memref<128xi32, #tpu.memory_space<vmem>>) semaphore(%dma_start3A_943 : memref<!tpu.dma_semaphore, #tpu.memory_space<semaphore_mem>>)
        %add3A_944 = arith.constant 3 : i32
        %add3A_945 = arith.addi %mul3A_808, %add3A_944 : i32
        %dma_wait3A_946 = arith.constant 3 : i32
        %dma_wait3A_947 = arith.constant 3 : i32
        %dma_wait3A_948 = arith.constant 0 : i32
        %dma_wait3A_949 = arith.constant 0 : i32
        %dma_wait3A_950 = tpu.memref_slice %arg10[%dma_wait3A_946, %dma_wait3A_948, %dma_wait3A_949] : memref<8x128x16xf32, #tpu.memory_space<vmem>> -> memref<1x128x16xf32, #tpu.memory_space<vmem>>
        %dma_wait3A_951 = tpu.memref_squeeze %dma_wait3A_950 : memref<1x128x16xf32, #tpu.memory_space<vmem>> -> memref<128x16xf32, #tpu.memory_space<vmem>>
        %dma_wait3A_952 = arith.constant 0 : i32
        %dma_wait3A_953 = arith.constant 0 : i32
        %dma_wait3A_954 = tpu.memref_slice %arg3[%dma_wait3A_952, %dma_wait3A_953] : memref<162500x16xf32, #tpu.memory_space<hbm>> -> memref<128x16xf32, #tpu.memory_space<hbm>>
        %dma_wait3A_955 = tpu.memref_slice %arg12[%dma_wait3A_947] : memref<8x!tpu.dma_semaphore, #tpu.memory_space<semaphore_mem>> -> memref<1x!tpu.dma_semaphore, #tpu.memory_space<semaphore_mem>>
        %dma_wait3A_956 = tpu.memref_squeeze %dma_wait3A_955 : memref<1x!tpu.dma_semaphore, #tpu.memory_space<semaphore_mem>> -> memref<!tpu.dma_semaphore, #tpu.memory_space<semaphore_mem>>
        %dma_wait3A_957 = arith.constant 0 : i32
        %dma_wait3A_958 = arith.constant 0 : i32
        %dma_wait3A_959 = tpu.memref_slice %arg10[%dma_wait3A_946, %dma_wait3A_957, %dma_wait3A_958] : memref<8x128x16xf32, #tpu.memory_space<vmem>> -> memref<1x128x16xf32, #tpu.memory_space<vmem>>
        %dma_wait3A_960 = tpu.memref_squeeze %dma_wait3A_959 : memref<1x128x16xf32, #tpu.memory_space<vmem>> -> memref<128x16xf32, #tpu.memory_space<vmem>>
        %dma_wait3A_961 = arith.constant 0 : i32
        %dma_wait3A_962 = arith.constant 0 : i32
        %dma_wait3A_963 = tpu.memref_slice %arg3[%dma_wait3A_961, %dma_wait3A_962] : memref<162500x16xf32, #tpu.memory_space<hbm>> -> memref<128x16xf32, #tpu.memory_space<hbm>>
        tpu.wait_dma2 semaphore(%dma_wait3A_956 : memref<!tpu.dma_semaphore, #tpu.memory_space<semaphore_mem>>) src(%dma_wait3A_963 : memref<128x16xf32, #tpu.memory_space<hbm>>) dst(%dma_wait3A_960 : memref<128x16xf32, #tpu.memory_space<vmem>>)
        %scan3A_964 = arith.constant 0 : i32
        %scan3A_965 = arith.constant 8 : i32
        %scan3A_966 = arith.addi %scan3A_964, %scan3A_965 : i32
        %scan3A_967 = arith.constant 1 : i32
        scf.for %scan3A_1169 = %scan3A_964 to %scan3A_966 step %scan3A_967  : i32 {
          %mul3A_1170 = arith.constant 1 : i32
          %mul3A_1171 = arith.muli %scan3A_1169, %mul3A_1170 : i32
          %add3A_1172 = arith.constant 0 : i32
          %add3A_1173 = arith.addi %add3A_1172, %mul3A_1171 : i32
          %mul3A_1174 = arith.constant 16 : i32
          %mul3A_1175 = arith.muli %add3A_1173, %mul3A_1174 : i32
          %get3A = arith.index_cast %add3A_945 : i32 to index
          %get3A_1176 = arith.index_cast %mul3A_1175 : i32 to index
          %get3A_1177 = tpu.vector_load %arg9[%get3A, %get3A_1176] {strides = array<i32>} : memref<26x128xi32, #tpu.memory_space<vmem>>, vector<16xi32>,
          %mul3A_1178 = arith.constant 16 : i32
          %mul3A_1179 = arith.muli %add3A_1173, %mul3A_1178 : i32
          %add3A_1180 = vector.broadcast %mul3A_1179 : i32 to vector<16xi32>
          %add3A_1181 = arith.addi %iota3A, %add3A_1180 : vector<16xi32>
          %gather3A = arith.constant 3 : i32
          %gather3A_1182 = arith.constant 0 : i32
          %gather3A_1183 = arith.constant 0 : i32
          %gather3A_1184 = tpu.memref_slice %arg10[%gather3A, %gather3A_1182, %gather3A_1183] : memref<8x128x16xf32, #tpu.memory_space<vmem>> -> memref<1x128x16xf32, #tpu.memory_space<vmem>>
          %gather3A_1185 = tpu.memref_squeeze %gather3A_1184 : memref<1x128x16xf32, #tpu.memory_space<vmem>> -> memref<128x16xf32, #tpu.memory_space<vmem>>
          %gather3A_1186 = tpu.vector_load_idx %gather3A_1185[%add3A_1181, %get3A_1177] : memref<128x16xf32, #tpu.memory_space<vmem>>[vector<16xi32>, vector<16xi32>], vector<16xf32>,
          %mul3A_1187 = arith.constant 128 : i32
          %mul3A_1188 = arith.muli %add3A_945, %mul3A_1187 : i32
          %mul3A_1189 = arith.constant 16 : i32
          %mul3A_1190 = arith.muli %add3A_1173, %mul3A_1189 : i32
          %add3A_1191 = arith.addi %mul3A_1188, %mul3A_1190 : i32
          %swap3A = arith.index_cast %add3A_394 : i32 to index
          %swap3A_1192 = arith.index_cast %add3A_1191 : i32 to index
          %swap3A_1193 = tpu.vector_load %arg11[%swap3A, %swap3A_1192] {strides = array<i32>} : memref<17x3328xf32, #tpu.memory_space<vmem>>, vector<16xf32>,
          tpu.vector_store %arg11[%swap3A, %swap3A_1192], %gather3A_1186 {strides = array<i32>} : memref<17x3328xf32, #tpu.memory_space<vmem>>, vector<16xf32>,
        }
        %scan3A_968 = arith.constant 8 : i32
        %add3A_969 = arith.constant 8 : i32
        %add3A_970 = arith.addi %mul3A_808, %add3A_969 : i32
        %add3A_971 = arith.constant 3 : i32
        %add3A_972 = arith.addi %add3A_970, %add3A_971 : i32
        %dma_start3A_973 = arith.constant 3 : i32
        %dma_start3A_974 = arith.constant 3 : i32
        %dma_start3A_975 = arith.constant 0 : i32
        %dma_start3A_976 = arith.constant 0 : i32
        %dma_start3A_977 = tpu.memref_slice %arg10[%dma_start3A_973, %dma_start3A_975, %dma_start3A_976] : memref<8x128x16xf32, #tpu.memory_space<vmem>> -> memref<1x128x16xf32, #tpu.memory_space<vmem>>
        %dma_start3A_978 = tpu.memref_squeeze %dma_start3A_977 : memref<1x128x16xf32, #tpu.memory_space<vmem>> -> memref<128x16xf32, #tpu.memory_space<vmem>>
        %dma_start3A_979 = arith.constant 0 : i32
        %dma_start3A_980 = tpu.memref_slice %arg8[%add3A_972, %dma_start3A_979] : memref<26x128xi32, #tpu.memory_space<vmem>> -> memref<1x128xi32, #tpu.memory_space<vmem>>
        %dma_start3A_981 = tpu.memref_squeeze %dma_start3A_980 : memref<1x128xi32, #tpu.memory_space<vmem>> -> memref<128xi32, #tpu.memory_space<vmem>>
        %dma_start3A_982 = arith.constant 0 : i32
        %dma_start3A_983 = tpu.memref_slice %arg2[%mul3A_396, %dma_start3A_982] : memref<2600064x16xf32, #tpu.memory_space<hbm>> -> memref<162500x16xf32, #tpu.memory_space<hbm>>
        %dma_start3A_984 = arith.constant 0 : i32
        %dma_start3A_985 = arith.constant 0 : i32
        %dma_start3A_986 = tpu.memref_slice %dma_start3A_983[%dma_start3A_984, %dma_start3A_985] : memref<162500x16xf32, #tpu.memory_space<hbm>> -> memref<162500x16xf32, #tpu.memory_space<hbm>>
        %dma_start3A_987 = tpu.memref_slice %arg12[%dma_start3A_974] : memref<8x!tpu.dma_semaphore, #tpu.memory_space<semaphore_mem>> -> memref<1x!tpu.dma_semaphore, #tpu.memory_space<semaphore_mem>>
        %dma_start3A_988 = tpu.memref_squeeze %dma_start3A_987 : memref<1x!tpu.dma_semaphore, #tpu.memory_space<semaphore_mem>> -> memref<!tpu.dma_semaphore, #tpu.memory_space<semaphore_mem>>
        tpu.enqueue_indirect_dma source(%dma_start3A_986 : memref<162500x16xf32, #tpu.memory_space<hbm>>) target(%dma_start3A_978 : memref<128x16xf32, #tpu.memory_space<vmem>>) offsets(%dma_start3A_981 : memref<128xi32, #tpu.memory_space<vmem>>) semaphore(%dma_start3A_988 : memref<!tpu.dma_semaphore, #tpu.memory_space<semaphore_mem>>)
        %add3A_989 = arith.constant 4 : i32
        %add3A_990 = arith.addi %mul3A_808, %add3A_989 : i32
        %dma_wait3A_991 = arith.constant 4 : i32
        %dma_wait3A_992 = arith.constant 4 : i32
        %dma_wait3A_993 = arith.constant 0 : i32
        %dma_wait3A_994 = arith.constant 0 : i32
        %dma_wait3A_995 = tpu.memref_slice %arg10[%dma_wait3A_991, %dma_wait3A_993, %dma_wait3A_994] : memref<8x128x16xf32, #tpu.memory_space<vmem>> -> memref<1x128x16xf32, #tpu.memory_space<vmem>>
        %dma_wait3A_996 = tpu.memref_squeeze %dma_wait3A_995 : memref<1x128x16xf32, #tpu.memory_space<vmem>> -> memref<128x16xf32, #tpu.memory_space<vmem>>
        %dma_wait3A_997 = arith.constant 0 : i32
        %dma_wait3A_998 = arith.constant 0 : i32
        %dma_wait3A_999 = tpu.memref_slice %arg3[%dma_wait3A_997, %dma_wait3A_998] : memref<162500x16xf32, #tpu.memory_space<hbm>> -> memref<128x16xf32, #tpu.memory_space<hbm>>
        %dma_wait3A_1000 = tpu.memref_slice %arg12[%dma_wait3A_992] : memref<8x!tpu.dma_semaphore, #tpu.memory_space<semaphore_mem>> -> memref<1x!tpu.dma_semaphore, #tpu.memory_space<semaphore_mem>>
        %dma_wait3A_1001 = tpu.memref_squeeze %dma_wait3A_1000 : memref<1x!tpu.dma_semaphore, #tpu.memory_space<semaphore_mem>> -> memref<!tpu.dma_semaphore, #tpu.memory_space<semaphore_mem>>
        %dma_wait3A_1002 = arith.constant 0 : i32
        %dma_wait3A_1003 = arith.constant 0 : i32
        %dma_wait3A_1004 = tpu.memref_slice %arg10[%dma_wait3A_991, %dma_wait3A_1002, %dma_wait3A_1003] : memref<8x128x16xf32, #tpu.memory_space<vmem>> -> memref<1x128x16xf32, #tpu.memory_space<vmem>>
        %dma_wait3A_1005 = tpu.memref_squeeze %dma_wait3A_1004 : memref<1x128x16xf32, #tpu.memory_space<vmem>> -> memref<128x16xf32, #tpu.memory_space<vmem>>
        %dma_wait3A_1006 = arith.constant 0 : i32
        %dma_wait3A_1007 = arith.constant 0 : i32
        %dma_wait3A_1008 = tpu.memref_slice %arg3[%dma_wait3A_1006, %dma_wait3A_1007] : memref<162500x16xf32, #tpu.memory_space<hbm>> -> memref<128x16xf32, #tpu.memory_space<hbm>>
        tpu.wait_dma2 semaphore(%dma_wait3A_1001 : memref<!tpu.dma_semaphore, #tpu.memory_space<semaphore_mem>>) src(%dma_wait3A_1008 : memref<128x16xf32, #tpu.memory_space<hbm>>) dst(%dma_wait3A_1005 : memref<128x16xf32, #tpu.memory_space<vmem>>)
        %scan3A_1009 = arith.constant 0 : i32
        %scan3A_1010 = arith.constant 8 : i32
        %scan3A_1011 = arith.addi %scan3A_1009, %scan3A_1010 : i32
        %scan3A_1012 = arith.constant 1 : i32
        scf.for %scan3A_1169 = %scan3A_1009 to %scan3A_1011 step %scan3A_1012  : i32 {
          %mul3A_1170 = arith.constant 1 : i32
          %mul3A_1171 = arith.muli %scan3A_1169, %mul3A_1170 : i32
          %add3A_1172 = arith.constant 0 : i32
          %add3A_1173 = arith.addi %add3A_1172, %mul3A_1171 : i32
          %mul3A_1174 = arith.constant 16 : i32
          %mul3A_1175 = arith.muli %add3A_1173, %mul3A_1174 : i32
          %get3A = arith.index_cast %add3A_990 : i32 to index
          %get3A_1176 = arith.index_cast %mul3A_1175 : i32 to index
          %get3A_1177 = tpu.vector_load %arg9[%get3A, %get3A_1176] {strides = array<i32>} : memref<26x128xi32, #tpu.memory_space<vmem>>, vector<16xi32>,
          %mul3A_1178 = arith.constant 16 : i32
          %mul3A_1179 = arith.muli %add3A_1173, %mul3A_1178 : i32
          %add3A_1180 = vector.broadcast %mul3A_1179 : i32 to vector<16xi32>
          %add3A_1181 = arith.addi %iota3A, %add3A_1180 : vector<16xi32>
          %gather3A = arith.constant 4 : i32
          %gather3A_1182 = arith.constant 0 : i32
          %gather3A_1183 = arith.constant 0 : i32
          %gather3A_1184 = tpu.memref_slice %arg10[%gather3A, %gather3A_1182, %gather3A_1183] : memref<8x128x16xf32, #tpu.memory_space<vmem>> -> memref<1x128x16xf32, #tpu.memory_space<vmem>>
          %gather3A_1185 = tpu.memref_squeeze %gather3A_1184 : memref<1x128x16xf32, #tpu.memory_space<vmem>> -> memref<128x16xf32, #tpu.memory_space<vmem>>
          %gather3A_1186 = tpu.vector_load_idx %gather3A_1185[%add3A_1181, %get3A_1177] : memref<128x16xf32, #tpu.memory_space<vmem>>[vector<16xi32>, vector<16xi32>], vector<16xf32>,
          %mul3A_1187 = arith.constant 128 : i32
          %mul3A_1188 = arith.muli %add3A_990, %mul3A_1187 : i32
          %mul3A_1189 = arith.constant 16 : i32
          %mul3A_1190 = arith.muli %add3A_1173, %mul3A_1189 : i32
          %add3A_1191 = arith.addi %mul3A_1188, %mul3A_1190 : i32
          %swap3A = arith.index_cast %add3A_394 : i32 to index
          %swap3A_1192 = arith.index_cast %add3A_1191 : i32 to index
          %swap3A_1193 = tpu.vector_load %arg11[%swap3A, %swap3A_1192] {strides = array<i32>} : memref<17x3328xf32, #tpu.memory_space<vmem>>, vector<16xf32>,
          tpu.vector_store %arg11[%swap3A, %swap3A_1192], %gather3A_1186 {strides = array<i32>} : memref<17x3328xf32, #tpu.memory_space<vmem>>, vector<16xf32>,
        }
        %scan3A_1013 = arith.constant 8 : i32
        %add3A_1014 = arith.constant 8 : i32
        %add3A_1015 = arith.addi %mul3A_808, %add3A_1014 : i32
        %add3A_1016 = arith.constant 4 : i32
        %add3A_1017 = arith.addi %add3A_1015, %add3A_1016 : i32
        %dma_start3A_1018 = arith.constant 4 : i32
        %dma_start3A_1019 = arith.constant 4 : i32
        %dma_start3A_1020 = arith.constant 0 : i32
        %dma_start3A_1021 = arith.constant 0 : i32
        %dma_start3A_1022 = tpu.memref_slice %arg10[%dma_start3A_1018, %dma_start3A_1020, %dma_start3A_1021] : memref<8x128x16xf32, #tpu.memory_space<vmem>> -> memref<1x128x16xf32, #tpu.memory_space<vmem>>
        %dma_start3A_1023 = tpu.memref_squeeze %dma_start3A_1022 : memref<1x128x16xf32, #tpu.memory_space<vmem>> -> memref<128x16xf32, #tpu.memory_space<vmem>>
        %dma_start3A_1024 = arith.constant 0 : i32
        %dma_start3A_1025 = tpu.memref_slice %arg8[%add3A_1017, %dma_start3A_1024] : memref<26x128xi32, #tpu.memory_space<vmem>> -> memref<1x128xi32, #tpu.memory_space<vmem>>
        %dma_start3A_1026 = tpu.memref_squeeze %dma_start3A_1025 : memref<1x128xi32, #tpu.memory_space<vmem>> -> memref<128xi32, #tpu.memory_space<vmem>>
        %dma_start3A_1027 = arith.constant 0 : i32
        %dma_start3A_1028 = tpu.memref_slice %arg2[%mul3A_396, %dma_start3A_1027] : memref<2600064x16xf32, #tpu.memory_space<hbm>> -> memref<162500x16xf32, #tpu.memory_space<hbm>>
        %dma_start3A_1029 = arith.constant 0 : i32
        %dma_start3A_1030 = arith.constant 0 : i32
        %dma_start3A_1031 = tpu.memref_slice %dma_start3A_1028[%dma_start3A_1029, %dma_start3A_1030] : memref<162500x16xf32, #tpu.memory_space<hbm>> -> memref<162500x16xf32, #tpu.memory_space<hbm>>
        %dma_start3A_1032 = tpu.memref_slice %arg12[%dma_start3A_1019] : memref<8x!tpu.dma_semaphore, #tpu.memory_space<semaphore_mem>> -> memref<1x!tpu.dma_semaphore, #tpu.memory_space<semaphore_mem>>
        %dma_start3A_1033 = tpu.memref_squeeze %dma_start3A_1032 : memref<1x!tpu.dma_semaphore, #tpu.memory_space<semaphore_mem>> -> memref<!tpu.dma_semaphore, #tpu.memory_space<semaphore_mem>>
        tpu.enqueue_indirect_dma source(%dma_start3A_1031 : memref<162500x16xf32, #tpu.memory_space<hbm>>) target(%dma_start3A_1023 : memref<128x16xf32, #tpu.memory_space<vmem>>) offsets(%dma_start3A_1026 : memref<128xi32, #tpu.memory_space<vmem>>) semaphore(%dma_start3A_1033 : memref<!tpu.dma_semaphore, #tpu.memory_space<semaphore_mem>>)
        %add3A_1034 = arith.constant 5 : i32
        %add3A_1035 = arith.addi %mul3A_808, %add3A_1034 : i32
        %dma_wait3A_1036 = arith.constant 5 : i32
        %dma_wait3A_1037 = arith.constant 5 : i32
        %dma_wait3A_1038 = arith.constant 0 : i32
        %dma_wait3A_1039 = arith.constant 0 : i32
        %dma_wait3A_1040 = tpu.memref_slice %arg10[%dma_wait3A_1036, %dma_wait3A_1038, %dma_wait3A_1039] : memref<8x128x16xf32, #tpu.memory_space<vmem>> -> memref<1x128x16xf32, #tpu.memory_space<vmem>>
        %dma_wait3A_1041 = tpu.memref_squeeze %dma_wait3A_1040 : memref<1x128x16xf32, #tpu.memory_space<vmem>> -> memref<128x16xf32, #tpu.memory_space<vmem>>
        %dma_wait3A_1042 = arith.constant 0 : i32
        %dma_wait3A_1043 = arith.constant 0 : i32
        %dma_wait3A_1044 = tpu.memref_slice %arg3[%dma_wait3A_1042, %dma_wait3A_1043] : memref<162500x16xf32, #tpu.memory_space<hbm>> -> memref<128x16xf32, #tpu.memory_space<hbm>>
        %dma_wait3A_1045 = tpu.memref_slice %arg12[%dma_wait3A_1037] : memref<8x!tpu.dma_semaphore, #tpu.memory_space<semaphore_mem>> -> memref<1x!tpu.dma_semaphore, #tpu.memory_space<semaphore_mem>>
        %dma_wait3A_1046 = tpu.memref_squeeze %dma_wait3A_1045 : memref<1x!tpu.dma_semaphore, #tpu.memory_space<semaphore_mem>> -> memref<!tpu.dma_semaphore, #tpu.memory_space<semaphore_mem>>
        %dma_wait3A_1047 = arith.constant 0 : i32
        %dma_wait3A_1048 = arith.constant 0 : i32
        %dma_wait3A_1049 = tpu.memref_slice %arg10[%dma_wait3A_1036, %dma_wait3A_1047, %dma_wait3A_1048] : memref<8x128x16xf32, #tpu.memory_space<vmem>> -> memref<1x128x16xf32, #tpu.memory_space<vmem>>
        %dma_wait3A_1050 = tpu.memref_squeeze %dma_wait3A_1049 : memref<1x128x16xf32, #tpu.memory_space<vmem>> -> memref<128x16xf32, #tpu.memory_space<vmem>>
        %dma_wait3A_1051 = arith.constant 0 : i32
        %dma_wait3A_1052 = arith.constant 0 : i32
        %dma_wait3A_1053 = tpu.memref_slice %arg3[%dma_wait3A_1051, %dma_wait3A_1052] : memref<162500x16xf32, #tpu.memory_space<hbm>> -> memref<128x16xf32, #tpu.memory_space<hbm>>
        tpu.wait_dma2 semaphore(%dma_wait3A_1046 : memref<!tpu.dma_semaphore, #tpu.memory_space<semaphore_mem>>) src(%dma_wait3A_1053 : memref<128x16xf32, #tpu.memory_space<hbm>>) dst(%dma_wait3A_1050 : memref<128x16xf32, #tpu.memory_space<vmem>>)
        %scan3A_1054 = arith.constant 0 : i32
        %scan3A_1055 = arith.constant 8 : i32
        %scan3A_1056 = arith.addi %scan3A_1054, %scan3A_1055 : i32
        %scan3A_1057 = arith.constant 1 : i32
        scf.for %scan3A_1169 = %scan3A_1054 to %scan3A_1056 step %scan3A_1057  : i32 {
          %mul3A_1170 = arith.constant 1 : i32
          %mul3A_1171 = arith.muli %scan3A_1169, %mul3A_1170 : i32
          %add3A_1172 = arith.constant 0 : i32
          %add3A_1173 = arith.addi %add3A_1172, %mul3A_1171 : i32
          %mul3A_1174 = arith.constant 16 : i32
          %mul3A_1175 = arith.muli %add3A_1173, %mul3A_1174 : i32
          %get3A = arith.index_cast %add3A_1035 : i32 to index
          %get3A_1176 = arith.index_cast %mul3A_1175 : i32 to index
          %get3A_1177 = tpu.vector_load %arg9[%get3A, %get3A_1176] {strides = array<i32>} : memref<26x128xi32, #tpu.memory_space<vmem>>, vector<16xi32>,
          %mul3A_1178 = arith.constant 16 : i32
          %mul3A_1179 = arith.muli %add3A_1173, %mul3A_1178 : i32
          %add3A_1180 = vector.broadcast %mul3A_1179 : i32 to vector<16xi32>
          %add3A_1181 = arith.addi %iota3A, %add3A_1180 : vector<16xi32>
          %gather3A = arith.constant 5 : i32
          %gather3A_1182 = arith.constant 0 : i32
          %gather3A_1183 = arith.constant 0 : i32
          %gather3A_1184 = tpu.memref_slice %arg10[%gather3A, %gather3A_1182, %gather3A_1183] : memref<8x128x16xf32, #tpu.memory_space<vmem>> -> memref<1x128x16xf32, #tpu.memory_space<vmem>>
          %gather3A_1185 = tpu.memref_squeeze %gather3A_1184 : memref<1x128x16xf32, #tpu.memory_space<vmem>> -> memref<128x16xf32, #tpu.memory_space<vmem>>
          %gather3A_1186 = tpu.vector_load_idx %gather3A_1185[%add3A_1181, %get3A_1177] : memref<128x16xf32, #tpu.memory_space<vmem>>[vector<16xi32>, vector<16xi32>], vector<16xf32>,
          %mul3A_1187 = arith.constant 128 : i32
          %mul3A_1188 = arith.muli %add3A_1035, %mul3A_1187 : i32
          %mul3A_1189 = arith.constant 16 : i32
          %mul3A_1190 = arith.muli %add3A_1173, %mul3A_1189 : i32
          %add3A_1191 = arith.addi %mul3A_1188, %mul3A_1190 : i32
          %swap3A = arith.index_cast %add3A_394 : i32 to index
          %swap3A_1192 = arith.index_cast %add3A_1191 : i32 to index
          %swap3A_1193 = tpu.vector_load %arg11[%swap3A, %swap3A_1192] {strides = array<i32>} : memref<17x3328xf32, #tpu.memory_space<vmem>>, vector<16xf32>,
          tpu.vector_store %arg11[%swap3A, %swap3A_1192], %gather3A_1186 {strides = array<i32>} : memref<17x3328xf32, #tpu.memory_space<vmem>>, vector<16xf32>,
        }
        %scan3A_1058 = arith.constant 8 : i32
        %add3A_1059 = arith.constant 8 : i32
        %add3A_1060 = arith.addi %mul3A_808, %add3A_1059 : i32
        %add3A_1061 = arith.constant 5 : i32
        %add3A_1062 = arith.addi %add3A_1060, %add3A_1061 : i32
        %dma_start3A_1063 = arith.constant 5 : i32
        %dma_start3A_1064 = arith.constant 5 : i32
        %dma_start3A_1065 = arith.constant 0 : i32
        %dma_start3A_1066 = arith.constant 0 : i32
        %dma_start3A_1067 = tpu.memref_slice %arg10[%dma_start3A_1063, %dma_start3A_1065, %dma_start3A_1066] : memref<8x128x16xf32, #tpu.memory_space<vmem>> -> memref<1x128x16xf32, #tpu.memory_space<vmem>>
        %dma_start3A_1068 = tpu.memref_squeeze %dma_start3A_1067 : memref<1x128x16xf32, #tpu.memory_space<vmem>> -> memref<128x16xf32, #tpu.memory_space<vmem>>
        %dma_start3A_1069 = arith.constant 0 : i32
        %dma_start3A_1070 = tpu.memref_slice %arg8[%add3A_1062, %dma_start3A_1069] : memref<26x128xi32, #tpu.memory_space<vmem>> -> memref<1x128xi32, #tpu.memory_space<vmem>>
        %dma_start3A_1071 = tpu.memref_squeeze %dma_start3A_1070 : memref<1x128xi32, #tpu.memory_space<vmem>> -> memref<128xi32, #tpu.memory_space<vmem>>
        %dma_start3A_1072 = arith.constant 0 : i32
        %dma_start3A_1073 = tpu.memref_slice %arg2[%mul3A_396, %dma_start3A_1072] : memref<2600064x16xf32, #tpu.memory_space<hbm>> -> memref<162500x16xf32, #tpu.memory_space<hbm>>
        %dma_start3A_1074 = arith.constant 0 : i32
        %dma_start3A_1075 = arith.constant 0 : i32
        %dma_start3A_1076 = tpu.memref_slice %dma_start3A_1073[%dma_start3A_1074, %dma_start3A_1075] : memref<162500x16xf32, #tpu.memory_space<hbm>> -> memref<162500x16xf32, #tpu.memory_space<hbm>>
        %dma_start3A_1077 = tpu.memref_slice %arg12[%dma_start3A_1064] : memref<8x!tpu.dma_semaphore, #tpu.memory_space<semaphore_mem>> -> memref<1x!tpu.dma_semaphore, #tpu.memory_space<semaphore_mem>>
        %dma_start3A_1078 = tpu.memref_squeeze %dma_start3A_1077 : memref<1x!tpu.dma_semaphore, #tpu.memory_space<semaphore_mem>> -> memref<!tpu.dma_semaphore, #tpu.memory_space<semaphore_mem>>
        tpu.enqueue_indirect_dma source(%dma_start3A_1076 : memref<162500x16xf32, #tpu.memory_space<hbm>>) target(%dma_start3A_1068 : memref<128x16xf32, #tpu.memory_space<vmem>>) offsets(%dma_start3A_1071 : memref<128xi32, #tpu.memory_space<vmem>>) semaphore(%dma_start3A_1078 : memref<!tpu.dma_semaphore, #tpu.memory_space<semaphore_mem>>)
        %add3A_1079 = arith.constant 6 : i32
        %add3A_1080 = arith.addi %mul3A_808, %add3A_1079 : i32
        %dma_wait3A_1081 = arith.constant 6 : i32
        %dma_wait3A_1082 = arith.constant 6 : i32
        %dma_wait3A_1083 = arith.constant 0 : i32
        %dma_wait3A_1084 = arith.constant 0 : i32
        %dma_wait3A_1085 = tpu.memref_slice %arg10[%dma_wait3A_1081, %dma_wait3A_1083, %dma_wait3A_1084] : memref<8x128x16xf32, #tpu.memory_space<vmem>> -> memref<1x128x16xf32, #tpu.memory_space<vmem>>
        %dma_wait3A_1086 = tpu.memref_squeeze %dma_wait3A_1085 : memref<1x128x16xf32, #tpu.memory_space<vmem>> -> memref<128x16xf32, #tpu.memory_space<vmem>>
        %dma_wait3A_1087 = arith.constant 0 : i32
        %dma_wait3A_1088 = arith.constant 0 : i32
        %dma_wait3A_1089 = tpu.memref_slice %arg3[%dma_wait3A_1087, %dma_wait3A_1088] : memref<162500x16xf32, #tpu.memory_space<hbm>> -> memref<128x16xf32, #tpu.memory_space<hbm>>
        %dma_wait3A_1090 = tpu.memref_slice %arg12[%dma_wait3A_1082] : memref<8x!tpu.dma_semaphore, #tpu.memory_space<semaphore_mem>> -> memref<1x!tpu.dma_semaphore, #tpu.memory_space<semaphore_mem>>
        %dma_wait3A_1091 = tpu.memref_squeeze %dma_wait3A_1090 : memref<1x!tpu.dma_semaphore, #tpu.memory_space<semaphore_mem>> -> memref<!tpu.dma_semaphore, #tpu.memory_space<semaphore_mem>>
        %dma_wait3A_1092 = arith.constant 0 : i32
        %dma_wait3A_1093 = arith.constant 0 : i32
        %dma_wait3A_1094 = tpu.memref_slice %arg10[%dma_wait3A_1081, %dma_wait3A_1092, %dma_wait3A_1093] : memref<8x128x16xf32, #tpu.memory_space<vmem>> -> memref<1x128x16xf32, #tpu.memory_space<vmem>>
        %dma_wait3A_1095 = tpu.memref_squeeze %dma_wait3A_1094 : memref<1x128x16xf32, #tpu.memory_space<vmem>> -> memref<128x16xf32, #tpu.memory_space<vmem>>
        %dma_wait3A_1096 = arith.constant 0 : i32
        %dma_wait3A_1097 = arith.constant 0 : i32
        %dma_wait3A_1098 = tpu.memref_slice %arg3[%dma_wait3A_1096, %dma_wait3A_1097] : memref<162500x16xf32, #tpu.memory_space<hbm>> -> memref<128x16xf32, #tpu.memory_space<hbm>>
        tpu.wait_dma2 semaphore(%dma_wait3A_1091 : memref<!tpu.dma_semaphore, #tpu.memory_space<semaphore_mem>>) src(%dma_wait3A_1098 : memref<128x16xf32, #tpu.memory_space<hbm>>) dst(%dma_wait3A_1095 : memref<128x16xf32, #tpu.memory_space<vmem>>)
        %scan3A_1099 = arith.constant 0 : i32
        %scan3A_1100 = arith.constant 8 : i32
        %scan3A_1101 = arith.addi %scan3A_1099, %scan3A_1100 : i32
        %scan3A_1102 = arith.constant 1 : i32
        scf.for %scan3A_1169 = %scan3A_1099 to %scan3A_1101 step %scan3A_1102  : i32 {
          %mul3A_1170 = arith.constant 1 : i32
          %mul3A_1171 = arith.muli %scan3A_1169, %mul3A_1170 : i32
          %add3A_1172 = arith.constant 0 : i32
          %add3A_1173 = arith.addi %add3A_1172, %mul3A_1171 : i32
          %mul3A_1174 = arith.constant 16 : i32
          %mul3A_1175 = arith.muli %add3A_1173, %mul3A_1174 : i32
          %get3A = arith.index_cast %add3A_1080 : i32 to index
          %get3A_1176 = arith.index_cast %mul3A_1175 : i32 to index
          %get3A_1177 = tpu.vector_load %arg9[%get3A, %get3A_1176] {strides = array<i32>} : memref<26x128xi32, #tpu.memory_space<vmem>>, vector<16xi32>,
          %mul3A_1178 = arith.constant 16 : i32
          %mul3A_1179 = arith.muli %add3A_1173, %mul3A_1178 : i32
          %add3A_1180 = vector.broadcast %mul3A_1179 : i32 to vector<16xi32>
          %add3A_1181 = arith.addi %iota3A, %add3A_1180 : vector<16xi32>
          %gather3A = arith.constant 6 : i32
          %gather3A_1182 = arith.constant 0 : i32
          %gather3A_1183 = arith.constant 0 : i32
          %gather3A_1184 = tpu.memref_slice %arg10[%gather3A, %gather3A_1182, %gather3A_1183] : memref<8x128x16xf32, #tpu.memory_space<vmem>> -> memref<1x128x16xf32, #tpu.memory_space<vmem>>
          %gather3A_1185 = tpu.memref_squeeze %gather3A_1184 : memref<1x128x16xf32, #tpu.memory_space<vmem>> -> memref<128x16xf32, #tpu.memory_space<vmem>>
          %gather3A_1186 = tpu.vector_load_idx %gather3A_1185[%add3A_1181, %get3A_1177] : memref<128x16xf32, #tpu.memory_space<vmem>>[vector<16xi32>, vector<16xi32>], vector<16xf32>,
          %mul3A_1187 = arith.constant 128 : i32
          %mul3A_1188 = arith.muli %add3A_1080, %mul3A_1187 : i32
          %mul3A_1189 = arith.constant 16 : i32
          %mul3A_1190 = arith.muli %add3A_1173, %mul3A_1189 : i32
          %add3A_1191 = arith.addi %mul3A_1188, %mul3A_1190 : i32
          %swap3A = arith.index_cast %add3A_394 : i32 to index
          %swap3A_1192 = arith.index_cast %add3A_1191 : i32 to index
          %swap3A_1193 = tpu.vector_load %arg11[%swap3A, %swap3A_1192] {strides = array<i32>} : memref<17x3328xf32, #tpu.memory_space<vmem>>, vector<16xf32>,
          tpu.vector_store %arg11[%swap3A, %swap3A_1192], %gather3A_1186 {strides = array<i32>} : memref<17x3328xf32, #tpu.memory_space<vmem>>, vector<16xf32>,
        }
        %scan3A_1103 = arith.constant 8 : i32
        %add3A_1104 = arith.constant 8 : i32
        %add3A_1105 = arith.addi %mul3A_808, %add3A_1104 : i32
        %add3A_1106 = arith.constant 6 : i32
        %add3A_1107 = arith.addi %add3A_1105, %add3A_1106 : i32
        %dma_start3A_1108 = arith.constant 6 : i32
        %dma_start3A_1109 = arith.constant 6 : i32
        %dma_start3A_1110 = arith.constant 0 : i32
        %dma_start3A_1111 = arith.constant 0 : i32
        %dma_start3A_1112 = tpu.memref_slice %arg10[%dma_start3A_1108, %dma_start3A_1110, %dma_start3A_1111] : memref<8x128x16xf32, #tpu.memory_space<vmem>> -> memref<1x128x16xf32, #tpu.memory_space<vmem>>
        %dma_start3A_1113 = tpu.memref_squeeze %dma_start3A_1112 : memref<1x128x16xf32, #tpu.memory_space<vmem>> -> memref<128x16xf32, #tpu.memory_space<vmem>>
        %dma_start3A_1114 = arith.constant 0 : i32
        %dma_start3A_1115 = tpu.memref_slice %arg8[%add3A_1107, %dma_start3A_1114] : memref<26x128xi32, #tpu.memory_space<vmem>> -> memref<1x128xi32, #tpu.memory_space<vmem>>
        %dma_start3A_1116 = tpu.memref_squeeze %dma_start3A_1115 : memref<1x128xi32, #tpu.memory_space<vmem>> -> memref<128xi32, #tpu.memory_space<vmem>>
        %dma_start3A_1117 = arith.constant 0 : i32
        %dma_start3A_1118 = tpu.memref_slice %arg2[%mul3A_396, %dma_start3A_1117] : memref<2600064x16xf32, #tpu.memory_space<hbm>> -> memref<162500x16xf32, #tpu.memory_space<hbm>>
        %dma_start3A_1119 = arith.constant 0 : i32
        %dma_start3A_1120 = arith.constant 0 : i32
        %dma_start3A_1121 = tpu.memref_slice %dma_start3A_1118[%dma_start3A_1119, %dma_start3A_1120] : memref<162500x16xf32, #tpu.memory_space<hbm>> -> memref<162500x16xf32, #tpu.memory_space<hbm>>
        %dma_start3A_1122 = tpu.memref_slice %arg12[%dma_start3A_1109] : memref<8x!tpu.dma_semaphore, #tpu.memory_space<semaphore_mem>> -> memref<1x!tpu.dma_semaphore, #tpu.memory_space<semaphore_mem>>
        %dma_start3A_1123 = tpu.memref_squeeze %dma_start3A_1122 : memref<1x!tpu.dma_semaphore, #tpu.memory_space<semaphore_mem>> -> memref<!tpu.dma_semaphore, #tpu.memory_space<semaphore_mem>>
        tpu.enqueue_indirect_dma source(%dma_start3A_1121 : memref<162500x16xf32, #tpu.memory_space<hbm>>) target(%dma_start3A_1113 : memref<128x16xf32, #tpu.memory_space<vmem>>) offsets(%dma_start3A_1116 : memref<128xi32, #tpu.memory_space<vmem>>) semaphore(%dma_start3A_1123 : memref<!tpu.dma_semaphore, #tpu.memory_space<semaphore_mem>>)
        %add3A_1124 = arith.constant 7 : i32
        %add3A_1125 = arith.addi %mul3A_808, %add3A_1124 : i32
        %dma_wait3A_1126 = arith.constant 7 : i32
        %dma_wait3A_1127 = arith.constant 7 : i32
        %dma_wait3A_1128 = arith.constant 0 : i32
        %dma_wait3A_1129 = arith.constant 0 : i32
        %dma_wait3A_1130 = tpu.memref_slice %arg10[%dma_wait3A_1126, %dma_wait3A_1128, %dma_wait3A_1129] : memref<8x128x16xf32, #tpu.memory_space<vmem>> -> memref<1x128x16xf32, #tpu.memory_space<vmem>>
        %dma_wait3A_1131 = tpu.memref_squeeze %dma_wait3A_1130 : memref<1x128x16xf32, #tpu.memory_space<vmem>> -> memref<128x16xf32, #tpu.memory_space<vmem>>
        %dma_wait3A_1132 = arith.constant 0 : i32
        %dma_wait3A_1133 = arith.constant 0 : i32
        %dma_wait3A_1134 = tpu.memref_slice %arg3[%dma_wait3A_1132, %dma_wait3A_1133] : memref<162500x16xf32, #tpu.memory_space<hbm>> -> memref<128x16xf32, #tpu.memory_space<hbm>>
        %dma_wait3A_1135 = tpu.memref_slice %arg12[%dma_wait3A_1127] : memref<8x!tpu.dma_semaphore, #tpu.memory_space<semaphore_mem>> -> memref<1x!tpu.dma_semaphore, #tpu.memory_space<semaphore_mem>>
        %dma_wait3A_1136 = tpu.memref_squeeze %dma_wait3A_1135 : memref<1x!tpu.dma_semaphore, #tpu.memory_space<semaphore_mem>> -> memref<!tpu.dma_semaphore, #tpu.memory_space<semaphore_mem>>
        %dma_wait3A_1137 = arith.constant 0 : i32
        %dma_wait3A_1138 = arith.constant 0 : i32
        %dma_wait3A_1139 = tpu.memref_slice %arg10[%dma_wait3A_1126, %dma_wait3A_1137, %dma_wait3A_1138] : memref<8x128x16xf32, #tpu.memory_space<vmem>> -> memref<1x128x16xf32, #tpu.memory_space<vmem>>
        %dma_wait3A_1140 = tpu.memref_squeeze %dma_wait3A_1139 : memref<1x128x16xf32, #tpu.memory_space<vmem>> -> memref<128x16xf32, #tpu.memory_space<vmem>>
        %dma_wait3A_1141 = arith.constant 0 : i32
        %dma_wait3A_1142 = arith.constant 0 : i32
        %dma_wait3A_1143 = tpu.memref_slice %arg3[%dma_wait3A_1141, %dma_wait3A_1142] : memref<162500x16xf32, #tpu.memory_space<hbm>> -> memref<128x16xf32, #tpu.memory_space<hbm>>
        tpu.wait_dma2 semaphore(%dma_wait3A_1136 : memref<!tpu.dma_semaphore, #tpu.memory_space<semaphore_mem>>) src(%dma_wait3A_1143 : memref<128x16xf32, #tpu.memory_space<hbm>>) dst(%dma_wait3A_1140 : memref<128x16xf32, #tpu.memory_space<vmem>>)
        %scan3A_1144 = arith.constant 0 : i32
        %scan3A_1145 = arith.constant 8 : i32
        %scan3A_1146 = arith.addi %scan3A_1144, %scan3A_1145 : i32
        %scan3A_1147 = arith.constant 1 : i32
        scf.for %scan3A_1169 = %scan3A_1144 to %scan3A_1146 step %scan3A_1147  : i32 {
          %mul3A_1170 = arith.constant 1 : i32
          %mul3A_1171 = arith.muli %scan3A_1169, %mul3A_1170 : i32
          %add3A_1172 = arith.constant 0 : i32
          %add3A_1173 = arith.addi %add3A_1172, %mul3A_1171 : i32
          %mul3A_1174 = arith.constant 16 : i32
          %mul3A_1175 = arith.muli %add3A_1173, %mul3A_1174 : i32
          %get3A = arith.index_cast %add3A_1125 : i32 to index
          %get3A_1176 = arith.index_cast %mul3A_1175 : i32 to index
          %get3A_1177 = tpu.vector_load %arg9[%get3A, %get3A_1176] {strides = array<i32>} : memref<26x128xi32, #tpu.memory_space<vmem>>, vector<16xi32>,
          %mul3A_1178 = arith.constant 16 : i32
          %mul3A_1179 = arith.muli %add3A_1173, %mul3A_1178 : i32
          %add3A_1180 = vector.broadcast %mul3A_1179 : i32 to vector<16xi32>
          %add3A_1181 = arith.addi %iota3A, %add3A_1180 : vector<16xi32>
          %gather3A = arith.constant 7 : i32
          %gather3A_1182 = arith.constant 0 : i32
          %gather3A_1183 = arith.constant 0 : i32
          %gather3A_1184 = tpu.memref_slice %arg10[%gather3A, %gather3A_1182, %gather3A_1183] : memref<8x128x16xf32, #tpu.memory_space<vmem>> -> memref<1x128x16xf32, #tpu.memory_space<vmem>>
          %gather3A_1185 = tpu.memref_squeeze %gather3A_1184 : memref<1x128x16xf32, #tpu.memory_space<vmem>> -> memref<128x16xf32, #tpu.memory_space<vmem>>
          %gather3A_1186 = tpu.vector_load_idx %gather3A_1185[%add3A_1181, %get3A_1177] : memref<128x16xf32, #tpu.memory_space<vmem>>[vector<16xi32>, vector<16xi32>], vector<16xf32>,
          %mul3A_1187 = arith.constant 128 : i32
          %mul3A_1188 = arith.muli %add3A_1125, %mul3A_1187 : i32
          %mul3A_1189 = arith.constant 16 : i32
          %mul3A_1190 = arith.muli %add3A_1173, %mul3A_1189 : i32
          %add3A_1191 = arith.addi %mul3A_1188, %mul3A_1190 : i32
          %swap3A = arith.index_cast %add3A_394 : i32 to index
          %swap3A_1192 = arith.index_cast %add3A_1191 : i32 to index
          %swap3A_1193 = tpu.vector_load %arg11[%swap3A, %swap3A_1192] {strides = array<i32>} : memref<17x3328xf32, #tpu.memory_space<vmem>>, vector<16xf32>,
          tpu.vector_store %arg11[%swap3A, %swap3A_1192], %gather3A_1186 {strides = array<i32>} : memref<17x3328xf32, #tpu.memory_space<vmem>>, vector<16xf32>,
        }
        %scan3A_1148 = arith.constant 8 : i32
        %add3A_1149 = arith.constant 8 : i32
        %add3A_1150 = arith.addi %mul3A_808, %add3A_1149 : i32
        %add3A_1151 = arith.constant 7 : i32
        %add3A_1152 = arith.addi %add3A_1150, %add3A_1151 : i32
        %dma_start3A_1153 = arith.constant 7 : i32
        %dma_start3A_1154 = arith.constant 7 : i32
        %dma_start3A_1155 = arith.constant 0 : i32
        %dma_start3A_1156 = arith.constant 0 : i32
        %dma_start3A_1157 = tpu.memref_slice %arg10[%dma_start3A_1153, %dma_start3A_1155, %dma_start3A_1156] : memref<8x128x16xf32, #tpu.memory_space<vmem>> -> memref<1x128x16xf32, #tpu.memory_space<vmem>>
        %dma_start3A_1158 = tpu.memref_squeeze %dma_start3A_1157 : memref<1x128x16xf32, #tpu.memory_space<vmem>> -> memref<128x16xf32, #tpu.memory_space<vmem>>
        %dma_start3A_1159 = arith.constant 0 : i32
        %dma_start3A_1160 = tpu.memref_slice %arg8[%add3A_1152, %dma_start3A_1159] : memref<26x128xi32, #tpu.memory_space<vmem>> -> memref<1x128xi32, #tpu.memory_space<vmem>>
        %dma_start3A_1161 = tpu.memref_squeeze %dma_start3A_1160 : memref<1x128xi32, #tpu.memory_space<vmem>> -> memref<128xi32, #tpu.memory_space<vmem>>
        %dma_start3A_1162 = arith.constant 0 : i32
        %dma_start3A_1163 = tpu.memref_slice %arg2[%mul3A_396, %dma_start3A_1162] : memref<2600064x16xf32, #tpu.memory_space<hbm>> -> memref<162500x16xf32, #tpu.memory_space<hbm>>
        %dma_start3A_1164 = arith.constant 0 : i32
        %dma_start3A_1165 = arith.constant 0 : i32
        %dma_start3A_1166 = tpu.memref_slice %dma_start3A_1163[%dma_start3A_1164, %dma_start3A_1165] : memref<162500x16xf32, #tpu.memory_space<hbm>> -> memref<162500x16xf32, #tpu.memory_space<hbm>>
        %dma_start3A_1167 = tpu.memref_slice %arg12[%dma_start3A_1154] : memref<8x!tpu.dma_semaphore, #tpu.memory_space<semaphore_mem>> -> memref<1x!tpu.dma_semaphore, #tpu.memory_space<semaphore_mem>>
        %dma_start3A_1168 = tpu.memref_squeeze %dma_start3A_1167 : memref<1x!tpu.dma_semaphore, #tpu.memory_space<semaphore_mem>> -> memref<!tpu.dma_semaphore, #tpu.memory_space<semaphore_mem>>
        tpu.enqueue_indirect_dma source(%dma_start3A_1166 : memref<162500x16xf32, #tpu.memory_space<hbm>>) target(%dma_start3A_1158 : memref<128x16xf32, #tpu.memory_space<vmem>>) offsets(%dma_start3A_1161 : memref<128xi32, #tpu.memory_space<vmem>>) semaphore(%dma_start3A_1168 : memref<!tpu.dma_semaphore, #tpu.memory_space<semaphore_mem>>)
      }
      %scan3A_537 = arith.constant 2 : i32
      %dma_wait3A_538 = arith.constant 0 : i32
      %dma_wait3A_539 = arith.constant 0 : i32
      %dma_wait3A_540 = arith.constant 0 : i32
      %dma_wait3A_541 = arith.constant 0 : i32
      %dma_wait3A_542 = tpu.memref_slice %arg10[%dma_wait3A_538, %dma_wait3A_540, %dma_wait3A_541] : memref<8x128x16xf32, #tpu.memory_space<vmem>> -> memref<1x128x16xf32, #tpu.memory_space<vmem>>
      %dma_wait3A_543 = tpu.memref_squeeze %dma_wait3A_542 : memref<1x128x16xf32, #tpu.memory_space<vmem>> -> memref<128x16xf32, #tpu.memory_space<vmem>>
      %dma_wait3A_544 = arith.constant 0 : i32
      %dma_wait3A_545 = arith.constant 0 : i32
      %dma_wait3A_546 = tpu.memref_slice %arg3[%dma_wait3A_544, %dma_wait3A_545] : memref<162500x16xf32, #tpu.memory_space<hbm>> -> memref<128x16xf32, #tpu.memory_space<hbm>>
      %dma_wait3A_547 = tpu.memref_slice %arg12[%dma_wait3A_539] : memref<8x!tpu.dma_semaphore, #tpu.memory_space<semaphore_mem>> -> memref<1x!tpu.dma_semaphore, #tpu.memory_space<semaphore_mem>>
      %dma_wait3A_548 = tpu.memref_squeeze %dma_wait3A_547 : memref<1x!tpu.dma_semaphore, #tpu.memory_space<semaphore_mem>> -> memref<!tpu.dma_semaphore, #tpu.memory_space<semaphore_mem>>
      %dma_wait3A_549 = arith.constant 0 : i32
      %dma_wait3A_550 = arith.constant 0 : i32
      %dma_wait3A_551 = tpu.memref_slice %arg10[%dma_wait3A_538, %dma_wait3A_549, %dma_wait3A_550] : memref<8x128x16xf32, #tpu.memory_space<vmem>> -> memref<1x128x16xf32, #tpu.memory_space<vmem>>
      %dma_wait3A_552 = tpu.memref_squeeze %dma_wait3A_551 : memref<1x128x16xf32, #tpu.memory_space<vmem>> -> memref<128x16xf32, #tpu.memory_space<vmem>>
      %dma_wait3A_553 = arith.constant 0 : i32
      %dma_wait3A_554 = arith.constant 0 : i32
      %dma_wait3A_555 = tpu.memref_slice %arg3[%dma_wait3A_553, %dma_wait3A_554] : memref<162500x16xf32, #tpu.memory_space<hbm>> -> memref<128x16xf32, #tpu.memory_space<hbm>>
      tpu.wait_dma2 semaphore(%dma_wait3A_548 : memref<!tpu.dma_semaphore, #tpu.memory_space<semaphore_mem>>) src(%dma_wait3A_555 : memref<128x16xf32, #tpu.memory_space<hbm>>) dst(%dma_wait3A_552 : memref<128x16xf32, #tpu.memory_space<vmem>>)
      %scan3A_556 = arith.constant 0 : i32
      %scan3A_557 = arith.constant 8 : i32
      %scan3A_558 = arith.addi %scan3A_556, %scan3A_557 : i32
      %scan3A_559 = arith.constant 1 : i32
      scf.for %scan3A_802 = %scan3A_556 to %scan3A_558 step %scan3A_559  : i32 {
        %mul3A_803 = arith.constant 1 : i32
        %mul3A_804 = arith.muli %scan3A_802, %mul3A_803 : i32
        %add3A_805 = arith.constant 0 : i32
        %add3A_806 = arith.addi %add3A_805, %mul3A_804 : i32
        %mul3A_807 = arith.constant 16 : i32
        %mul3A_808 = arith.muli %add3A_806, %mul3A_807 : i32
        %get3A = arith.constant 16 : i32
        %get3A_809 = arith.index_cast %get3A : i32 to index
        %get3A_810 = arith.index_cast %mul3A_808 : i32 to index
        %get3A_811 = tpu.vector_load %arg9[%get3A_809, %get3A_810] {strides = array<i32>} : memref<26x128xi32, #tpu.memory_space<vmem>>, vector<16xi32>,
        %mul3A_812 = arith.constant 16 : i32
        %mul3A_813 = arith.muli %add3A_806, %mul3A_812 : i32
        %add3A_814 = vector.broadcast %mul3A_813 : i32 to vector<16xi32>
        %add3A_815 = arith.addi %iota3A, %add3A_814 : vector<16xi32>
        %gather3A = arith.constant 0 : i32
        %gather3A_816 = arith.constant 0 : i32
        %gather3A_817 = arith.constant 0 : i32
        %gather3A_818 = tpu.memref_slice %arg10[%gather3A, %gather3A_816, %gather3A_817] : memref<8x128x16xf32, #tpu.memory_space<vmem>> -> memref<1x128x16xf32, #tpu.memory_space<vmem>>
        %gather3A_819 = tpu.memref_squeeze %gather3A_818 : memref<1x128x16xf32, #tpu.memory_space<vmem>> -> memref<128x16xf32, #tpu.memory_space<vmem>>
        %gather3A_820 = tpu.vector_load_idx %gather3A_819[%add3A_815, %get3A_811] : memref<128x16xf32, #tpu.memory_space<vmem>>[vector<16xi32>, vector<16xi32>], vector<16xf32>,
        %mul3A_821 = arith.constant 16 : i32
        %mul3A_822 = arith.muli %add3A_806, %mul3A_821 : i32
        %add3A_823 = arith.constant 2048 : i32
        %add3A_824 = arith.addi %add3A_823, %mul3A_822 : i32
        %swap3A = arith.index_cast %add3A_394 : i32 to index
        %swap3A_825 = arith.index_cast %add3A_824 : i32 to index
        %swap3A_826 = tpu.vector_load %arg11[%swap3A, %swap3A_825] {strides = array<i32>} : memref<17x3328xf32, #tpu.memory_space<vmem>>, vector<16xf32>,
        tpu.vector_store %arg11[%swap3A, %swap3A_825], %gather3A_820 {strides = array<i32>} : memref<17x3328xf32, #tpu.memory_space<vmem>>, vector<16xf32>,
      }
      %scan3A_560 = arith.constant 8 : i32
      %dma_start3A_561 = arith.constant 24 : i32
      %dma_start3A_562 = arith.constant 0 : i32
      %dma_start3A_563 = arith.constant 0 : i32
      %dma_start3A_564 = arith.constant 0 : i32
      %dma_start3A_565 = arith.constant 0 : i32
      %dma_start3A_566 = tpu.memref_slice %arg10[%dma_start3A_562, %dma_start3A_564, %dma_start3A_565] : memref<8x128x16xf32, #tpu.memory_space<vmem>> -> memref<1x128x16xf32, #tpu.memory_space<vmem>>
      %dma_start3A_567 = tpu.memref_squeeze %dma_start3A_566 : memref<1x128x16xf32, #tpu.memory_space<vmem>> -> memref<128x16xf32, #tpu.memory_space<vmem>>
      %dma_start3A_568 = arith.constant 0 : i32
      %dma_start3A_569 = tpu.memref_slice %arg8[%dma_start3A_561, %dma_start3A_568] : memref<26x128xi32, #tpu.memory_space<vmem>> -> memref<1x128xi32, #tpu.memory_space<vmem>>
      %dma_start3A_570 = tpu.memref_squeeze %dma_start3A_569 : memref<1x128xi32, #tpu.memory_space<vmem>> -> memref<128xi32, #tpu.memory_space<vmem>>
      %dma_start3A_571 = arith.constant 0 : i32
      %dma_start3A_572 = tpu.memref_slice %arg2[%mul3A_396, %dma_start3A_571] : memref<2600064x16xf32, #tpu.memory_space<hbm>> -> memref<162500x16xf32, #tpu.memory_space<hbm>>
      %dma_start3A_573 = arith.constant 0 : i32
      %dma_start3A_574 = arith.constant 0 : i32
      %dma_start3A_575 = tpu.memref_slice %dma_start3A_572[%dma_start3A_573, %dma_start3A_574] : memref<162500x16xf32, #tpu.memory_space<hbm>> -> memref<162500x16xf32, #tpu.memory_space<hbm>>
      %dma_start3A_576 = tpu.memref_slice %arg12[%dma_start3A_563] : memref<8x!tpu.dma_semaphore, #tpu.memory_space<semaphore_mem>> -> memref<1x!tpu.dma_semaphore, #tpu.memory_space<semaphore_mem>>
      %dma_start3A_577 = tpu.memref_squeeze %dma_start3A_576 : memref<1x!tpu.dma_semaphore, #tpu.memory_space<semaphore_mem>> -> memref<!tpu.dma_semaphore, #tpu.memory_space<semaphore_mem>>
      tpu.enqueue_indirect_dma source(%dma_start3A_575 : memref<162500x16xf32, #tpu.memory_space<hbm>>) target(%dma_start3A_567 : memref<128x16xf32, #tpu.memory_space<vmem>>) offsets(%dma_start3A_570 : memref<128xi32, #tpu.memory_space<vmem>>) semaphore(%dma_start3A_577 : memref<!tpu.dma_semaphore, #tpu.memory_space<semaphore_mem>>)
      %dma_wait3A_578 = arith.constant 1 : i32
      %dma_wait3A_579 = arith.constant 1 : i32
      %dma_wait3A_580 = arith.constant 0 : i32
      %dma_wait3A_581 = arith.constant 0 : i32
      %dma_wait3A_582 = tpu.memref_slice %arg10[%dma_wait3A_578, %dma_wait3A_580, %dma_wait3A_581] : memref<8x128x16xf32, #tpu.memory_space<vmem>> -> memref<1x128x16xf32, #tpu.memory_space<vmem>>
      %dma_wait3A_583 = tpu.memref_squeeze %dma_wait3A_582 : memref<1x128x16xf32, #tpu.memory_space<vmem>> -> memref<128x16xf32, #tpu.memory_space<vmem>>
      %dma_wait3A_584 = arith.constant 0 : i32
      %dma_wait3A_585 = arith.constant 0 : i32
      %dma_wait3A_586 = tpu.memref_slice %arg3[%dma_wait3A_584, %dma_wait3A_585] : memref<162500x16xf32, #tpu.memory_space<hbm>> -> memref<128x16xf32, #tpu.memory_space<hbm>>
      %dma_wait3A_587 = tpu.memref_slice %arg12[%dma_wait3A_579] : memref<8x!tpu.dma_semaphore, #tpu.memory_space<semaphore_mem>> -> memref<1x!tpu.dma_semaphore, #tpu.memory_space<semaphore_mem>>
      %dma_wait3A_588 = tpu.memref_squeeze %dma_wait3A_587 : memref<1x!tpu.dma_semaphore, #tpu.memory_space<semaphore_mem>> -> memref<!tpu.dma_semaphore, #tpu.memory_space<semaphore_mem>>
      %dma_wait3A_589 = arith.constant 0 : i32
      %dma_wait3A_590 = arith.constant 0 : i32
      %dma_wait3A_591 = tpu.memref_slice %arg10[%dma_wait3A_578, %dma_wait3A_589, %dma_wait3A_590] : memref<8x128x16xf32, #tpu.memory_space<vmem>> -> memref<1x128x16xf32, #tpu.memory_space<vmem>>
      %dma_wait3A_592 = tpu.memref_squeeze %dma_wait3A_591 : memref<1x128x16xf32, #tpu.memory_space<vmem>> -> memref<128x16xf32, #tpu.memory_space<vmem>>
      %dma_wait3A_593 = arith.constant 0 : i32
      %dma_wait3A_594 = arith.constant 0 : i32
      %dma_wait3A_595 = tpu.memref_slice %arg3[%dma_wait3A_593, %dma_wait3A_594] : memref<162500x16xf32, #tpu.memory_space<hbm>> -> memref<128x16xf32, #tpu.memory_space<hbm>>
      tpu.wait_dma2 semaphore(%dma_wait3A_588 : memref<!tpu.dma_semaphore, #tpu.memory_space<semaphore_mem>>) src(%dma_wait3A_595 : memref<128x16xf32, #tpu.memory_space<hbm>>) dst(%dma_wait3A_592 : memref<128x16xf32, #tpu.memory_space<vmem>>)
      %scan3A_596 = arith.constant 0 : i32
      %scan3A_597 = arith.constant 8 : i32
      %scan3A_598 = arith.addi %scan3A_596, %scan3A_597 : i32
      %scan3A_599 = arith.constant 1 : i32
      scf.for %scan3A_802 = %scan3A_596 to %scan3A_598 step %scan3A_599  : i32 {
        %mul3A_803 = arith.constant 1 : i32
        %mul3A_804 = arith.muli %scan3A_802, %mul3A_803 : i32
        %add3A_805 = arith.constant 0 : i32
        %add3A_806 = arith.addi %add3A_805, %mul3A_804 : i32
        %mul3A_807 = arith.constant 16 : i32
        %mul3A_808 = arith.muli %add3A_806, %mul3A_807 : i32
        %get3A = arith.constant 17 : i32
        %get3A_809 = arith.index_cast %get3A : i32 to index
        %get3A_810 = arith.index_cast %mul3A_808 : i32 to index
        %get3A_811 = tpu.vector_load %arg9[%get3A_809, %get3A_810] {strides = array<i32>} : memref<26x128xi32, #tpu.memory_space<vmem>>, vector<16xi32>,
        %mul3A_812 = arith.constant 16 : i32
        %mul3A_813 = arith.muli %add3A_806, %mul3A_812 : i32
        %add3A_814 = vector.broadcast %mul3A_813 : i32 to vector<16xi32>
        %add3A_815 = arith.addi %iota3A, %add3A_814 : vector<16xi32>
        %gather3A = arith.constant 1 : i32
        %gather3A_816 = arith.constant 0 : i32
        %gather3A_817 = arith.constant 0 : i32
        %gather3A_818 = tpu.memref_slice %arg10[%gather3A, %gather3A_816, %gather3A_817] : memref<8x128x16xf32, #tpu.memory_space<vmem>> -> memref<1x128x16xf32, #tpu.memory_space<vmem>>
        %gather3A_819 = tpu.memref_squeeze %gather3A_818 : memref<1x128x16xf32, #tpu.memory_space<vmem>> -> memref<128x16xf32, #tpu.memory_space<vmem>>
        %gather3A_820 = tpu.vector_load_idx %gather3A_819[%add3A_815, %get3A_811] : memref<128x16xf32, #tpu.memory_space<vmem>>[vector<16xi32>, vector<16xi32>], vector<16xf32>,
        %mul3A_821 = arith.constant 16 : i32
        %mul3A_822 = arith.muli %add3A_806, %mul3A_821 : i32
        %add3A_823 = arith.constant 2176 : i32
        %add3A_824 = arith.addi %add3A_823, %mul3A_822 : i32
        %swap3A = arith.index_cast %add3A_394 : i32 to index
        %swap3A_825 = arith.index_cast %add3A_824 : i32 to index
        %swap3A_826 = tpu.vector_load %arg11[%swap3A, %swap3A_825] {strides = array<i32>} : memref<17x3328xf32, #tpu.memory_space<vmem>>, vector<16xf32>,
        tpu.vector_store %arg11[%swap3A, %swap3A_825], %gather3A_820 {strides = array<i32>} : memref<17x3328xf32, #tpu.memory_space<vmem>>, vector<16xf32>,
      }
      %scan3A_600 = arith.constant 8 : i32
      %dma_start3A_601 = arith.constant 25 : i32
      %dma_start3A_602 = arith.constant 1 : i32
      %dma_start3A_603 = arith.constant 1 : i32
      %dma_start3A_604 = arith.constant 0 : i32
      %dma_start3A_605 = arith.constant 0 : i32
      %dma_start3A_606 = tpu.memref_slice %arg10[%dma_start3A_602, %dma_start3A_604, %dma_start3A_605] : memref<8x128x16xf32, #tpu.memory_space<vmem>> -> memref<1x128x16xf32, #tpu.memory_space<vmem>>
      %dma_start3A_607 = tpu.memref_squeeze %dma_start3A_606 : memref<1x128x16xf32, #tpu.memory_space<vmem>> -> memref<128x16xf32, #tpu.memory_space<vmem>>
      %dma_start3A_608 = arith.constant 0 : i32
      %dma_start3A_609 = tpu.memref_slice %arg8[%dma_start3A_601, %dma_start3A_608] : memref<26x128xi32, #tpu.memory_space<vmem>> -> memref<1x128xi32, #tpu.memory_space<vmem>>
      %dma_start3A_610 = tpu.memref_squeeze %dma_start3A_609 : memref<1x128xi32, #tpu.memory_space<vmem>> -> memref<128xi32, #tpu.memory_space<vmem>>
      %dma_start3A_611 = arith.constant 0 : i32
      %dma_start3A_612 = tpu.memref_slice %arg2[%mul3A_396, %dma_start3A_611] : memref<2600064x16xf32, #tpu.memory_space<hbm>> -> memref<162500x16xf32, #tpu.memory_space<hbm>>
      %dma_start3A_613 = arith.constant 0 : i32
      %dma_start3A_614 = arith.constant 0 : i32
      %dma_start3A_615 = tpu.memref_slice %dma_start3A_612[%dma_start3A_613, %dma_start3A_614] : memref<162500x16xf32, #tpu.memory_space<hbm>> -> memref<162500x16xf32, #tpu.memory_space<hbm>>
      %dma_start3A_616 = tpu.memref_slice %arg12[%dma_start3A_603] : memref<8x!tpu.dma_semaphore, #tpu.memory_space<semaphore_mem>> -> memref<1x!tpu.dma_semaphore, #tpu.memory_space<semaphore_mem>>
      %dma_start3A_617 = tpu.memref_squeeze %dma_start3A_616 : memref<1x!tpu.dma_semaphore, #tpu.memory_space<semaphore_mem>> -> memref<!tpu.dma_semaphore, #tpu.memory_space<semaphore_mem>>
      tpu.enqueue_indirect_dma source(%dma_start3A_615 : memref<162500x16xf32, #tpu.memory_space<hbm>>) target(%dma_start3A_607 : memref<128x16xf32, #tpu.memory_space<vmem>>) offsets(%dma_start3A_610 : memref<128xi32, #tpu.memory_space<vmem>>) semaphore(%dma_start3A_617 : memref<!tpu.dma_semaphore, #tpu.memory_space<semaphore_mem>>)
      %dma_wait3A_618 = arith.constant 2 : i32
      %dma_wait3A_619 = arith.constant 2 : i32
      %dma_wait3A_620 = arith.constant 0 : i32
      %dma_wait3A_621 = arith.constant 0 : i32
      %dma_wait3A_622 = tpu.memref_slice %arg10[%dma_wait3A_618, %dma_wait3A_620, %dma_wait3A_621] : memref<8x128x16xf32, #tpu.memory_space<vmem>> -> memref<1x128x16xf32, #tpu.memory_space<vmem>>
      %dma_wait3A_623 = tpu.memref_squeeze %dma_wait3A_622 : memref<1x128x16xf32, #tpu.memory_space<vmem>> -> memref<128x16xf32, #tpu.memory_space<vmem>>
      %dma_wait3A_624 = arith.constant 0 : i32
      %dma_wait3A_625 = arith.constant 0 : i32
      %dma_wait3A_626 = tpu.memref_slice %arg3[%dma_wait3A_624, %dma_wait3A_625] : memref<162500x16xf32, #tpu.memory_space<hbm>> -> memref<128x16xf32, #tpu.memory_space<hbm>>
      %dma_wait3A_627 = tpu.memref_slice %arg12[%dma_wait3A_619] : memref<8x!tpu.dma_semaphore, #tpu.memory_space<semaphore_mem>> -> memref<1x!tpu.dma_semaphore, #tpu.memory_space<semaphore_mem>>
      %dma_wait3A_628 = tpu.memref_squeeze %dma_wait3A_627 : memref<1x!tpu.dma_semaphore, #tpu.memory_space<semaphore_mem>> -> memref<!tpu.dma_semaphore, #tpu.memory_space<semaphore_mem>>
      %dma_wait3A_629 = arith.constant 0 : i32
      %dma_wait3A_630 = arith.constant 0 : i32
      %dma_wait3A_631 = tpu.memref_slice %arg10[%dma_wait3A_618, %dma_wait3A_629, %dma_wait3A_630] : memref<8x128x16xf32, #tpu.memory_space<vmem>> -> memref<1x128x16xf32, #tpu.memory_space<vmem>>
      %dma_wait3A_632 = tpu.memref_squeeze %dma_wait3A_631 : memref<1x128x16xf32, #tpu.memory_space<vmem>> -> memref<128x16xf32, #tpu.memory_space<vmem>>
      %dma_wait3A_633 = arith.constant 0 : i32
      %dma_wait3A_634 = arith.constant 0 : i32
      %dma_wait3A_635 = tpu.memref_slice %arg3[%dma_wait3A_633, %dma_wait3A_634] : memref<162500x16xf32, #tpu.memory_space<hbm>> -> memref<128x16xf32, #tpu.memory_space<hbm>>
      tpu.wait_dma2 semaphore(%dma_wait3A_628 : memref<!tpu.dma_semaphore, #tpu.memory_space<semaphore_mem>>) src(%dma_wait3A_635 : memref<128x16xf32, #tpu.memory_space<hbm>>) dst(%dma_wait3A_632 : memref<128x16xf32, #tpu.memory_space<vmem>>)
      %scan3A_636 = arith.constant 0 : i32
      %scan3A_637 = arith.constant 8 : i32
      %scan3A_638 = arith.addi %scan3A_636, %scan3A_637 : i32
      %scan3A_639 = arith.constant 1 : i32
      scf.for %scan3A_802 = %scan3A_636 to %scan3A_638 step %scan3A_639  : i32 {
        %mul3A_803 = arith.constant 1 : i32
        %mul3A_804 = arith.muli %scan3A_802, %mul3A_803 : i32
        %add3A_805 = arith.constant 0 : i32
        %add3A_806 = arith.addi %add3A_805, %mul3A_804 : i32
        %mul3A_807 = arith.constant 16 : i32
        %mul3A_808 = arith.muli %add3A_806, %mul3A_807 : i32
        %get3A = arith.constant 18 : i32
        %get3A_809 = arith.index_cast %get3A : i32 to index
        %get3A_810 = arith.index_cast %mul3A_808 : i32 to index
        %get3A_811 = tpu.vector_load %arg9[%get3A_809, %get3A_810] {strides = array<i32>} : memref<26x128xi32, #tpu.memory_space<vmem>>, vector<16xi32>,
        %mul3A_812 = arith.constant 16 : i32
        %mul3A_813 = arith.muli %add3A_806, %mul3A_812 : i32
        %add3A_814 = vector.broadcast %mul3A_813 : i32 to vector<16xi32>
        %add3A_815 = arith.addi %iota3A, %add3A_814 : vector<16xi32>
        %gather3A = arith.constant 2 : i32
        %gather3A_816 = arith.constant 0 : i32
        %gather3A_817 = arith.constant 0 : i32
        %gather3A_818 = tpu.memref_slice %arg10[%gather3A, %gather3A_816, %gather3A_817] : memref<8x128x16xf32, #tpu.memory_space<vmem>> -> memref<1x128x16xf32, #tpu.memory_space<vmem>>
        %gather3A_819 = tpu.memref_squeeze %gather3A_818 : memref<1x128x16xf32, #tpu.memory_space<vmem>> -> memref<128x16xf32, #tpu.memory_space<vmem>>
        %gather3A_820 = tpu.vector_load_idx %gather3A_819[%add3A_815, %get3A_811] : memref<128x16xf32, #tpu.memory_space<vmem>>[vector<16xi32>, vector<16xi32>], vector<16xf32>,
        %mul3A_821 = arith.constant 16 : i32
        %mul3A_822 = arith.muli %add3A_806, %mul3A_821 : i32
        %add3A_823 = arith.constant 2304 : i32
        %add3A_824 = arith.addi %add3A_823, %mul3A_822 : i32
        %swap3A = arith.index_cast %add3A_394 : i32 to index
        %swap3A_825 = arith.index_cast %add3A_824 : i32 to index
        %swap3A_826 = tpu.vector_load %arg11[%swap3A, %swap3A_825] {strides = array<i32>} : memref<17x3328xf32, #tpu.memory_space<vmem>>, vector<16xf32>,
        tpu.vector_store %arg11[%swap3A, %swap3A_825], %gather3A_820 {strides = array<i32>} : memref<17x3328xf32, #tpu.memory_space<vmem>>, vector<16xf32>,
      }
      %scan3A_640 = arith.constant 8 : i32
      %dma_wait3A_641 = arith.constant 3 : i32
      %dma_wait3A_642 = arith.constant 3 : i32
      %dma_wait3A_643 = arith.constant 0 : i32
      %dma_wait3A_644 = arith.constant 0 : i32
      %dma_wait3A_645 = tpu.memref_slice %arg10[%dma_wait3A_641, %dma_wait3A_643, %dma_wait3A_644] : memref<8x128x16xf32, #tpu.memory_space<vmem>> -> memref<1x128x16xf32, #tpu.memory_space<vmem>>
      %dma_wait3A_646 = tpu.memref_squeeze %dma_wait3A_645 : memref<1x128x16xf32, #tpu.memory_space<vmem>> -> memref<128x16xf32, #tpu.memory_space<vmem>>
      %dma_wait3A_647 = arith.constant 0 : i32
      %dma_wait3A_648 = arith.constant 0 : i32
      %dma_wait3A_649 = tpu.memref_slice %arg3[%dma_wait3A_647, %dma_wait3A_648] : memref<162500x16xf32, #tpu.memory_space<hbm>> -> memref<128x16xf32, #tpu.memory_space<hbm>>
      %dma_wait3A_650 = tpu.memref_slice %arg12[%dma_wait3A_642] : memref<8x!tpu.dma_semaphore, #tpu.memory_space<semaphore_mem>> -> memref<1x!tpu.dma_semaphore, #tpu.memory_space<semaphore_mem>>
      %dma_wait3A_651 = tpu.memref_squeeze %dma_wait3A_650 : memref<1x!tpu.dma_semaphore, #tpu.memory_space<semaphore_mem>> -> memref<!tpu.dma_semaphore, #tpu.memory_space<semaphore_mem>>
      %dma_wait3A_652 = arith.constant 0 : i32
      %dma_wait3A_653 = arith.constant 0 : i32
      %dma_wait3A_654 = tpu.memref_slice %arg10[%dma_wait3A_641, %dma_wait3A_652, %dma_wait3A_653] : memref<8x128x16xf32, #tpu.memory_space<vmem>> -> memref<1x128x16xf32, #tpu.memory_space<vmem>>
      %dma_wait3A_655 = tpu.memref_squeeze %dma_wait3A_654 : memref<1x128x16xf32, #tpu.memory_space<vmem>> -> memref<128x16xf32, #tpu.memory_space<vmem>>
      %dma_wait3A_656 = arith.constant 0 : i32
      %dma_wait3A_657 = arith.constant 0 : i32
      %dma_wait3A_658 = tpu.memref_slice %arg3[%dma_wait3A_656, %dma_wait3A_657] : memref<162500x16xf32, #tpu.memory_space<hbm>> -> memref<128x16xf32, #tpu.memory_space<hbm>>
      tpu.wait_dma2 semaphore(%dma_wait3A_651 : memref<!tpu.dma_semaphore, #tpu.memory_space<semaphore_mem>>) src(%dma_wait3A_658 : memref<128x16xf32, #tpu.memory_space<hbm>>) dst(%dma_wait3A_655 : memref<128x16xf32, #tpu.memory_space<vmem>>)
      %scan3A_659 = arith.constant 0 : i32
      %scan3A_660 = arith.constant 8 : i32
      %scan3A_661 = arith.addi %scan3A_659, %scan3A_660 : i32
      %scan3A_662 = arith.constant 1 : i32
      scf.for %scan3A_802 = %scan3A_659 to %scan3A_661 step %scan3A_662  : i32 {
        %mul3A_803 = arith.constant 1 : i32
        %mul3A_804 = arith.muli %scan3A_802, %mul3A_803 : i32
        %add3A_805 = arith.constant 0 : i32
        %add3A_806 = arith.addi %add3A_805, %mul3A_804 : i32
        %mul3A_807 = arith.constant 16 : i32
        %mul3A_808 = arith.muli %add3A_806, %mul3A_807 : i32
        %get3A = arith.constant 19 : i32
        %get3A_809 = arith.index_cast %get3A : i32 to index
        %get3A_810 = arith.index_cast %mul3A_808 : i32 to index
        %get3A_811 = tpu.vector_load %arg9[%get3A_809, %get3A_810] {strides = array<i32>} : memref<26x128xi32, #tpu.memory_space<vmem>>, vector<16xi32>,
        %mul3A_812 = arith.constant 16 : i32
        %mul3A_813 = arith.muli %add3A_806, %mul3A_812 : i32
        %add3A_814 = vector.broadcast %mul3A_813 : i32 to vector<16xi32>
        %add3A_815 = arith.addi %iota3A, %add3A_814 : vector<16xi32>
        %gather3A = arith.constant 3 : i32
        %gather3A_816 = arith.constant 0 : i32
        %gather3A_817 = arith.constant 0 : i32
        %gather3A_818 = tpu.memref_slice %arg10[%gather3A, %gather3A_816, %gather3A_817] : memref<8x128x16xf32, #tpu.memory_space<vmem>> -> memref<1x128x16xf32, #tpu.memory_space<vmem>>
        %gather3A_819 = tpu.memref_squeeze %gather3A_818 : memref<1x128x16xf32, #tpu.memory_space<vmem>> -> memref<128x16xf32, #tpu.memory_space<vmem>>
        %gather3A_820 = tpu.vector_load_idx %gather3A_819[%add3A_815, %get3A_811] : memref<128x16xf32, #tpu.memory_space<vmem>>[vector<16xi32>, vector<16xi32>], vector<16xf32>,
        %mul3A_821 = arith.constant 16 : i32
        %mul3A_822 = arith.muli %add3A_806, %mul3A_821 : i32
        %add3A_823 = arith.constant 2432 : i32
        %add3A_824 = arith.addi %add3A_823, %mul3A_822 : i32
        %swap3A = arith.index_cast %add3A_394 : i32 to index
        %swap3A_825 = arith.index_cast %add3A_824 : i32 to index
        %swap3A_826 = tpu.vector_load %arg11[%swap3A, %swap3A_825] {strides = array<i32>} : memref<17x3328xf32, #tpu.memory_space<vmem>>, vector<16xf32>,
        tpu.vector_store %arg11[%swap3A, %swap3A_825], %gather3A_820 {strides = array<i32>} : memref<17x3328xf32, #tpu.memory_space<vmem>>, vector<16xf32>,
      }
      %scan3A_663 = arith.constant 8 : i32
      %dma_wait3A_664 = arith.constant 4 : i32
      %dma_wait3A_665 = arith.constant 4 : i32
      %dma_wait3A_666 = arith.constant 0 : i32
      %dma_wait3A_667 = arith.constant 0 : i32
      %dma_wait3A_668 = tpu.memref_slice %arg10[%dma_wait3A_664, %dma_wait3A_666, %dma_wait3A_667] : memref<8x128x16xf32, #tpu.memory_space<vmem>> -> memref<1x128x16xf32, #tpu.memory_space<vmem>>
      %dma_wait3A_669 = tpu.memref_squeeze %dma_wait3A_668 : memref<1x128x16xf32, #tpu.memory_space<vmem>> -> memref<128x16xf32, #tpu.memory_space<vmem>>
      %dma_wait3A_670 = arith.constant 0 : i32
      %dma_wait3A_671 = arith.constant 0 : i32
      %dma_wait3A_672 = tpu.memref_slice %arg3[%dma_wait3A_670, %dma_wait3A_671] : memref<162500x16xf32, #tpu.memory_space<hbm>> -> memref<128x16xf32, #tpu.memory_space<hbm>>
      %dma_wait3A_673 = tpu.memref_slice %arg12[%dma_wait3A_665] : memref<8x!tpu.dma_semaphore, #tpu.memory_space<semaphore_mem>> -> memref<1x!tpu.dma_semaphore, #tpu.memory_space<semaphore_mem>>
      %dma_wait3A_674 = tpu.memref_squeeze %dma_wait3A_673 : memref<1x!tpu.dma_semaphore, #tpu.memory_space<semaphore_mem>> -> memref<!tpu.dma_semaphore, #tpu.memory_space<semaphore_mem>>
      %dma_wait3A_675 = arith.constant 0 : i32
      %dma_wait3A_676 = arith.constant 0 : i32
      %dma_wait3A_677 = tpu.memref_slice %arg10[%dma_wait3A_664, %dma_wait3A_675, %dma_wait3A_676] : memref<8x128x16xf32, #tpu.memory_space<vmem>> -> memref<1x128x16xf32, #tpu.memory_space<vmem>>
      %dma_wait3A_678 = tpu.memref_squeeze %dma_wait3A_677 : memref<1x128x16xf32, #tpu.memory_space<vmem>> -> memref<128x16xf32, #tpu.memory_space<vmem>>
      %dma_wait3A_679 = arith.constant 0 : i32
      %dma_wait3A_680 = arith.constant 0 : i32
      %dma_wait3A_681 = tpu.memref_slice %arg3[%dma_wait3A_679, %dma_wait3A_680] : memref<162500x16xf32, #tpu.memory_space<hbm>> -> memref<128x16xf32, #tpu.memory_space<hbm>>
      tpu.wait_dma2 semaphore(%dma_wait3A_674 : memref<!tpu.dma_semaphore, #tpu.memory_space<semaphore_mem>>) src(%dma_wait3A_681 : memref<128x16xf32, #tpu.memory_space<hbm>>) dst(%dma_wait3A_678 : memref<128x16xf32, #tpu.memory_space<vmem>>)
      %scan3A_682 = arith.constant 0 : i32
      %scan3A_683 = arith.constant 8 : i32
      %scan3A_684 = arith.addi %scan3A_682, %scan3A_683 : i32
      %scan3A_685 = arith.constant 1 : i32
      scf.for %scan3A_802 = %scan3A_682 to %scan3A_684 step %scan3A_685  : i32 {
        %mul3A_803 = arith.constant 1 : i32
        %mul3A_804 = arith.muli %scan3A_802, %mul3A_803 : i32
        %add3A_805 = arith.constant 0 : i32
        %add3A_806 = arith.addi %add3A_805, %mul3A_804 : i32
        %mul3A_807 = arith.constant 16 : i32
        %mul3A_808 = arith.muli %add3A_806, %mul3A_807 : i32
        %get3A = arith.constant 20 : i32
        %get3A_809 = arith.index_cast %get3A : i32 to index
        %get3A_810 = arith.index_cast %mul3A_808 : i32 to index
        %get3A_811 = tpu.vector_load %arg9[%get3A_809, %get3A_810] {strides = array<i32>} : memref<26x128xi32, #tpu.memory_space<vmem>>, vector<16xi32>,
        %mul3A_812 = arith.constant 16 : i32
        %mul3A_813 = arith.muli %add3A_806, %mul3A_812 : i32
        %add3A_814 = vector.broadcast %mul3A_813 : i32 to vector<16xi32>
        %add3A_815 = arith.addi %iota3A, %add3A_814 : vector<16xi32>
        %gather3A = arith.constant 4 : i32
        %gather3A_816 = arith.constant 0 : i32
        %gather3A_817 = arith.constant 0 : i32
        %gather3A_818 = tpu.memref_slice %arg10[%gather3A, %gather3A_816, %gather3A_817] : memref<8x128x16xf32, #tpu.memory_space<vmem>> -> memref<1x128x16xf32, #tpu.memory_space<vmem>>
        %gather3A_819 = tpu.memref_squeeze %gather3A_818 : memref<1x128x16xf32, #tpu.memory_space<vmem>> -> memref<128x16xf32, #tpu.memory_space<vmem>>
        %gather3A_820 = tpu.vector_load_idx %gather3A_819[%add3A_815, %get3A_811] : memref<128x16xf32, #tpu.memory_space<vmem>>[vector<16xi32>, vector<16xi32>], vector<16xf32>,
        %mul3A_821 = arith.constant 16 : i32
        %mul3A_822 = arith.muli %add3A_806, %mul3A_821 : i32
        %add3A_823 = arith.constant 2560 : i32
        %add3A_824 = arith.addi %add3A_823, %mul3A_822 : i32
        %swap3A = arith.index_cast %add3A_394 : i32 to index
        %swap3A_825 = arith.index_cast %add3A_824 : i32 to index
        %swap3A_826 = tpu.vector_load %arg11[%swap3A, %swap3A_825] {strides = array<i32>} : memref<17x3328xf32, #tpu.memory_space<vmem>>, vector<16xf32>,
        tpu.vector_store %arg11[%swap3A, %swap3A_825], %gather3A_820 {strides = array<i32>} : memref<17x3328xf32, #tpu.memory_space<vmem>>, vector<16xf32>,
      }
      %scan3A_686 = arith.constant 8 : i32
      %dma_wait3A_687 = arith.constant 5 : i32
      %dma_wait3A_688 = arith.constant 5 : i32
      %dma_wait3A_689 = arith.constant 0 : i32
      %dma_wait3A_690 = arith.constant 0 : i32
      %dma_wait3A_691 = tpu.memref_slice %arg10[%dma_wait3A_687, %dma_wait3A_689, %dma_wait3A_690] : memref<8x128x16xf32, #tpu.memory_space<vmem>> -> memref<1x128x16xf32, #tpu.memory_space<vmem>>
      %dma_wait3A_692 = tpu.memref_squeeze %dma_wait3A_691 : memref<1x128x16xf32, #tpu.memory_space<vmem>> -> memref<128x16xf32, #tpu.memory_space<vmem>>
      %dma_wait3A_693 = arith.constant 0 : i32
      %dma_wait3A_694 = arith.constant 0 : i32
      %dma_wait3A_695 = tpu.memref_slice %arg3[%dma_wait3A_693, %dma_wait3A_694] : memref<162500x16xf32, #tpu.memory_space<hbm>> -> memref<128x16xf32, #tpu.memory_space<hbm>>
      %dma_wait3A_696 = tpu.memref_slice %arg12[%dma_wait3A_688] : memref<8x!tpu.dma_semaphore, #tpu.memory_space<semaphore_mem>> -> memref<1x!tpu.dma_semaphore, #tpu.memory_space<semaphore_mem>>
      %dma_wait3A_697 = tpu.memref_squeeze %dma_wait3A_696 : memref<1x!tpu.dma_semaphore, #tpu.memory_space<semaphore_mem>> -> memref<!tpu.dma_semaphore, #tpu.memory_space<semaphore_mem>>
      %dma_wait3A_698 = arith.constant 0 : i32
      %dma_wait3A_699 = arith.constant 0 : i32
      %dma_wait3A_700 = tpu.memref_slice %arg10[%dma_wait3A_687, %dma_wait3A_698, %dma_wait3A_699] : memref<8x128x16xf32, #tpu.memory_space<vmem>> -> memref<1x128x16xf32, #tpu.memory_space<vmem>>
      %dma_wait3A_701 = tpu.memref_squeeze %dma_wait3A_700 : memref<1x128x16xf32, #tpu.memory_space<vmem>> -> memref<128x16xf32, #tpu.memory_space<vmem>>
      %dma_wait3A_702 = arith.constant 0 : i32
      %dma_wait3A_703 = arith.constant 0 : i32
      %dma_wait3A_704 = tpu.memref_slice %arg3[%dma_wait3A_702, %dma_wait3A_703] : memref<162500x16xf32, #tpu.memory_space<hbm>> -> memref<128x16xf32, #tpu.memory_space<hbm>>
      tpu.wait_dma2 semaphore(%dma_wait3A_697 : memref<!tpu.dma_semaphore, #tpu.memory_space<semaphore_mem>>) src(%dma_wait3A_704 : memref<128x16xf32, #tpu.memory_space<hbm>>) dst(%dma_wait3A_701 : memref<128x16xf32, #tpu.memory_space<vmem>>)
      %scan3A_705 = arith.constant 0 : i32
      %scan3A_706 = arith.constant 8 : i32
      %scan3A_707 = arith.addi %scan3A_705, %scan3A_706 : i32
      %scan3A_708 = arith.constant 1 : i32
      scf.for %scan3A_802 = %scan3A_705 to %scan3A_707 step %scan3A_708  : i32 {
        %mul3A_803 = arith.constant 1 : i32
        %mul3A_804 = arith.muli %scan3A_802, %mul3A_803 : i32
        %add3A_805 = arith.constant 0 : i32
        %add3A_806 = arith.addi %add3A_805, %mul3A_804 : i32
        %mul3A_807 = arith.constant 16 : i32
        %mul3A_808 = arith.muli %add3A_806, %mul3A_807 : i32
        %get3A = arith.constant 21 : i32
        %get3A_809 = arith.index_cast %get3A : i32 to index
        %get3A_810 = arith.index_cast %mul3A_808 : i32 to index
        %get3A_811 = tpu.vector_load %arg9[%get3A_809, %get3A_810] {strides = array<i32>} : memref<26x128xi32, #tpu.memory_space<vmem>>, vector<16xi32>,
        %mul3A_812 = arith.constant 16 : i32
        %mul3A_813 = arith.muli %add3A_806, %mul3A_812 : i32
        %add3A_814 = vector.broadcast %mul3A_813 : i32 to vector<16xi32>
        %add3A_815 = arith.addi %iota3A, %add3A_814 : vector<16xi32>
        %gather3A = arith.constant 5 : i32
        %gather3A_816 = arith.constant 0 : i32
        %gather3A_817 = arith.constant 0 : i32
        %gather3A_818 = tpu.memref_slice %arg10[%gather3A, %gather3A_816, %gather3A_817] : memref<8x128x16xf32, #tpu.memory_space<vmem>> -> memref<1x128x16xf32, #tpu.memory_space<vmem>>
        %gather3A_819 = tpu.memref_squeeze %gather3A_818 : memref<1x128x16xf32, #tpu.memory_space<vmem>> -> memref<128x16xf32, #tpu.memory_space<vmem>>
        %gather3A_820 = tpu.vector_load_idx %gather3A_819[%add3A_815, %get3A_811] : memref<128x16xf32, #tpu.memory_space<vmem>>[vector<16xi32>, vector<16xi32>], vector<16xf32>,
        %mul3A_821 = arith.constant 16 : i32
        %mul3A_822 = arith.muli %add3A_806, %mul3A_821 : i32
        %add3A_823 = arith.constant 2688 : i32
        %add3A_824 = arith.addi %add3A_823, %mul3A_822 : i32
        %swap3A = arith.index_cast %add3A_394 : i32 to index
        %swap3A_825 = arith.index_cast %add3A_824 : i32 to index
        %swap3A_826 = tpu.vector_load %arg11[%swap3A, %swap3A_825] {strides = array<i32>} : memref<17x3328xf32, #tpu.memory_space<vmem>>, vector<16xf32>,
        tpu.vector_store %arg11[%swap3A, %swap3A_825], %gather3A_820 {strides = array<i32>} : memref<17x3328xf32, #tpu.memory_space<vmem>>, vector<16xf32>,
      }
      %scan3A_709 = arith.constant 8 : i32
      %dma_wait3A_710 = arith.constant 6 : i32
      %dma_wait3A_711 = arith.constant 6 : i32
      %dma_wait3A_712 = arith.constant 0 : i32
      %dma_wait3A_713 = arith.constant 0 : i32
      %dma_wait3A_714 = tpu.memref_slice %arg10[%dma_wait3A_710, %dma_wait3A_712, %dma_wait3A_713] : memref<8x128x16xf32, #tpu.memory_space<vmem>> -> memref<1x128x16xf32, #tpu.memory_space<vmem>>
      %dma_wait3A_715 = tpu.memref_squeeze %dma_wait3A_714 : memref<1x128x16xf32, #tpu.memory_space<vmem>> -> memref<128x16xf32, #tpu.memory_space<vmem>>
      %dma_wait3A_716 = arith.constant 0 : i32
      %dma_wait3A_717 = arith.constant 0 : i32
      %dma_wait3A_718 = tpu.memref_slice %arg3[%dma_wait3A_716, %dma_wait3A_717] : memref<162500x16xf32, #tpu.memory_space<hbm>> -> memref<128x16xf32, #tpu.memory_space<hbm>>
      %dma_wait3A_719 = tpu.memref_slice %arg12[%dma_wait3A_711] : memref<8x!tpu.dma_semaphore, #tpu.memory_space<semaphore_mem>> -> memref<1x!tpu.dma_semaphore, #tpu.memory_space<semaphore_mem>>
      %dma_wait3A_720 = tpu.memref_squeeze %dma_wait3A_719 : memref<1x!tpu.dma_semaphore, #tpu.memory_space<semaphore_mem>> -> memref<!tpu.dma_semaphore, #tpu.memory_space<semaphore_mem>>
      %dma_wait3A_721 = arith.constant 0 : i32
      %dma_wait3A_722 = arith.constant 0 : i32
      %dma_wait3A_723 = tpu.memref_slice %arg10[%dma_wait3A_710, %dma_wait3A_721, %dma_wait3A_722] : memref<8x128x16xf32, #tpu.memory_space<vmem>> -> memref<1x128x16xf32, #tpu.memory_space<vmem>>
      %dma_wait3A_724 = tpu.memref_squeeze %dma_wait3A_723 : memref<1x128x16xf32, #tpu.memory_space<vmem>> -> memref<128x16xf32, #tpu.memory_space<vmem>>
      %dma_wait3A_725 = arith.constant 0 : i32
      %dma_wait3A_726 = arith.constant 0 : i32
      %dma_wait3A_727 = tpu.memref_slice %arg3[%dma_wait3A_725, %dma_wait3A_726] : memref<162500x16xf32, #tpu.memory_space<hbm>> -> memref<128x16xf32, #tpu.memory_space<hbm>>
      tpu.wait_dma2 semaphore(%dma_wait3A_720 : memref<!tpu.dma_semaphore, #tpu.memory_space<semaphore_mem>>) src(%dma_wait3A_727 : memref<128x16xf32, #tpu.memory_space<hbm>>) dst(%dma_wait3A_724 : memref<128x16xf32, #tpu.memory_space<vmem>>)
      %scan3A_728 = arith.constant 0 : i32
      %scan3A_729 = arith.constant 8 : i32
      %scan3A_730 = arith.addi %scan3A_728, %scan3A_729 : i32
      %scan3A_731 = arith.constant 1 : i32
      scf.for %scan3A_802 = %scan3A_728 to %scan3A_730 step %scan3A_731  : i32 {
        %mul3A_803 = arith.constant 1 : i32
        %mul3A_804 = arith.muli %scan3A_802, %mul3A_803 : i32
        %add3A_805 = arith.constant 0 : i32
        %add3A_806 = arith.addi %add3A_805, %mul3A_804 : i32
        %mul3A_807 = arith.constant 16 : i32
        %mul3A_808 = arith.muli %add3A_806, %mul3A_807 : i32
        %get3A = arith.constant 22 : i32
        %get3A_809 = arith.index_cast %get3A : i32 to index
        %get3A_810 = arith.index_cast %mul3A_808 : i32 to index
        %get3A_811 = tpu.vector_load %arg9[%get3A_809, %get3A_810] {strides = array<i32>} : memref<26x128xi32, #tpu.memory_space<vmem>>, vector<16xi32>,
        %mul3A_812 = arith.constant 16 : i32
        %mul3A_813 = arith.muli %add3A_806, %mul3A_812 : i32
        %add3A_814 = vector.broadcast %mul3A_813 : i32 to vector<16xi32>
        %add3A_815 = arith.addi %iota3A, %add3A_814 : vector<16xi32>
        %gather3A = arith.constant 6 : i32
        %gather3A_816 = arith.constant 0 : i32
        %gather3A_817 = arith.constant 0 : i32
        %gather3A_818 = tpu.memref_slice %arg10[%gather3A, %gather3A_816, %gather3A_817] : memref<8x128x16xf32, #tpu.memory_space<vmem>> -> memref<1x128x16xf32, #tpu.memory_space<vmem>>
        %gather3A_819 = tpu.memref_squeeze %gather3A_818 : memref<1x128x16xf32, #tpu.memory_space<vmem>> -> memref<128x16xf32, #tpu.memory_space<vmem>>
        %gather3A_820 = tpu.vector_load_idx %gather3A_819[%add3A_815, %get3A_811] : memref<128x16xf32, #tpu.memory_space<vmem>>[vector<16xi32>, vector<16xi32>], vector<16xf32>,
        %mul3A_821 = arith.constant 16 : i32
        %mul3A_822 = arith.muli %add3A_806, %mul3A_821 : i32
        %add3A_823 = arith.constant 2816 : i32
        %add3A_824 = arith.addi %add3A_823, %mul3A_822 : i32
        %swap3A = arith.index_cast %add3A_394 : i32 to index
        %swap3A_825 = arith.index_cast %add3A_824 : i32 to index
        %swap3A_826 = tpu.vector_load %arg11[%swap3A, %swap3A_825] {strides = array<i32>} : memref<17x3328xf32, #tpu.memory_space<vmem>>, vector<16xf32>,
        tpu.vector_store %arg11[%swap3A, %swap3A_825], %gather3A_820 {strides = array<i32>} : memref<17x3328xf32, #tpu.memory_space<vmem>>, vector<16xf32>,
      }
      %scan3A_732 = arith.constant 8 : i32
      %dma_wait3A_733 = arith.constant 7 : i32
      %dma_wait3A_734 = arith.constant 7 : i32
      %dma_wait3A_735 = arith.constant 0 : i32
      %dma_wait3A_736 = arith.constant 0 : i32
      %dma_wait3A_737 = tpu.memref_slice %arg10[%dma_wait3A_733, %dma_wait3A_735, %dma_wait3A_736] : memref<8x128x16xf32, #tpu.memory_space<vmem>> -> memref<1x128x16xf32, #tpu.memory_space<vmem>>
      %dma_wait3A_738 = tpu.memref_squeeze %dma_wait3A_737 : memref<1x128x16xf32, #tpu.memory_space<vmem>> -> memref<128x16xf32, #tpu.memory_space<vmem>>
      %dma_wait3A_739 = arith.constant 0 : i32
      %dma_wait3A_740 = arith.constant 0 : i32
      %dma_wait3A_741 = tpu.memref_slice %arg3[%dma_wait3A_739, %dma_wait3A_740] : memref<162500x16xf32, #tpu.memory_space<hbm>> -> memref<128x16xf32, #tpu.memory_space<hbm>>
      %dma_wait3A_742 = tpu.memref_slice %arg12[%dma_wait3A_734] : memref<8x!tpu.dma_semaphore, #tpu.memory_space<semaphore_mem>> -> memref<1x!tpu.dma_semaphore, #tpu.memory_space<semaphore_mem>>
      %dma_wait3A_743 = tpu.memref_squeeze %dma_wait3A_742 : memref<1x!tpu.dma_semaphore, #tpu.memory_space<semaphore_mem>> -> memref<!tpu.dma_semaphore, #tpu.memory_space<semaphore_mem>>
      %dma_wait3A_744 = arith.constant 0 : i32
      %dma_wait3A_745 = arith.constant 0 : i32
      %dma_wait3A_746 = tpu.memref_slice %arg10[%dma_wait3A_733, %dma_wait3A_744, %dma_wait3A_745] : memref<8x128x16xf32, #tpu.memory_space<vmem>> -> memref<1x128x16xf32, #tpu.memory_space<vmem>>
      %dma_wait3A_747 = tpu.memref_squeeze %dma_wait3A_746 : memref<1x128x16xf32, #tpu.memory_space<vmem>> -> memref<128x16xf32, #tpu.memory_space<vmem>>
      %dma_wait3A_748 = arith.constant 0 : i32
      %dma_wait3A_749 = arith.constant 0 : i32
      %dma_wait3A_750 = tpu.memref_slice %arg3[%dma_wait3A_748, %dma_wait3A_749] : memref<162500x16xf32, #tpu.memory_space<hbm>> -> memref<128x16xf32, #tpu.memory_space<hbm>>
      tpu.wait_dma2 semaphore(%dma_wait3A_743 : memref<!tpu.dma_semaphore, #tpu.memory_space<semaphore_mem>>) src(%dma_wait3A_750 : memref<128x16xf32, #tpu.memory_space<hbm>>) dst(%dma_wait3A_747 : memref<128x16xf32, #tpu.memory_space<vmem>>)
      %scan3A_751 = arith.constant 0 : i32
      %scan3A_752 = arith.constant 8 : i32
      %scan3A_753 = arith.addi %scan3A_751, %scan3A_752 : i32
      %scan3A_754 = arith.constant 1 : i32
      scf.for %scan3A_802 = %scan3A_751 to %scan3A_753 step %scan3A_754  : i32 {
        %mul3A_803 = arith.constant 1 : i32
        %mul3A_804 = arith.muli %scan3A_802, %mul3A_803 : i32
        %add3A_805 = arith.constant 0 : i32
        %add3A_806 = arith.addi %add3A_805, %mul3A_804 : i32
        %mul3A_807 = arith.constant 16 : i32
        %mul3A_808 = arith.muli %add3A_806, %mul3A_807 : i32
        %get3A = arith.constant 23 : i32
        %get3A_809 = arith.index_cast %get3A : i32 to index
        %get3A_810 = arith.index_cast %mul3A_808 : i32 to index
        %get3A_811 = tpu.vector_load %arg9[%get3A_809, %get3A_810] {strides = array<i32>} : memref<26x128xi32, #tpu.memory_space<vmem>>, vector<16xi32>,
        %mul3A_812 = arith.constant 16 : i32
        %mul3A_813 = arith.muli %add3A_806, %mul3A_812 : i32
        %add3A_814 = vector.broadcast %mul3A_813 : i32 to vector<16xi32>
        %add3A_815 = arith.addi %iota3A, %add3A_814 : vector<16xi32>
        %gather3A = arith.constant 7 : i32
        %gather3A_816 = arith.constant 0 : i32
        %gather3A_817 = arith.constant 0 : i32
        %gather3A_818 = tpu.memref_slice %arg10[%gather3A, %gather3A_816, %gather3A_817] : memref<8x128x16xf32, #tpu.memory_space<vmem>> -> memref<1x128x16xf32, #tpu.memory_space<vmem>>
        %gather3A_819 = tpu.memref_squeeze %gather3A_818 : memref<1x128x16xf32, #tpu.memory_space<vmem>> -> memref<128x16xf32, #tpu.memory_space<vmem>>
        %gather3A_820 = tpu.vector_load_idx %gather3A_819[%add3A_815, %get3A_811] : memref<128x16xf32, #tpu.memory_space<vmem>>[vector<16xi32>, vector<16xi32>], vector<16xf32>,
        %mul3A_821 = arith.constant 16 : i32
        %mul3A_822 = arith.muli %add3A_806, %mul3A_821 : i32
        %add3A_823 = arith.constant 2944 : i32
        %add3A_824 = arith.addi %add3A_823, %mul3A_822 : i32
        %swap3A = arith.index_cast %add3A_394 : i32 to index
        %swap3A_825 = arith.index_cast %add3A_824 : i32 to index
        %swap3A_826 = tpu.vector_load %arg11[%swap3A, %swap3A_825] {strides = array<i32>} : memref<17x3328xf32, #tpu.memory_space<vmem>>, vector<16xf32>,
        tpu.vector_store %arg11[%swap3A, %swap3A_825], %gather3A_820 {strides = array<i32>} : memref<17x3328xf32, #tpu.memory_space<vmem>>, vector<16xf32>,
      }
      %scan3A_755 = arith.constant 8 : i32
      %dma_wait3A_756 = arith.constant 0 : i32
      %dma_wait3A_757 = arith.constant 0 : i32
      %dma_wait3A_758 = arith.constant 0 : i32
      %dma_wait3A_759 = arith.constant 0 : i32
      %dma_wait3A_760 = tpu.memref_slice %arg10[%dma_wait3A_756, %dma_wait3A_758, %dma_wait3A_759] : memref<8x128x16xf32, #tpu.memory_space<vmem>> -> memref<1x128x16xf32, #tpu.memory_space<vmem>>
      %dma_wait3A_761 = tpu.memref_squeeze %dma_wait3A_760 : memref<1x128x16xf32, #tpu.memory_space<vmem>> -> memref<128x16xf32, #tpu.memory_space<vmem>>
      %dma_wait3A_762 = arith.constant 0 : i32
      %dma_wait3A_763 = arith.constant 0 : i32
      %dma_wait3A_764 = tpu.memref_slice %arg3[%dma_wait3A_762, %dma_wait3A_763] : memref<162500x16xf32, #tpu.memory_space<hbm>> -> memref<128x16xf32, #tpu.memory_space<hbm>>
      %dma_wait3A_765 = tpu.memref_slice %arg12[%dma_wait3A_757] : memref<8x!tpu.dma_semaphore, #tpu.memory_space<semaphore_mem>> -> memref<1x!tpu.dma_semaphore, #tpu.memory_space<semaphore_mem>>
      %dma_wait3A_766 = tpu.memref_squeeze %dma_wait3A_765 : memref<1x!tpu.dma_semaphore, #tpu.memory_space<semaphore_mem>> -> memref<!tpu.dma_semaphore, #tpu.memory_space<semaphore_mem>>
      %dma_wait3A_767 = arith.constant 0 : i32
      %dma_wait3A_768 = arith.constant 0 : i32
      %dma_wait3A_769 = tpu.memref_slice %arg10[%dma_wait3A_756, %dma_wait3A_767, %dma_wait3A_768] : memref<8x128x16xf32, #tpu.memory_space<vmem>> -> memref<1x128x16xf32, #tpu.memory_space<vmem>>
      %dma_wait3A_770 = tpu.memref_squeeze %dma_wait3A_769 : memref<1x128x16xf32, #tpu.memory_space<vmem>> -> memref<128x16xf32, #tpu.memory_space<vmem>>
      %dma_wait3A_771 = arith.constant 0 : i32
      %dma_wait3A_772 = arith.constant 0 : i32
      %dma_wait3A_773 = tpu.memref_slice %arg3[%dma_wait3A_771, %dma_wait3A_772] : memref<162500x16xf32, #tpu.memory_space<hbm>> -> memref<128x16xf32, #tpu.memory_space<hbm>>
      tpu.wait_dma2 semaphore(%dma_wait3A_766 : memref<!tpu.dma_semaphore, #tpu.memory_space<semaphore_mem>>) src(%dma_wait3A_773 : memref<128x16xf32, #tpu.memory_space<hbm>>) dst(%dma_wait3A_770 : memref<128x16xf32, #tpu.memory_space<vmem>>)
      %scan3A_774 = arith.constant 0 : i32
      %scan3A_775 = arith.constant 8 : i32
      %scan3A_776 = arith.addi %scan3A_774, %scan3A_775 : i32
      %scan3A_777 = arith.constant 1 : i32
      scf.for %scan3A_802 = %scan3A_774 to %scan3A_776 step %scan3A_777  : i32 {
        %mul3A_803 = arith.constant 1 : i32
        %mul3A_804 = arith.muli %scan3A_802, %mul3A_803 : i32
        %add3A_805 = arith.constant 0 : i32
        %add3A_806 = arith.addi %add3A_805, %mul3A_804 : i32
        %mul3A_807 = arith.constant 16 : i32
        %mul3A_808 = arith.muli %add3A_806, %mul3A_807 : i32
        %get3A = arith.constant 24 : i32
        %get3A_809 = arith.index_cast %get3A : i32 to index
        %get3A_810 = arith.index_cast %mul3A_808 : i32 to index
        %get3A_811 = tpu.vector_load %arg9[%get3A_809, %get3A_810] {strides = array<i32>} : memref<26x128xi32, #tpu.memory_space<vmem>>, vector<16xi32>,
        %mul3A_812 = arith.constant 16 : i32
        %mul3A_813 = arith.muli %add3A_806, %mul3A_812 : i32
        %add3A_814 = vector.broadcast %mul3A_813 : i32 to vector<16xi32>
        %add3A_815 = arith.addi %iota3A, %add3A_814 : vector<16xi32>
        %gather3A = arith.constant 0 : i32
        %gather3A_816 = arith.constant 0 : i32
        %gather3A_817 = arith.constant 0 : i32
        %gather3A_818 = tpu.memref_slice %arg10[%gather3A, %gather3A_816, %gather3A_817] : memref<8x128x16xf32, #tpu.memory_space<vmem>> -> memref<1x128x16xf32, #tpu.memory_space<vmem>>
        %gather3A_819 = tpu.memref_squeeze %gather3A_818 : memref<1x128x16xf32, #tpu.memory_space<vmem>> -> memref<128x16xf32, #tpu.memory_space<vmem>>
        %gather3A_820 = tpu.vector_load_idx %gather3A_819[%add3A_815, %get3A_811] : memref<128x16xf32, #tpu.memory_space<vmem>>[vector<16xi32>, vector<16xi32>], vector<16xf32>,
        %mul3A_821 = arith.constant 16 : i32
        %mul3A_822 = arith.muli %add3A_806, %mul3A_821 : i32
        %add3A_823 = arith.constant 3072 : i32
        %add3A_824 = arith.addi %add3A_823, %mul3A_822 : i32
        %swap3A = arith.index_cast %add3A_394 : i32 to index
        %swap3A_825 = arith.index_cast %add3A_824 : i32 to index
        %swap3A_826 = tpu.vector_load %arg11[%swap3A, %swap3A_825] {strides = array<i32>} : memref<17x3328xf32, #tpu.memory_space<vmem>>, vector<16xf32>,
        tpu.vector_store %arg11[%swap3A, %swap3A_825], %gather3A_820 {strides = array<i32>} : memref<17x3328xf32, #tpu.memory_space<vmem>>, vector<16xf32>,
      }
      %scan3A_778 = arith.constant 8 : i32
      %dma_wait3A_779 = arith.constant 1 : i32
      %dma_wait3A_780 = arith.constant 1 : i32
      %dma_wait3A_781 = arith.constant 0 : i32
      %dma_wait3A_782 = arith.constant 0 : i32
      %dma_wait3A_783 = tpu.memref_slice %arg10[%dma_wait3A_779, %dma_wait3A_781, %dma_wait3A_782] : memref<8x128x16xf32, #tpu.memory_space<vmem>> -> memref<1x128x16xf32, #tpu.memory_space<vmem>>
      %dma_wait3A_784 = tpu.memref_squeeze %dma_wait3A_783 : memref<1x128x16xf32, #tpu.memory_space<vmem>> -> memref<128x16xf32, #tpu.memory_space<vmem>>
      %dma_wait3A_785 = arith.constant 0 : i32
      %dma_wait3A_786 = arith.constant 0 : i32
      %dma_wait3A_787 = tpu.memref_slice %arg3[%dma_wait3A_785, %dma_wait3A_786] : memref<162500x16xf32, #tpu.memory_space<hbm>> -> memref<128x16xf32, #tpu.memory_space<hbm>>
      %dma_wait3A_788 = tpu.memref_slice %arg12[%dma_wait3A_780] : memref<8x!tpu.dma_semaphore, #tpu.memory_space<semaphore_mem>> -> memref<1x!tpu.dma_semaphore, #tpu.memory_space<semaphore_mem>>
      %dma_wait3A_789 = tpu.memref_squeeze %dma_wait3A_788 : memref<1x!tpu.dma_semaphore, #tpu.memory_space<semaphore_mem>> -> memref<!tpu.dma_semaphore, #tpu.memory_space<semaphore_mem>>
      %dma_wait3A_790 = arith.constant 0 : i32
      %dma_wait3A_791 = arith.constant 0 : i32
      %dma_wait3A_792 = tpu.memref_slice %arg10[%dma_wait3A_779, %dma_wait3A_790, %dma_wait3A_791] : memref<8x128x16xf32, #tpu.memory_space<vmem>> -> memref<1x128x16xf32, #tpu.memory_space<vmem>>
      %dma_wait3A_793 = tpu.memref_squeeze %dma_wait3A_792 : memref<1x128x16xf32, #tpu.memory_space<vmem>> -> memref<128x16xf32, #tpu.memory_space<vmem>>
      %dma_wait3A_794 = arith.constant 0 : i32
      %dma_wait3A_795 = arith.constant 0 : i32
      %dma_wait3A_796 = tpu.memref_slice %arg3[%dma_wait3A_794, %dma_wait3A_795] : memref<162500x16xf32, #tpu.memory_space<hbm>> -> memref<128x16xf32, #tpu.memory_space<hbm>>
      tpu.wait_dma2 semaphore(%dma_wait3A_789 : memref<!tpu.dma_semaphore, #tpu.memory_space<semaphore_mem>>) src(%dma_wait3A_796 : memref<128x16xf32, #tpu.memory_space<hbm>>) dst(%dma_wait3A_793 : memref<128x16xf32, #tpu.memory_space<vmem>>)
      %scan3A_797 = arith.constant 0 : i32
      %scan3A_798 = arith.constant 8 : i32
      %scan3A_799 = arith.addi %scan3A_797, %scan3A_798 : i32
      %scan3A_800 = arith.constant 1 : i32
      scf.for %scan3A_802 = %scan3A_797 to %scan3A_799 step %scan3A_800  : i32 {
        %mul3A_803 = arith.constant 1 : i32
        %mul3A_804 = arith.muli %scan3A_802, %mul3A_803 : i32
        %add3A_805 = arith.constant 0 : i32
        %add3A_806 = arith.addi %add3A_805, %mul3A_804 : i32
        %mul3A_807 = arith.constant 16 : i32
        %mul3A_808 = arith.muli %add3A_806, %mul3A_807 : i32
        %get3A = arith.constant 25 : i32
        %get3A_809 = arith.index_cast %get3A : i32 to index
        %get3A_810 = arith.index_cast %mul3A_808 : i32 to index
        %get3A_811 = tpu.vector_load %arg9[%get3A_809, %get3A_810] {strides = array<i32>} : memref<26x128xi32, #tpu.memory_space<vmem>>, vector<16xi32>,
        %mul3A_812 = arith.constant 16 : i32
        %mul3A_813 = arith.muli %add3A_806, %mul3A_812 : i32
        %add3A_814 = vector.broadcast %mul3A_813 : i32 to vector<16xi32>
        %add3A_815 = arith.addi %iota3A, %add3A_814 : vector<16xi32>
        %gather3A = arith.constant 1 : i32
        %gather3A_816 = arith.constant 0 : i32
        %gather3A_817 = arith.constant 0 : i32
        %gather3A_818 = tpu.memref_slice %arg10[%gather3A, %gather3A_816, %gather3A_817] : memref<8x128x16xf32, #tpu.memory_space<vmem>> -> memref<1x128x16xf32, #tpu.memory_space<vmem>>
        %gather3A_819 = tpu.memref_squeeze %gather3A_818 : memref<1x128x16xf32, #tpu.memory_space<vmem>> -> memref<128x16xf32, #tpu.memory_space<vmem>>
        %gather3A_820 = tpu.vector_load_idx %gather3A_819[%add3A_815, %get3A_811] : memref<128x16xf32, #tpu.memory_space<vmem>>[vector<16xi32>, vector<16xi32>], vector<16xf32>,
        %mul3A_821 = arith.constant 16 : i32
        %mul3A_822 = arith.muli %add3A_806, %mul3A_821 : i32
        %add3A_823 = arith.constant 3200 : i32
        %add3A_824 = arith.addi %add3A_823, %mul3A_822 : i32
        %swap3A = arith.index_cast %add3A_394 : i32 to index
        %swap3A_825 = arith.index_cast %add3A_824 : i32 to index
        %swap3A_826 = tpu.vector_load %arg11[%swap3A, %swap3A_825] {strides = array<i32>} : memref<17x3328xf32, #tpu.memory_space<vmem>>, vector<16xf32>,
        tpu.vector_store %arg11[%swap3A, %swap3A_825], %gather3A_820 {strides = array<i32>} : memref<17x3328xf32, #tpu.memory_space<vmem>>, vector<16xf32>,
      }
      %scan3A_801 = arith.constant 8 : i32
    }
    %scan3A_6 = arith.constant 16 : i32
    %dma_start3A = arith.constant 0 : i32
    %dma_start3A_7 = arith.constant 0 : i32
    %dma_start3A_8 = arith.constant 0 : i32
    %dma_start3A_9 = arith.constant 0 : i32
    %dma_start3A_10 = arith.constant 0 : i32
    %dma_start3A_11 = tpu.memref_slice %arg10[%dma_start3A_7, %dma_start3A_9, %dma_start3A_10] : memref<8x128x16xf32, #tpu.memory_space<vmem>> -> memref<1x128x16xf32, #tpu.memory_space<vmem>>
    %dma_start3A_12 = tpu.memref_squeeze %dma_start3A_11 : memref<1x128x16xf32, #tpu.memory_space<vmem>> -> memref<128x16xf32, #tpu.memory_space<vmem>>
    %dma_start3A_13 = arith.constant 0 : i32
    %dma_start3A_14 = tpu.memref_slice %arg8[%dma_start3A, %dma_start3A_13] : memref<26x128xi32, #tpu.memory_space<vmem>> -> memref<1x128xi32, #tpu.memory_space<vmem>>
    %dma_start3A_15 = tpu.memref_squeeze %dma_start3A_14 : memref<1x128xi32, #tpu.memory_space<vmem>> -> memref<128xi32, #tpu.memory_space<vmem>>
    %dma_start3A_16 = arith.constant 0 : i32
    %dma_start3A_17 = arith.constant 0 : i32
    %dma_start3A_18 = tpu.memref_slice %arg3[%dma_start3A_16, %dma_start3A_17] : memref<162500x16xf32, #tpu.memory_space<hbm>> -> memref<162500x16xf32, #tpu.memory_space<hbm>>
    %dma_start3A_19 = tpu.memref_slice %arg12[%dma_start3A_8] : memref<8x!tpu.dma_semaphore, #tpu.memory_space<semaphore_mem>> -> memref<1x!tpu.dma_semaphore, #tpu.memory_space<semaphore_mem>>
    %dma_start3A_20 = tpu.memref_squeeze %dma_start3A_19 : memref<1x!tpu.dma_semaphore, #tpu.memory_space<semaphore_mem>> -> memref<!tpu.dma_semaphore, #tpu.memory_space<semaphore_mem>>
    tpu.enqueue_indirect_dma source(%dma_start3A_18 : memref<162500x16xf32, #tpu.memory_space<hbm>>) target(%dma_start3A_12 : memref<128x16xf32, #tpu.memory_space<vmem>>) offsets(%dma_start3A_15 : memref<128xi32, #tpu.memory_space<vmem>>) semaphore(%dma_start3A_20 : memref<!tpu.dma_semaphore, #tpu.memory_space<semaphore_mem>>)
    %dma_start3A_21 = arith.constant 1 : i32
    %dma_start3A_22 = arith.constant 1 : i32
    %dma_start3A_23 = arith.constant 1 : i32
    %dma_start3A_24 = arith.constant 0 : i32
    %dma_start3A_25 = arith.constant 0 : i32
    %dma_start3A_26 = tpu.memref_slice %arg10[%dma_start3A_22, %dma_start3A_24, %dma_start3A_25] : memref<8x128x16xf32, #tpu.memory_space<vmem>> -> memref<1x128x16xf32, #tpu.memory_space<vmem>>
    %dma_start3A_27 = tpu.memref_squeeze %dma_start3A_26 : memref<1x128x16xf32, #tpu.memory_space<vmem>> -> memref<128x16xf32, #tpu.memory_space<vmem>>
    %dma_start3A_28 = arith.constant 0 : i32
    %dma_start3A_29 = tpu.memref_slice %arg8[%dma_start3A_21, %dma_start3A_28] : memref<26x128xi32, #tpu.memory_space<vmem>> -> memref<1x128xi32, #tpu.memory_space<vmem>>
    %dma_start3A_30 = tpu.memref_squeeze %dma_start3A_29 : memref<1x128xi32, #tpu.memory_space<vmem>> -> memref<128xi32, #tpu.memory_space<vmem>>
    %dma_start3A_31 = arith.constant 0 : i32
    %dma_start3A_32 = arith.constant 0 : i32
    %dma_start3A_33 = tpu.memref_slice %arg3[%dma_start3A_31, %dma_start3A_32] : memref<162500x16xf32, #tpu.memory_space<hbm>> -> memref<162500x16xf32, #tpu.memory_space<hbm>>
    %dma_start3A_34 = tpu.memref_slice %arg12[%dma_start3A_23] : memref<8x!tpu.dma_semaphore, #tpu.memory_space<semaphore_mem>> -> memref<1x!tpu.dma_semaphore, #tpu.memory_space<semaphore_mem>>
    %dma_start3A_35 = tpu.memref_squeeze %dma_start3A_34 : memref<1x!tpu.dma_semaphore, #tpu.memory_space<semaphore_mem>> -> memref<!tpu.dma_semaphore, #tpu.memory_space<semaphore_mem>>
    tpu.enqueue_indirect_dma source(%dma_start3A_33 : memref<162500x16xf32, #tpu.memory_space<hbm>>) target(%dma_start3A_27 : memref<128x16xf32, #tpu.memory_space<vmem>>) offsets(%dma_start3A_30 : memref<128xi32, #tpu.memory_space<vmem>>) semaphore(%dma_start3A_35 : memref<!tpu.dma_semaphore, #tpu.memory_space<semaphore_mem>>)
    %dma_start3A_36 = arith.constant 2 : i32
    %dma_start3A_37 = arith.constant 2 : i32
    %dma_start3A_38 = arith.constant 2 : i32
    %dma_start3A_39 = arith.constant 0 : i32
    %dma_start3A_40 = arith.constant 0 : i32
    %dma_start3A_41 = tpu.memref_slice %arg10[%dma_start3A_37, %dma_start3A_39, %dma_start3A_40] : memref<8x128x16xf32, #tpu.memory_space<vmem>> -> memref<1x128x16xf32, #tpu.memory_space<vmem>>
    %dma_start3A_42 = tpu.memref_squeeze %dma_start3A_41 : memref<1x128x16xf32, #tpu.memory_space<vmem>> -> memref<128x16xf32, #tpu.memory_space<vmem>>
    %dma_start3A_43 = arith.constant 0 : i32
    %dma_start3A_44 = tpu.memref_slice %arg8[%dma_start3A_36, %dma_start3A_43] : memref<26x128xi32, #tpu.memory_space<vmem>> -> memref<1x128xi32, #tpu.memory_space<vmem>>
    %dma_start3A_45 = tpu.memref_squeeze %dma_start3A_44 : memref<1x128xi32, #tpu.memory_space<vmem>> -> memref<128xi32, #tpu.memory_space<vmem>>
    %dma_start3A_46 = arith.constant 0 : i32
    %dma_start3A_47 = arith.constant 0 : i32
    %dma_start3A_48 = tpu.memref_slice %arg3[%dma_start3A_46, %dma_start3A_47] : memref<162500x16xf32, #tpu.memory_space<hbm>> -> memref<162500x16xf32, #tpu.memory_space<hbm>>
    %dma_start3A_49 = tpu.memref_slice %arg12[%dma_start3A_38] : memref<8x!tpu.dma_semaphore, #tpu.memory_space<semaphore_mem>> -> memref<1x!tpu.dma_semaphore, #tpu.memory_space<semaphore_mem>>
    %dma_start3A_50 = tpu.memref_squeeze %dma_start3A_49 : memref<1x!tpu.dma_semaphore, #tpu.memory_space<semaphore_mem>> -> memref<!tpu.dma_semaphore, #tpu.memory_space<semaphore_mem>>
    tpu.enqueue_indirect_dma source(%dma_start3A_48 : memref<162500x16xf32, #tpu.memory_space<hbm>>) target(%dma_start3A_42 : memref<128x16xf32, #tpu.memory_space<vmem>>) offsets(%dma_start3A_45 : memref<128xi32, #tpu.memory_space<vmem>>) semaphore(%dma_start3A_50 : memref<!tpu.dma_semaphore, #tpu.memory_space<semaphore_mem>>)
    %dma_start3A_51 = arith.constant 3 : i32
    %dma_start3A_52 = arith.constant 3 : i32
    %dma_start3A_53 = arith.constant 3 : i32
    %dma_start3A_54 = arith.constant 0 : i32
    %dma_start3A_55 = arith.constant 0 : i32
    %dma_start3A_56 = tpu.memref_slice %arg10[%dma_start3A_52, %dma_start3A_54, %dma_start3A_55] : memref<8x128x16xf32, #tpu.memory_space<vmem>> -> memref<1x128x16xf32, #tpu.memory_space<vmem>>
    %dma_start3A_57 = tpu.memref_squeeze %dma_start3A_56 : memref<1x128x16xf32, #tpu.memory_space<vmem>> -> memref<128x16xf32, #tpu.memory_space<vmem>>
    %dma_start3A_58 = arith.constant 0 : i32
    %dma_start3A_59 = tpu.memref_slice %arg8[%dma_start3A_51, %dma_start3A_58] : memref<26x128xi32, #tpu.memory_space<vmem>> -> memref<1x128xi32, #tpu.memory_space<vmem>>
    %dma_start3A_60 = tpu.memref_squeeze %dma_start3A_59 : memref<1x128xi32, #tpu.memory_space<vmem>> -> memref<128xi32, #tpu.memory_space<vmem>>
    %dma_start3A_61 = arith.constant 0 : i32
    %dma_start3A_62 = arith.constant 0 : i32
    %dma_start3A_63 = tpu.memref_slice %arg3[%dma_start3A_61, %dma_start3A_62] : memref<162500x16xf32, #tpu.memory_space<hbm>> -> memref<162500x16xf32, #tpu.memory_space<hbm>>
    %dma_start3A_64 = tpu.memref_slice %arg12[%dma_start3A_53] : memref<8x!tpu.dma_semaphore, #tpu.memory_space<semaphore_mem>> -> memref<1x!tpu.dma_semaphore, #tpu.memory_space<semaphore_mem>>
    %dma_start3A_65 = tpu.memref_squeeze %dma_start3A_64 : memref<1x!tpu.dma_semaphore, #tpu.memory_space<semaphore_mem>> -> memref<!tpu.dma_semaphore, #tpu.memory_space<semaphore_mem>>
    tpu.enqueue_indirect_dma source(%dma_start3A_63 : memref<162500x16xf32, #tpu.memory_space<hbm>>) target(%dma_start3A_57 : memref<128x16xf32, #tpu.memory_space<vmem>>) offsets(%dma_start3A_60 : memref<128xi32, #tpu.memory_space<vmem>>) semaphore(%dma_start3A_65 : memref<!tpu.dma_semaphore, #tpu.memory_space<semaphore_mem>>)
    %dma_start3A_66 = arith.constant 4 : i32
    %dma_start3A_67 = arith.constant 4 : i32
    %dma_start3A_68 = arith.constant 4 : i32
    %dma_start3A_69 = arith.constant 0 : i32
    %dma_start3A_70 = arith.constant 0 : i32
    %dma_start3A_71 = tpu.memref_slice %arg10[%dma_start3A_67, %dma_start3A_69, %dma_start3A_70] : memref<8x128x16xf32, #tpu.memory_space<vmem>> -> memref<1x128x16xf32, #tpu.memory_space<vmem>>
    %dma_start3A_72 = tpu.memref_squeeze %dma_start3A_71 : memref<1x128x16xf32, #tpu.memory_space<vmem>> -> memref<128x16xf32, #tpu.memory_space<vmem>>
    %dma_start3A_73 = arith.constant 0 : i32
    %dma_start3A_74 = tpu.memref_slice %arg8[%dma_start3A_66, %dma_start3A_73] : memref<26x128xi32, #tpu.memory_space<vmem>> -> memref<1x128xi32, #tpu.memory_space<vmem>>
    %dma_start3A_75 = tpu.memref_squeeze %dma_start3A_74 : memref<1x128xi32, #tpu.memory_space<vmem>> -> memref<128xi32, #tpu.memory_space<vmem>>
    %dma_start3A_76 = arith.constant 0 : i32
    %dma_start3A_77 = arith.constant 0 : i32
    %dma_start3A_78 = tpu.memref_slice %arg3[%dma_start3A_76, %dma_start3A_77] : memref<162500x16xf32, #tpu.memory_space<hbm>> -> memref<162500x16xf32, #tpu.memory_space<hbm>>
    %dma_start3A_79 = tpu.memref_slice %arg12[%dma_start3A_68] : memref<8x!tpu.dma_semaphore, #tpu.memory_space<semaphore_mem>> -> memref<1x!tpu.dma_semaphore, #tpu.memory_space<semaphore_mem>>
    %dma_start3A_80 = tpu.memref_squeeze %dma_start3A_79 : memref<1x!tpu.dma_semaphore, #tpu.memory_space<semaphore_mem>> -> memref<!tpu.dma_semaphore, #tpu.memory_space<semaphore_mem>>
    tpu.enqueue_indirect_dma source(%dma_start3A_78 : memref<162500x16xf32, #tpu.memory_space<hbm>>) target(%dma_start3A_72 : memref<128x16xf32, #tpu.memory_space<vmem>>) offsets(%dma_start3A_75 : memref<128xi32, #tpu.memory_space<vmem>>) semaphore(%dma_start3A_80 : memref<!tpu.dma_semaphore, #tpu.memory_space<semaphore_mem>>)
    %dma_start3A_81 = arith.constant 5 : i32
    %dma_start3A_82 = arith.constant 5 : i32
    %dma_start3A_83 = arith.constant 5 : i32
    %dma_start3A_84 = arith.constant 0 : i32
    %dma_start3A_85 = arith.constant 0 : i32
    %dma_start3A_86 = tpu.memref_slice %arg10[%dma_start3A_82, %dma_start3A_84, %dma_start3A_85] : memref<8x128x16xf32, #tpu.memory_space<vmem>> -> memref<1x128x16xf32, #tpu.memory_space<vmem>>
    %dma_start3A_87 = tpu.memref_squeeze %dma_start3A_86 : memref<1x128x16xf32, #tpu.memory_space<vmem>> -> memref<128x16xf32, #tpu.memory_space<vmem>>
    %dma_start3A_88 = arith.constant 0 : i32
    %dma_start3A_89 = tpu.memref_slice %arg8[%dma_start3A_81, %dma_start3A_88] : memref<26x128xi32, #tpu.memory_space<vmem>> -> memref<1x128xi32, #tpu.memory_space<vmem>>
    %dma_start3A_90 = tpu.memref_squeeze %dma_start3A_89 : memref<1x128xi32, #tpu.memory_space<vmem>> -> memref<128xi32, #tpu.memory_space<vmem>>
    %dma_start3A_91 = arith.constant 0 : i32
    %dma_start3A_92 = arith.constant 0 : i32
    %dma_start3A_93 = tpu.memref_slice %arg3[%dma_start3A_91, %dma_start3A_92] : memref<162500x16xf32, #tpu.memory_space<hbm>> -> memref<162500x16xf32, #tpu.memory_space<hbm>>
    %dma_start3A_94 = tpu.memref_slice %arg12[%dma_start3A_83] : memref<8x!tpu.dma_semaphore, #tpu.memory_space<semaphore_mem>> -> memref<1x!tpu.dma_semaphore, #tpu.memory_space<semaphore_mem>>
    %dma_start3A_95 = tpu.memref_squeeze %dma_start3A_94 : memref<1x!tpu.dma_semaphore, #tpu.memory_space<semaphore_mem>> -> memref<!tpu.dma_semaphore, #tpu.memory_space<semaphore_mem>>
    tpu.enqueue_indirect_dma source(%dma_start3A_93 : memref<162500x16xf32, #tpu.memory_space<hbm>>) target(%dma_start3A_87 : memref<128x16xf32, #tpu.memory_space<vmem>>) offsets(%dma_start3A_90 : memref<128xi32, #tpu.memory_space<vmem>>) semaphore(%dma_start3A_95 : memref<!tpu.dma_semaphore, #tpu.memory_space<semaphore_mem>>)
    %dma_start3A_96 = arith.constant 6 : i32
    %dma_start3A_97 = arith.constant 6 : i32
    %dma_start3A_98 = arith.constant 6 : i32
    %dma_start3A_99 = arith.constant 0 : i32
    %dma_start3A_100 = arith.constant 0 : i32
    %dma_start3A_101 = tpu.memref_slice %arg10[%dma_start3A_97, %dma_start3A_99, %dma_start3A_100] : memref<8x128x16xf32, #tpu.memory_space<vmem>> -> memref<1x128x16xf32, #tpu.memory_space<vmem>>
    %dma_start3A_102 = tpu.memref_squeeze %dma_start3A_101 : memref<1x128x16xf32, #tpu.memory_space<vmem>> -> memref<128x16xf32, #tpu.memory_space<vmem>>
    %dma_start3A_103 = arith.constant 0 : i32
    %dma_start3A_104 = tpu.memref_slice %arg8[%dma_start3A_96, %dma_start3A_103] : memref<26x128xi32, #tpu.memory_space<vmem>> -> memref<1x128xi32, #tpu.memory_space<vmem>>
    %dma_start3A_105 = tpu.memref_squeeze %dma_start3A_104 : memref<1x128xi32, #tpu.memory_space<vmem>> -> memref<128xi32, #tpu.memory_space<vmem>>
    %dma_start3A_106 = arith.constant 0 : i32
    %dma_start3A_107 = arith.constant 0 : i32
    %dma_start3A_108 = tpu.memref_slice %arg3[%dma_start3A_106, %dma_start3A_107] : memref<162500x16xf32, #tpu.memory_space<hbm>> -> memref<162500x16xf32, #tpu.memory_space<hbm>>
    %dma_start3A_109 = tpu.memref_slice %arg12[%dma_start3A_98] : memref<8x!tpu.dma_semaphore, #tpu.memory_space<semaphore_mem>> -> memref<1x!tpu.dma_semaphore, #tpu.memory_space<semaphore_mem>>
    %dma_start3A_110 = tpu.memref_squeeze %dma_start3A_109 : memref<1x!tpu.dma_semaphore, #tpu.memory_space<semaphore_mem>> -> memref<!tpu.dma_semaphore, #tpu.memory_space<semaphore_mem>>
    tpu.enqueue_indirect_dma source(%dma_start3A_108 : memref<162500x16xf32, #tpu.memory_space<hbm>>) target(%dma_start3A_102 : memref<128x16xf32, #tpu.memory_space<vmem>>) offsets(%dma_start3A_105 : memref<128xi32, #tpu.memory_space<vmem>>) semaphore(%dma_start3A_110 : memref<!tpu.dma_semaphore, #tpu.memory_space<semaphore_mem>>)
    %dma_start3A_111 = arith.constant 7 : i32
    %dma_start3A_112 = arith.constant 7 : i32
    %dma_start3A_113 = arith.constant 7 : i32
    %dma_start3A_114 = arith.constant 0 : i32
    %dma_start3A_115 = arith.constant 0 : i32
    %dma_start3A_116 = tpu.memref_slice %arg10[%dma_start3A_112, %dma_start3A_114, %dma_start3A_115] : memref<8x128x16xf32, #tpu.memory_space<vmem>> -> memref<1x128x16xf32, #tpu.memory_space<vmem>>
    %dma_start3A_117 = tpu.memref_squeeze %dma_start3A_116 : memref<1x128x16xf32, #tpu.memory_space<vmem>> -> memref<128x16xf32, #tpu.memory_space<vmem>>
    %dma_start3A_118 = arith.constant 0 : i32
    %dma_start3A_119 = tpu.memref_slice %arg8[%dma_start3A_111, %dma_start3A_118] : memref<26x128xi32, #tpu.memory_space<vmem>> -> memref<1x128xi32, #tpu.memory_space<vmem>>
    %dma_start3A_120 = tpu.memref_squeeze %dma_start3A_119 : memref<1x128xi32, #tpu.memory_space<vmem>> -> memref<128xi32, #tpu.memory_space<vmem>>
    %dma_start3A_121 = arith.constant 0 : i32
    %dma_start3A_122 = arith.constant 0 : i32
    %dma_start3A_123 = tpu.memref_slice %arg3[%dma_start3A_121, %dma_start3A_122] : memref<162500x16xf32, #tpu.memory_space<hbm>> -> memref<162500x16xf32, #tpu.memory_space<hbm>>
    %dma_start3A_124 = tpu.memref_slice %arg12[%dma_start3A_113] : memref<8x!tpu.dma_semaphore, #tpu.memory_space<semaphore_mem>> -> memref<1x!tpu.dma_semaphore, #tpu.memory_space<semaphore_mem>>
    %dma_start3A_125 = tpu.memref_squeeze %dma_start3A_124 : memref<1x!tpu.dma_semaphore, #tpu.memory_space<semaphore_mem>> -> memref<!tpu.dma_semaphore, #tpu.memory_space<semaphore_mem>>
    tpu.enqueue_indirect_dma source(%dma_start3A_123 : memref<162500x16xf32, #tpu.memory_space<hbm>>) target(%dma_start3A_117 : memref<128x16xf32, #tpu.memory_space<vmem>>) offsets(%dma_start3A_120 : memref<128xi32, #tpu.memory_space<vmem>>) semaphore(%dma_start3A_125 : memref<!tpu.dma_semaphore, #tpu.memory_space<semaphore_mem>>)
    %scan3A_126 = arith.constant 0 : i32
    %scan3A_127 = arith.constant 2 : i32
    %scan3A_128 = arith.addi %scan3A_126, %scan3A_127 : i32
    %scan3A_129 = arith.constant 1 : i32
    scf.for %scan3A_390 = %scan3A_126 to %scan3A_128 step %scan3A_129  : i32 {
      %mul3A_391 = arith.constant 1 : i32
      %mul3A_392 = arith.muli %scan3A_390, %mul3A_391 : i32
      %add3A_393 = arith.constant 0 : i32
      %add3A_394 = arith.addi %add3A_393, %mul3A_392 : i32
      %mul3A_395 = arith.constant 8 : i32
      %mul3A_396 = arith.muli %add3A_394, %mul3A_395 : i32
      %add3A_397 = arith.constant 0 : i32
      %add3A_398 = arith.addi %mul3A_396, %add3A_397 : i32
      %dma_wait3A_399 = arith.constant 0 : i32
      %dma_wait3A_400 = arith.constant 0 : i32
      %dma_wait3A_401 = arith.constant 0 : i32
      %dma_wait3A_402 = arith.constant 0 : i32
      %dma_wait3A_403 = tpu.memref_slice %arg10[%dma_wait3A_399, %dma_wait3A_401, %dma_wait3A_402] : memref<8x128x16xf32, #tpu.memory_space<vmem>> -> memref<1x128x16xf32, #tpu.memory_space<vmem>>
      %dma_wait3A_404 = tpu.memref_squeeze %dma_wait3A_403 : memref<1x128x16xf32, #tpu.memory_space<vmem>> -> memref<128x16xf32, #tpu.memory_space<vmem>>
      %dma_wait3A_405 = arith.constant 0 : i32
      %dma_wait3A_406 = arith.constant 0 : i32
      %dma_wait3A_407 = tpu.memref_slice %arg3[%dma_wait3A_405, %dma_wait3A_406] : memref<162500x16xf32, #tpu.memory_space<hbm>> -> memref<128x16xf32, #tpu.memory_space<hbm>>
      %dma_wait3A_408 = tpu.memref_slice %arg12[%dma_wait3A_400] : memref<8x!tpu.dma_semaphore, #tpu.memory_space<semaphore_mem>> -> memref<1x!tpu.dma_semaphore, #tpu.memory_space<semaphore_mem>>
      %dma_wait3A_409 = tpu.memref_squeeze %dma_wait3A_408 : memref<1x!tpu.dma_semaphore, #tpu.memory_space<semaphore_mem>> -> memref<!tpu.dma_semaphore, #tpu.memory_space<semaphore_mem>>
      %dma_wait3A_410 = arith.constant 0 : i32
      %dma_wait3A_411 = arith.constant 0 : i32
      %dma_wait3A_412 = tpu.memref_slice %arg10[%dma_wait3A_399, %dma_wait3A_410, %dma_wait3A_411] : memref<8x128x16xf32, #tpu.memory_space<vmem>> -> memref<1x128x16xf32, #tpu.memory_space<vmem>>
      %dma_wait3A_413 = tpu.memref_squeeze %dma_wait3A_412 : memref<1x128x16xf32, #tpu.memory_space<vmem>> -> memref<128x16xf32, #tpu.memory_space<vmem>>
      %dma_wait3A_414 = arith.constant 0 : i32
      %dma_wait3A_415 = arith.constant 0 : i32
      %dma_wait3A_416 = tpu.memref_slice %arg3[%dma_wait3A_414, %dma_wait3A_415] : memref<162500x16xf32, #tpu.memory_space<hbm>> -> memref<128x16xf32, #tpu.memory_space<hbm>>
      tpu.wait_dma2 semaphore(%dma_wait3A_409 : memref<!tpu.dma_semaphore, #tpu.memory_space<semaphore_mem>>) src(%dma_wait3A_416 : memref<128x16xf32, #tpu.memory_space<hbm>>) dst(%dma_wait3A_413 : memref<128x16xf32, #tpu.memory_space<vmem>>)
      %scan3A_417 = arith.constant 0 : i32
      %scan3A_418 = arith.constant 8 : i32
      %scan3A_419 = arith.addi %scan3A_417, %scan3A_418 : i32
      %scan3A_420 = arith.constant 1 : i32
      scf.for %scan3A_741 = %scan3A_417 to %scan3A_419 step %scan3A_420  : i32 {
        %mul3A_742 = arith.constant 1 : i32
        %mul3A_743 = arith.muli %scan3A_741, %mul3A_742 : i32
        %add3A_744 = arith.constant 0 : i32
        %add3A_745 = arith.addi %add3A_744, %mul3A_743 : i32
        %mul3A_746 = arith.constant 16 : i32
        %mul3A_747 = arith.muli %add3A_745, %mul3A_746 : i32
        %get3A = arith.index_cast %add3A_398 : i32 to index
        %get3A_748 = arith.index_cast %mul3A_747 : i32 to index
        %get3A_749 = tpu.vector_load %arg9[%get3A, %get3A_748] {strides = array<i32>} : memref<26x128xi32, #tpu.memory_space<vmem>>, vector<16xi32>,
        %mul3A_750 = arith.constant 16 : i32
        %mul3A_751 = arith.muli %add3A_745, %mul3A_750 : i32
        %add3A_752 = vector.broadcast %mul3A_751 : i32 to vector<16xi32>
        %add3A_753 = arith.addi %iota3A, %add3A_752 : vector<16xi32>
        %gather3A = arith.constant 0 : i32
        %gather3A_754 = arith.constant 0 : i32
        %gather3A_755 = arith.constant 0 : i32
        %gather3A_756 = tpu.memref_slice %arg10[%gather3A, %gather3A_754, %gather3A_755] : memref<8x128x16xf32, #tpu.memory_space<vmem>> -> memref<1x128x16xf32, #tpu.memory_space<vmem>>
        %gather3A_757 = tpu.memref_squeeze %gather3A_756 : memref<1x128x16xf32, #tpu.memory_space<vmem>> -> memref<128x16xf32, #tpu.memory_space<vmem>>
        %gather3A_758 = tpu.vector_load_idx %gather3A_757[%add3A_753, %get3A_749] : memref<128x16xf32, #tpu.memory_space<vmem>>[vector<16xi32>, vector<16xi32>], vector<16xf32>,
        %mul3A_759 = arith.constant 128 : i32
        %mul3A_760 = arith.muli %add3A_398, %mul3A_759 : i32
        %mul3A_761 = arith.constant 16 : i32
        %mul3A_762 = arith.muli %add3A_745, %mul3A_761 : i32
        %add3A_763 = arith.addi %mul3A_760, %mul3A_762 : i32
        %swap3A = arith.constant 16 : i32
        %swap3A_764 = arith.index_cast %swap3A : i32 to index
        %swap3A_765 = arith.index_cast %add3A_763 : i32 to index
        %swap3A_766 = tpu.vector_load %arg11[%swap3A_764, %swap3A_765] {strides = array<i32>} : memref<17x3328xf32, #tpu.memory_space<vmem>>, vector<16xf32>,
        tpu.vector_store %arg11[%swap3A_764, %swap3A_765], %gather3A_758 {strides = array<i32>} : memref<17x3328xf32, #tpu.memory_space<vmem>>, vector<16xf32>,
      }
      %scan3A_421 = arith.constant 8 : i32
      %add3A_422 = arith.constant 8 : i32
      %add3A_423 = arith.addi %mul3A_396, %add3A_422 : i32
      %add3A_424 = arith.constant 0 : i32
      %add3A_425 = arith.addi %add3A_423, %add3A_424 : i32
      %dma_start3A_426 = arith.constant 0 : i32
      %dma_start3A_427 = arith.constant 0 : i32
      %dma_start3A_428 = arith.constant 0 : i32
      %dma_start3A_429 = arith.constant 0 : i32
      %dma_start3A_430 = tpu.memref_slice %arg10[%dma_start3A_426, %dma_start3A_428, %dma_start3A_429] : memref<8x128x16xf32, #tpu.memory_space<vmem>> -> memref<1x128x16xf32, #tpu.memory_space<vmem>>
      %dma_start3A_431 = tpu.memref_squeeze %dma_start3A_430 : memref<1x128x16xf32, #tpu.memory_space<vmem>> -> memref<128x16xf32, #tpu.memory_space<vmem>>
      %dma_start3A_432 = arith.constant 0 : i32
      %dma_start3A_433 = tpu.memref_slice %arg8[%add3A_425, %dma_start3A_432] : memref<26x128xi32, #tpu.memory_space<vmem>> -> memref<1x128xi32, #tpu.memory_space<vmem>>
      %dma_start3A_434 = tpu.memref_squeeze %dma_start3A_433 : memref<1x128xi32, #tpu.memory_space<vmem>> -> memref<128xi32, #tpu.memory_space<vmem>>
      %dma_start3A_435 = arith.constant 0 : i32
      %dma_start3A_436 = arith.constant 0 : i32
      %dma_start3A_437 = tpu.memref_slice %arg3[%dma_start3A_435, %dma_start3A_436] : memref<162500x16xf32, #tpu.memory_space<hbm>> -> memref<162500x16xf32, #tpu.memory_space<hbm>>
      %dma_start3A_438 = tpu.memref_slice %arg12[%dma_start3A_427] : memref<8x!tpu.dma_semaphore, #tpu.memory_space<semaphore_mem>> -> memref<1x!tpu.dma_semaphore, #tpu.memory_space<semaphore_mem>>
      %dma_start3A_439 = tpu.memref_squeeze %dma_start3A_438 : memref<1x!tpu.dma_semaphore, #tpu.memory_space<semaphore_mem>> -> memref<!tpu.dma_semaphore, #tpu.memory_space<semaphore_mem>>
      tpu.enqueue_indirect_dma source(%dma_start3A_437 : memref<162500x16xf32, #tpu.memory_space<hbm>>) target(%dma_start3A_431 : memref<128x16xf32, #tpu.memory_space<vmem>>) offsets(%dma_start3A_434 : memref<128xi32, #tpu.memory_space<vmem>>) semaphore(%dma_start3A_439 : memref<!tpu.dma_semaphore, #tpu.memory_space<semaphore_mem>>)
      %add3A_440 = arith.constant 1 : i32
      %add3A_441 = arith.addi %mul3A_396, %add3A_440 : i32
      %dma_wait3A_442 = arith.constant 1 : i32
      %dma_wait3A_443 = arith.constant 1 : i32
      %dma_wait3A_444 = arith.constant 0 : i32
      %dma_wait3A_445 = arith.constant 0 : i32
      %dma_wait3A_446 = tpu.memref_slice %arg10[%dma_wait3A_442, %dma_wait3A_444, %dma_wait3A_445] : memref<8x128x16xf32, #tpu.memory_space<vmem>> -> memref<1x128x16xf32, #tpu.memory_space<vmem>>
      %dma_wait3A_447 = tpu.memref_squeeze %dma_wait3A_446 : memref<1x128x16xf32, #tpu.memory_space<vmem>> -> memref<128x16xf32, #tpu.memory_space<vmem>>
      %dma_wait3A_448 = arith.constant 0 : i32
      %dma_wait3A_449 = arith.constant 0 : i32
      %dma_wait3A_450 = tpu.memref_slice %arg3[%dma_wait3A_448, %dma_wait3A_449] : memref<162500x16xf32, #tpu.memory_space<hbm>> -> memref<128x16xf32, #tpu.memory_space<hbm>>
      %dma_wait3A_451 = tpu.memref_slice %arg12[%dma_wait3A_443] : memref<8x!tpu.dma_semaphore, #tpu.memory_space<semaphore_mem>> -> memref<1x!tpu.dma_semaphore, #tpu.memory_space<semaphore_mem>>
      %dma_wait3A_452 = tpu.memref_squeeze %dma_wait3A_451 : memref<1x!tpu.dma_semaphore, #tpu.memory_space<semaphore_mem>> -> memref<!tpu.dma_semaphore, #tpu.memory_space<semaphore_mem>>
      %dma_wait3A_453 = arith.constant 0 : i32
      %dma_wait3A_454 = arith.constant 0 : i32
      %dma_wait3A_455 = tpu.memref_slice %arg10[%dma_wait3A_442, %dma_wait3A_453, %dma_wait3A_454] : memref<8x128x16xf32, #tpu.memory_space<vmem>> -> memref<1x128x16xf32, #tpu.memory_space<vmem>>
      %dma_wait3A_456 = tpu.memref_squeeze %dma_wait3A_455 : memref<1x128x16xf32, #tpu.memory_space<vmem>> -> memref<128x16xf32, #tpu.memory_space<vmem>>
      %dma_wait3A_457 = arith.constant 0 : i32
      %dma_wait3A_458 = arith.constant 0 : i32
      %dma_wait3A_459 = tpu.memref_slice %arg3[%dma_wait3A_457, %dma_wait3A_458] : memref<162500x16xf32, #tpu.memory_space<hbm>> -> memref<128x16xf32, #tpu.memory_space<hbm>>
      tpu.wait_dma2 semaphore(%dma_wait3A_452 : memref<!tpu.dma_semaphore, #tpu.memory_space<semaphore_mem>>) src(%dma_wait3A_459 : memref<128x16xf32, #tpu.memory_space<hbm>>) dst(%dma_wait3A_456 : memref<128x16xf32, #tpu.memory_space<vmem>>)
      %scan3A_460 = arith.constant 0 : i32
      %scan3A_461 = arith.constant 8 : i32
      %scan3A_462 = arith.addi %scan3A_460, %scan3A_461 : i32
      %scan3A_463 = arith.constant 1 : i32
      scf.for %scan3A_741 = %scan3A_460 to %scan3A_462 step %scan3A_463  : i32 {
        %mul3A_742 = arith.constant 1 : i32
        %mul3A_743 = arith.muli %scan3A_741, %mul3A_742 : i32
        %add3A_744 = arith.constant 0 : i32
        %add3A_745 = arith.addi %add3A_744, %mul3A_743 : i32
        %mul3A_746 = arith.constant 16 : i32
        %mul3A_747 = arith.muli %add3A_745, %mul3A_746 : i32
        %get3A = arith.index_cast %add3A_441 : i32 to index
        %get3A_748 = arith.index_cast %mul3A_747 : i32 to index
        %get3A_749 = tpu.vector_load %arg9[%get3A, %get3A_748] {strides = array<i32>} : memref<26x128xi32, #tpu.memory_space<vmem>>, vector<16xi32>,
        %mul3A_750 = arith.constant 16 : i32
        %mul3A_751 = arith.muli %add3A_745, %mul3A_750 : i32
        %add3A_752 = vector.broadcast %mul3A_751 : i32 to vector<16xi32>
        %add3A_753 = arith.addi %iota3A, %add3A_752 : vector<16xi32>
        %gather3A = arith.constant 1 : i32
        %gather3A_754 = arith.constant 0 : i32
        %gather3A_755 = arith.constant 0 : i32
        %gather3A_756 = tpu.memref_slice %arg10[%gather3A, %gather3A_754, %gather3A_755] : memref<8x128x16xf32, #tpu.memory_space<vmem>> -> memref<1x128x16xf32, #tpu.memory_space<vmem>>
        %gather3A_757 = tpu.memref_squeeze %gather3A_756 : memref<1x128x16xf32, #tpu.memory_space<vmem>> -> memref<128x16xf32, #tpu.memory_space<vmem>>
        %gather3A_758 = tpu.vector_load_idx %gather3A_757[%add3A_753, %get3A_749] : memref<128x16xf32, #tpu.memory_space<vmem>>[vector<16xi32>, vector<16xi32>], vector<16xf32>,
        %mul3A_759 = arith.constant 128 : i32
        %mul3A_760 = arith.muli %add3A_441, %mul3A_759 : i32
        %mul3A_761 = arith.constant 16 : i32
        %mul3A_762 = arith.muli %add3A_745, %mul3A_761 : i32
        %add3A_763 = arith.addi %mul3A_760, %mul3A_762 : i32
        %swap3A = arith.constant 16 : i32
        %swap3A_764 = arith.index_cast %swap3A : i32 to index
        %swap3A_765 = arith.index_cast %add3A_763 : i32 to index
        %swap3A_766 = tpu.vector_load %arg11[%swap3A_764, %swap3A_765] {strides = array<i32>} : memref<17x3328xf32, #tpu.memory_space<vmem>>, vector<16xf32>,
        tpu.vector_store %arg11[%swap3A_764, %swap3A_765], %gather3A_758 {strides = array<i32>} : memref<17x3328xf32, #tpu.memory_space<vmem>>, vector<16xf32>,
      }
      %scan3A_464 = arith.constant 8 : i32
      %add3A_465 = arith.constant 8 : i32
      %add3A_466 = arith.addi %mul3A_396, %add3A_465 : i32
      %add3A_467 = arith.constant 1 : i32
      %add3A_468 = arith.addi %add3A_466, %add3A_467 : i32
      %dma_start3A_469 = arith.constant 1 : i32
      %dma_start3A_470 = arith.constant 1 : i32
      %dma_start3A_471 = arith.constant 0 : i32
      %dma_start3A_472 = arith.constant 0 : i32
      %dma_start3A_473 = tpu.memref_slice %arg10[%dma_start3A_469, %dma_start3A_471, %dma_start3A_472] : memref<8x128x16xf32, #tpu.memory_space<vmem>> -> memref<1x128x16xf32, #tpu.memory_space<vmem>>
      %dma_start3A_474 = tpu.memref_squeeze %dma_start3A_473 : memref<1x128x16xf32, #tpu.memory_space<vmem>> -> memref<128x16xf32, #tpu.memory_space<vmem>>
      %dma_start3A_475 = arith.constant 0 : i32
      %dma_start3A_476 = tpu.memref_slice %arg8[%add3A_468, %dma_start3A_475] : memref<26x128xi32, #tpu.memory_space<vmem>> -> memref<1x128xi32, #tpu.memory_space<vmem>>
      %dma_start3A_477 = tpu.memref_squeeze %dma_start3A_476 : memref<1x128xi32, #tpu.memory_space<vmem>> -> memref<128xi32, #tpu.memory_space<vmem>>
      %dma_start3A_478 = arith.constant 0 : i32
      %dma_start3A_479 = arith.constant 0 : i32
      %dma_start3A_480 = tpu.memref_slice %arg3[%dma_start3A_478, %dma_start3A_479] : memref<162500x16xf32, #tpu.memory_space<hbm>> -> memref<162500x16xf32, #tpu.memory_space<hbm>>
      %dma_start3A_481 = tpu.memref_slice %arg12[%dma_start3A_470] : memref<8x!tpu.dma_semaphore, #tpu.memory_space<semaphore_mem>> -> memref<1x!tpu.dma_semaphore, #tpu.memory_space<semaphore_mem>>
      %dma_start3A_482 = tpu.memref_squeeze %dma_start3A_481 : memref<1x!tpu.dma_semaphore, #tpu.memory_space<semaphore_mem>> -> memref<!tpu.dma_semaphore, #tpu.memory_space<semaphore_mem>>
      tpu.enqueue_indirect_dma source(%dma_start3A_480 : memref<162500x16xf32, #tpu.memory_space<hbm>>) target(%dma_start3A_474 : memref<128x16xf32, #tpu.memory_space<vmem>>) offsets(%dma_start3A_477 : memref<128xi32, #tpu.memory_space<vmem>>) semaphore(%dma_start3A_482 : memref<!tpu.dma_semaphore, #tpu.memory_space<semaphore_mem>>)
      %add3A_483 = arith.constant 2 : i32
      %add3A_484 = arith.addi %mul3A_396, %add3A_483 : i32
      %dma_wait3A_485 = arith.constant 2 : i32
      %dma_wait3A_486 = arith.constant 2 : i32
      %dma_wait3A_487 = arith.constant 0 : i32
      %dma_wait3A_488 = arith.constant 0 : i32
      %dma_wait3A_489 = tpu.memref_slice %arg10[%dma_wait3A_485, %dma_wait3A_487, %dma_wait3A_488] : memref<8x128x16xf32, #tpu.memory_space<vmem>> -> memref<1x128x16xf32, #tpu.memory_space<vmem>>
      %dma_wait3A_490 = tpu.memref_squeeze %dma_wait3A_489 : memref<1x128x16xf32, #tpu.memory_space<vmem>> -> memref<128x16xf32, #tpu.memory_space<vmem>>
      %dma_wait3A_491 = arith.constant 0 : i32
      %dma_wait3A_492 = arith.constant 0 : i32
      %dma_wait3A_493 = tpu.memref_slice %arg3[%dma_wait3A_491, %dma_wait3A_492] : memref<162500x16xf32, #tpu.memory_space<hbm>> -> memref<128x16xf32, #tpu.memory_space<hbm>>
      %dma_wait3A_494 = tpu.memref_slice %arg12[%dma_wait3A_486] : memref<8x!tpu.dma_semaphore, #tpu.memory_space<semaphore_mem>> -> memref<1x!tpu.dma_semaphore, #tpu.memory_space<semaphore_mem>>
      %dma_wait3A_495 = tpu.memref_squeeze %dma_wait3A_494 : memref<1x!tpu.dma_semaphore, #tpu.memory_space<semaphore_mem>> -> memref<!tpu.dma_semaphore, #tpu.memory_space<semaphore_mem>>
      %dma_wait3A_496 = arith.constant 0 : i32
      %dma_wait3A_497 = arith.constant 0 : i32
      %dma_wait3A_498 = tpu.memref_slice %arg10[%dma_wait3A_485, %dma_wait3A_496, %dma_wait3A_497] : memref<8x128x16xf32, #tpu.memory_space<vmem>> -> memref<1x128x16xf32, #tpu.memory_space<vmem>>
      %dma_wait3A_499 = tpu.memref_squeeze %dma_wait3A_498 : memref<1x128x16xf32, #tpu.memory_space<vmem>> -> memref<128x16xf32, #tpu.memory_space<vmem>>
      %dma_wait3A_500 = arith.constant 0 : i32
      %dma_wait3A_501 = arith.constant 0 : i32
      %dma_wait3A_502 = tpu.memref_slice %arg3[%dma_wait3A_500, %dma_wait3A_501] : memref<162500x16xf32, #tpu.memory_space<hbm>> -> memref<128x16xf32, #tpu.memory_space<hbm>>
      tpu.wait_dma2 semaphore(%dma_wait3A_495 : memref<!tpu.dma_semaphore, #tpu.memory_space<semaphore_mem>>) src(%dma_wait3A_502 : memref<128x16xf32, #tpu.memory_space<hbm>>) dst(%dma_wait3A_499 : memref<128x16xf32, #tpu.memory_space<vmem>>)
      %scan3A_503 = arith.constant 0 : i32
      %scan3A_504 = arith.constant 8 : i32
      %scan3A_505 = arith.addi %scan3A_503, %scan3A_504 : i32
      %scan3A_506 = arith.constant 1 : i32
      scf.for %scan3A_741 = %scan3A_503 to %scan3A_505 step %scan3A_506  : i32 {
        %mul3A_742 = arith.constant 1 : i32
        %mul3A_743 = arith.muli %scan3A_741, %mul3A_742 : i32
        %add3A_744 = arith.constant 0 : i32
        %add3A_745 = arith.addi %add3A_744, %mul3A_743 : i32
        %mul3A_746 = arith.constant 16 : i32
        %mul3A_747 = arith.muli %add3A_745, %mul3A_746 : i32
        %get3A = arith.index_cast %add3A_484 : i32 to index
        %get3A_748 = arith.index_cast %mul3A_747 : i32 to index
        %get3A_749 = tpu.vector_load %arg9[%get3A, %get3A_748] {strides = array<i32>} : memref<26x128xi32, #tpu.memory_space<vmem>>, vector<16xi32>,
        %mul3A_750 = arith.constant 16 : i32
        %mul3A_751 = arith.muli %add3A_745, %mul3A_750 : i32
        %add3A_752 = vector.broadcast %mul3A_751 : i32 to vector<16xi32>
        %add3A_753 = arith.addi %iota3A, %add3A_752 : vector<16xi32>
        %gather3A = arith.constant 2 : i32
        %gather3A_754 = arith.constant 0 : i32
        %gather3A_755 = arith.constant 0 : i32
        %gather3A_756 = tpu.memref_slice %arg10[%gather3A, %gather3A_754, %gather3A_755] : memref<8x128x16xf32, #tpu.memory_space<vmem>> -> memref<1x128x16xf32, #tpu.memory_space<vmem>>
        %gather3A_757 = tpu.memref_squeeze %gather3A_756 : memref<1x128x16xf32, #tpu.memory_space<vmem>> -> memref<128x16xf32, #tpu.memory_space<vmem>>
        %gather3A_758 = tpu.vector_load_idx %gather3A_757[%add3A_753, %get3A_749] : memref<128x16xf32, #tpu.memory_space<vmem>>[vector<16xi32>, vector<16xi32>], vector<16xf32>,
        %mul3A_759 = arith.constant 128 : i32
        %mul3A_760 = arith.muli %add3A_484, %mul3A_759 : i32
        %mul3A_761 = arith.constant 16 : i32
        %mul3A_762 = arith.muli %add3A_745, %mul3A_761 : i32
        %add3A_763 = arith.addi %mul3A_760, %mul3A_762 : i32
        %swap3A = arith.constant 16 : i32
        %swap3A_764 = arith.index_cast %swap3A : i32 to index
        %swap3A_765 = arith.index_cast %add3A_763 : i32 to index
        %swap3A_766 = tpu.vector_load %arg11[%swap3A_764, %swap3A_765] {strides = array<i32>} : memref<17x3328xf32, #tpu.memory_space<vmem>>, vector<16xf32>,
        tpu.vector_store %arg11[%swap3A_764, %swap3A_765], %gather3A_758 {strides = array<i32>} : memref<17x3328xf32, #tpu.memory_space<vmem>>, vector<16xf32>,
      }
      %scan3A_507 = arith.constant 8 : i32
      %add3A_508 = arith.constant 8 : i32
      %add3A_509 = arith.addi %mul3A_396, %add3A_508 : i32
      %add3A_510 = arith.constant 2 : i32
      %add3A_511 = arith.addi %add3A_509, %add3A_510 : i32
      %dma_start3A_512 = arith.constant 2 : i32
      %dma_start3A_513 = arith.constant 2 : i32
      %dma_start3A_514 = arith.constant 0 : i32
      %dma_start3A_515 = arith.constant 0 : i32
      %dma_start3A_516 = tpu.memref_slice %arg10[%dma_start3A_512, %dma_start3A_514, %dma_start3A_515] : memref<8x128x16xf32, #tpu.memory_space<vmem>> -> memref<1x128x16xf32, #tpu.memory_space<vmem>>
      %dma_start3A_517 = tpu.memref_squeeze %dma_start3A_516 : memref<1x128x16xf32, #tpu.memory_space<vmem>> -> memref<128x16xf32, #tpu.memory_space<vmem>>
      %dma_start3A_518 = arith.constant 0 : i32
      %dma_start3A_519 = tpu.memref_slice %arg8[%add3A_511, %dma_start3A_518] : memref<26x128xi32, #tpu.memory_space<vmem>> -> memref<1x128xi32, #tpu.memory_space<vmem>>
      %dma_start3A_520 = tpu.memref_squeeze %dma_start3A_519 : memref<1x128xi32, #tpu.memory_space<vmem>> -> memref<128xi32, #tpu.memory_space<vmem>>
      %dma_start3A_521 = arith.constant 0 : i32
      %dma_start3A_522 = arith.constant 0 : i32
      %dma_start3A_523 = tpu.memref_slice %arg3[%dma_start3A_521, %dma_start3A_522] : memref<162500x16xf32, #tpu.memory_space<hbm>> -> memref<162500x16xf32, #tpu.memory_space<hbm>>
      %dma_start3A_524 = tpu.memref_slice %arg12[%dma_start3A_513] : memref<8x!tpu.dma_semaphore, #tpu.memory_space<semaphore_mem>> -> memref<1x!tpu.dma_semaphore, #tpu.memory_space<semaphore_mem>>
      %dma_start3A_525 = tpu.memref_squeeze %dma_start3A_524 : memref<1x!tpu.dma_semaphore, #tpu.memory_space<semaphore_mem>> -> memref<!tpu.dma_semaphore, #tpu.memory_space<semaphore_mem>>
      tpu.enqueue_indirect_dma source(%dma_start3A_523 : memref<162500x16xf32, #tpu.memory_space<hbm>>) target(%dma_start3A_517 : memref<128x16xf32, #tpu.memory_space<vmem>>) offsets(%dma_start3A_520 : memref<128xi32, #tpu.memory_space<vmem>>) semaphore(%dma_start3A_525 : memref<!tpu.dma_semaphore, #tpu.memory_space<semaphore_mem>>)
      %add3A_526 = arith.constant 3 : i32
      %add3A_527 = arith.addi %mul3A_396, %add3A_526 : i32
      %dma_wait3A_528 = arith.constant 3 : i32
      %dma_wait3A_529 = arith.constant 3 : i32
      %dma_wait3A_530 = arith.constant 0 : i32
      %dma_wait3A_531 = arith.constant 0 : i32
      %dma_wait3A_532 = tpu.memref_slice %arg10[%dma_wait3A_528, %dma_wait3A_530, %dma_wait3A_531] : memref<8x128x16xf32, #tpu.memory_space<vmem>> -> memref<1x128x16xf32, #tpu.memory_space<vmem>>
      %dma_wait3A_533 = tpu.memref_squeeze %dma_wait3A_532 : memref<1x128x16xf32, #tpu.memory_space<vmem>> -> memref<128x16xf32, #tpu.memory_space<vmem>>
      %dma_wait3A_534 = arith.constant 0 : i32
      %dma_wait3A_535 = arith.constant 0 : i32
      %dma_wait3A_536 = tpu.memref_slice %arg3[%dma_wait3A_534, %dma_wait3A_535] : memref<162500x16xf32, #tpu.memory_space<hbm>> -> memref<128x16xf32, #tpu.memory_space<hbm>>
      %dma_wait3A_537 = tpu.memref_slice %arg12[%dma_wait3A_529] : memref<8x!tpu.dma_semaphore, #tpu.memory_space<semaphore_mem>> -> memref<1x!tpu.dma_semaphore, #tpu.memory_space<semaphore_mem>>
      %dma_wait3A_538 = tpu.memref_squeeze %dma_wait3A_537 : memref<1x!tpu.dma_semaphore, #tpu.memory_space<semaphore_mem>> -> memref<!tpu.dma_semaphore, #tpu.memory_space<semaphore_mem>>
      %dma_wait3A_539 = arith.constant 0 : i32
      %dma_wait3A_540 = arith.constant 0 : i32
      %dma_wait3A_541 = tpu.memref_slice %arg10[%dma_wait3A_528, %dma_wait3A_539, %dma_wait3A_540] : memref<8x128x16xf32, #tpu.memory_space<vmem>> -> memref<1x128x16xf32, #tpu.memory_space<vmem>>
      %dma_wait3A_542 = tpu.memref_squeeze %dma_wait3A_541 : memref<1x128x16xf32, #tpu.memory_space<vmem>> -> memref<128x16xf32, #tpu.memory_space<vmem>>
      %dma_wait3A_543 = arith.constant 0 : i32
      %dma_wait3A_544 = arith.constant 0 : i32
      %dma_wait3A_545 = tpu.memref_slice %arg3[%dma_wait3A_543, %dma_wait3A_544] : memref<162500x16xf32, #tpu.memory_space<hbm>> -> memref<128x16xf32, #tpu.memory_space<hbm>>
      tpu.wait_dma2 semaphore(%dma_wait3A_538 : memref<!tpu.dma_semaphore, #tpu.memory_space<semaphore_mem>>) src(%dma_wait3A_545 : memref<128x16xf32, #tpu.memory_space<hbm>>) dst(%dma_wait3A_542 : memref<128x16xf32, #tpu.memory_space<vmem>>)
      %scan3A_546 = arith.constant 0 : i32
      %scan3A_547 = arith.constant 8 : i32
      %scan3A_548 = arith.addi %scan3A_546, %scan3A_547 : i32
      %scan3A_549 = arith.constant 1 : i32
      scf.for %scan3A_741 = %scan3A_546 to %scan3A_548 step %scan3A_549  : i32 {
        %mul3A_742 = arith.constant 1 : i32
        %mul3A_743 = arith.muli %scan3A_741, %mul3A_742 : i32
        %add3A_744 = arith.constant 0 : i32
        %add3A_745 = arith.addi %add3A_744, %mul3A_743 : i32
        %mul3A_746 = arith.constant 16 : i32
        %mul3A_747 = arith.muli %add3A_745, %mul3A_746 : i32
        %get3A = arith.index_cast %add3A_527 : i32 to index
        %get3A_748 = arith.index_cast %mul3A_747 : i32 to index
        %get3A_749 = tpu.vector_load %arg9[%get3A, %get3A_748] {strides = array<i32>} : memref<26x128xi32, #tpu.memory_space<vmem>>, vector<16xi32>,
        %mul3A_750 = arith.constant 16 : i32
        %mul3A_751 = arith.muli %add3A_745, %mul3A_750 : i32
        %add3A_752 = vector.broadcast %mul3A_751 : i32 to vector<16xi32>
        %add3A_753 = arith.addi %iota3A, %add3A_752 : vector<16xi32>
        %gather3A = arith.constant 3 : i32
        %gather3A_754 = arith.constant 0 : i32
        %gather3A_755 = arith.constant 0 : i32
        %gather3A_756 = tpu.memref_slice %arg10[%gather3A, %gather3A_754, %gather3A_755] : memref<8x128x16xf32, #tpu.memory_space<vmem>> -> memref<1x128x16xf32, #tpu.memory_space<vmem>>
        %gather3A_757 = tpu.memref_squeeze %gather3A_756 : memref<1x128x16xf32, #tpu.memory_space<vmem>> -> memref<128x16xf32, #tpu.memory_space<vmem>>
        %gather3A_758 = tpu.vector_load_idx %gather3A_757[%add3A_753, %get3A_749] : memref<128x16xf32, #tpu.memory_space<vmem>>[vector<16xi32>, vector<16xi32>], vector<16xf32>,
        %mul3A_759 = arith.constant 128 : i32
        %mul3A_760 = arith.muli %add3A_527, %mul3A_759 : i32
        %mul3A_761 = arith.constant 16 : i32
        %mul3A_762 = arith.muli %add3A_745, %mul3A_761 : i32
        %add3A_763 = arith.addi %mul3A_760, %mul3A_762 : i32
        %swap3A = arith.constant 16 : i32
        %swap3A_764 = arith.index_cast %swap3A : i32 to index
        %swap3A_765 = arith.index_cast %add3A_763 : i32 to index
        %swap3A_766 = tpu.vector_load %arg11[%swap3A_764, %swap3A_765] {strides = array<i32>} : memref<17x3328xf32, #tpu.memory_space<vmem>>, vector<16xf32>,
        tpu.vector_store %arg11[%swap3A_764, %swap3A_765], %gather3A_758 {strides = array<i32>} : memref<17x3328xf32, #tpu.memory_space<vmem>>, vector<16xf32>,
      }
      %scan3A_550 = arith.constant 8 : i32
      %add3A_551 = arith.constant 8 : i32
      %add3A_552 = arith.addi %mul3A_396, %add3A_551 : i32
      %add3A_553 = arith.constant 3 : i32
      %add3A_554 = arith.addi %add3A_552, %add3A_553 : i32
      %dma_start3A_555 = arith.constant 3 : i32
      %dma_start3A_556 = arith.constant 3 : i32
      %dma_start3A_557 = arith.constant 0 : i32
      %dma_start3A_558 = arith.constant 0 : i32
      %dma_start3A_559 = tpu.memref_slice %arg10[%dma_start3A_555, %dma_start3A_557, %dma_start3A_558] : memref<8x128x16xf32, #tpu.memory_space<vmem>> -> memref<1x128x16xf32, #tpu.memory_space<vmem>>
      %dma_start3A_560 = tpu.memref_squeeze %dma_start3A_559 : memref<1x128x16xf32, #tpu.memory_space<vmem>> -> memref<128x16xf32, #tpu.memory_space<vmem>>
      %dma_start3A_561 = arith.constant 0 : i32
      %dma_start3A_562 = tpu.memref_slice %arg8[%add3A_554, %dma_start3A_561] : memref<26x128xi32, #tpu.memory_space<vmem>> -> memref<1x128xi32, #tpu.memory_space<vmem>>
      %dma_start3A_563 = tpu.memref_squeeze %dma_start3A_562 : memref<1x128xi32, #tpu.memory_space<vmem>> -> memref<128xi32, #tpu.memory_space<vmem>>
      %dma_start3A_564 = arith.constant 0 : i32
      %dma_start3A_565 = arith.constant 0 : i32
      %dma_start3A_566 = tpu.memref_slice %arg3[%dma_start3A_564, %dma_start3A_565] : memref<162500x16xf32, #tpu.memory_space<hbm>> -> memref<162500x16xf32, #tpu.memory_space<hbm>>
      %dma_start3A_567 = tpu.memref_slice %arg12[%dma_start3A_556] : memref<8x!tpu.dma_semaphore, #tpu.memory_space<semaphore_mem>> -> memref<1x!tpu.dma_semaphore, #tpu.memory_space<semaphore_mem>>
      %dma_start3A_568 = tpu.memref_squeeze %dma_start3A_567 : memref<1x!tpu.dma_semaphore, #tpu.memory_space<semaphore_mem>> -> memref<!tpu.dma_semaphore, #tpu.memory_space<semaphore_mem>>
      tpu.enqueue_indirect_dma source(%dma_start3A_566 : memref<162500x16xf32, #tpu.memory_space<hbm>>) target(%dma_start3A_560 : memref<128x16xf32, #tpu.memory_space<vmem>>) offsets(%dma_start3A_563 : memref<128xi32, #tpu.memory_space<vmem>>) semaphore(%dma_start3A_568 : memref<!tpu.dma_semaphore, #tpu.memory_space<semaphore_mem>>)
      %add3A_569 = arith.constant 4 : i32
      %add3A_570 = arith.addi %mul3A_396, %add3A_569 : i32
      %dma_wait3A_571 = arith.constant 4 : i32
      %dma_wait3A_572 = arith.constant 4 : i32
      %dma_wait3A_573 = arith.constant 0 : i32
      %dma_wait3A_574 = arith.constant 0 : i32
      %dma_wait3A_575 = tpu.memref_slice %arg10[%dma_wait3A_571, %dma_wait3A_573, %dma_wait3A_574] : memref<8x128x16xf32, #tpu.memory_space<vmem>> -> memref<1x128x16xf32, #tpu.memory_space<vmem>>
      %dma_wait3A_576 = tpu.memref_squeeze %dma_wait3A_575 : memref<1x128x16xf32, #tpu.memory_space<vmem>> -> memref<128x16xf32, #tpu.memory_space<vmem>>
      %dma_wait3A_577 = arith.constant 0 : i32
      %dma_wait3A_578 = arith.constant 0 : i32
      %dma_wait3A_579 = tpu.memref_slice %arg3[%dma_wait3A_577, %dma_wait3A_578] : memref<162500x16xf32, #tpu.memory_space<hbm>> -> memref<128x16xf32, #tpu.memory_space<hbm>>
      %dma_wait3A_580 = tpu.memref_slice %arg12[%dma_wait3A_572] : memref<8x!tpu.dma_semaphore, #tpu.memory_space<semaphore_mem>> -> memref<1x!tpu.dma_semaphore, #tpu.memory_space<semaphore_mem>>
      %dma_wait3A_581 = tpu.memref_squeeze %dma_wait3A_580 : memref<1x!tpu.dma_semaphore, #tpu.memory_space<semaphore_mem>> -> memref<!tpu.dma_semaphore, #tpu.memory_space<semaphore_mem>>
      %dma_wait3A_582 = arith.constant 0 : i32
      %dma_wait3A_583 = arith.constant 0 : i32
      %dma_wait3A_584 = tpu.memref_slice %arg10[%dma_wait3A_571, %dma_wait3A_582, %dma_wait3A_583] : memref<8x128x16xf32, #tpu.memory_space<vmem>> -> memref<1x128x16xf32, #tpu.memory_space<vmem>>
      %dma_wait3A_585 = tpu.memref_squeeze %dma_wait3A_584 : memref<1x128x16xf32, #tpu.memory_space<vmem>> -> memref<128x16xf32, #tpu.memory_space<vmem>>
      %dma_wait3A_586 = arith.constant 0 : i32
      %dma_wait3A_587 = arith.constant 0 : i32
      %dma_wait3A_588 = tpu.memref_slice %arg3[%dma_wait3A_586, %dma_wait3A_587] : memref<162500x16xf32, #tpu.memory_space<hbm>> -> memref<128x16xf32, #tpu.memory_space<hbm>>
      tpu.wait_dma2 semaphore(%dma_wait3A_581 : memref<!tpu.dma_semaphore, #tpu.memory_space<semaphore_mem>>) src(%dma_wait3A_588 : memref<128x16xf32, #tpu.memory_space<hbm>>) dst(%dma_wait3A_585 : memref<128x16xf32, #tpu.memory_space<vmem>>)
      %scan3A_589 = arith.constant 0 : i32
      %scan3A_590 = arith.constant 8 : i32
      %scan3A_591 = arith.addi %scan3A_589, %scan3A_590 : i32
      %scan3A_592 = arith.constant 1 : i32
      scf.for %scan3A_741 = %scan3A_589 to %scan3A_591 step %scan3A_592  : i32 {
        %mul3A_742 = arith.constant 1 : i32
        %mul3A_743 = arith.muli %scan3A_741, %mul3A_742 : i32
        %add3A_744 = arith.constant 0 : i32
        %add3A_745 = arith.addi %add3A_744, %mul3A_743 : i32
        %mul3A_746 = arith.constant 16 : i32
        %mul3A_747 = arith.muli %add3A_745, %mul3A_746 : i32
        %get3A = arith.index_cast %add3A_570 : i32 to index
        %get3A_748 = arith.index_cast %mul3A_747 : i32 to index
        %get3A_749 = tpu.vector_load %arg9[%get3A, %get3A_748] {strides = array<i32>} : memref<26x128xi32, #tpu.memory_space<vmem>>, vector<16xi32>,
        %mul3A_750 = arith.constant 16 : i32
        %mul3A_751 = arith.muli %add3A_745, %mul3A_750 : i32
        %add3A_752 = vector.broadcast %mul3A_751 : i32 to vector<16xi32>
        %add3A_753 = arith.addi %iota3A, %add3A_752 : vector<16xi32>
        %gather3A = arith.constant 4 : i32
        %gather3A_754 = arith.constant 0 : i32
        %gather3A_755 = arith.constant 0 : i32
        %gather3A_756 = tpu.memref_slice %arg10[%gather3A, %gather3A_754, %gather3A_755] : memref<8x128x16xf32, #tpu.memory_space<vmem>> -> memref<1x128x16xf32, #tpu.memory_space<vmem>>
        %gather3A_757 = tpu.memref_squeeze %gather3A_756 : memref<1x128x16xf32, #tpu.memory_space<vmem>> -> memref<128x16xf32, #tpu.memory_space<vmem>>
        %gather3A_758 = tpu.vector_load_idx %gather3A_757[%add3A_753, %get3A_749] : memref<128x16xf32, #tpu.memory_space<vmem>>[vector<16xi32>, vector<16xi32>], vector<16xf32>,
        %mul3A_759 = arith.constant 128 : i32
        %mul3A_760 = arith.muli %add3A_570, %mul3A_759 : i32
        %mul3A_761 = arith.constant 16 : i32
        %mul3A_762 = arith.muli %add3A_745, %mul3A_761 : i32
        %add3A_763 = arith.addi %mul3A_760, %mul3A_762 : i32
        %swap3A = arith.constant 16 : i32
        %swap3A_764 = arith.index_cast %swap3A : i32 to index
        %swap3A_765 = arith.index_cast %add3A_763 : i32 to index
        %swap3A_766 = tpu.vector_load %arg11[%swap3A_764, %swap3A_765] {strides = array<i32>} : memref<17x3328xf32, #tpu.memory_space<vmem>>, vector<16xf32>,
        tpu.vector_store %arg11[%swap3A_764, %swap3A_765], %gather3A_758 {strides = array<i32>} : memref<17x3328xf32, #tpu.memory_space<vmem>>, vector<16xf32>,
      }
      %scan3A_593 = arith.constant 8 : i32
      %add3A_594 = arith.constant 8 : i32
      %add3A_595 = arith.addi %mul3A_396, %add3A_594 : i32
      %add3A_596 = arith.constant 4 : i32
      %add3A_597 = arith.addi %add3A_595, %add3A_596 : i32
      %dma_start3A_598 = arith.constant 4 : i32
      %dma_start3A_599 = arith.constant 4 : i32
      %dma_start3A_600 = arith.constant 0 : i32
      %dma_start3A_601 = arith.constant 0 : i32
      %dma_start3A_602 = tpu.memref_slice %arg10[%dma_start3A_598, %dma_start3A_600, %dma_start3A_601] : memref<8x128x16xf32, #tpu.memory_space<vmem>> -> memref<1x128x16xf32, #tpu.memory_space<vmem>>
      %dma_start3A_603 = tpu.memref_squeeze %dma_start3A_602 : memref<1x128x16xf32, #tpu.memory_space<vmem>> -> memref<128x16xf32, #tpu.memory_space<vmem>>
      %dma_start3A_604 = arith.constant 0 : i32
      %dma_start3A_605 = tpu.memref_slice %arg8[%add3A_597, %dma_start3A_604] : memref<26x128xi32, #tpu.memory_space<vmem>> -> memref<1x128xi32, #tpu.memory_space<vmem>>
      %dma_start3A_606 = tpu.memref_squeeze %dma_start3A_605 : memref<1x128xi32, #tpu.memory_space<vmem>> -> memref<128xi32, #tpu.memory_space<vmem>>
      %dma_start3A_607 = arith.constant 0 : i32
      %dma_start3A_608 = arith.constant 0 : i32
      %dma_start3A_609 = tpu.memref_slice %arg3[%dma_start3A_607, %dma_start3A_608] : memref<162500x16xf32, #tpu.memory_space<hbm>> -> memref<162500x16xf32, #tpu.memory_space<hbm>>
      %dma_start3A_610 = tpu.memref_slice %arg12[%dma_start3A_599] : memref<8x!tpu.dma_semaphore, #tpu.memory_space<semaphore_mem>> -> memref<1x!tpu.dma_semaphore, #tpu.memory_space<semaphore_mem>>
      %dma_start3A_611 = tpu.memref_squeeze %dma_start3A_610 : memref<1x!tpu.dma_semaphore, #tpu.memory_space<semaphore_mem>> -> memref<!tpu.dma_semaphore, #tpu.memory_space<semaphore_mem>>
      tpu.enqueue_indirect_dma source(%dma_start3A_609 : memref<162500x16xf32, #tpu.memory_space<hbm>>) target(%dma_start3A_603 : memref<128x16xf32, #tpu.memory_space<vmem>>) offsets(%dma_start3A_606 : memref<128xi32, #tpu.memory_space<vmem>>) semaphore(%dma_start3A_611 : memref<!tpu.dma_semaphore, #tpu.memory_space<semaphore_mem>>)
      %add3A_612 = arith.constant 5 : i32
      %add3A_613 = arith.addi %mul3A_396, %add3A_612 : i32
      %dma_wait3A_614 = arith.constant 5 : i32
      %dma_wait3A_615 = arith.constant 5 : i32
      %dma_wait3A_616 = arith.constant 0 : i32
      %dma_wait3A_617 = arith.constant 0 : i32
      %dma_wait3A_618 = tpu.memref_slice %arg10[%dma_wait3A_614, %dma_wait3A_616, %dma_wait3A_617] : memref<8x128x16xf32, #tpu.memory_space<vmem>> -> memref<1x128x16xf32, #tpu.memory_space<vmem>>
      %dma_wait3A_619 = tpu.memref_squeeze %dma_wait3A_618 : memref<1x128x16xf32, #tpu.memory_space<vmem>> -> memref<128x16xf32, #tpu.memory_space<vmem>>
      %dma_wait3A_620 = arith.constant 0 : i32
      %dma_wait3A_621 = arith.constant 0 : i32
      %dma_wait3A_622 = tpu.memref_slice %arg3[%dma_wait3A_620, %dma_wait3A_621] : memref<162500x16xf32, #tpu.memory_space<hbm>> -> memref<128x16xf32, #tpu.memory_space<hbm>>
      %dma_wait3A_623 = tpu.memref_slice %arg12[%dma_wait3A_615] : memref<8x!tpu.dma_semaphore, #tpu.memory_space<semaphore_mem>> -> memref<1x!tpu.dma_semaphore, #tpu.memory_space<semaphore_mem>>
      %dma_wait3A_624 = tpu.memref_squeeze %dma_wait3A_623 : memref<1x!tpu.dma_semaphore, #tpu.memory_space<semaphore_mem>> -> memref<!tpu.dma_semaphore, #tpu.memory_space<semaphore_mem>>
      %dma_wait3A_625 = arith.constant 0 : i32
      %dma_wait3A_626 = arith.constant 0 : i32
      %dma_wait3A_627 = tpu.memref_slice %arg10[%dma_wait3A_614, %dma_wait3A_625, %dma_wait3A_626] : memref<8x128x16xf32, #tpu.memory_space<vmem>> -> memref<1x128x16xf32, #tpu.memory_space<vmem>>
      %dma_wait3A_628 = tpu.memref_squeeze %dma_wait3A_627 : memref<1x128x16xf32, #tpu.memory_space<vmem>> -> memref<128x16xf32, #tpu.memory_space<vmem>>
      %dma_wait3A_629 = arith.constant 0 : i32
      %dma_wait3A_630 = arith.constant 0 : i32
      %dma_wait3A_631 = tpu.memref_slice %arg3[%dma_wait3A_629, %dma_wait3A_630] : memref<162500x16xf32, #tpu.memory_space<hbm>> -> memref<128x16xf32, #tpu.memory_space<hbm>>
      tpu.wait_dma2 semaphore(%dma_wait3A_624 : memref<!tpu.dma_semaphore, #tpu.memory_space<semaphore_mem>>) src(%dma_wait3A_631 : memref<128x16xf32, #tpu.memory_space<hbm>>) dst(%dma_wait3A_628 : memref<128x16xf32, #tpu.memory_space<vmem>>)
      %scan3A_632 = arith.constant 0 : i32
      %scan3A_633 = arith.constant 8 : i32
      %scan3A_634 = arith.addi %scan3A_632, %scan3A_633 : i32
      %scan3A_635 = arith.constant 1 : i32
      scf.for %scan3A_741 = %scan3A_632 to %scan3A_634 step %scan3A_635  : i32 {
        %mul3A_742 = arith.constant 1 : i32
        %mul3A_743 = arith.muli %scan3A_741, %mul3A_742 : i32
        %add3A_744 = arith.constant 0 : i32
        %add3A_745 = arith.addi %add3A_744, %mul3A_743 : i32
        %mul3A_746 = arith.constant 16 : i32
        %mul3A_747 = arith.muli %add3A_745, %mul3A_746 : i32
        %get3A = arith.index_cast %add3A_613 : i32 to index
        %get3A_748 = arith.index_cast %mul3A_747 : i32 to index
        %get3A_749 = tpu.vector_load %arg9[%get3A, %get3A_748] {strides = array<i32>} : memref<26x128xi32, #tpu.memory_space<vmem>>, vector<16xi32>,
        %mul3A_750 = arith.constant 16 : i32
        %mul3A_751 = arith.muli %add3A_745, %mul3A_750 : i32
        %add3A_752 = vector.broadcast %mul3A_751 : i32 to vector<16xi32>
        %add3A_753 = arith.addi %iota3A, %add3A_752 : vector<16xi32>
        %gather3A = arith.constant 5 : i32
        %gather3A_754 = arith.constant 0 : i32
        %gather3A_755 = arith.constant 0 : i32
        %gather3A_756 = tpu.memref_slice %arg10[%gather3A, %gather3A_754, %gather3A_755] : memref<8x128x16xf32, #tpu.memory_space<vmem>> -> memref<1x128x16xf32, #tpu.memory_space<vmem>>
        %gather3A_757 = tpu.memref_squeeze %gather3A_756 : memref<1x128x16xf32, #tpu.memory_space<vmem>> -> memref<128x16xf32, #tpu.memory_space<vmem>>
        %gather3A_758 = tpu.vector_load_idx %gather3A_757[%add3A_753, %get3A_749] : memref<128x16xf32, #tpu.memory_space<vmem>>[vector<16xi32>, vector<16xi32>], vector<16xf32>,
        %mul3A_759 = arith.constant 128 : i32
        %mul3A_760 = arith.muli %add3A_613, %mul3A_759 : i32
        %mul3A_761 = arith.constant 16 : i32
        %mul3A_762 = arith.muli %add3A_745, %mul3A_761 : i32
        %add3A_763 = arith.addi %mul3A_760, %mul3A_762 : i32
        %swap3A = arith.constant 16 : i32
        %swap3A_764 = arith.index_cast %swap3A : i32 to index
        %swap3A_765 = arith.index_cast %add3A_763 : i32 to index
        %swap3A_766 = tpu.vector_load %arg11[%swap3A_764, %swap3A_765] {strides = array<i32>} : memref<17x3328xf32, #tpu.memory_space<vmem>>, vector<16xf32>,
        tpu.vector_store %arg11[%swap3A_764, %swap3A_765], %gather3A_758 {strides = array<i32>} : memref<17x3328xf32, #tpu.memory_space<vmem>>, vector<16xf32>,
      }
      %scan3A_636 = arith.constant 8 : i32
      %add3A_637 = arith.constant 8 : i32
      %add3A_638 = arith.addi %mul3A_396, %add3A_637 : i32
      %add3A_639 = arith.constant 5 : i32
      %add3A_640 = arith.addi %add3A_638, %add3A_639 : i32
      %dma_start3A_641 = arith.constant 5 : i32
      %dma_start3A_642 = arith.constant 5 : i32
      %dma_start3A_643 = arith.constant 0 : i32
      %dma_start3A_644 = arith.constant 0 : i32
      %dma_start3A_645 = tpu.memref_slice %arg10[%dma_start3A_641, %dma_start3A_643, %dma_start3A_644] : memref<8x128x16xf32, #tpu.memory_space<vmem>> -> memref<1x128x16xf32, #tpu.memory_space<vmem>>
      %dma_start3A_646 = tpu.memref_squeeze %dma_start3A_645 : memref<1x128x16xf32, #tpu.memory_space<vmem>> -> memref<128x16xf32, #tpu.memory_space<vmem>>
      %dma_start3A_647 = arith.constant 0 : i32
      %dma_start3A_648 = tpu.memref_slice %arg8[%add3A_640, %dma_start3A_647] : memref<26x128xi32, #tpu.memory_space<vmem>> -> memref<1x128xi32, #tpu.memory_space<vmem>>
      %dma_start3A_649 = tpu.memref_squeeze %dma_start3A_648 : memref<1x128xi32, #tpu.memory_space<vmem>> -> memref<128xi32, #tpu.memory_space<vmem>>
      %dma_start3A_650 = arith.constant 0 : i32
      %dma_start3A_651 = arith.constant 0 : i32
      %dma_start3A_652 = tpu.memref_slice %arg3[%dma_start3A_650, %dma_start3A_651] : memref<162500x16xf32, #tpu.memory_space<hbm>> -> memref<162500x16xf32, #tpu.memory_space<hbm>>
      %dma_start3A_653 = tpu.memref_slice %arg12[%dma_start3A_642] : memref<8x!tpu.dma_semaphore, #tpu.memory_space<semaphore_mem>> -> memref<1x!tpu.dma_semaphore, #tpu.memory_space<semaphore_mem>>
      %dma_start3A_654 = tpu.memref_squeeze %dma_start3A_653 : memref<1x!tpu.dma_semaphore, #tpu.memory_space<semaphore_mem>> -> memref<!tpu.dma_semaphore, #tpu.memory_space<semaphore_mem>>
      tpu.enqueue_indirect_dma source(%dma_start3A_652 : memref<162500x16xf32, #tpu.memory_space<hbm>>) target(%dma_start3A_646 : memref<128x16xf32, #tpu.memory_space<vmem>>) offsets(%dma_start3A_649 : memref<128xi32, #tpu.memory_space<vmem>>) semaphore(%dma_start3A_654 : memref<!tpu.dma_semaphore, #tpu.memory_space<semaphore_mem>>)
      %add3A_655 = arith.constant 6 : i32
      %add3A_656 = arith.addi %mul3A_396, %add3A_655 : i32
      %dma_wait3A_657 = arith.constant 6 : i32
      %dma_wait3A_658 = arith.constant 6 : i32
      %dma_wait3A_659 = arith.constant 0 : i32
      %dma_wait3A_660 = arith.constant 0 : i32
      %dma_wait3A_661 = tpu.memref_slice %arg10[%dma_wait3A_657, %dma_wait3A_659, %dma_wait3A_660] : memref<8x128x16xf32, #tpu.memory_space<vmem>> -> memref<1x128x16xf32, #tpu.memory_space<vmem>>
      %dma_wait3A_662 = tpu.memref_squeeze %dma_wait3A_661 : memref<1x128x16xf32, #tpu.memory_space<vmem>> -> memref<128x16xf32, #tpu.memory_space<vmem>>
      %dma_wait3A_663 = arith.constant 0 : i32
      %dma_wait3A_664 = arith.constant 0 : i32
      %dma_wait3A_665 = tpu.memref_slice %arg3[%dma_wait3A_663, %dma_wait3A_664] : memref<162500x16xf32, #tpu.memory_space<hbm>> -> memref<128x16xf32, #tpu.memory_space<hbm>>
      %dma_wait3A_666 = tpu.memref_slice %arg12[%dma_wait3A_658] : memref<8x!tpu.dma_semaphore, #tpu.memory_space<semaphore_mem>> -> memref<1x!tpu.dma_semaphore, #tpu.memory_space<semaphore_mem>>
      %dma_wait3A_667 = tpu.memref_squeeze %dma_wait3A_666 : memref<1x!tpu.dma_semaphore, #tpu.memory_space<semaphore_mem>> -> memref<!tpu.dma_semaphore, #tpu.memory_space<semaphore_mem>>
      %dma_wait3A_668 = arith.constant 0 : i32
      %dma_wait3A_669 = arith.constant 0 : i32
      %dma_wait3A_670 = tpu.memref_slice %arg10[%dma_wait3A_657, %dma_wait3A_668, %dma_wait3A_669] : memref<8x128x16xf32, #tpu.memory_space<vmem>> -> memref<1x128x16xf32, #tpu.memory_space<vmem>>
      %dma_wait3A_671 = tpu.memref_squeeze %dma_wait3A_670 : memref<1x128x16xf32, #tpu.memory_space<vmem>> -> memref<128x16xf32, #tpu.memory_space<vmem>>
      %dma_wait3A_672 = arith.constant 0 : i32
      %dma_wait3A_673 = arith.constant 0 : i32
      %dma_wait3A_674 = tpu.memref_slice %arg3[%dma_wait3A_672, %dma_wait3A_673] : memref<162500x16xf32, #tpu.memory_space<hbm>> -> memref<128x16xf32, #tpu.memory_space<hbm>>
      tpu.wait_dma2 semaphore(%dma_wait3A_667 : memref<!tpu.dma_semaphore, #tpu.memory_space<semaphore_mem>>) src(%dma_wait3A_674 : memref<128x16xf32, #tpu.memory_space<hbm>>) dst(%dma_wait3A_671 : memref<128x16xf32, #tpu.memory_space<vmem>>)
      %scan3A_675 = arith.constant 0 : i32
      %scan3A_676 = arith.constant 8 : i32
      %scan3A_677 = arith.addi %scan3A_675, %scan3A_676 : i32
      %scan3A_678 = arith.constant 1 : i32
      scf.for %scan3A_741 = %scan3A_675 to %scan3A_677 step %scan3A_678  : i32 {
        %mul3A_742 = arith.constant 1 : i32
        %mul3A_743 = arith.muli %scan3A_741, %mul3A_742 : i32
        %add3A_744 = arith.constant 0 : i32
        %add3A_745 = arith.addi %add3A_744, %mul3A_743 : i32
        %mul3A_746 = arith.constant 16 : i32
        %mul3A_747 = arith.muli %add3A_745, %mul3A_746 : i32
        %get3A = arith.index_cast %add3A_656 : i32 to index
        %get3A_748 = arith.index_cast %mul3A_747 : i32 to index
        %get3A_749 = tpu.vector_load %arg9[%get3A, %get3A_748] {strides = array<i32>} : memref<26x128xi32, #tpu.memory_space<vmem>>, vector<16xi32>,
        %mul3A_750 = arith.constant 16 : i32
        %mul3A_751 = arith.muli %add3A_745, %mul3A_750 : i32
        %add3A_752 = vector.broadcast %mul3A_751 : i32 to vector<16xi32>
        %add3A_753 = arith.addi %iota3A, %add3A_752 : vector<16xi32>
        %gather3A = arith.constant 6 : i32
        %gather3A_754 = arith.constant 0 : i32
        %gather3A_755 = arith.constant 0 : i32
        %gather3A_756 = tpu.memref_slice %arg10[%gather3A, %gather3A_754, %gather3A_755] : memref<8x128x16xf32, #tpu.memory_space<vmem>> -> memref<1x128x16xf32, #tpu.memory_space<vmem>>
        %gather3A_757 = tpu.memref_squeeze %gather3A_756 : memref<1x128x16xf32, #tpu.memory_space<vmem>> -> memref<128x16xf32, #tpu.memory_space<vmem>>
        %gather3A_758 = tpu.vector_load_idx %gather3A_757[%add3A_753, %get3A_749] : memref<128x16xf32, #tpu.memory_space<vmem>>[vector<16xi32>, vector<16xi32>], vector<16xf32>,
        %mul3A_759 = arith.constant 128 : i32
        %mul3A_760 = arith.muli %add3A_656, %mul3A_759 : i32
        %mul3A_761 = arith.constant 16 : i32
        %mul3A_762 = arith.muli %add3A_745, %mul3A_761 : i32
        %add3A_763 = arith.addi %mul3A_760, %mul3A_762 : i32
        %swap3A = arith.constant 16 : i32
        %swap3A_764 = arith.index_cast %swap3A : i32 to index
        %swap3A_765 = arith.index_cast %add3A_763 : i32 to index
        %swap3A_766 = tpu.vector_load %arg11[%swap3A_764, %swap3A_765] {strides = array<i32>} : memref<17x3328xf32, #tpu.memory_space<vmem>>, vector<16xf32>,
        tpu.vector_store %arg11[%swap3A_764, %swap3A_765], %gather3A_758 {strides = array<i32>} : memref<17x3328xf32, #tpu.memory_space<vmem>>, vector<16xf32>,
      }
      %scan3A_679 = arith.constant 8 : i32
      %add3A_680 = arith.constant 8 : i32
      %add3A_681 = arith.addi %mul3A_396, %add3A_680 : i32
      %add3A_682 = arith.constant 6 : i32
      %add3A_683 = arith.addi %add3A_681, %add3A_682 : i32
      %dma_start3A_684 = arith.constant 6 : i32
      %dma_start3A_685 = arith.constant 6 : i32
      %dma_start3A_686 = arith.constant 0 : i32
      %dma_start3A_687 = arith.constant 0 : i32
      %dma_start3A_688 = tpu.memref_slice %arg10[%dma_start3A_684, %dma_start3A_686, %dma_start3A_687] : memref<8x128x16xf32, #tpu.memory_space<vmem>> -> memref<1x128x16xf32, #tpu.memory_space<vmem>>
      %dma_start3A_689 = tpu.memref_squeeze %dma_start3A_688 : memref<1x128x16xf32, #tpu.memory_space<vmem>> -> memref<128x16xf32, #tpu.memory_space<vmem>>
      %dma_start3A_690 = arith.constant 0 : i32
      %dma_start3A_691 = tpu.memref_slice %arg8[%add3A_683, %dma_start3A_690] : memref<26x128xi32, #tpu.memory_space<vmem>> -> memref<1x128xi32, #tpu.memory_space<vmem>>
      %dma_start3A_692 = tpu.memref_squeeze %dma_start3A_691 : memref<1x128xi32, #tpu.memory_space<vmem>> -> memref<128xi32, #tpu.memory_space<vmem>>
      %dma_start3A_693 = arith.constant 0 : i32
      %dma_start3A_694 = arith.constant 0 : i32
      %dma_start3A_695 = tpu.memref_slice %arg3[%dma_start3A_693, %dma_start3A_694] : memref<162500x16xf32, #tpu.memory_space<hbm>> -> memref<162500x16xf32, #tpu.memory_space<hbm>>
      %dma_start3A_696 = tpu.memref_slice %arg12[%dma_start3A_685] : memref<8x!tpu.dma_semaphore, #tpu.memory_space<semaphore_mem>> -> memref<1x!tpu.dma_semaphore, #tpu.memory_space<semaphore_mem>>
      %dma_start3A_697 = tpu.memref_squeeze %dma_start3A_696 : memref<1x!tpu.dma_semaphore, #tpu.memory_space<semaphore_mem>> -> memref<!tpu.dma_semaphore, #tpu.memory_space<semaphore_mem>>
      tpu.enqueue_indirect_dma source(%dma_start3A_695 : memref<162500x16xf32, #tpu.memory_space<hbm>>) target(%dma_start3A_689 : memref<128x16xf32, #tpu.memory_space<vmem>>) offsets(%dma_start3A_692 : memref<128xi32, #tpu.memory_space<vmem>>) semaphore(%dma_start3A_697 : memref<!tpu.dma_semaphore, #tpu.memory_space<semaphore_mem>>)
      %add3A_698 = arith.constant 7 : i32
      %add3A_699 = arith.addi %mul3A_396, %add3A_698 : i32
      %dma_wait3A_700 = arith.constant 7 : i32
      %dma_wait3A_701 = arith.constant 7 : i32
      %dma_wait3A_702 = arith.constant 0 : i32
      %dma_wait3A_703 = arith.constant 0 : i32
      %dma_wait3A_704 = tpu.memref_slice %arg10[%dma_wait3A_700, %dma_wait3A_702, %dma_wait3A_703] : memref<8x128x16xf32, #tpu.memory_space<vmem>> -> memref<1x128x16xf32, #tpu.memory_space<vmem>>
      %dma_wait3A_705 = tpu.memref_squeeze %dma_wait3A_704 : memref<1x128x16xf32, #tpu.memory_space<vmem>> -> memref<128x16xf32, #tpu.memory_space<vmem>>
      %dma_wait3A_706 = arith.constant 0 : i32
      %dma_wait3A_707 = arith.constant 0 : i32
      %dma_wait3A_708 = tpu.memref_slice %arg3[%dma_wait3A_706, %dma_wait3A_707] : memref<162500x16xf32, #tpu.memory_space<hbm>> -> memref<128x16xf32, #tpu.memory_space<hbm>>
      %dma_wait3A_709 = tpu.memref_slice %arg12[%dma_wait3A_701] : memref<8x!tpu.dma_semaphore, #tpu.memory_space<semaphore_mem>> -> memref<1x!tpu.dma_semaphore, #tpu.memory_space<semaphore_mem>>
      %dma_wait3A_710 = tpu.memref_squeeze %dma_wait3A_709 : memref<1x!tpu.dma_semaphore, #tpu.memory_space<semaphore_mem>> -> memref<!tpu.dma_semaphore, #tpu.memory_space<semaphore_mem>>
      %dma_wait3A_711 = arith.constant 0 : i32
      %dma_wait3A_712 = arith.constant 0 : i32
      %dma_wait3A_713 = tpu.memref_slice %arg10[%dma_wait3A_700, %dma_wait3A_711, %dma_wait3A_712] : memref<8x128x16xf32, #tpu.memory_space<vmem>> -> memref<1x128x16xf32, #tpu.memory_space<vmem>>
      %dma_wait3A_714 = tpu.memref_squeeze %dma_wait3A_713 : memref<1x128x16xf32, #tpu.memory_space<vmem>> -> memref<128x16xf32, #tpu.memory_space<vmem>>
      %dma_wait3A_715 = arith.constant 0 : i32
      %dma_wait3A_716 = arith.constant 0 : i32
      %dma_wait3A_717 = tpu.memref_slice %arg3[%dma_wait3A_715, %dma_wait3A_716] : memref<162500x16xf32, #tpu.memory_space<hbm>> -> memref<128x16xf32, #tpu.memory_space<hbm>>
      tpu.wait_dma2 semaphore(%dma_wait3A_710 : memref<!tpu.dma_semaphore, #tpu.memory_space<semaphore_mem>>) src(%dma_wait3A_717 : memref<128x16xf32, #tpu.memory_space<hbm>>) dst(%dma_wait3A_714 : memref<128x16xf32, #tpu.memory_space<vmem>>)
      %scan3A_718 = arith.constant 0 : i32
      %scan3A_719 = arith.constant 8 : i32
      %scan3A_720 = arith.addi %scan3A_718, %scan3A_719 : i32
      %scan3A_721 = arith.constant 1 : i32
      scf.for %scan3A_741 = %scan3A_718 to %scan3A_720 step %scan3A_721  : i32 {
        %mul3A_742 = arith.constant 1 : i32
        %mul3A_743 = arith.muli %scan3A_741, %mul3A_742 : i32
        %add3A_744 = arith.constant 0 : i32
        %add3A_745 = arith.addi %add3A_744, %mul3A_743 : i32
        %mul3A_746 = arith.constant 16 : i32
        %mul3A_747 = arith.muli %add3A_745, %mul3A_746 : i32
        %get3A = arith.index_cast %add3A_699 : i32 to index
        %get3A_748 = arith.index_cast %mul3A_747 : i32 to index
        %get3A_749 = tpu.vector_load %arg9[%get3A, %get3A_748] {strides = array<i32>} : memref<26x128xi32, #tpu.memory_space<vmem>>, vector<16xi32>,
        %mul3A_750 = arith.constant 16 : i32
        %mul3A_751 = arith.muli %add3A_745, %mul3A_750 : i32
        %add3A_752 = vector.broadcast %mul3A_751 : i32 to vector<16xi32>
        %add3A_753 = arith.addi %iota3A, %add3A_752 : vector<16xi32>
        %gather3A = arith.constant 7 : i32
        %gather3A_754 = arith.constant 0 : i32
        %gather3A_755 = arith.constant 0 : i32
        %gather3A_756 = tpu.memref_slice %arg10[%gather3A, %gather3A_754, %gather3A_755] : memref<8x128x16xf32, #tpu.memory_space<vmem>> -> memref<1x128x16xf32, #tpu.memory_space<vmem>>
        %gather3A_757 = tpu.memref_squeeze %gather3A_756 : memref<1x128x16xf32, #tpu.memory_space<vmem>> -> memref<128x16xf32, #tpu.memory_space<vmem>>
        %gather3A_758 = tpu.vector_load_idx %gather3A_757[%add3A_753, %get3A_749] : memref<128x16xf32, #tpu.memory_space<vmem>>[vector<16xi32>, vector<16xi32>], vector<16xf32>,
        %mul3A_759 = arith.constant 128 : i32
        %mul3A_760 = arith.muli %add3A_699, %mul3A_759 : i32
        %mul3A_761 = arith.constant 16 : i32
        %mul3A_762 = arith.muli %add3A_745, %mul3A_761 : i32
        %add3A_763 = arith.addi %mul3A_760, %mul3A_762 : i32
        %swap3A = arith.constant 16 : i32
        %swap3A_764 = arith.index_cast %swap3A : i32 to index
        %swap3A_765 = arith.index_cast %add3A_763 : i32 to index
        %swap3A_766 = tpu.vector_load %arg11[%swap3A_764, %swap3A_765] {strides = array<i32>} : memref<17x3328xf32, #tpu.memory_space<vmem>>, vector<16xf32>,
        tpu.vector_store %arg11[%swap3A_764, %swap3A_765], %gather3A_758 {strides = array<i32>} : memref<17x3328xf32, #tpu.memory_space<vmem>>, vector<16xf32>,
      }
      %scan3A_722 = arith.constant 8 : i32
      %add3A_723 = arith.constant 8 : i32
      %add3A_724 = arith.addi %mul3A_396, %add3A_723 : i32
      %add3A_725 = arith.constant 7 : i32
      %add3A_726 = arith.addi %add3A_724, %add3A_725 : i32
      %dma_start3A_727 = arith.constant 7 : i32
      %dma_start3A_728 = arith.constant 7 : i32
      %dma_start3A_729 = arith.constant 0 : i32
      %dma_start3A_730 = arith.constant 0 : i32
      %dma_start3A_731 = tpu.memref_slice %arg10[%dma_start3A_727, %dma_start3A_729, %dma_start3A_730] : memref<8x128x16xf32, #tpu.memory_space<vmem>> -> memref<1x128x16xf32, #tpu.memory_space<vmem>>
      %dma_start3A_732 = tpu.memref_squeeze %dma_start3A_731 : memref<1x128x16xf32, #tpu.memory_space<vmem>> -> memref<128x16xf32, #tpu.memory_space<vmem>>
      %dma_start3A_733 = arith.constant 0 : i32
      %dma_start3A_734 = tpu.memref_slice %arg8[%add3A_726, %dma_start3A_733] : memref<26x128xi32, #tpu.memory_space<vmem>> -> memref<1x128xi32, #tpu.memory_space<vmem>>
      %dma_start3A_735 = tpu.memref_squeeze %dma_start3A_734 : memref<1x128xi32, #tpu.memory_space<vmem>> -> memref<128xi32, #tpu.memory_space<vmem>>
      %dma_start3A_736 = arith.constant 0 : i32
      %dma_start3A_737 = arith.constant 0 : i32
      %dma_start3A_738 = tpu.memref_slice %arg3[%dma_start3A_736, %dma_start3A_737] : memref<162500x16xf32, #tpu.memory_space<hbm>> -> memref<162500x16xf32, #tpu.memory_space<hbm>>
      %dma_start3A_739 = tpu.memref_slice %arg12[%dma_start3A_728] : memref<8x!tpu.dma_semaphore, #tpu.memory_space<semaphore_mem>> -> memref<1x!tpu.dma_semaphore, #tpu.memory_space<semaphore_mem>>
      %dma_start3A_740 = tpu.memref_squeeze %dma_start3A_739 : memref<1x!tpu.dma_semaphore, #tpu.memory_space<semaphore_mem>> -> memref<!tpu.dma_semaphore, #tpu.memory_space<semaphore_mem>>
      tpu.enqueue_indirect_dma source(%dma_start3A_738 : memref<162500x16xf32, #tpu.memory_space<hbm>>) target(%dma_start3A_732 : memref<128x16xf32, #tpu.memory_space<vmem>>) offsets(%dma_start3A_735 : memref<128xi32, #tpu.memory_space<vmem>>) semaphore(%dma_start3A_740 : memref<!tpu.dma_semaphore, #tpu.memory_space<semaphore_mem>>)
    }
    %scan3A_130 = arith.constant 2 : i32
    %dma_wait3A = arith.constant 0 : i32
    %dma_wait3A_131 = arith.constant 0 : i32
    %dma_wait3A_132 = arith.constant 0 : i32
    %dma_wait3A_133 = arith.constant 0 : i32
    %dma_wait3A_134 = tpu.memref_slice %arg10[%dma_wait3A, %dma_wait3A_132, %dma_wait3A_133] : memref<8x128x16xf32, #tpu.memory_space<vmem>> -> memref<1x128x16xf32, #tpu.memory_space<vmem>>
    %dma_wait3A_135 = tpu.memref_squeeze %dma_wait3A_134 : memref<1x128x16xf32, #tpu.memory_space<vmem>> -> memref<128x16xf32, #tpu.memory_space<vmem>>
    %dma_wait3A_136 = arith.constant 0 : i32
    %dma_wait3A_137 = arith.constant 0 : i32
    %dma_wait3A_138 = tpu.memref_slice %arg3[%dma_wait3A_136, %dma_wait3A_137] : memref<162500x16xf32, #tpu.memory_space<hbm>> -> memref<128x16xf32, #tpu.memory_space<hbm>>
    %dma_wait3A_139 = tpu.memref_slice %arg12[%dma_wait3A_131] : memref<8x!tpu.dma_semaphore, #tpu.memory_space<semaphore_mem>> -> memref<1x!tpu.dma_semaphore, #tpu.memory_space<semaphore_mem>>
    %dma_wait3A_140 = tpu.memref_squeeze %dma_wait3A_139 : memref<1x!tpu.dma_semaphore, #tpu.memory_space<semaphore_mem>> -> memref<!tpu.dma_semaphore, #tpu.memory_space<semaphore_mem>>
    %dma_wait3A_141 = arith.constant 0 : i32
    %dma_wait3A_142 = arith.constant 0 : i32
    %dma_wait3A_143 = tpu.memref_slice %arg10[%dma_wait3A, %dma_wait3A_141, %dma_wait3A_142] : memref<8x128x16xf32, #tpu.memory_space<vmem>> -> memref<1x128x16xf32, #tpu.memory_space<vmem>>
    %dma_wait3A_144 = tpu.memref_squeeze %dma_wait3A_143 : memref<1x128x16xf32, #tpu.memory_space<vmem>> -> memref<128x16xf32, #tpu.memory_space<vmem>>
    %dma_wait3A_145 = arith.constant 0 : i32
    %dma_wait3A_146 = arith.constant 0 : i32
    %dma_wait3A_147 = tpu.memref_slice %arg3[%dma_wait3A_145, %dma_wait3A_146] : memref<162500x16xf32, #tpu.memory_space<hbm>> -> memref<128x16xf32, #tpu.memory_space<hbm>>
    tpu.wait_dma2 semaphore(%dma_wait3A_140 : memref<!tpu.dma_semaphore, #tpu.memory_space<semaphore_mem>>) src(%dma_wait3A_147 : memref<128x16xf32, #tpu.memory_space<hbm>>) dst(%dma_wait3A_144 : memref<128x16xf32, #tpu.memory_space<vmem>>)
    %scan3A_148 = arith.constant 0 : i32
    %scan3A_149 = arith.constant 8 : i32
    %scan3A_150 = arith.addi %scan3A_148, %scan3A_149 : i32
    %scan3A_151 = arith.constant 1 : i32
    scf.for %scan3A_390 = %scan3A_148 to %scan3A_150 step %scan3A_151  : i32 {
      %mul3A_391 = arith.constant 1 : i32
      %mul3A_392 = arith.muli %scan3A_390, %mul3A_391 : i32
      %add3A_393 = arith.constant 0 : i32
      %add3A_394 = arith.addi %add3A_393, %mul3A_392 : i32
      %mul3A_395 = arith.constant 16 : i32
      %mul3A_396 = arith.muli %add3A_394, %mul3A_395 : i32
      %get3A = arith.constant 16 : i32
      %get3A_397 = arith.index_cast %get3A : i32 to index
      %get3A_398 = arith.index_cast %mul3A_396 : i32 to index
      %get3A_399 = tpu.vector_load %arg9[%get3A_397, %get3A_398] {strides = array<i32>} : memref<26x128xi32, #tpu.memory_space<vmem>>, vector<16xi32>,
      %mul3A_400 = arith.constant 16 : i32
      %mul3A_401 = arith.muli %add3A_394, %mul3A_400 : i32
      %add3A_402 = vector.broadcast %mul3A_401 : i32 to vector<16xi32>
      %add3A_403 = arith.addi %iota3A, %add3A_402 : vector<16xi32>
      %gather3A = arith.constant 0 : i32
      %gather3A_404 = arith.constant 0 : i32
      %gather3A_405 = arith.constant 0 : i32
      %gather3A_406 = tpu.memref_slice %arg10[%gather3A, %gather3A_404, %gather3A_405] : memref<8x128x16xf32, #tpu.memory_space<vmem>> -> memref<1x128x16xf32, #tpu.memory_space<vmem>>
      %gather3A_407 = tpu.memref_squeeze %gather3A_406 : memref<1x128x16xf32, #tpu.memory_space<vmem>> -> memref<128x16xf32, #tpu.memory_space<vmem>>
      %gather3A_408 = tpu.vector_load_idx %gather3A_407[%add3A_403, %get3A_399] : memref<128x16xf32, #tpu.memory_space<vmem>>[vector<16xi32>, vector<16xi32>], vector<16xf32>,
      %mul3A_409 = arith.constant 16 : i32
      %mul3A_410 = arith.muli %add3A_394, %mul3A_409 : i32
      %add3A_411 = arith.constant 2048 : i32
      %add3A_412 = arith.addi %add3A_411, %mul3A_410 : i32
      %swap3A = arith.constant 16 : i32
      %swap3A_413 = arith.index_cast %swap3A : i32 to index
      %swap3A_414 = arith.index_cast %add3A_412 : i32 to index
      %swap3A_415 = tpu.vector_load %arg11[%swap3A_413, %swap3A_414] {strides = array<i32>} : memref<17x3328xf32, #tpu.memory_space<vmem>>, vector<16xf32>,
      tpu.vector_store %arg11[%swap3A_413, %swap3A_414], %gather3A_408 {strides = array<i32>} : memref<17x3328xf32, #tpu.memory_space<vmem>>, vector<16xf32>,
    }
    %scan3A_152 = arith.constant 8 : i32
    %dma_start3A_153 = arith.constant 24 : i32
    %dma_start3A_154 = arith.constant 0 : i32
    %dma_start3A_155 = arith.constant 0 : i32
    %dma_start3A_156 = arith.constant 0 : i32
    %dma_start3A_157 = arith.constant 0 : i32
    %dma_start3A_158 = tpu.memref_slice %arg10[%dma_start3A_154, %dma_start3A_156, %dma_start3A_157] : memref<8x128x16xf32, #tpu.memory_space<vmem>> -> memref<1x128x16xf32, #tpu.memory_space<vmem>>
    %dma_start3A_159 = tpu.memref_squeeze %dma_start3A_158 : memref<1x128x16xf32, #tpu.memory_space<vmem>> -> memref<128x16xf32, #tpu.memory_space<vmem>>
    %dma_start3A_160 = arith.constant 0 : i32
    %dma_start3A_161 = tpu.memref_slice %arg8[%dma_start3A_153, %dma_start3A_160] : memref<26x128xi32, #tpu.memory_space<vmem>> -> memref<1x128xi32, #tpu.memory_space<vmem>>
    %dma_start3A_162 = tpu.memref_squeeze %dma_start3A_161 : memref<1x128xi32, #tpu.memory_space<vmem>> -> memref<128xi32, #tpu.memory_space<vmem>>
    %dma_start3A_163 = arith.constant 0 : i32
    %dma_start3A_164 = arith.constant 0 : i32
    %dma_start3A_165 = tpu.memref_slice %arg3[%dma_start3A_163, %dma_start3A_164] : memref<162500x16xf32, #tpu.memory_space<hbm>> -> memref<162500x16xf32, #tpu.memory_space<hbm>>
    %dma_start3A_166 = tpu.memref_slice %arg12[%dma_start3A_155] : memref<8x!tpu.dma_semaphore, #tpu.memory_space<semaphore_mem>> -> memref<1x!tpu.dma_semaphore, #tpu.memory_space<semaphore_mem>>
    %dma_start3A_167 = tpu.memref_squeeze %dma_start3A_166 : memref<1x!tpu.dma_semaphore, #tpu.memory_space<semaphore_mem>> -> memref<!tpu.dma_semaphore, #tpu.memory_space<semaphore_mem>>
    tpu.enqueue_indirect_dma source(%dma_start3A_165 : memref<162500x16xf32, #tpu.memory_space<hbm>>) target(%dma_start3A_159 : memref<128x16xf32, #tpu.memory_space<vmem>>) offsets(%dma_start3A_162 : memref<128xi32, #tpu.memory_space<vmem>>) semaphore(%dma_start3A_167 : memref<!tpu.dma_semaphore, #tpu.memory_space<semaphore_mem>>)
    %dma_wait3A_168 = arith.constant 1 : i32
    %dma_wait3A_169 = arith.constant 1 : i32
    %dma_wait3A_170 = arith.constant 0 : i32
    %dma_wait3A_171 = arith.constant 0 : i32
    %dma_wait3A_172 = tpu.memref_slice %arg10[%dma_wait3A_168, %dma_wait3A_170, %dma_wait3A_171] : memref<8x128x16xf32, #tpu.memory_space<vmem>> -> memref<1x128x16xf32, #tpu.memory_space<vmem>>
    %dma_wait3A_173 = tpu.memref_squeeze %dma_wait3A_172 : memref<1x128x16xf32, #tpu.memory_space<vmem>> -> memref<128x16xf32, #tpu.memory_space<vmem>>
    %dma_wait3A_174 = arith.constant 0 : i32
    %dma_wait3A_175 = arith.constant 0 : i32
    %dma_wait3A_176 = tpu.memref_slice %arg3[%dma_wait3A_174, %dma_wait3A_175] : memref<162500x16xf32, #tpu.memory_space<hbm>> -> memref<128x16xf32, #tpu.memory_space<hbm>>
    %dma_wait3A_177 = tpu.memref_slice %arg12[%dma_wait3A_169] : memref<8x!tpu.dma_semaphore, #tpu.memory_space<semaphore_mem>> -> memref<1x!tpu.dma_semaphore, #tpu.memory_space<semaphore_mem>>
    %dma_wait3A_178 = tpu.memref_squeeze %dma_wait3A_177 : memref<1x!tpu.dma_semaphore, #tpu.memory_space<semaphore_mem>> -> memref<!tpu.dma_semaphore, #tpu.memory_space<semaphore_mem>>
    %dma_wait3A_179 = arith.constant 0 : i32
    %dma_wait3A_180 = arith.constant 0 : i32
    %dma_wait3A_181 = tpu.memref_slice %arg10[%dma_wait3A_168, %dma_wait3A_179, %dma_wait3A_180] : memref<8x128x16xf32, #tpu.memory_space<vmem>> -> memref<1x128x16xf32, #tpu.memory_space<vmem>>
    %dma_wait3A_182 = tpu.memref_squeeze %dma_wait3A_181 : memref<1x128x16xf32, #tpu.memory_space<vmem>> -> memref<128x16xf32, #tpu.memory_space<vmem>>
    %dma_wait3A_183 = arith.constant 0 : i32
    %dma_wait3A_184 = arith.constant 0 : i32
    %dma_wait3A_185 = tpu.memref_slice %arg3[%dma_wait3A_183, %dma_wait3A_184] : memref<162500x16xf32, #tpu.memory_space<hbm>> -> memref<128x16xf32, #tpu.memory_space<hbm>>
    tpu.wait_dma2 semaphore(%dma_wait3A_178 : memref<!tpu.dma_semaphore, #tpu.memory_space<semaphore_mem>>) src(%dma_wait3A_185 : memref<128x16xf32, #tpu.memory_space<hbm>>) dst(%dma_wait3A_182 : memref<128x16xf32, #tpu.memory_space<vmem>>)
    %scan3A_186 = arith.constant 0 : i32
    %scan3A_187 = arith.constant 8 : i32
    %scan3A_188 = arith.addi %scan3A_186, %scan3A_187 : i32
    %scan3A_189 = arith.constant 1 : i32
    scf.for %scan3A_390 = %scan3A_186 to %scan3A_188 step %scan3A_189  : i32 {
      %mul3A_391 = arith.constant 1 : i32
      %mul3A_392 = arith.muli %scan3A_390, %mul3A_391 : i32
      %add3A_393 = arith.constant 0 : i32
      %add3A_394 = arith.addi %add3A_393, %mul3A_392 : i32
      %mul3A_395 = arith.constant 16 : i32
      %mul3A_396 = arith.muli %add3A_394, %mul3A_395 : i32
      %get3A = arith.constant 17 : i32
      %get3A_397 = arith.index_cast %get3A : i32 to index
      %get3A_398 = arith.index_cast %mul3A_396 : i32 to index
      %get3A_399 = tpu.vector_load %arg9[%get3A_397, %get3A_398] {strides = array<i32>} : memref<26x128xi32, #tpu.memory_space<vmem>>, vector<16xi32>,
      %mul3A_400 = arith.constant 16 : i32
      %mul3A_401 = arith.muli %add3A_394, %mul3A_400 : i32
      %add3A_402 = vector.broadcast %mul3A_401 : i32 to vector<16xi32>
      %add3A_403 = arith.addi %iota3A, %add3A_402 : vector<16xi32>
      %gather3A = arith.constant 1 : i32
      %gather3A_404 = arith.constant 0 : i32
      %gather3A_405 = arith.constant 0 : i32
      %gather3A_406 = tpu.memref_slice %arg10[%gather3A, %gather3A_404, %gather3A_405] : memref<8x128x16xf32, #tpu.memory_space<vmem>> -> memref<1x128x16xf32, #tpu.memory_space<vmem>>
      %gather3A_407 = tpu.memref_squeeze %gather3A_406 : memref<1x128x16xf32, #tpu.memory_space<vmem>> -> memref<128x16xf32, #tpu.memory_space<vmem>>
      %gather3A_408 = tpu.vector_load_idx %gather3A_407[%add3A_403, %get3A_399] : memref<128x16xf32, #tpu.memory_space<vmem>>[vector<16xi32>, vector<16xi32>], vector<16xf32>,
      %mul3A_409 = arith.constant 16 : i32
      %mul3A_410 = arith.muli %add3A_394, %mul3A_409 : i32
      %add3A_411 = arith.constant 2176 : i32
      %add3A_412 = arith.addi %add3A_411, %mul3A_410 : i32
      %swap3A = arith.constant 16 : i32
      %swap3A_413 = arith.index_cast %swap3A : i32 to index
      %swap3A_414 = arith.index_cast %add3A_412 : i32 to index
      %swap3A_415 = tpu.vector_load %arg11[%swap3A_413, %swap3A_414] {strides = array<i32>} : memref<17x3328xf32, #tpu.memory_space<vmem>>, vector<16xf32>,
      tpu.vector_store %arg11[%swap3A_413, %swap3A_414], %gather3A_408 {strides = array<i32>} : memref<17x3328xf32, #tpu.memory_space<vmem>>, vector<16xf32>,
    }
    %scan3A_190 = arith.constant 8 : i32
    %dma_start3A_191 = arith.constant 25 : i32
    %dma_start3A_192 = arith.constant 1 : i32
    %dma_start3A_193 = arith.constant 1 : i32
    %dma_start3A_194 = arith.constant 0 : i32
    %dma_start3A_195 = arith.constant 0 : i32
    %dma_start3A_196 = tpu.memref_slice %arg10[%dma_start3A_192, %dma_start3A_194, %dma_start3A_195] : memref<8x128x16xf32, #tpu.memory_space<vmem>> -> memref<1x128x16xf32, #tpu.memory_space<vmem>>
    %dma_start3A_197 = tpu.memref_squeeze %dma_start3A_196 : memref<1x128x16xf32, #tpu.memory_space<vmem>> -> memref<128x16xf32, #tpu.memory_space<vmem>>
    %dma_start3A_198 = arith.constant 0 : i32
    %dma_start3A_199 = tpu.memref_slice %arg8[%dma_start3A_191, %dma_start3A_198] : memref<26x128xi32, #tpu.memory_space<vmem>> -> memref<1x128xi32, #tpu.memory_space<vmem>>
    %dma_start3A_200 = tpu.memref_squeeze %dma_start3A_199 : memref<1x128xi32, #tpu.memory_space<vmem>> -> memref<128xi32, #tpu.memory_space<vmem>>
    %dma_start3A_201 = arith.constant 0 : i32
    %dma_start3A_202 = arith.constant 0 : i32
    %dma_start3A_203 = tpu.memref_slice %arg3[%dma_start3A_201, %dma_start3A_202] : memref<162500x16xf32, #tpu.memory_space<hbm>> -> memref<162500x16xf32, #tpu.memory_space<hbm>>
    %dma_start3A_204 = tpu.memref_slice %arg12[%dma_start3A_193] : memref<8x!tpu.dma_semaphore, #tpu.memory_space<semaphore_mem>> -> memref<1x!tpu.dma_semaphore, #tpu.memory_space<semaphore_mem>>
    %dma_start3A_205 = tpu.memref_squeeze %dma_start3A_204 : memref<1x!tpu.dma_semaphore, #tpu.memory_space<semaphore_mem>> -> memref<!tpu.dma_semaphore, #tpu.memory_space<semaphore_mem>>
    tpu.enqueue_indirect_dma source(%dma_start3A_203 : memref<162500x16xf32, #tpu.memory_space<hbm>>) target(%dma_start3A_197 : memref<128x16xf32, #tpu.memory_space<vmem>>) offsets(%dma_start3A_200 : memref<128xi32, #tpu.memory_space<vmem>>) semaphore(%dma_start3A_205 : memref<!tpu.dma_semaphore, #tpu.memory_space<semaphore_mem>>)
    %dma_wait3A_206 = arith.constant 2 : i32
    %dma_wait3A_207 = arith.constant 2 : i32
    %dma_wait3A_208 = arith.constant 0 : i32
    %dma_wait3A_209 = arith.constant 0 : i32
    %dma_wait3A_210 = tpu.memref_slice %arg10[%dma_wait3A_206, %dma_wait3A_208, %dma_wait3A_209] : memref<8x128x16xf32, #tpu.memory_space<vmem>> -> memref<1x128x16xf32, #tpu.memory_space<vmem>>
    %dma_wait3A_211 = tpu.memref_squeeze %dma_wait3A_210 : memref<1x128x16xf32, #tpu.memory_space<vmem>> -> memref<128x16xf32, #tpu.memory_space<vmem>>
    %dma_wait3A_212 = arith.constant 0 : i32
    %dma_wait3A_213 = arith.constant 0 : i32
    %dma_wait3A_214 = tpu.memref_slice %arg3[%dma_wait3A_212, %dma_wait3A_213] : memref<162500x16xf32, #tpu.memory_space<hbm>> -> memref<128x16xf32, #tpu.memory_space<hbm>>
    %dma_wait3A_215 = tpu.memref_slice %arg12[%dma_wait3A_207] : memref<8x!tpu.dma_semaphore, #tpu.memory_space<semaphore_mem>> -> memref<1x!tpu.dma_semaphore, #tpu.memory_space<semaphore_mem>>
    %dma_wait3A_216 = tpu.memref_squeeze %dma_wait3A_215 : memref<1x!tpu.dma_semaphore, #tpu.memory_space<semaphore_mem>> -> memref<!tpu.dma_semaphore, #tpu.memory_space<semaphore_mem>>
    %dma_wait3A_217 = arith.constant 0 : i32
    %dma_wait3A_218 = arith.constant 0 : i32
    %dma_wait3A_219 = tpu.memref_slice %arg10[%dma_wait3A_206, %dma_wait3A_217, %dma_wait3A_218] : memref<8x128x16xf32, #tpu.memory_space<vmem>> -> memref<1x128x16xf32, #tpu.memory_space<vmem>>
    %dma_wait3A_220 = tpu.memref_squeeze %dma_wait3A_219 : memref<1x128x16xf32, #tpu.memory_space<vmem>> -> memref<128x16xf32, #tpu.memory_space<vmem>>
    %dma_wait3A_221 = arith.constant 0 : i32
    %dma_wait3A_222 = arith.constant 0 : i32
    %dma_wait3A_223 = tpu.memref_slice %arg3[%dma_wait3A_221, %dma_wait3A_222] : memref<162500x16xf32, #tpu.memory_space<hbm>> -> memref<128x16xf32, #tpu.memory_space<hbm>>
    tpu.wait_dma2 semaphore(%dma_wait3A_216 : memref<!tpu.dma_semaphore, #tpu.memory_space<semaphore_mem>>) src(%dma_wait3A_223 : memref<128x16xf32, #tpu.memory_space<hbm>>) dst(%dma_wait3A_220 : memref<128x16xf32, #tpu.memory_space<vmem>>)
    %scan3A_224 = arith.constant 0 : i32
    %scan3A_225 = arith.constant 8 : i32
    %scan3A_226 = arith.addi %scan3A_224, %scan3A_225 : i32
    %scan3A_227 = arith.constant 1 : i32
    scf.for %scan3A_390 = %scan3A_224 to %scan3A_226 step %scan3A_227  : i32 {
      %mul3A_391 = arith.constant 1 : i32
      %mul3A_392 = arith.muli %scan3A_390, %mul3A_391 : i32
      %add3A_393 = arith.constant 0 : i32
      %add3A_394 = arith.addi %add3A_393, %mul3A_392 : i32
      %mul3A_395 = arith.constant 16 : i32
      %mul3A_396 = arith.muli %add3A_394, %mul3A_395 : i32
      %get3A = arith.constant 18 : i32
      %get3A_397 = arith.index_cast %get3A : i32 to index
      %get3A_398 = arith.index_cast %mul3A_396 : i32 to index
      %get3A_399 = tpu.vector_load %arg9[%get3A_397, %get3A_398] {strides = array<i32>} : memref<26x128xi32, #tpu.memory_space<vmem>>, vector<16xi32>,
      %mul3A_400 = arith.constant 16 : i32
      %mul3A_401 = arith.muli %add3A_394, %mul3A_400 : i32
      %add3A_402 = vector.broadcast %mul3A_401 : i32 to vector<16xi32>
      %add3A_403 = arith.addi %iota3A, %add3A_402 : vector<16xi32>
      %gather3A = arith.constant 2 : i32
      %gather3A_404 = arith.constant 0 : i32
      %gather3A_405 = arith.constant 0 : i32
      %gather3A_406 = tpu.memref_slice %arg10[%gather3A, %gather3A_404, %gather3A_405] : memref<8x128x16xf32, #tpu.memory_space<vmem>> -> memref<1x128x16xf32, #tpu.memory_space<vmem>>
      %gather3A_407 = tpu.memref_squeeze %gather3A_406 : memref<1x128x16xf32, #tpu.memory_space<vmem>> -> memref<128x16xf32, #tpu.memory_space<vmem>>
      %gather3A_408 = tpu.vector_load_idx %gather3A_407[%add3A_403, %get3A_399] : memref<128x16xf32, #tpu.memory_space<vmem>>[vector<16xi32>, vector<16xi32>], vector<16xf32>,
      %mul3A_409 = arith.constant 16 : i32
      %mul3A_410 = arith.muli %add3A_394, %mul3A_409 : i32
      %add3A_411 = arith.constant 2304 : i32
      %add3A_412 = arith.addi %add3A_411, %mul3A_410 : i32
      %swap3A = arith.constant 16 : i32
      %swap3A_413 = arith.index_cast %swap3A : i32 to index
      %swap3A_414 = arith.index_cast %add3A_412 : i32 to index
      %swap3A_415 = tpu.vector_load %arg11[%swap3A_413, %swap3A_414] {strides = array<i32>} : memref<17x3328xf32, #tpu.memory_space<vmem>>, vector<16xf32>,
      tpu.vector_store %arg11[%swap3A_413, %swap3A_414], %gather3A_408 {strides = array<i32>} : memref<17x3328xf32, #tpu.memory_space<vmem>>, vector<16xf32>,
    }
    %scan3A_228 = arith.constant 8 : i32
    %dma_wait3A_229 = arith.constant 3 : i32
    %dma_wait3A_230 = arith.constant 3 : i32
    %dma_wait3A_231 = arith.constant 0 : i32
    %dma_wait3A_232 = arith.constant 0 : i32
    %dma_wait3A_233 = tpu.memref_slice %arg10[%dma_wait3A_229, %dma_wait3A_231, %dma_wait3A_232] : memref<8x128x16xf32, #tpu.memory_space<vmem>> -> memref<1x128x16xf32, #tpu.memory_space<vmem>>
    %dma_wait3A_234 = tpu.memref_squeeze %dma_wait3A_233 : memref<1x128x16xf32, #tpu.memory_space<vmem>> -> memref<128x16xf32, #tpu.memory_space<vmem>>
    %dma_wait3A_235 = arith.constant 0 : i32
    %dma_wait3A_236 = arith.constant 0 : i32
    %dma_wait3A_237 = tpu.memref_slice %arg3[%dma_wait3A_235, %dma_wait3A_236] : memref<162500x16xf32, #tpu.memory_space<hbm>> -> memref<128x16xf32, #tpu.memory_space<hbm>>
    %dma_wait3A_238 = tpu.memref_slice %arg12[%dma_wait3A_230] : memref<8x!tpu.dma_semaphore, #tpu.memory_space<semaphore_mem>> -> memref<1x!tpu.dma_semaphore, #tpu.memory_space<semaphore_mem>>
    %dma_wait3A_239 = tpu.memref_squeeze %dma_wait3A_238 : memref<1x!tpu.dma_semaphore, #tpu.memory_space<semaphore_mem>> -> memref<!tpu.dma_semaphore, #tpu.memory_space<semaphore_mem>>
    %dma_wait3A_240 = arith.constant 0 : i32
    %dma_wait3A_241 = arith.constant 0 : i32
    %dma_wait3A_242 = tpu.memref_slice %arg10[%dma_wait3A_229, %dma_wait3A_240, %dma_wait3A_241] : memref<8x128x16xf32, #tpu.memory_space<vmem>> -> memref<1x128x16xf32, #tpu.memory_space<vmem>>
    %dma_wait3A_243 = tpu.memref_squeeze %dma_wait3A_242 : memref<1x128x16xf32, #tpu.memory_space<vmem>> -> memref<128x16xf32, #tpu.memory_space<vmem>>
    %dma_wait3A_244 = arith.constant 0 : i32
    %dma_wait3A_245 = arith.constant 0 : i32
    %dma_wait3A_246 = tpu.memref_slice %arg3[%dma_wait3A_244, %dma_wait3A_245] : memref<162500x16xf32, #tpu.memory_space<hbm>> -> memref<128x16xf32, #tpu.memory_space<hbm>>
    tpu.wait_dma2 semaphore(%dma_wait3A_239 : memref<!tpu.dma_semaphore, #tpu.memory_space<semaphore_mem>>) src(%dma_wait3A_246 : memref<128x16xf32, #tpu.memory_space<hbm>>) dst(%dma_wait3A_243 : memref<128x16xf32, #tpu.memory_space<vmem>>)
    %scan3A_247 = arith.constant 0 : i32
    %scan3A_248 = arith.constant 8 : i32
    %scan3A_249 = arith.addi %scan3A_247, %scan3A_248 : i32
    %scan3A_250 = arith.constant 1 : i32
    scf.for %scan3A_390 = %scan3A_247 to %scan3A_249 step %scan3A_250  : i32 {
      %mul3A_391 = arith.constant 1 : i32
      %mul3A_392 = arith.muli %scan3A_390, %mul3A_391 : i32
      %add3A_393 = arith.constant 0 : i32
      %add3A_394 = arith.addi %add3A_393, %mul3A_392 : i32
      %mul3A_395 = arith.constant 16 : i32
      %mul3A_396 = arith.muli %add3A_394, %mul3A_395 : i32
      %get3A = arith.constant 19 : i32
      %get3A_397 = arith.index_cast %get3A : i32 to index
      %get3A_398 = arith.index_cast %mul3A_396 : i32 to index
      %get3A_399 = tpu.vector_load %arg9[%get3A_397, %get3A_398] {strides = array<i32>} : memref<26x128xi32, #tpu.memory_space<vmem>>, vector<16xi32>,
      %mul3A_400 = arith.constant 16 : i32
      %mul3A_401 = arith.muli %add3A_394, %mul3A_400 : i32
      %add3A_402 = vector.broadcast %mul3A_401 : i32 to vector<16xi32>
      %add3A_403 = arith.addi %iota3A, %add3A_402 : vector<16xi32>
      %gather3A = arith.constant 3 : i32
      %gather3A_404 = arith.constant 0 : i32
      %gather3A_405 = arith.constant 0 : i32
      %gather3A_406 = tpu.memref_slice %arg10[%gather3A, %gather3A_404, %gather3A_405] : memref<8x128x16xf32, #tpu.memory_space<vmem>> -> memref<1x128x16xf32, #tpu.memory_space<vmem>>
      %gather3A_407 = tpu.memref_squeeze %gather3A_406 : memref<1x128x16xf32, #tpu.memory_space<vmem>> -> memref<128x16xf32, #tpu.memory_space<vmem>>
      %gather3A_408 = tpu.vector_load_idx %gather3A_407[%add3A_403, %get3A_399] : memref<128x16xf32, #tpu.memory_space<vmem>>[vector<16xi32>, vector<16xi32>], vector<16xf32>,
      %mul3A_409 = arith.constant 16 : i32
      %mul3A_410 = arith.muli %add3A_394, %mul3A_409 : i32
      %add3A_411 = arith.constant 2432 : i32
      %add3A_412 = arith.addi %add3A_411, %mul3A_410 : i32
      %swap3A = arith.constant 16 : i32
      %swap3A_413 = arith.index_cast %swap3A : i32 to index
      %swap3A_414 = arith.index_cast %add3A_412 : i32 to index
      %swap3A_415 = tpu.vector_load %arg11[%swap3A_413, %swap3A_414] {strides = array<i32>} : memref<17x3328xf32, #tpu.memory_space<vmem>>, vector<16xf32>,
      tpu.vector_store %arg11[%swap3A_413, %swap3A_414], %gather3A_408 {strides = array<i32>} : memref<17x3328xf32, #tpu.memory_space<vmem>>, vector<16xf32>,
    }
    %scan3A_251 = arith.constant 8 : i32
    %dma_wait3A_252 = arith.constant 4 : i32
    %dma_wait3A_253 = arith.constant 4 : i32
    %dma_wait3A_254 = arith.constant 0 : i32
    %dma_wait3A_255 = arith.constant 0 : i32
    %dma_wait3A_256 = tpu.memref_slice %arg10[%dma_wait3A_252, %dma_wait3A_254, %dma_wait3A_255] : memref<8x128x16xf32, #tpu.memory_space<vmem>> -> memref<1x128x16xf32, #tpu.memory_space<vmem>>
    %dma_wait3A_257 = tpu.memref_squeeze %dma_wait3A_256 : memref<1x128x16xf32, #tpu.memory_space<vmem>> -> memref<128x16xf32, #tpu.memory_space<vmem>>
    %dma_wait3A_258 = arith.constant 0 : i32
    %dma_wait3A_259 = arith.constant 0 : i32
    %dma_wait3A_260 = tpu.memref_slice %arg3[%dma_wait3A_258, %dma_wait3A_259] : memref<162500x16xf32, #tpu.memory_space<hbm>> -> memref<128x16xf32, #tpu.memory_space<hbm>>
    %dma_wait3A_261 = tpu.memref_slice %arg12[%dma_wait3A_253] : memref<8x!tpu.dma_semaphore, #tpu.memory_space<semaphore_mem>> -> memref<1x!tpu.dma_semaphore, #tpu.memory_space<semaphore_mem>>
    %dma_wait3A_262 = tpu.memref_squeeze %dma_wait3A_261 : memref<1x!tpu.dma_semaphore, #tpu.memory_space<semaphore_mem>> -> memref<!tpu.dma_semaphore, #tpu.memory_space<semaphore_mem>>
    %dma_wait3A_263 = arith.constant 0 : i32
    %dma_wait3A_264 = arith.constant 0 : i32
    %dma_wait3A_265 = tpu.memref_slice %arg10[%dma_wait3A_252, %dma_wait3A_263, %dma_wait3A_264] : memref<8x128x16xf32, #tpu.memory_space<vmem>> -> memref<1x128x16xf32, #tpu.memory_space<vmem>>
    %dma_wait3A_266 = tpu.memref_squeeze %dma_wait3A_265 : memref<1x128x16xf32, #tpu.memory_space<vmem>> -> memref<128x16xf32, #tpu.memory_space<vmem>>
    %dma_wait3A_267 = arith.constant 0 : i32
    %dma_wait3A_268 = arith.constant 0 : i32
    %dma_wait3A_269 = tpu.memref_slice %arg3[%dma_wait3A_267, %dma_wait3A_268] : memref<162500x16xf32, #tpu.memory_space<hbm>> -> memref<128x16xf32, #tpu.memory_space<hbm>>
    tpu.wait_dma2 semaphore(%dma_wait3A_262 : memref<!tpu.dma_semaphore, #tpu.memory_space<semaphore_mem>>) src(%dma_wait3A_269 : memref<128x16xf32, #tpu.memory_space<hbm>>) dst(%dma_wait3A_266 : memref<128x16xf32, #tpu.memory_space<vmem>>)
    %scan3A_270 = arith.constant 0 : i32
    %scan3A_271 = arith.constant 8 : i32
    %scan3A_272 = arith.addi %scan3A_270, %scan3A_271 : i32
    %scan3A_273 = arith.constant 1 : i32
    scf.for %scan3A_390 = %scan3A_270 to %scan3A_272 step %scan3A_273  : i32 {
      %mul3A_391 = arith.constant 1 : i32
      %mul3A_392 = arith.muli %scan3A_390, %mul3A_391 : i32
      %add3A_393 = arith.constant 0 : i32
      %add3A_394 = arith.addi %add3A_393, %mul3A_392 : i32
      %mul3A_395 = arith.constant 16 : i32
      %mul3A_396 = arith.muli %add3A_394, %mul3A_395 : i32
      %get3A = arith.constant 20 : i32
      %get3A_397 = arith.index_cast %get3A : i32 to index
      %get3A_398 = arith.index_cast %mul3A_396 : i32 to index
      %get3A_399 = tpu.vector_load %arg9[%get3A_397, %get3A_398] {strides = array<i32>} : memref<26x128xi32, #tpu.memory_space<vmem>>, vector<16xi32>,
      %mul3A_400 = arith.constant 16 : i32
      %mul3A_401 = arith.muli %add3A_394, %mul3A_400 : i32
      %add3A_402 = vector.broadcast %mul3A_401 : i32 to vector<16xi32>
      %add3A_403 = arith.addi %iota3A, %add3A_402 : vector<16xi32>
      %gather3A = arith.constant 4 : i32
      %gather3A_404 = arith.constant 0 : i32
      %gather3A_405 = arith.constant 0 : i32
      %gather3A_406 = tpu.memref_slice %arg10[%gather3A, %gather3A_404, %gather3A_405] : memref<8x128x16xf32, #tpu.memory_space<vmem>> -> memref<1x128x16xf32, #tpu.memory_space<vmem>>
      %gather3A_407 = tpu.memref_squeeze %gather3A_406 : memref<1x128x16xf32, #tpu.memory_space<vmem>> -> memref<128x16xf32, #tpu.memory_space<vmem>>
      %gather3A_408 = tpu.vector_load_idx %gather3A_407[%add3A_403, %get3A_399] : memref<128x16xf32, #tpu.memory_space<vmem>>[vector<16xi32>, vector<16xi32>], vector<16xf32>,
      %mul3A_409 = arith.constant 16 : i32
      %mul3A_410 = arith.muli %add3A_394, %mul3A_409 : i32
      %add3A_411 = arith.constant 2560 : i32
      %add3A_412 = arith.addi %add3A_411, %mul3A_410 : i32
      %swap3A = arith.constant 16 : i32
      %swap3A_413 = arith.index_cast %swap3A : i32 to index
      %swap3A_414 = arith.index_cast %add3A_412 : i32 to index
      %swap3A_415 = tpu.vector_load %arg11[%swap3A_413, %swap3A_414] {strides = array<i32>} : memref<17x3328xf32, #tpu.memory_space<vmem>>, vector<16xf32>,
      tpu.vector_store %arg11[%swap3A_413, %swap3A_414], %gather3A_408 {strides = array<i32>} : memref<17x3328xf32, #tpu.memory_space<vmem>>, vector<16xf32>,
    }
    %scan3A_274 = arith.constant 8 : i32
    %dma_wait3A_275 = arith.constant 5 : i32
    %dma_wait3A_276 = arith.constant 5 : i32
    %dma_wait3A_277 = arith.constant 0 : i32
    %dma_wait3A_278 = arith.constant 0 : i32
    %dma_wait3A_279 = tpu.memref_slice %arg10[%dma_wait3A_275, %dma_wait3A_277, %dma_wait3A_278] : memref<8x128x16xf32, #tpu.memory_space<vmem>> -> memref<1x128x16xf32, #tpu.memory_space<vmem>>
    %dma_wait3A_280 = tpu.memref_squeeze %dma_wait3A_279 : memref<1x128x16xf32, #tpu.memory_space<vmem>> -> memref<128x16xf32, #tpu.memory_space<vmem>>
    %dma_wait3A_281 = arith.constant 0 : i32
    %dma_wait3A_282 = arith.constant 0 : i32
    %dma_wait3A_283 = tpu.memref_slice %arg3[%dma_wait3A_281, %dma_wait3A_282] : memref<162500x16xf32, #tpu.memory_space<hbm>> -> memref<128x16xf32, #tpu.memory_space<hbm>>
    %dma_wait3A_284 = tpu.memref_slice %arg12[%dma_wait3A_276] : memref<8x!tpu.dma_semaphore, #tpu.memory_space<semaphore_mem>> -> memref<1x!tpu.dma_semaphore, #tpu.memory_space<semaphore_mem>>
    %dma_wait3A_285 = tpu.memref_squeeze %dma_wait3A_284 : memref<1x!tpu.dma_semaphore, #tpu.memory_space<semaphore_mem>> -> memref<!tpu.dma_semaphore, #tpu.memory_space<semaphore_mem>>
    %dma_wait3A_286 = arith.constant 0 : i32
    %dma_wait3A_287 = arith.constant 0 : i32
    %dma_wait3A_288 = tpu.memref_slice %arg10[%dma_wait3A_275, %dma_wait3A_286, %dma_wait3A_287] : memref<8x128x16xf32, #tpu.memory_space<vmem>> -> memref<1x128x16xf32, #tpu.memory_space<vmem>>
    %dma_wait3A_289 = tpu.memref_squeeze %dma_wait3A_288 : memref<1x128x16xf32, #tpu.memory_space<vmem>> -> memref<128x16xf32, #tpu.memory_space<vmem>>
    %dma_wait3A_290 = arith.constant 0 : i32
    %dma_wait3A_291 = arith.constant 0 : i32
    %dma_wait3A_292 = tpu.memref_slice %arg3[%dma_wait3A_290, %dma_wait3A_291] : memref<162500x16xf32, #tpu.memory_space<hbm>> -> memref<128x16xf32, #tpu.memory_space<hbm>>
    tpu.wait_dma2 semaphore(%dma_wait3A_285 : memref<!tpu.dma_semaphore, #tpu.memory_space<semaphore_mem>>) src(%dma_wait3A_292 : memref<128x16xf32, #tpu.memory_space<hbm>>) dst(%dma_wait3A_289 : memref<128x16xf32, #tpu.memory_space<vmem>>)
    %scan3A_293 = arith.constant 0 : i32
    %scan3A_294 = arith.constant 8 : i32
    %scan3A_295 = arith.addi %scan3A_293, %scan3A_294 : i32
    %scan3A_296 = arith.constant 1 : i32
    scf.for %scan3A_390 = %scan3A_293 to %scan3A_295 step %scan3A_296  : i32 {
      %mul3A_391 = arith.constant 1 : i32
      %mul3A_392 = arith.muli %scan3A_390, %mul3A_391 : i32
      %add3A_393 = arith.constant 0 : i32
      %add3A_394 = arith.addi %add3A_393, %mul3A_392 : i32
      %mul3A_395 = arith.constant 16 : i32
      %mul3A_396 = arith.muli %add3A_394, %mul3A_395 : i32
      %get3A = arith.constant 21 : i32
      %get3A_397 = arith.index_cast %get3A : i32 to index
      %get3A_398 = arith.index_cast %mul3A_396 : i32 to index
      %get3A_399 = tpu.vector_load %arg9[%get3A_397, %get3A_398] {strides = array<i32>} : memref<26x128xi32, #tpu.memory_space<vmem>>, vector<16xi32>,
      %mul3A_400 = arith.constant 16 : i32
      %mul3A_401 = arith.muli %add3A_394, %mul3A_400 : i32
      %add3A_402 = vector.broadcast %mul3A_401 : i32 to vector<16xi32>
      %add3A_403 = arith.addi %iota3A, %add3A_402 : vector<16xi32>
      %gather3A = arith.constant 5 : i32
      %gather3A_404 = arith.constant 0 : i32
      %gather3A_405 = arith.constant 0 : i32
      %gather3A_406 = tpu.memref_slice %arg10[%gather3A, %gather3A_404, %gather3A_405] : memref<8x128x16xf32, #tpu.memory_space<vmem>> -> memref<1x128x16xf32, #tpu.memory_space<vmem>>
      %gather3A_407 = tpu.memref_squeeze %gather3A_406 : memref<1x128x16xf32, #tpu.memory_space<vmem>> -> memref<128x16xf32, #tpu.memory_space<vmem>>
      %gather3A_408 = tpu.vector_load_idx %gather3A_407[%add3A_403, %get3A_399] : memref<128x16xf32, #tpu.memory_space<vmem>>[vector<16xi32>, vector<16xi32>], vector<16xf32>,
      %mul3A_409 = arith.constant 16 : i32
      %mul3A_410 = arith.muli %add3A_394, %mul3A_409 : i32
      %add3A_411 = arith.constant 2688 : i32
      %add3A_412 = arith.addi %add3A_411, %mul3A_410 : i32
      %swap3A = arith.constant 16 : i32
      %swap3A_413 = arith.index_cast %swap3A : i32 to index
      %swap3A_414 = arith.index_cast %add3A_412 : i32 to index
      %swap3A_415 = tpu.vector_load %arg11[%swap3A_413, %swap3A_414] {strides = array<i32>} : memref<17x3328xf32, #tpu.memory_space<vmem>>, vector<16xf32>,
      tpu.vector_store %arg11[%swap3A_413, %swap3A_414], %gather3A_408 {strides = array<i32>} : memref<17x3328xf32, #tpu.memory_space<vmem>>, vector<16xf32>,
    }
    %scan3A_297 = arith.constant 8 : i32
    %dma_wait3A_298 = arith.constant 6 : i32
    %dma_wait3A_299 = arith.constant 6 : i32
    %dma_wait3A_300 = arith.constant 0 : i32
    %dma_wait3A_301 = arith.constant 0 : i32
    %dma_wait3A_302 = tpu.memref_slice %arg10[%dma_wait3A_298, %dma_wait3A_300, %dma_wait3A_301] : memref<8x128x16xf32, #tpu.memory_space<vmem>> -> memref<1x128x16xf32, #tpu.memory_space<vmem>>
    %dma_wait3A_303 = tpu.memref_squeeze %dma_wait3A_302 : memref<1x128x16xf32, #tpu.memory_space<vmem>> -> memref<128x16xf32, #tpu.memory_space<vmem>>
    %dma_wait3A_304 = arith.constant 0 : i32
    %dma_wait3A_305 = arith.constant 0 : i32
    %dma_wait3A_306 = tpu.memref_slice %arg3[%dma_wait3A_304, %dma_wait3A_305] : memref<162500x16xf32, #tpu.memory_space<hbm>> -> memref<128x16xf32, #tpu.memory_space<hbm>>
    %dma_wait3A_307 = tpu.memref_slice %arg12[%dma_wait3A_299] : memref<8x!tpu.dma_semaphore, #tpu.memory_space<semaphore_mem>> -> memref<1x!tpu.dma_semaphore, #tpu.memory_space<semaphore_mem>>
    %dma_wait3A_308 = tpu.memref_squeeze %dma_wait3A_307 : memref<1x!tpu.dma_semaphore, #tpu.memory_space<semaphore_mem>> -> memref<!tpu.dma_semaphore, #tpu.memory_space<semaphore_mem>>
    %dma_wait3A_309 = arith.constant 0 : i32
    %dma_wait3A_310 = arith.constant 0 : i32
    %dma_wait3A_311 = tpu.memref_slice %arg10[%dma_wait3A_298, %dma_wait3A_309, %dma_wait3A_310] : memref<8x128x16xf32, #tpu.memory_space<vmem>> -> memref<1x128x16xf32, #tpu.memory_space<vmem>>
    %dma_wait3A_312 = tpu.memref_squeeze %dma_wait3A_311 : memref<1x128x16xf32, #tpu.memory_space<vmem>> -> memref<128x16xf32, #tpu.memory_space<vmem>>
    %dma_wait3A_313 = arith.constant 0 : i32
    %dma_wait3A_314 = arith.constant 0 : i32
    %dma_wait3A_315 = tpu.memref_slice %arg3[%dma_wait3A_313, %dma_wait3A_314] : memref<162500x16xf32, #tpu.memory_space<hbm>> -> memref<128x16xf32, #tpu.memory_space<hbm>>
    tpu.wait_dma2 semaphore(%dma_wait3A_308 : memref<!tpu.dma_semaphore, #tpu.memory_space<semaphore_mem>>) src(%dma_wait3A_315 : memref<128x16xf32, #tpu.memory_space<hbm>>) dst(%dma_wait3A_312 : memref<128x16xf32, #tpu.memory_space<vmem>>)
    %scan3A_316 = arith.constant 0 : i32
    %scan3A_317 = arith.constant 8 : i32
    %scan3A_318 = arith.addi %scan3A_316, %scan3A_317 : i32
    %scan3A_319 = arith.constant 1 : i32
    scf.for %scan3A_390 = %scan3A_316 to %scan3A_318 step %scan3A_319  : i32 {
      %mul3A_391 = arith.constant 1 : i32
      %mul3A_392 = arith.muli %scan3A_390, %mul3A_391 : i32
      %add3A_393 = arith.constant 0 : i32
      %add3A_394 = arith.addi %add3A_393, %mul3A_392 : i32
      %mul3A_395 = arith.constant 16 : i32
      %mul3A_396 = arith.muli %add3A_394, %mul3A_395 : i32
      %get3A = arith.constant 22 : i32
      %get3A_397 = arith.index_cast %get3A : i32 to index
      %get3A_398 = arith.index_cast %mul3A_396 : i32 to index
      %get3A_399 = tpu.vector_load %arg9[%get3A_397, %get3A_398] {strides = array<i32>} : memref<26x128xi32, #tpu.memory_space<vmem>>, vector<16xi32>,
      %mul3A_400 = arith.constant 16 : i32
      %mul3A_401 = arith.muli %add3A_394, %mul3A_400 : i32
      %add3A_402 = vector.broadcast %mul3A_401 : i32 to vector<16xi32>
      %add3A_403 = arith.addi %iota3A, %add3A_402 : vector<16xi32>
      %gather3A = arith.constant 6 : i32
      %gather3A_404 = arith.constant 0 : i32
      %gather3A_405 = arith.constant 0 : i32
      %gather3A_406 = tpu.memref_slice %arg10[%gather3A, %gather3A_404, %gather3A_405] : memref<8x128x16xf32, #tpu.memory_space<vmem>> -> memref<1x128x16xf32, #tpu.memory_space<vmem>>
      %gather3A_407 = tpu.memref_squeeze %gather3A_406 : memref<1x128x16xf32, #tpu.memory_space<vmem>> -> memref<128x16xf32, #tpu.memory_space<vmem>>
      %gather3A_408 = tpu.vector_load_idx %gather3A_407[%add3A_403, %get3A_399] : memref<128x16xf32, #tpu.memory_space<vmem>>[vector<16xi32>, vector<16xi32>], vector<16xf32>,
      %mul3A_409 = arith.constant 16 : i32
      %mul3A_410 = arith.muli %add3A_394, %mul3A_409 : i32
      %add3A_411 = arith.constant 2816 : i32
      %add3A_412 = arith.addi %add3A_411, %mul3A_410 : i32
      %swap3A = arith.constant 16 : i32
      %swap3A_413 = arith.index_cast %swap3A : i32 to index
      %swap3A_414 = arith.index_cast %add3A_412 : i32 to index
      %swap3A_415 = tpu.vector_load %arg11[%swap3A_413, %swap3A_414] {strides = array<i32>} : memref<17x3328xf32, #tpu.memory_space<vmem>>, vector<16xf32>,
      tpu.vector_store %arg11[%swap3A_413, %swap3A_414], %gather3A_408 {strides = array<i32>} : memref<17x3328xf32, #tpu.memory_space<vmem>>, vector<16xf32>,
    }
    %scan3A_320 = arith.constant 8 : i32
    %dma_wait3A_321 = arith.constant 7 : i32
    %dma_wait3A_322 = arith.constant 7 : i32
    %dma_wait3A_323 = arith.constant 0 : i32
    %dma_wait3A_324 = arith.constant 0 : i32
    %dma_wait3A_325 = tpu.memref_slice %arg10[%dma_wait3A_321, %dma_wait3A_323, %dma_wait3A_324] : memref<8x128x16xf32, #tpu.memory_space<vmem>> -> memref<1x128x16xf32, #tpu.memory_space<vmem>>
    %dma_wait3A_326 = tpu.memref_squeeze %dma_wait3A_325 : memref<1x128x16xf32, #tpu.memory_space<vmem>> -> memref<128x16xf32, #tpu.memory_space<vmem>>
    %dma_wait3A_327 = arith.constant 0 : i32
    %dma_wait3A_328 = arith.constant 0 : i32
    %dma_wait3A_329 = tpu.memref_slice %arg3[%dma_wait3A_327, %dma_wait3A_328] : memref<162500x16xf32, #tpu.memory_space<hbm>> -> memref<128x16xf32, #tpu.memory_space<hbm>>
    %dma_wait3A_330 = tpu.memref_slice %arg12[%dma_wait3A_322] : memref<8x!tpu.dma_semaphore, #tpu.memory_space<semaphore_mem>> -> memref<1x!tpu.dma_semaphore, #tpu.memory_space<semaphore_mem>>
    %dma_wait3A_331 = tpu.memref_squeeze %dma_wait3A_330 : memref<1x!tpu.dma_semaphore, #tpu.memory_space<semaphore_mem>> -> memref<!tpu.dma_semaphore, #tpu.memory_space<semaphore_mem>>
    %dma_wait3A_332 = arith.constant 0 : i32
    %dma_wait3A_333 = arith.constant 0 : i32
    %dma_wait3A_334 = tpu.memref_slice %arg10[%dma_wait3A_321, %dma_wait3A_332, %dma_wait3A_333] : memref<8x128x16xf32, #tpu.memory_space<vmem>> -> memref<1x128x16xf32, #tpu.memory_space<vmem>>
    %dma_wait3A_335 = tpu.memref_squeeze %dma_wait3A_334 : memref<1x128x16xf32, #tpu.memory_space<vmem>> -> memref<128x16xf32, #tpu.memory_space<vmem>>
    %dma_wait3A_336 = arith.constant 0 : i32
    %dma_wait3A_337 = arith.constant 0 : i32
    %dma_wait3A_338 = tpu.memref_slice %arg3[%dma_wait3A_336, %dma_wait3A_337] : memref<162500x16xf32, #tpu.memory_space<hbm>> -> memref<128x16xf32, #tpu.memory_space<hbm>>
    tpu.wait_dma2 semaphore(%dma_wait3A_331 : memref<!tpu.dma_semaphore, #tpu.memory_space<semaphore_mem>>) src(%dma_wait3A_338 : memref<128x16xf32, #tpu.memory_space<hbm>>) dst(%dma_wait3A_335 : memref<128x16xf32, #tpu.memory_space<vmem>>)
    %scan3A_339 = arith.constant 0 : i32
    %scan3A_340 = arith.constant 8 : i32
    %scan3A_341 = arith.addi %scan3A_339, %scan3A_340 : i32
    %scan3A_342 = arith.constant 1 : i32
    scf.for %scan3A_390 = %scan3A_339 to %scan3A_341 step %scan3A_342  : i32 {
      %mul3A_391 = arith.constant 1 : i32
      %mul3A_392 = arith.muli %scan3A_390, %mul3A_391 : i32
      %add3A_393 = arith.constant 0 : i32
      %add3A_394 = arith.addi %add3A_393, %mul3A_392 : i32
      %mul3A_395 = arith.constant 16 : i32
      %mul3A_396 = arith.muli %add3A_394, %mul3A_395 : i32
      %get3A = arith.constant 23 : i32
      %get3A_397 = arith.index_cast %get3A : i32 to index
      %get3A_398 = arith.index_cast %mul3A_396 : i32 to index
      %get3A_399 = tpu.vector_load %arg9[%get3A_397, %get3A_398] {strides = array<i32>} : memref<26x128xi32, #tpu.memory_space<vmem>>, vector<16xi32>,
      %mul3A_400 = arith.constant 16 : i32
      %mul3A_401 = arith.muli %add3A_394, %mul3A_400 : i32
      %add3A_402 = vector.broadcast %mul3A_401 : i32 to vector<16xi32>
      %add3A_403 = arith.addi %iota3A, %add3A_402 : vector<16xi32>
      %gather3A = arith.constant 7 : i32
      %gather3A_404 = arith.constant 0 : i32
      %gather3A_405 = arith.constant 0 : i32
      %gather3A_406 = tpu.memref_slice %arg10[%gather3A, %gather3A_404, %gather3A_405] : memref<8x128x16xf32, #tpu.memory_space<vmem>> -> memref<1x128x16xf32, #tpu.memory_space<vmem>>
      %gather3A_407 = tpu.memref_squeeze %gather3A_406 : memref<1x128x16xf32, #tpu.memory_space<vmem>> -> memref<128x16xf32, #tpu.memory_space<vmem>>
      %gather3A_408 = tpu.vector_load_idx %gather3A_407[%add3A_403, %get3A_399] : memref<128x16xf32, #tpu.memory_space<vmem>>[vector<16xi32>, vector<16xi32>], vector<16xf32>,
      %mul3A_409 = arith.constant 16 : i32
      %mul3A_410 = arith.muli %add3A_394, %mul3A_409 : i32
      %add3A_411 = arith.constant 2944 : i32
      %add3A_412 = arith.addi %add3A_411, %mul3A_410 : i32
      %swap3A = arith.constant 16 : i32
      %swap3A_413 = arith.index_cast %swap3A : i32 to index
      %swap3A_414 = arith.index_cast %add3A_412 : i32 to index
      %swap3A_415 = tpu.vector_load %arg11[%swap3A_413, %swap3A_414] {strides = array<i32>} : memref<17x3328xf32, #tpu.memory_space<vmem>>, vector<16xf32>,
      tpu.vector_store %arg11[%swap3A_413, %swap3A_414], %gather3A_408 {strides = array<i32>} : memref<17x3328xf32, #tpu.memory_space<vmem>>, vector<16xf32>,
    }
    %scan3A_343 = arith.constant 8 : i32
    %dma_wait3A_344 = arith.constant 0 : i32
    %dma_wait3A_345 = arith.constant 0 : i32
    %dma_wait3A_346 = arith.constant 0 : i32
    %dma_wait3A_347 = arith.constant 0 : i32
    %dma_wait3A_348 = tpu.memref_slice %arg10[%dma_wait3A_344, %dma_wait3A_346, %dma_wait3A_347] : memref<8x128x16xf32, #tpu.memory_space<vmem>> -> memref<1x128x16xf32, #tpu.memory_space<vmem>>
    %dma_wait3A_349 = tpu.memref_squeeze %dma_wait3A_348 : memref<1x128x16xf32, #tpu.memory_space<vmem>> -> memref<128x16xf32, #tpu.memory_space<vmem>>
    %dma_wait3A_350 = arith.constant 0 : i32
    %dma_wait3A_351 = arith.constant 0 : i32
    %dma_wait3A_352 = tpu.memref_slice %arg3[%dma_wait3A_350, %dma_wait3A_351] : memref<162500x16xf32, #tpu.memory_space<hbm>> -> memref<128x16xf32, #tpu.memory_space<hbm>>
    %dma_wait3A_353 = tpu.memref_slice %arg12[%dma_wait3A_345] : memref<8x!tpu.dma_semaphore, #tpu.memory_space<semaphore_mem>> -> memref<1x!tpu.dma_semaphore, #tpu.memory_space<semaphore_mem>>
    %dma_wait3A_354 = tpu.memref_squeeze %dma_wait3A_353 : memref<1x!tpu.dma_semaphore, #tpu.memory_space<semaphore_mem>> -> memref<!tpu.dma_semaphore, #tpu.memory_space<semaphore_mem>>
    %dma_wait3A_355 = arith.constant 0 : i32
    %dma_wait3A_356 = arith.constant 0 : i32
    %dma_wait3A_357 = tpu.memref_slice %arg10[%dma_wait3A_344, %dma_wait3A_355, %dma_wait3A_356] : memref<8x128x16xf32, #tpu.memory_space<vmem>> -> memref<1x128x16xf32, #tpu.memory_space<vmem>>
    %dma_wait3A_358 = tpu.memref_squeeze %dma_wait3A_357 : memref<1x128x16xf32, #tpu.memory_space<vmem>> -> memref<128x16xf32, #tpu.memory_space<vmem>>
    %dma_wait3A_359 = arith.constant 0 : i32
    %dma_wait3A_360 = arith.constant 0 : i32
    %dma_wait3A_361 = tpu.memref_slice %arg3[%dma_wait3A_359, %dma_wait3A_360] : memref<162500x16xf32, #tpu.memory_space<hbm>> -> memref<128x16xf32, #tpu.memory_space<hbm>>
    tpu.wait_dma2 semaphore(%dma_wait3A_354 : memref<!tpu.dma_semaphore, #tpu.memory_space<semaphore_mem>>) src(%dma_wait3A_361 : memref<128x16xf32, #tpu.memory_space<hbm>>) dst(%dma_wait3A_358 : memref<128x16xf32, #tpu.memory_space<vmem>>)
    %scan3A_362 = arith.constant 0 : i32
    %scan3A_363 = arith.constant 8 : i32
    %scan3A_364 = arith.addi %scan3A_362, %scan3A_363 : i32
    %scan3A_365 = arith.constant 1 : i32
    scf.for %scan3A_390 = %scan3A_362 to %scan3A_364 step %scan3A_365  : i32 {
      %mul3A_391 = arith.constant 1 : i32
      %mul3A_392 = arith.muli %scan3A_390, %mul3A_391 : i32
      %add3A_393 = arith.constant 0 : i32
      %add3A_394 = arith.addi %add3A_393, %mul3A_392 : i32
      %mul3A_395 = arith.constant 16 : i32
      %mul3A_396 = arith.muli %add3A_394, %mul3A_395 : i32
      %get3A = arith.constant 24 : i32
      %get3A_397 = arith.index_cast %get3A : i32 to index
      %get3A_398 = arith.index_cast %mul3A_396 : i32 to index
      %get3A_399 = tpu.vector_load %arg9[%get3A_397, %get3A_398] {strides = array<i32>} : memref<26x128xi32, #tpu.memory_space<vmem>>, vector<16xi32>,
      %mul3A_400 = arith.constant 16 : i32
      %mul3A_401 = arith.muli %add3A_394, %mul3A_400 : i32
      %add3A_402 = vector.broadcast %mul3A_401 : i32 to vector<16xi32>
      %add3A_403 = arith.addi %iota3A, %add3A_402 : vector<16xi32>
      %gather3A = arith.constant 0 : i32
      %gather3A_404 = arith.constant 0 : i32
      %gather3A_405 = arith.constant 0 : i32
      %gather3A_406 = tpu.memref_slice %arg10[%gather3A, %gather3A_404, %gather3A_405] : memref<8x128x16xf32, #tpu.memory_space<vmem>> -> memref<1x128x16xf32, #tpu.memory_space<vmem>>
      %gather3A_407 = tpu.memref_squeeze %gather3A_406 : memref<1x128x16xf32, #tpu.memory_space<vmem>> -> memref<128x16xf32, #tpu.memory_space<vmem>>
      %gather3A_408 = tpu.vector_load_idx %gather3A_407[%add3A_403, %get3A_399] : memref<128x16xf32, #tpu.memory_space<vmem>>[vector<16xi32>, vector<16xi32>], vector<16xf32>,
      %mul3A_409 = arith.constant 16 : i32
      %mul3A_410 = arith.muli %add3A_394, %mul3A_409 : i32
      %add3A_411 = arith.constant 3072 : i32
      %add3A_412 = arith.addi %add3A_411, %mul3A_410 : i32
      %swap3A = arith.constant 16 : i32
      %swap3A_413 = arith.index_cast %swap3A : i32 to index
      %swap3A_414 = arith.index_cast %add3A_412 : i32 to index
      %swap3A_415 = tpu.vector_load %arg11[%swap3A_413, %swap3A_414] {strides = array<i32>} : memref<17x3328xf32, #tpu.memory_space<vmem>>, vector<16xf32>,
      tpu.vector_store %arg11[%swap3A_413, %swap3A_414], %gather3A_408 {strides = array<i32>} : memref<17x3328xf32, #tpu.memory_space<vmem>>, vector<16xf32>,
    }
    %scan3A_366 = arith.constant 8 : i32
    %dma_wait3A_367 = arith.constant 1 : i32
    %dma_wait3A_368 = arith.constant 1 : i32
    %dma_wait3A_369 = arith.constant 0 : i32
    %dma_wait3A_370 = arith.constant 0 : i32
    %dma_wait3A_371 = tpu.memref_slice %arg10[%dma_wait3A_367, %dma_wait3A_369, %dma_wait3A_370] : memref<8x128x16xf32, #tpu.memory_space<vmem>> -> memref<1x128x16xf32, #tpu.memory_space<vmem>>
    %dma_wait3A_372 = tpu.memref_squeeze %dma_wait3A_371 : memref<1x128x16xf32, #tpu.memory_space<vmem>> -> memref<128x16xf32, #tpu.memory_space<vmem>>
    %dma_wait3A_373 = arith.constant 0 : i32
    %dma_wait3A_374 = arith.constant 0 : i32
    %dma_wait3A_375 = tpu.memref_slice %arg3[%dma_wait3A_373, %dma_wait3A_374] : memref<162500x16xf32, #tpu.memory_space<hbm>> -> memref<128x16xf32, #tpu.memory_space<hbm>>
    %dma_wait3A_376 = tpu.memref_slice %arg12[%dma_wait3A_368] : memref<8x!tpu.dma_semaphore, #tpu.memory_space<semaphore_mem>> -> memref<1x!tpu.dma_semaphore, #tpu.memory_space<semaphore_mem>>
    %dma_wait3A_377 = tpu.memref_squeeze %dma_wait3A_376 : memref<1x!tpu.dma_semaphore, #tpu.memory_space<semaphore_mem>> -> memref<!tpu.dma_semaphore, #tpu.memory_space<semaphore_mem>>
    %dma_wait3A_378 = arith.constant 0 : i32
    %dma_wait3A_379 = arith.constant 0 : i32
    %dma_wait3A_380 = tpu.memref_slice %arg10[%dma_wait3A_367, %dma_wait3A_378, %dma_wait3A_379] : memref<8x128x16xf32, #tpu.memory_space<vmem>> -> memref<1x128x16xf32, #tpu.memory_space<vmem>>
    %dma_wait3A_381 = tpu.memref_squeeze %dma_wait3A_380 : memref<1x128x16xf32, #tpu.memory_space<vmem>> -> memref<128x16xf32, #tpu.memory_space<vmem>>
    %dma_wait3A_382 = arith.constant 0 : i32
    %dma_wait3A_383 = arith.constant 0 : i32
    %dma_wait3A_384 = tpu.memref_slice %arg3[%dma_wait3A_382, %dma_wait3A_383] : memref<162500x16xf32, #tpu.memory_space<hbm>> -> memref<128x16xf32, #tpu.memory_space<hbm>>
    tpu.wait_dma2 semaphore(%dma_wait3A_377 : memref<!tpu.dma_semaphore, #tpu.memory_space<semaphore_mem>>) src(%dma_wait3A_384 : memref<128x16xf32, #tpu.memory_space<hbm>>) dst(%dma_wait3A_381 : memref<128x16xf32, #tpu.memory_space<vmem>>)
    %scan3A_385 = arith.constant 0 : i32
    %scan3A_386 = arith.constant 8 : i32
    %scan3A_387 = arith.addi %scan3A_385, %scan3A_386 : i32
    %scan3A_388 = arith.constant 1 : i32
    scf.for %scan3A_390 = %scan3A_385 to %scan3A_387 step %scan3A_388  : i32 {
      %mul3A_391 = arith.constant 1 : i32
      %mul3A_392 = arith.muli %scan3A_390, %mul3A_391 : i32
      %add3A_393 = arith.constant 0 : i32
      %add3A_394 = arith.addi %add3A_393, %mul3A_392 : i32
      %mul3A_395 = arith.constant 16 : i32
      %mul3A_396 = arith.muli %add3A_394, %mul3A_395 : i32
      %get3A = arith.constant 25 : i32
      %get3A_397 = arith.index_cast %get3A : i32 to index
      %get3A_398 = arith.index_cast %mul3A_396 : i32 to index
      %get3A_399 = tpu.vector_load %arg9[%get3A_397, %get3A_398] {strides = array<i32>} : memref<26x128xi32, #tpu.memory_space<vmem>>, vector<16xi32>,
      %mul3A_400 = arith.constant 16 : i32
      %mul3A_401 = arith.muli %add3A_394, %mul3A_400 : i32
      %add3A_402 = vector.broadcast %mul3A_401 : i32 to vector<16xi32>
      %add3A_403 = arith.addi %iota3A, %add3A_402 : vector<16xi32>
      %gather3A = arith.constant 1 : i32
      %gather3A_404 = arith.constant 0 : i32
      %gather3A_405 = arith.constant 0 : i32
      %gather3A_406 = tpu.memref_slice %arg10[%gather3A, %gather3A_404, %gather3A_405] : memref<8x128x16xf32, #tpu.memory_space<vmem>> -> memref<1x128x16xf32, #tpu.memory_space<vmem>>
      %gather3A_407 = tpu.memref_squeeze %gather3A_406 : memref<1x128x16xf32, #tpu.memory_space<vmem>> -> memref<128x16xf32, #tpu.memory_space<vmem>>
      %gather3A_408 = tpu.vector_load_idx %gather3A_407[%add3A_403, %get3A_399] : memref<128x16xf32, #tpu.memory_space<vmem>>[vector<16xi32>, vector<16xi32>], vector<16xf32>,
      %mul3A_409 = arith.constant 16 : i32
      %mul3A_410 = arith.muli %add3A_394, %mul3A_409 : i32
      %add3A_411 = arith.constant 3200 : i32
      %add3A_412 = arith.addi %add3A_411, %mul3A_410 : i32
      %swap3A = arith.constant 16 : i32
      %swap3A_413 = arith.index_cast %swap3A : i32 to index
      %swap3A_414 = arith.index_cast %add3A_412 : i32 to index
      %swap3A_415 = tpu.vector_load %arg11[%swap3A_413, %swap3A_414] {strides = array<i32>} : memref<17x3328xf32, #tpu.memory_space<vmem>>, vector<16xf32>,
      tpu.vector_store %arg11[%swap3A_413, %swap3A_414], %gather3A_408 {strides = array<i32>} : memref<17x3328xf32, #tpu.memory_space<vmem>>, vector<16xf32>,
    }
    %scan3A_389 = arith.constant 8 : i32
    "tpu.region"() ({
      %run_scoped3A_390 = tpu.sem_alloc : memref<!tpu.dma_semaphore, #tpu.memory_space<semaphore_mem>>
      %dma_start3A_391 = arith.constant 0 : i32
      %dma_start3A_392 = arith.constant 0 : i32
      %dma_start3A_393 = tpu.memref_slice %arg11[%dma_start3A_391, %dma_start3A_392] : memref<17x3328xf32, #tpu.memory_space<vmem>> -> memref<16x3328xf32, #tpu.memory_space<vmem>>
      %dma_start3A_394 = arith.constant 0 : i32
      %dma_start3A_395 = tpu.memref_slice %arg6[%dma_start3A_394, %mul3A_2] : memref<16x106496xf32, #tpu.memory_space<hbm>> -> memref<16x3328xf32, #tpu.memory_space<hbm>>
      %dma_start3A_396 = arith.constant 0 : i32
      %dma_start3A_397 = tpu.memref_slice %arg6[%dma_start3A_396, %mul3A_2] : memref<16x106496xf32, #tpu.memory_space<hbm>> -> memref<16x3328xf32, #tpu.memory_space<hbm>>
      %dma_start3A_398 = arith.constant 0 : i32
      %dma_start3A_399 = arith.constant 0 : i32
      %dma_start3A_400 = tpu.memref_slice %arg11[%dma_start3A_398, %dma_start3A_399] : memref<17x3328xf32, #tpu.memory_space<vmem>> -> memref<16x3328xf32, #tpu.memory_space<vmem>>
      tpu.enqueue_dma source(%dma_start3A_400 : memref<16x3328xf32, #tpu.memory_space<vmem>>) target(%dma_start3A_397 : memref<16x3328xf32, #tpu.memory_space<hbm>>) target_semaphore(%run_scoped3A_390 : memref<!tpu.dma_semaphore, #tpu.memory_space<semaphore_mem>>)
      %dma_wait3A_401 = arith.constant 0 : i32
      %dma_wait3A_402 = arith.constant 0 : i32
      %dma_wait3A_403 = tpu.memref_slice %arg11[%dma_wait3A_401, %dma_wait3A_402] : memref<17x3328xf32, #tpu.memory_space<vmem>> -> memref<16x3328xf32, #tpu.memory_space<vmem>>
      %dma_wait3A_404 = arith.constant 0 : i32
      %dma_wait3A_405 = tpu.memref_slice %arg6[%dma_wait3A_404, %mul3A_2] : memref<16x106496xf32, #tpu.memory_space<hbm>> -> memref<16x3328xf32, #tpu.memory_space<hbm>>
      %dma_wait3A_406 = arith.constant 0 : i32
      %dma_wait3A_407 = tpu.memref_slice %arg6[%dma_wait3A_406, %mul3A_2] : memref<16x106496xf32, #tpu.memory_space<hbm>> -> memref<16x3328xf32, #tpu.memory_space<hbm>>
      %dma_wait3A_408 = arith.constant 0 : i32
      %dma_wait3A_409 = arith.constant 0 : i32
      %dma_wait3A_410 = tpu.memref_slice %arg11[%dma_wait3A_408, %dma_wait3A_409] : memref<17x3328xf32, #tpu.memory_space<vmem>> -> memref<16x3328xf32, #tpu.memory_space<vmem>>
      tpu.wait_dma2 semaphore(%run_scoped3A_390 : memref<!tpu.dma_semaphore, #tpu.memory_space<semaphore_mem>>) src(%dma_wait3A_410 : memref<16x3328xf32, #tpu.memory_space<vmem>>) dst(%dma_wait3A_407 : memref<16x3328xf32, #tpu.memory_space<hbm>>)
      tpu.yield
    }) : () -> ()
    %run_scoped3A = arith.constant 16 : i32
    "tpu.region"() ({
      %run_scoped3A_390 = tpu.sem_alloc : memref<!tpu.dma_semaphore, #tpu.memory_space<semaphore_mem>>
      %dma_start3A_391 = arith.constant 0 : i32
      %dma_start3A_392 = tpu.memref_slice %arg11[%run_scoped3A, %dma_start3A_391] : memref<17x3328xf32, #tpu.memory_space<vmem>> -> memref<1x3328xf32, #tpu.memory_space<vmem>>
      %dma_start3A_393 = tpu.memref_squeeze %dma_start3A_392 : memref<1x3328xf32, #tpu.memory_space<vmem>> -> memref<3328xf32, #tpu.memory_space<vmem>>
      %dma_start3A_394 = tpu.memref_slice %arg7[%mul3A_2] : memref<106496xf32, #tpu.memory_space<hbm>> -> memref<3328xf32, #tpu.memory_space<hbm>>
      %dma_start3A_395 = tpu.memref_slice %arg7[%mul3A_2] : memref<106496xf32, #tpu.memory_space<hbm>> -> memref<3328xf32, #tpu.memory_space<hbm>>
      %dma_start3A_396 = arith.constant 0 : i32
      %dma_start3A_397 = tpu.memref_slice %arg11[%run_scoped3A, %dma_start3A_396] : memref<17x3328xf32, #tpu.memory_space<vmem>> -> memref<1x3328xf32, #tpu.memory_space<vmem>>
      %dma_start3A_398 = tpu.memref_squeeze %dma_start3A_397 : memref<1x3328xf32, #tpu.memory_space<vmem>> -> memref<3328xf32, #tpu.memory_space<vmem>>
      tpu.enqueue_dma source(%dma_start3A_398 : memref<3328xf32, #tpu.memory_space<vmem>>) target(%dma_start3A_395 : memref<3328xf32, #tpu.memory_space<hbm>>) target_semaphore(%run_scoped3A_390 : memref<!tpu.dma_semaphore, #tpu.memory_space<semaphore_mem>>)
      %dma_wait3A_399 = arith.constant 0 : i32
      %dma_wait3A_400 = tpu.memref_slice %arg11[%run_scoped3A, %dma_wait3A_399] : memref<17x3328xf32, #tpu.memory_space<vmem>> -> memref<1x3328xf32, #tpu.memory_space<vmem>>
      %dma_wait3A_401 = tpu.memref_squeeze %dma_wait3A_400 : memref<1x3328xf32, #tpu.memory_space<vmem>> -> memref<3328xf32, #tpu.memory_space<vmem>>
      %dma_wait3A_402 = tpu.memref_slice %arg7[%mul3A_2] : memref<106496xf32, #tpu.memory_space<hbm>> -> memref<3328xf32, #tpu.memory_space<hbm>>
      %dma_wait3A_403 = tpu.memref_slice %arg7[%mul3A_2] : memref<106496xf32, #tpu.memory_space<hbm>> -> memref<3328xf32, #tpu.memory_space<hbm>>
      %dma_wait3A_404 = arith.constant 0 : i32
      %dma_wait3A_405 = tpu.memref_slice %arg11[%run_scoped3A, %dma_wait3A_404] : memref<17x3328xf32, #tpu.memory_space<vmem>> -> memref<1x3328xf32, #tpu.memory_space<vmem>>
      %dma_wait3A_406 = tpu.memref_squeeze %dma_wait3A_405 : memref<1x3328xf32, #tpu.memory_space<vmem>> -> memref<3328xf32, #tpu.memory_space<vmem>>
      tpu.wait_dma2 semaphore(%run_scoped3A_390 : memref<!tpu.dma_semaphore, #tpu.memory_space<semaphore_mem>>) src(%dma_wait3A_406 : memref<3328xf32, #tpu.memory_space<vmem>>) dst(%dma_wait3A_403 : memref<3328xf32, #tpu.memory_space<hbm>>)
      tpu.yield
    }) : () -> ()
    return
  }
}

module attributes {stable_mosaic.version = 14 : i64} {
  func.func @_detile_body(%arg0: i32, %arg1: memref<16x65536xf32, #tpu.memory_space<vmem>>, %arg2: memref<41601024xf32, #tpu.memory_space<any>>, %arg3: memref<!tpu.dma_semaphore, #tpu.memory_space<semaphore_mem>>) attributes {dimension_semantics = [#tpu.dimension_semantics<arbitrary>], iteration_bounds = array<i64: 40>, scalar_prefetch = 0 : i64, scratch_operands = 1 : i64, tpu.core_type = #tpu.core_type<tc>, window_params = [{transform_indices = @transform_0, window_bounds = array<i64: 16, 65536>}, {}]} {
    %lt3A = arith.constant 39 : i32
    %lt3A_0 = arith.cmpi slt, %arg0, %lt3A : i32
    %convert_element_type3A = arith.extui %lt3A_0 : i1 to i32
    %cond3A = arith.constant 0 : i32
    %cond3A_1 = arith.cmpi ne, %convert_element_type3A, %cond3A : i32
    scf.if %cond3A_1 {
      %mul3A = arith.constant 65536 : i32
      %mul3A_6 = arith.muli %arg0, %mul3A : i32
      %add3A = arith.constant 0 : i32
      %add3A_7 = arith.addi %add3A, %mul3A_6 : i32
      %dma_start3A = arith.constant 0 : i32
      %dma_start3A_8 = tpu.memref_slice %arg2[%add3A_7] : memref<41601024xf32, #tpu.memory_space<any>> -> memref<65536xf32, #tpu.memory_space<any>>
      %dma_start3A_9 = arith.constant 0 : i32
      %dma_start3A_10 = tpu.memref_slice %arg1[%dma_start3A, %dma_start3A_9] : memref<16x65536xf32, #tpu.memory_space<vmem>> -> memref<1x65536xf32, #tpu.memory_space<vmem>>
      %dma_start3A_11 = tpu.memref_squeeze %dma_start3A_10 : memref<1x65536xf32, #tpu.memory_space<vmem>> -> memref<65536xf32, #tpu.memory_space<vmem>>
      tpu.enqueue_dma source(%dma_start3A_11 : memref<65536xf32, #tpu.memory_space<vmem>>) target(%dma_start3A_8 : memref<65536xf32, #tpu.memory_space<any>>) target_semaphore(%arg3 : memref<!tpu.dma_semaphore, #tpu.memory_space<semaphore_mem>>)
      %mul3A_12 = arith.constant 65536 : i32
      %mul3A_13 = arith.muli %arg0, %mul3A_12 : i32
      %add3A_14 = arith.constant 2600064 : i32
      %add3A_15 = arith.addi %add3A_14, %mul3A_13 : i32
      %dma_start3A_16 = arith.constant 1 : i32
      %dma_start3A_17 = tpu.memref_slice %arg2[%add3A_15] : memref<41601024xf32, #tpu.memory_space<any>> -> memref<65536xf32, #tpu.memory_space<any>>
      %dma_start3A_18 = arith.constant 0 : i32
      %dma_start3A_19 = tpu.memref_slice %arg1[%dma_start3A_16, %dma_start3A_18] : memref<16x65536xf32, #tpu.memory_space<vmem>> -> memref<1x65536xf32, #tpu.memory_space<vmem>>
      %dma_start3A_20 = tpu.memref_squeeze %dma_start3A_19 : memref<1x65536xf32, #tpu.memory_space<vmem>> -> memref<65536xf32, #tpu.memory_space<vmem>>
      tpu.enqueue_dma source(%dma_start3A_20 : memref<65536xf32, #tpu.memory_space<vmem>>) target(%dma_start3A_17 : memref<65536xf32, #tpu.memory_space<any>>) target_semaphore(%arg3 : memref<!tpu.dma_semaphore, #tpu.memory_space<semaphore_mem>>)
      %mul3A_21 = arith.constant 65536 : i32
      %mul3A_22 = arith.muli %arg0, %mul3A_21 : i32
      %add3A_23 = arith.constant 5200128 : i32
      %add3A_24 = arith.addi %add3A_23, %mul3A_22 : i32
      %dma_start3A_25 = arith.constant 2 : i32
      %dma_start3A_26 = tpu.memref_slice %arg2[%add3A_24] : memref<41601024xf32, #tpu.memory_space<any>> -> memref<65536xf32, #tpu.memory_space<any>>
      %dma_start3A_27 = arith.constant 0 : i32
      %dma_start3A_28 = tpu.memref_slice %arg1[%dma_start3A_25, %dma_start3A_27] : memref<16x65536xf32, #tpu.memory_space<vmem>> -> memref<1x65536xf32, #tpu.memory_space<vmem>>
      %dma_start3A_29 = tpu.memref_squeeze %dma_start3A_28 : memref<1x65536xf32, #tpu.memory_space<vmem>> -> memref<65536xf32, #tpu.memory_space<vmem>>
      tpu.enqueue_dma source(%dma_start3A_29 : memref<65536xf32, #tpu.memory_space<vmem>>) target(%dma_start3A_26 : memref<65536xf32, #tpu.memory_space<any>>) target_semaphore(%arg3 : memref<!tpu.dma_semaphore, #tpu.memory_space<semaphore_mem>>)
      %mul3A_30 = arith.constant 65536 : i32
      %mul3A_31 = arith.muli %arg0, %mul3A_30 : i32
      %add3A_32 = arith.constant 7800192 : i32
      %add3A_33 = arith.addi %add3A_32, %mul3A_31 : i32
      %dma_start3A_34 = arith.constant 3 : i32
      %dma_start3A_35 = tpu.memref_slice %arg2[%add3A_33] : memref<41601024xf32, #tpu.memory_space<any>> -> memref<65536xf32, #tpu.memory_space<any>>
      %dma_start3A_36 = arith.constant 0 : i32
      %dma_start3A_37 = tpu.memref_slice %arg1[%dma_start3A_34, %dma_start3A_36] : memref<16x65536xf32, #tpu.memory_space<vmem>> -> memref<1x65536xf32, #tpu.memory_space<vmem>>
      %dma_start3A_38 = tpu.memref_squeeze %dma_start3A_37 : memref<1x65536xf32, #tpu.memory_space<vmem>> -> memref<65536xf32, #tpu.memory_space<vmem>>
      tpu.enqueue_dma source(%dma_start3A_38 : memref<65536xf32, #tpu.memory_space<vmem>>) target(%dma_start3A_35 : memref<65536xf32, #tpu.memory_space<any>>) target_semaphore(%arg3 : memref<!tpu.dma_semaphore, #tpu.memory_space<semaphore_mem>>)
      %mul3A_39 = arith.constant 65536 : i32
      %mul3A_40 = arith.muli %arg0, %mul3A_39 : i32
      %add3A_41 = arith.constant 10400256 : i32
      %add3A_42 = arith.addi %add3A_41, %mul3A_40 : i32
      %dma_start3A_43 = arith.constant 4 : i32
      %dma_start3A_44 = tpu.memref_slice %arg2[%add3A_42] : memref<41601024xf32, #tpu.memory_space<any>> -> memref<65536xf32, #tpu.memory_space<any>>
      %dma_start3A_45 = arith.constant 0 : i32
      %dma_start3A_46 = tpu.memref_slice %arg1[%dma_start3A_43, %dma_start3A_45] : memref<16x65536xf32, #tpu.memory_space<vmem>> -> memref<1x65536xf32, #tpu.memory_space<vmem>>
      %dma_start3A_47 = tpu.memref_squeeze %dma_start3A_46 : memref<1x65536xf32, #tpu.memory_space<vmem>> -> memref<65536xf32, #tpu.memory_space<vmem>>
      tpu.enqueue_dma source(%dma_start3A_47 : memref<65536xf32, #tpu.memory_space<vmem>>) target(%dma_start3A_44 : memref<65536xf32, #tpu.memory_space<any>>) target_semaphore(%arg3 : memref<!tpu.dma_semaphore, #tpu.memory_space<semaphore_mem>>)
      %mul3A_48 = arith.constant 65536 : i32
      %mul3A_49 = arith.muli %arg0, %mul3A_48 : i32
      %add3A_50 = arith.constant 13000320 : i32
      %add3A_51 = arith.addi %add3A_50, %mul3A_49 : i32
      %dma_start3A_52 = arith.constant 5 : i32
      %dma_start3A_53 = tpu.memref_slice %arg2[%add3A_51] : memref<41601024xf32, #tpu.memory_space<any>> -> memref<65536xf32, #tpu.memory_space<any>>
      %dma_start3A_54 = arith.constant 0 : i32
      %dma_start3A_55 = tpu.memref_slice %arg1[%dma_start3A_52, %dma_start3A_54] : memref<16x65536xf32, #tpu.memory_space<vmem>> -> memref<1x65536xf32, #tpu.memory_space<vmem>>
      %dma_start3A_56 = tpu.memref_squeeze %dma_start3A_55 : memref<1x65536xf32, #tpu.memory_space<vmem>> -> memref<65536xf32, #tpu.memory_space<vmem>>
      tpu.enqueue_dma source(%dma_start3A_56 : memref<65536xf32, #tpu.memory_space<vmem>>) target(%dma_start3A_53 : memref<65536xf32, #tpu.memory_space<any>>) target_semaphore(%arg3 : memref<!tpu.dma_semaphore, #tpu.memory_space<semaphore_mem>>)
      %mul3A_57 = arith.constant 65536 : i32
      %mul3A_58 = arith.muli %arg0, %mul3A_57 : i32
      %add3A_59 = arith.constant 15600384 : i32
      %add3A_60 = arith.addi %add3A_59, %mul3A_58 : i32
      %dma_start3A_61 = arith.constant 6 : i32
      %dma_start3A_62 = tpu.memref_slice %arg2[%add3A_60] : memref<41601024xf32, #tpu.memory_space<any>> -> memref<65536xf32, #tpu.memory_space<any>>
      %dma_start3A_63 = arith.constant 0 : i32
      %dma_start3A_64 = tpu.memref_slice %arg1[%dma_start3A_61, %dma_start3A_63] : memref<16x65536xf32, #tpu.memory_space<vmem>> -> memref<1x65536xf32, #tpu.memory_space<vmem>>
      %dma_start3A_65 = tpu.memref_squeeze %dma_start3A_64 : memref<1x65536xf32, #tpu.memory_space<vmem>> -> memref<65536xf32, #tpu.memory_space<vmem>>
      tpu.enqueue_dma source(%dma_start3A_65 : memref<65536xf32, #tpu.memory_space<vmem>>) target(%dma_start3A_62 : memref<65536xf32, #tpu.memory_space<any>>) target_semaphore(%arg3 : memref<!tpu.dma_semaphore, #tpu.memory_space<semaphore_mem>>)
      %mul3A_66 = arith.constant 65536 : i32
      %mul3A_67 = arith.muli %arg0, %mul3A_66 : i32
      %add3A_68 = arith.constant 18200448 : i32
      %add3A_69 = arith.addi %add3A_68, %mul3A_67 : i32
      %dma_start3A_70 = arith.constant 7 : i32
      %dma_start3A_71 = tpu.memref_slice %arg2[%add3A_69] : memref<41601024xf32, #tpu.memory_space<any>> -> memref<65536xf32, #tpu.memory_space<any>>
      %dma_start3A_72 = arith.constant 0 : i32
      %dma_start3A_73 = tpu.memref_slice %arg1[%dma_start3A_70, %dma_start3A_72] : memref<16x65536xf32, #tpu.memory_space<vmem>> -> memref<1x65536xf32, #tpu.memory_space<vmem>>
      %dma_start3A_74 = tpu.memref_squeeze %dma_start3A_73 : memref<1x65536xf32, #tpu.memory_space<vmem>> -> memref<65536xf32, #tpu.memory_space<vmem>>
      tpu.enqueue_dma source(%dma_start3A_74 : memref<65536xf32, #tpu.memory_space<vmem>>) target(%dma_start3A_71 : memref<65536xf32, #tpu.memory_space<any>>) target_semaphore(%arg3 : memref<!tpu.dma_semaphore, #tpu.memory_space<semaphore_mem>>)
      %mul3A_75 = arith.constant 65536 : i32
      %mul3A_76 = arith.muli %arg0, %mul3A_75 : i32
      %add3A_77 = arith.constant 20800512 : i32
      %add3A_78 = arith.addi %add3A_77, %mul3A_76 : i32
      %dma_start3A_79 = arith.constant 8 : i32
      %dma_start3A_80 = tpu.memref_slice %arg2[%add3A_78] : memref<41601024xf32, #tpu.memory_space<any>> -> memref<65536xf32, #tpu.memory_space<any>>
      %dma_start3A_81 = arith.constant 0 : i32
      %dma_start3A_82 = tpu.memref_slice %arg1[%dma_start3A_79, %dma_start3A_81] : memref<16x65536xf32, #tpu.memory_space<vmem>> -> memref<1x65536xf32, #tpu.memory_space<vmem>>
      %dma_start3A_83 = tpu.memref_squeeze %dma_start3A_82 : memref<1x65536xf32, #tpu.memory_space<vmem>> -> memref<65536xf32, #tpu.memory_space<vmem>>
      tpu.enqueue_dma source(%dma_start3A_83 : memref<65536xf32, #tpu.memory_space<vmem>>) target(%dma_start3A_80 : memref<65536xf32, #tpu.memory_space<any>>) target_semaphore(%arg3 : memref<!tpu.dma_semaphore, #tpu.memory_space<semaphore_mem>>)
      %mul3A_84 = arith.constant 65536 : i32
      %mul3A_85 = arith.muli %arg0, %mul3A_84 : i32
      %add3A_86 = arith.constant 23400576 : i32
      %add3A_87 = arith.addi %add3A_86, %mul3A_85 : i32
      %dma_start3A_88 = arith.constant 9 : i32
      %dma_start3A_89 = tpu.memref_slice %arg2[%add3A_87] : memref<41601024xf32, #tpu.memory_space<any>> -> memref<65536xf32, #tpu.memory_space<any>>
      %dma_start3A_90 = arith.constant 0 : i32
      %dma_start3A_91 = tpu.memref_slice %arg1[%dma_start3A_88, %dma_start3A_90] : memref<16x65536xf32, #tpu.memory_space<vmem>> -> memref<1x65536xf32, #tpu.memory_space<vmem>>
      %dma_start3A_92 = tpu.memref_squeeze %dma_start3A_91 : memref<1x65536xf32, #tpu.memory_space<vmem>> -> memref<65536xf32, #tpu.memory_space<vmem>>
      tpu.enqueue_dma source(%dma_start3A_92 : memref<65536xf32, #tpu.memory_space<vmem>>) target(%dma_start3A_89 : memref<65536xf32, #tpu.memory_space<any>>) target_semaphore(%arg3 : memref<!tpu.dma_semaphore, #tpu.memory_space<semaphore_mem>>)
      %mul3A_93 = arith.constant 65536 : i32
      %mul3A_94 = arith.muli %arg0, %mul3A_93 : i32
      %add3A_95 = arith.constant 26000640 : i32
      %add3A_96 = arith.addi %add3A_95, %mul3A_94 : i32
      %dma_start3A_97 = arith.constant 10 : i32
      %dma_start3A_98 = tpu.memref_slice %arg2[%add3A_96] : memref<41601024xf32, #tpu.memory_space<any>> -> memref<65536xf32, #tpu.memory_space<any>>
      %dma_start3A_99 = arith.constant 0 : i32
      %dma_start3A_100 = tpu.memref_slice %arg1[%dma_start3A_97, %dma_start3A_99] : memref<16x65536xf32, #tpu.memory_space<vmem>> -> memref<1x65536xf32, #tpu.memory_space<vmem>>
      %dma_start3A_101 = tpu.memref_squeeze %dma_start3A_100 : memref<1x65536xf32, #tpu.memory_space<vmem>> -> memref<65536xf32, #tpu.memory_space<vmem>>
      tpu.enqueue_dma source(%dma_start3A_101 : memref<65536xf32, #tpu.memory_space<vmem>>) target(%dma_start3A_98 : memref<65536xf32, #tpu.memory_space<any>>) target_semaphore(%arg3 : memref<!tpu.dma_semaphore, #tpu.memory_space<semaphore_mem>>)
      %mul3A_102 = arith.constant 65536 : i32
      %mul3A_103 = arith.muli %arg0, %mul3A_102 : i32
      %add3A_104 = arith.constant 28600704 : i32
      %add3A_105 = arith.addi %add3A_104, %mul3A_103 : i32
      %dma_start3A_106 = arith.constant 11 : i32
      %dma_start3A_107 = tpu.memref_slice %arg2[%add3A_105] : memref<41601024xf32, #tpu.memory_space<any>> -> memref<65536xf32, #tpu.memory_space<any>>
      %dma_start3A_108 = arith.constant 0 : i32
      %dma_start3A_109 = tpu.memref_slice %arg1[%dma_start3A_106, %dma_start3A_108] : memref<16x65536xf32, #tpu.memory_space<vmem>> -> memref<1x65536xf32, #tpu.memory_space<vmem>>
      %dma_start3A_110 = tpu.memref_squeeze %dma_start3A_109 : memref<1x65536xf32, #tpu.memory_space<vmem>> -> memref<65536xf32, #tpu.memory_space<vmem>>
      tpu.enqueue_dma source(%dma_start3A_110 : memref<65536xf32, #tpu.memory_space<vmem>>) target(%dma_start3A_107 : memref<65536xf32, #tpu.memory_space<any>>) target_semaphore(%arg3 : memref<!tpu.dma_semaphore, #tpu.memory_space<semaphore_mem>>)
      %mul3A_111 = arith.constant 65536 : i32
      %mul3A_112 = arith.muli %arg0, %mul3A_111 : i32
      %add3A_113 = arith.constant 31200768 : i32
      %add3A_114 = arith.addi %add3A_113, %mul3A_112 : i32
      %dma_start3A_115 = arith.constant 12 : i32
      %dma_start3A_116 = tpu.memref_slice %arg2[%add3A_114] : memref<41601024xf32, #tpu.memory_space<any>> -> memref<65536xf32, #tpu.memory_space<any>>
      %dma_start3A_117 = arith.constant 0 : i32
      %dma_start3A_118 = tpu.memref_slice %arg1[%dma_start3A_115, %dma_start3A_117] : memref<16x65536xf32, #tpu.memory_space<vmem>> -> memref<1x65536xf32, #tpu.memory_space<vmem>>
      %dma_start3A_119 = tpu.memref_squeeze %dma_start3A_118 : memref<1x65536xf32, #tpu.memory_space<vmem>> -> memref<65536xf32, #tpu.memory_space<vmem>>
      tpu.enqueue_dma source(%dma_start3A_119 : memref<65536xf32, #tpu.memory_space<vmem>>) target(%dma_start3A_116 : memref<65536xf32, #tpu.memory_space<any>>) target_semaphore(%arg3 : memref<!tpu.dma_semaphore, #tpu.memory_space<semaphore_mem>>)
      %mul3A_120 = arith.constant 65536 : i32
      %mul3A_121 = arith.muli %arg0, %mul3A_120 : i32
      %add3A_122 = arith.constant 33800832 : i32
      %add3A_123 = arith.addi %add3A_122, %mul3A_121 : i32
      %dma_start3A_124 = arith.constant 13 : i32
      %dma_start3A_125 = tpu.memref_slice %arg2[%add3A_123] : memref<41601024xf32, #tpu.memory_space<any>> -> memref<65536xf32, #tpu.memory_space<any>>
      %dma_start3A_126 = arith.constant 0 : i32
      %dma_start3A_127 = tpu.memref_slice %arg1[%dma_start3A_124, %dma_start3A_126] : memref<16x65536xf32, #tpu.memory_space<vmem>> -> memref<1x65536xf32, #tpu.memory_space<vmem>>
      %dma_start3A_128 = tpu.memref_squeeze %dma_start3A_127 : memref<1x65536xf32, #tpu.memory_space<vmem>> -> memref<65536xf32, #tpu.memory_space<vmem>>
      tpu.enqueue_dma source(%dma_start3A_128 : memref<65536xf32, #tpu.memory_space<vmem>>) target(%dma_start3A_125 : memref<65536xf32, #tpu.memory_space<any>>) target_semaphore(%arg3 : memref<!tpu.dma_semaphore, #tpu.memory_space<semaphore_mem>>)
      %mul3A_129 = arith.constant 65536 : i32
      %mul3A_130 = arith.muli %arg0, %mul3A_129 : i32
      %add3A_131 = arith.constant 36400896 : i32
      %add3A_132 = arith.addi %add3A_131, %mul3A_130 : i32
      %dma_start3A_133 = arith.constant 14 : i32
      %dma_start3A_134 = tpu.memref_slice %arg2[%add3A_132] : memref<41601024xf32, #tpu.memory_space<any>> -> memref<65536xf32, #tpu.memory_space<any>>
      %dma_start3A_135 = arith.constant 0 : i32
      %dma_start3A_136 = tpu.memref_slice %arg1[%dma_start3A_133, %dma_start3A_135] : memref<16x65536xf32, #tpu.memory_space<vmem>> -> memref<1x65536xf32, #tpu.memory_space<vmem>>
      %dma_start3A_137 = tpu.memref_squeeze %dma_start3A_136 : memref<1x65536xf32, #tpu.memory_space<vmem>> -> memref<65536xf32, #tpu.memory_space<vmem>>
      tpu.enqueue_dma source(%dma_start3A_137 : memref<65536xf32, #tpu.memory_space<vmem>>) target(%dma_start3A_134 : memref<65536xf32, #tpu.memory_space<any>>) target_semaphore(%arg3 : memref<!tpu.dma_semaphore, #tpu.memory_space<semaphore_mem>>)
      %mul3A_138 = arith.constant 65536 : i32
      %mul3A_139 = arith.muli %arg0, %mul3A_138 : i32
      %add3A_140 = arith.constant 39000960 : i32
      %add3A_141 = arith.addi %add3A_140, %mul3A_139 : i32
      %dma_start3A_142 = arith.constant 15 : i32
      %dma_start3A_143 = tpu.memref_slice %arg2[%add3A_141] : memref<41601024xf32, #tpu.memory_space<any>> -> memref<65536xf32, #tpu.memory_space<any>>
      %dma_start3A_144 = arith.constant 0 : i32
      %dma_start3A_145 = tpu.memref_slice %arg1[%dma_start3A_142, %dma_start3A_144] : memref<16x65536xf32, #tpu.memory_space<vmem>> -> memref<1x65536xf32, #tpu.memory_space<vmem>>
      %dma_start3A_146 = tpu.memref_squeeze %dma_start3A_145 : memref<1x65536xf32, #tpu.memory_space<vmem>> -> memref<65536xf32, #tpu.memory_space<vmem>>
      tpu.enqueue_dma source(%dma_start3A_146 : memref<65536xf32, #tpu.memory_space<vmem>>) target(%dma_start3A_143 : memref<65536xf32, #tpu.memory_space<any>>) target_semaphore(%arg3 : memref<!tpu.dma_semaphore, #tpu.memory_space<semaphore_mem>>)
      %dma_wait3A = arith.constant 0 : i32
      %dma_wait3A_147 = arith.constant 0 : i32
      %dma_wait3A_148 = tpu.memref_slice %arg2[%dma_wait3A_147] : memref<41601024xf32, #tpu.memory_space<any>> -> memref<65536xf32, #tpu.memory_space<any>>
      %dma_wait3A_149 = arith.constant 0 : i32
      %dma_wait3A_150 = tpu.memref_slice %arg1[%dma_wait3A, %dma_wait3A_149] : memref<16x65536xf32, #tpu.memory_space<vmem>> -> memref<1x65536xf32, #tpu.memory_space<vmem>>
      %dma_wait3A_151 = tpu.memref_squeeze %dma_wait3A_150 : memref<1x65536xf32, #tpu.memory_space<vmem>> -> memref<65536xf32, #tpu.memory_space<vmem>>
      tpu.wait_dma2 semaphore(%arg3 : memref<!tpu.dma_semaphore, #tpu.memory_space<semaphore_mem>>) src(%dma_wait3A_151 : memref<65536xf32, #tpu.memory_space<vmem>>) dst(%dma_wait3A_148 : memref<65536xf32, #tpu.memory_space<any>>)
      %dma_wait3A_152 = arith.constant 1 : i32
      %dma_wait3A_153 = arith.constant 0 : i32
      %dma_wait3A_154 = tpu.memref_slice %arg2[%dma_wait3A_153] : memref<41601024xf32, #tpu.memory_space<any>> -> memref<65536xf32, #tpu.memory_space<any>>
      %dma_wait3A_155 = arith.constant 0 : i32
      %dma_wait3A_156 = tpu.memref_slice %arg1[%dma_wait3A_152, %dma_wait3A_155] : memref<16x65536xf32, #tpu.memory_space<vmem>> -> memref<1x65536xf32, #tpu.memory_space<vmem>>
      %dma_wait3A_157 = tpu.memref_squeeze %dma_wait3A_156 : memref<1x65536xf32, #tpu.memory_space<vmem>> -> memref<65536xf32, #tpu.memory_space<vmem>>
      tpu.wait_dma2 semaphore(%arg3 : memref<!tpu.dma_semaphore, #tpu.memory_space<semaphore_mem>>) src(%dma_wait3A_157 : memref<65536xf32, #tpu.memory_space<vmem>>) dst(%dma_wait3A_154 : memref<65536xf32, #tpu.memory_space<any>>)
      %dma_wait3A_158 = arith.constant 2 : i32
      %dma_wait3A_159 = arith.constant 0 : i32
      %dma_wait3A_160 = tpu.memref_slice %arg2[%dma_wait3A_159] : memref<41601024xf32, #tpu.memory_space<any>> -> memref<65536xf32, #tpu.memory_space<any>>
      %dma_wait3A_161 = arith.constant 0 : i32
      %dma_wait3A_162 = tpu.memref_slice %arg1[%dma_wait3A_158, %dma_wait3A_161] : memref<16x65536xf32, #tpu.memory_space<vmem>> -> memref<1x65536xf32, #tpu.memory_space<vmem>>
      %dma_wait3A_163 = tpu.memref_squeeze %dma_wait3A_162 : memref<1x65536xf32, #tpu.memory_space<vmem>> -> memref<65536xf32, #tpu.memory_space<vmem>>
      tpu.wait_dma2 semaphore(%arg3 : memref<!tpu.dma_semaphore, #tpu.memory_space<semaphore_mem>>) src(%dma_wait3A_163 : memref<65536xf32, #tpu.memory_space<vmem>>) dst(%dma_wait3A_160 : memref<65536xf32, #tpu.memory_space<any>>)
      %dma_wait3A_164 = arith.constant 3 : i32
      %dma_wait3A_165 = arith.constant 0 : i32
      %dma_wait3A_166 = tpu.memref_slice %arg2[%dma_wait3A_165] : memref<41601024xf32, #tpu.memory_space<any>> -> memref<65536xf32, #tpu.memory_space<any>>
      %dma_wait3A_167 = arith.constant 0 : i32
      %dma_wait3A_168 = tpu.memref_slice %arg1[%dma_wait3A_164, %dma_wait3A_167] : memref<16x65536xf32, #tpu.memory_space<vmem>> -> memref<1x65536xf32, #tpu.memory_space<vmem>>
      %dma_wait3A_169 = tpu.memref_squeeze %dma_wait3A_168 : memref<1x65536xf32, #tpu.memory_space<vmem>> -> memref<65536xf32, #tpu.memory_space<vmem>>
      tpu.wait_dma2 semaphore(%arg3 : memref<!tpu.dma_semaphore, #tpu.memory_space<semaphore_mem>>) src(%dma_wait3A_169 : memref<65536xf32, #tpu.memory_space<vmem>>) dst(%dma_wait3A_166 : memref<65536xf32, #tpu.memory_space<any>>)
      %dma_wait3A_170 = arith.constant 4 : i32
      %dma_wait3A_171 = arith.constant 0 : i32
      %dma_wait3A_172 = tpu.memref_slice %arg2[%dma_wait3A_171] : memref<41601024xf32, #tpu.memory_space<any>> -> memref<65536xf32, #tpu.memory_space<any>>
      %dma_wait3A_173 = arith.constant 0 : i32
      %dma_wait3A_174 = tpu.memref_slice %arg1[%dma_wait3A_170, %dma_wait3A_173] : memref<16x65536xf32, #tpu.memory_space<vmem>> -> memref<1x65536xf32, #tpu.memory_space<vmem>>
      %dma_wait3A_175 = tpu.memref_squeeze %dma_wait3A_174 : memref<1x65536xf32, #tpu.memory_space<vmem>> -> memref<65536xf32, #tpu.memory_space<vmem>>
      tpu.wait_dma2 semaphore(%arg3 : memref<!tpu.dma_semaphore, #tpu.memory_space<semaphore_mem>>) src(%dma_wait3A_175 : memref<65536xf32, #tpu.memory_space<vmem>>) dst(%dma_wait3A_172 : memref<65536xf32, #tpu.memory_space<any>>)
      %dma_wait3A_176 = arith.constant 5 : i32
      %dma_wait3A_177 = arith.constant 0 : i32
      %dma_wait3A_178 = tpu.memref_slice %arg2[%dma_wait3A_177] : memref<41601024xf32, #tpu.memory_space<any>> -> memref<65536xf32, #tpu.memory_space<any>>
      %dma_wait3A_179 = arith.constant 0 : i32
      %dma_wait3A_180 = tpu.memref_slice %arg1[%dma_wait3A_176, %dma_wait3A_179] : memref<16x65536xf32, #tpu.memory_space<vmem>> -> memref<1x65536xf32, #tpu.memory_space<vmem>>
      %dma_wait3A_181 = tpu.memref_squeeze %dma_wait3A_180 : memref<1x65536xf32, #tpu.memory_space<vmem>> -> memref<65536xf32, #tpu.memory_space<vmem>>
      tpu.wait_dma2 semaphore(%arg3 : memref<!tpu.dma_semaphore, #tpu.memory_space<semaphore_mem>>) src(%dma_wait3A_181 : memref<65536xf32, #tpu.memory_space<vmem>>) dst(%dma_wait3A_178 : memref<65536xf32, #tpu.memory_space<any>>)
      %dma_wait3A_182 = arith.constant 6 : i32
      %dma_wait3A_183 = arith.constant 0 : i32
      %dma_wait3A_184 = tpu.memref_slice %arg2[%dma_wait3A_183] : memref<41601024xf32, #tpu.memory_space<any>> -> memref<65536xf32, #tpu.memory_space<any>>
      %dma_wait3A_185 = arith.constant 0 : i32
      %dma_wait3A_186 = tpu.memref_slice %arg1[%dma_wait3A_182, %dma_wait3A_185] : memref<16x65536xf32, #tpu.memory_space<vmem>> -> memref<1x65536xf32, #tpu.memory_space<vmem>>
      %dma_wait3A_187 = tpu.memref_squeeze %dma_wait3A_186 : memref<1x65536xf32, #tpu.memory_space<vmem>> -> memref<65536xf32, #tpu.memory_space<vmem>>
      tpu.wait_dma2 semaphore(%arg3 : memref<!tpu.dma_semaphore, #tpu.memory_space<semaphore_mem>>) src(%dma_wait3A_187 : memref<65536xf32, #tpu.memory_space<vmem>>) dst(%dma_wait3A_184 : memref<65536xf32, #tpu.memory_space<any>>)
      %dma_wait3A_188 = arith.constant 7 : i32
      %dma_wait3A_189 = arith.constant 0 : i32
      %dma_wait3A_190 = tpu.memref_slice %arg2[%dma_wait3A_189] : memref<41601024xf32, #tpu.memory_space<any>> -> memref<65536xf32, #tpu.memory_space<any>>
      %dma_wait3A_191 = arith.constant 0 : i32
      %dma_wait3A_192 = tpu.memref_slice %arg1[%dma_wait3A_188, %dma_wait3A_191] : memref<16x65536xf32, #tpu.memory_space<vmem>> -> memref<1x65536xf32, #tpu.memory_space<vmem>>
      %dma_wait3A_193 = tpu.memref_squeeze %dma_wait3A_192 : memref<1x65536xf32, #tpu.memory_space<vmem>> -> memref<65536xf32, #tpu.memory_space<vmem>>
      tpu.wait_dma2 semaphore(%arg3 : memref<!tpu.dma_semaphore, #tpu.memory_space<semaphore_mem>>) src(%dma_wait3A_193 : memref<65536xf32, #tpu.memory_space<vmem>>) dst(%dma_wait3A_190 : memref<65536xf32, #tpu.memory_space<any>>)
      %dma_wait3A_194 = arith.constant 8 : i32
      %dma_wait3A_195 = arith.constant 0 : i32
      %dma_wait3A_196 = tpu.memref_slice %arg2[%dma_wait3A_195] : memref<41601024xf32, #tpu.memory_space<any>> -> memref<65536xf32, #tpu.memory_space<any>>
      %dma_wait3A_197 = arith.constant 0 : i32
      %dma_wait3A_198 = tpu.memref_slice %arg1[%dma_wait3A_194, %dma_wait3A_197] : memref<16x65536xf32, #tpu.memory_space<vmem>> -> memref<1x65536xf32, #tpu.memory_space<vmem>>
      %dma_wait3A_199 = tpu.memref_squeeze %dma_wait3A_198 : memref<1x65536xf32, #tpu.memory_space<vmem>> -> memref<65536xf32, #tpu.memory_space<vmem>>
      tpu.wait_dma2 semaphore(%arg3 : memref<!tpu.dma_semaphore, #tpu.memory_space<semaphore_mem>>) src(%dma_wait3A_199 : memref<65536xf32, #tpu.memory_space<vmem>>) dst(%dma_wait3A_196 : memref<65536xf32, #tpu.memory_space<any>>)
      %dma_wait3A_200 = arith.constant 9 : i32
      %dma_wait3A_201 = arith.constant 0 : i32
      %dma_wait3A_202 = tpu.memref_slice %arg2[%dma_wait3A_201] : memref<41601024xf32, #tpu.memory_space<any>> -> memref<65536xf32, #tpu.memory_space<any>>
      %dma_wait3A_203 = arith.constant 0 : i32
      %dma_wait3A_204 = tpu.memref_slice %arg1[%dma_wait3A_200, %dma_wait3A_203] : memref<16x65536xf32, #tpu.memory_space<vmem>> -> memref<1x65536xf32, #tpu.memory_space<vmem>>
      %dma_wait3A_205 = tpu.memref_squeeze %dma_wait3A_204 : memref<1x65536xf32, #tpu.memory_space<vmem>> -> memref<65536xf32, #tpu.memory_space<vmem>>
      tpu.wait_dma2 semaphore(%arg3 : memref<!tpu.dma_semaphore, #tpu.memory_space<semaphore_mem>>) src(%dma_wait3A_205 : memref<65536xf32, #tpu.memory_space<vmem>>) dst(%dma_wait3A_202 : memref<65536xf32, #tpu.memory_space<any>>)
      %dma_wait3A_206 = arith.constant 10 : i32
      %dma_wait3A_207 = arith.constant 0 : i32
      %dma_wait3A_208 = tpu.memref_slice %arg2[%dma_wait3A_207] : memref<41601024xf32, #tpu.memory_space<any>> -> memref<65536xf32, #tpu.memory_space<any>>
      %dma_wait3A_209 = arith.constant 0 : i32
      %dma_wait3A_210 = tpu.memref_slice %arg1[%dma_wait3A_206, %dma_wait3A_209] : memref<16x65536xf32, #tpu.memory_space<vmem>> -> memref<1x65536xf32, #tpu.memory_space<vmem>>
      %dma_wait3A_211 = tpu.memref_squeeze %dma_wait3A_210 : memref<1x65536xf32, #tpu.memory_space<vmem>> -> memref<65536xf32, #tpu.memory_space<vmem>>
      tpu.wait_dma2 semaphore(%arg3 : memref<!tpu.dma_semaphore, #tpu.memory_space<semaphore_mem>>) src(%dma_wait3A_211 : memref<65536xf32, #tpu.memory_space<vmem>>) dst(%dma_wait3A_208 : memref<65536xf32, #tpu.memory_space<any>>)
      %dma_wait3A_212 = arith.constant 11 : i32
      %dma_wait3A_213 = arith.constant 0 : i32
      %dma_wait3A_214 = tpu.memref_slice %arg2[%dma_wait3A_213] : memref<41601024xf32, #tpu.memory_space<any>> -> memref<65536xf32, #tpu.memory_space<any>>
      %dma_wait3A_215 = arith.constant 0 : i32
      %dma_wait3A_216 = tpu.memref_slice %arg1[%dma_wait3A_212, %dma_wait3A_215] : memref<16x65536xf32, #tpu.memory_space<vmem>> -> memref<1x65536xf32, #tpu.memory_space<vmem>>
      %dma_wait3A_217 = tpu.memref_squeeze %dma_wait3A_216 : memref<1x65536xf32, #tpu.memory_space<vmem>> -> memref<65536xf32, #tpu.memory_space<vmem>>
      tpu.wait_dma2 semaphore(%arg3 : memref<!tpu.dma_semaphore, #tpu.memory_space<semaphore_mem>>) src(%dma_wait3A_217 : memref<65536xf32, #tpu.memory_space<vmem>>) dst(%dma_wait3A_214 : memref<65536xf32, #tpu.memory_space<any>>)
      %dma_wait3A_218 = arith.constant 12 : i32
      %dma_wait3A_219 = arith.constant 0 : i32
      %dma_wait3A_220 = tpu.memref_slice %arg2[%dma_wait3A_219] : memref<41601024xf32, #tpu.memory_space<any>> -> memref<65536xf32, #tpu.memory_space<any>>
      %dma_wait3A_221 = arith.constant 0 : i32
      %dma_wait3A_222 = tpu.memref_slice %arg1[%dma_wait3A_218, %dma_wait3A_221] : memref<16x65536xf32, #tpu.memory_space<vmem>> -> memref<1x65536xf32, #tpu.memory_space<vmem>>
      %dma_wait3A_223 = tpu.memref_squeeze %dma_wait3A_222 : memref<1x65536xf32, #tpu.memory_space<vmem>> -> memref<65536xf32, #tpu.memory_space<vmem>>
      tpu.wait_dma2 semaphore(%arg3 : memref<!tpu.dma_semaphore, #tpu.memory_space<semaphore_mem>>) src(%dma_wait3A_223 : memref<65536xf32, #tpu.memory_space<vmem>>) dst(%dma_wait3A_220 : memref<65536xf32, #tpu.memory_space<any>>)
      %dma_wait3A_224 = arith.constant 13 : i32
      %dma_wait3A_225 = arith.constant 0 : i32
      %dma_wait3A_226 = tpu.memref_slice %arg2[%dma_wait3A_225] : memref<41601024xf32, #tpu.memory_space<any>> -> memref<65536xf32, #tpu.memory_space<any>>
      %dma_wait3A_227 = arith.constant 0 : i32
      %dma_wait3A_228 = tpu.memref_slice %arg1[%dma_wait3A_224, %dma_wait3A_227] : memref<16x65536xf32, #tpu.memory_space<vmem>> -> memref<1x65536xf32, #tpu.memory_space<vmem>>
      %dma_wait3A_229 = tpu.memref_squeeze %dma_wait3A_228 : memref<1x65536xf32, #tpu.memory_space<vmem>> -> memref<65536xf32, #tpu.memory_space<vmem>>
      tpu.wait_dma2 semaphore(%arg3 : memref<!tpu.dma_semaphore, #tpu.memory_space<semaphore_mem>>) src(%dma_wait3A_229 : memref<65536xf32, #tpu.memory_space<vmem>>) dst(%dma_wait3A_226 : memref<65536xf32, #tpu.memory_space<any>>)
      %dma_wait3A_230 = arith.constant 14 : i32
      %dma_wait3A_231 = arith.constant 0 : i32
      %dma_wait3A_232 = tpu.memref_slice %arg2[%dma_wait3A_231] : memref<41601024xf32, #tpu.memory_space<any>> -> memref<65536xf32, #tpu.memory_space<any>>
      %dma_wait3A_233 = arith.constant 0 : i32
      %dma_wait3A_234 = tpu.memref_slice %arg1[%dma_wait3A_230, %dma_wait3A_233] : memref<16x65536xf32, #tpu.memory_space<vmem>> -> memref<1x65536xf32, #tpu.memory_space<vmem>>
      %dma_wait3A_235 = tpu.memref_squeeze %dma_wait3A_234 : memref<1x65536xf32, #tpu.memory_space<vmem>> -> memref<65536xf32, #tpu.memory_space<vmem>>
      tpu.wait_dma2 semaphore(%arg3 : memref<!tpu.dma_semaphore, #tpu.memory_space<semaphore_mem>>) src(%dma_wait3A_235 : memref<65536xf32, #tpu.memory_space<vmem>>) dst(%dma_wait3A_232 : memref<65536xf32, #tpu.memory_space<any>>)
      %dma_wait3A_236 = arith.constant 15 : i32
      %dma_wait3A_237 = arith.constant 0 : i32
      %dma_wait3A_238 = tpu.memref_slice %arg2[%dma_wait3A_237] : memref<41601024xf32, #tpu.memory_space<any>> -> memref<65536xf32, #tpu.memory_space<any>>
      %dma_wait3A_239 = arith.constant 0 : i32
      %dma_wait3A_240 = tpu.memref_slice %arg1[%dma_wait3A_236, %dma_wait3A_239] : memref<16x65536xf32, #tpu.memory_space<vmem>> -> memref<1x65536xf32, #tpu.memory_space<vmem>>
      %dma_wait3A_241 = tpu.memref_squeeze %dma_wait3A_240 : memref<1x65536xf32, #tpu.memory_space<vmem>> -> memref<65536xf32, #tpu.memory_space<vmem>>
      tpu.wait_dma2 semaphore(%arg3 : memref<!tpu.dma_semaphore, #tpu.memory_space<semaphore_mem>>) src(%dma_wait3A_241 : memref<65536xf32, #tpu.memory_space<vmem>>) dst(%dma_wait3A_238 : memref<65536xf32, #tpu.memory_space<any>>)
    } else {
    }
    %eq3A = arith.constant 39 : i32
    %eq3A_2 = arith.cmpi eq, %arg0, %eq3A : i32
    %convert_element_type3A_3 = arith.extui %eq3A_2 : i1 to i32
    %cond3A_4 = arith.constant 0 : i32
    %cond3A_5 = arith.cmpi ne, %convert_element_type3A_3, %cond3A_4 : i32
    scf.if %cond3A_5 {
      %mul3A = arith.constant 65536 : i32
      %mul3A_6 = arith.muli %arg0, %mul3A : i32
      %add3A = arith.constant 0 : i32
      %add3A_7 = arith.addi %add3A, %mul3A_6 : i32
      %dma_start3A = arith.constant 0 : i32
      %dma_start3A_8 = tpu.memref_slice %arg2[%add3A_7] : memref<41601024xf32, #tpu.memory_space<any>> -> memref<44160xf32, #tpu.memory_space<any>>
      %dma_start3A_9 = arith.constant 0 : i32
      %dma_start3A_10 = tpu.memref_slice %arg1[%dma_start3A, %dma_start3A_9] : memref<16x65536xf32, #tpu.memory_space<vmem>> -> memref<1x44160xf32, #tpu.memory_space<vmem>>
      %dma_start3A_11 = tpu.memref_squeeze %dma_start3A_10 : memref<1x44160xf32, #tpu.memory_space<vmem>> -> memref<44160xf32, #tpu.memory_space<vmem>>
      tpu.enqueue_dma source(%dma_start3A_11 : memref<44160xf32, #tpu.memory_space<vmem>>) target(%dma_start3A_8 : memref<44160xf32, #tpu.memory_space<any>>) target_semaphore(%arg3 : memref<!tpu.dma_semaphore, #tpu.memory_space<semaphore_mem>>)
      %mul3A_12 = arith.constant 65536 : i32
      %mul3A_13 = arith.muli %arg0, %mul3A_12 : i32
      %add3A_14 = arith.constant 2600064 : i32
      %add3A_15 = arith.addi %add3A_14, %mul3A_13 : i32
      %dma_start3A_16 = arith.constant 1 : i32
      %dma_start3A_17 = tpu.memref_slice %arg2[%add3A_15] : memref<41601024xf32, #tpu.memory_space<any>> -> memref<44160xf32, #tpu.memory_space<any>>
      %dma_start3A_18 = arith.constant 0 : i32
      %dma_start3A_19 = tpu.memref_slice %arg1[%dma_start3A_16, %dma_start3A_18] : memref<16x65536xf32, #tpu.memory_space<vmem>> -> memref<1x44160xf32, #tpu.memory_space<vmem>>
      %dma_start3A_20 = tpu.memref_squeeze %dma_start3A_19 : memref<1x44160xf32, #tpu.memory_space<vmem>> -> memref<44160xf32, #tpu.memory_space<vmem>>
      tpu.enqueue_dma source(%dma_start3A_20 : memref<44160xf32, #tpu.memory_space<vmem>>) target(%dma_start3A_17 : memref<44160xf32, #tpu.memory_space<any>>) target_semaphore(%arg3 : memref<!tpu.dma_semaphore, #tpu.memory_space<semaphore_mem>>)
      %mul3A_21 = arith.constant 65536 : i32
      %mul3A_22 = arith.muli %arg0, %mul3A_21 : i32
      %add3A_23 = arith.constant 5200128 : i32
      %add3A_24 = arith.addi %add3A_23, %mul3A_22 : i32
      %dma_start3A_25 = arith.constant 2 : i32
      %dma_start3A_26 = tpu.memref_slice %arg2[%add3A_24] : memref<41601024xf32, #tpu.memory_space<any>> -> memref<44160xf32, #tpu.memory_space<any>>
      %dma_start3A_27 = arith.constant 0 : i32
      %dma_start3A_28 = tpu.memref_slice %arg1[%dma_start3A_25, %dma_start3A_27] : memref<16x65536xf32, #tpu.memory_space<vmem>> -> memref<1x44160xf32, #tpu.memory_space<vmem>>
      %dma_start3A_29 = tpu.memref_squeeze %dma_start3A_28 : memref<1x44160xf32, #tpu.memory_space<vmem>> -> memref<44160xf32, #tpu.memory_space<vmem>>
      tpu.enqueue_dma source(%dma_start3A_29 : memref<44160xf32, #tpu.memory_space<vmem>>) target(%dma_start3A_26 : memref<44160xf32, #tpu.memory_space<any>>) target_semaphore(%arg3 : memref<!tpu.dma_semaphore, #tpu.memory_space<semaphore_mem>>)
      %mul3A_30 = arith.constant 65536 : i32
      %mul3A_31 = arith.muli %arg0, %mul3A_30 : i32
      %add3A_32 = arith.constant 7800192 : i32
      %add3A_33 = arith.addi %add3A_32, %mul3A_31 : i32
      %dma_start3A_34 = arith.constant 3 : i32
      %dma_start3A_35 = tpu.memref_slice %arg2[%add3A_33] : memref<41601024xf32, #tpu.memory_space<any>> -> memref<44160xf32, #tpu.memory_space<any>>
      %dma_start3A_36 = arith.constant 0 : i32
      %dma_start3A_37 = tpu.memref_slice %arg1[%dma_start3A_34, %dma_start3A_36] : memref<16x65536xf32, #tpu.memory_space<vmem>> -> memref<1x44160xf32, #tpu.memory_space<vmem>>
      %dma_start3A_38 = tpu.memref_squeeze %dma_start3A_37 : memref<1x44160xf32, #tpu.memory_space<vmem>> -> memref<44160xf32, #tpu.memory_space<vmem>>
      tpu.enqueue_dma source(%dma_start3A_38 : memref<44160xf32, #tpu.memory_space<vmem>>) target(%dma_start3A_35 : memref<44160xf32, #tpu.memory_space<any>>) target_semaphore(%arg3 : memref<!tpu.dma_semaphore, #tpu.memory_space<semaphore_mem>>)
      %mul3A_39 = arith.constant 65536 : i32
      %mul3A_40 = arith.muli %arg0, %mul3A_39 : i32
      %add3A_41 = arith.constant 10400256 : i32
      %add3A_42 = arith.addi %add3A_41, %mul3A_40 : i32
      %dma_start3A_43 = arith.constant 4 : i32
      %dma_start3A_44 = tpu.memref_slice %arg2[%add3A_42] : memref<41601024xf32, #tpu.memory_space<any>> -> memref<44160xf32, #tpu.memory_space<any>>
      %dma_start3A_45 = arith.constant 0 : i32
      %dma_start3A_46 = tpu.memref_slice %arg1[%dma_start3A_43, %dma_start3A_45] : memref<16x65536xf32, #tpu.memory_space<vmem>> -> memref<1x44160xf32, #tpu.memory_space<vmem>>
      %dma_start3A_47 = tpu.memref_squeeze %dma_start3A_46 : memref<1x44160xf32, #tpu.memory_space<vmem>> -> memref<44160xf32, #tpu.memory_space<vmem>>
      tpu.enqueue_dma source(%dma_start3A_47 : memref<44160xf32, #tpu.memory_space<vmem>>) target(%dma_start3A_44 : memref<44160xf32, #tpu.memory_space<any>>) target_semaphore(%arg3 : memref<!tpu.dma_semaphore, #tpu.memory_space<semaphore_mem>>)
      %mul3A_48 = arith.constant 65536 : i32
      %mul3A_49 = arith.muli %arg0, %mul3A_48 : i32
      %add3A_50 = arith.constant 13000320 : i32
      %add3A_51 = arith.addi %add3A_50, %mul3A_49 : i32
      %dma_start3A_52 = arith.constant 5 : i32
      %dma_start3A_53 = tpu.memref_slice %arg2[%add3A_51] : memref<41601024xf32, #tpu.memory_space<any>> -> memref<44160xf32, #tpu.memory_space<any>>
      %dma_start3A_54 = arith.constant 0 : i32
      %dma_start3A_55 = tpu.memref_slice %arg1[%dma_start3A_52, %dma_start3A_54] : memref<16x65536xf32, #tpu.memory_space<vmem>> -> memref<1x44160xf32, #tpu.memory_space<vmem>>
      %dma_start3A_56 = tpu.memref_squeeze %dma_start3A_55 : memref<1x44160xf32, #tpu.memory_space<vmem>> -> memref<44160xf32, #tpu.memory_space<vmem>>
      tpu.enqueue_dma source(%dma_start3A_56 : memref<44160xf32, #tpu.memory_space<vmem>>) target(%dma_start3A_53 : memref<44160xf32, #tpu.memory_space<any>>) target_semaphore(%arg3 : memref<!tpu.dma_semaphore, #tpu.memory_space<semaphore_mem>>)
      %mul3A_57 = arith.constant 65536 : i32
      %mul3A_58 = arith.muli %arg0, %mul3A_57 : i32
      %add3A_59 = arith.constant 15600384 : i32
      %add3A_60 = arith.addi %add3A_59, %mul3A_58 : i32
      %dma_start3A_61 = arith.constant 6 : i32
      %dma_start3A_62 = tpu.memref_slice %arg2[%add3A_60] : memref<41601024xf32, #tpu.memory_space<any>> -> memref<44160xf32, #tpu.memory_space<any>>
      %dma_start3A_63 = arith.constant 0 : i32
      %dma_start3A_64 = tpu.memref_slice %arg1[%dma_start3A_61, %dma_start3A_63] : memref<16x65536xf32, #tpu.memory_space<vmem>> -> memref<1x44160xf32, #tpu.memory_space<vmem>>
      %dma_start3A_65 = tpu.memref_squeeze %dma_start3A_64 : memref<1x44160xf32, #tpu.memory_space<vmem>> -> memref<44160xf32, #tpu.memory_space<vmem>>
      tpu.enqueue_dma source(%dma_start3A_65 : memref<44160xf32, #tpu.memory_space<vmem>>) target(%dma_start3A_62 : memref<44160xf32, #tpu.memory_space<any>>) target_semaphore(%arg3 : memref<!tpu.dma_semaphore, #tpu.memory_space<semaphore_mem>>)
      %mul3A_66 = arith.constant 65536 : i32
      %mul3A_67 = arith.muli %arg0, %mul3A_66 : i32
      %add3A_68 = arith.constant 18200448 : i32
      %add3A_69 = arith.addi %add3A_68, %mul3A_67 : i32
      %dma_start3A_70 = arith.constant 7 : i32
      %dma_start3A_71 = tpu.memref_slice %arg2[%add3A_69] : memref<41601024xf32, #tpu.memory_space<any>> -> memref<44160xf32, #tpu.memory_space<any>>
      %dma_start3A_72 = arith.constant 0 : i32
      %dma_start3A_73 = tpu.memref_slice %arg1[%dma_start3A_70, %dma_start3A_72] : memref<16x65536xf32, #tpu.memory_space<vmem>> -> memref<1x44160xf32, #tpu.memory_space<vmem>>
      %dma_start3A_74 = tpu.memref_squeeze %dma_start3A_73 : memref<1x44160xf32, #tpu.memory_space<vmem>> -> memref<44160xf32, #tpu.memory_space<vmem>>
      tpu.enqueue_dma source(%dma_start3A_74 : memref<44160xf32, #tpu.memory_space<vmem>>) target(%dma_start3A_71 : memref<44160xf32, #tpu.memory_space<any>>) target_semaphore(%arg3 : memref<!tpu.dma_semaphore, #tpu.memory_space<semaphore_mem>>)
      %mul3A_75 = arith.constant 65536 : i32
      %mul3A_76 = arith.muli %arg0, %mul3A_75 : i32
      %add3A_77 = arith.constant 20800512 : i32
      %add3A_78 = arith.addi %add3A_77, %mul3A_76 : i32
      %dma_start3A_79 = arith.constant 8 : i32
      %dma_start3A_80 = tpu.memref_slice %arg2[%add3A_78] : memref<41601024xf32, #tpu.memory_space<any>> -> memref<44160xf32, #tpu.memory_space<any>>
      %dma_start3A_81 = arith.constant 0 : i32
      %dma_start3A_82 = tpu.memref_slice %arg1[%dma_start3A_79, %dma_start3A_81] : memref<16x65536xf32, #tpu.memory_space<vmem>> -> memref<1x44160xf32, #tpu.memory_space<vmem>>
      %dma_start3A_83 = tpu.memref_squeeze %dma_start3A_82 : memref<1x44160xf32, #tpu.memory_space<vmem>> -> memref<44160xf32, #tpu.memory_space<vmem>>
      tpu.enqueue_dma source(%dma_start3A_83 : memref<44160xf32, #tpu.memory_space<vmem>>) target(%dma_start3A_80 : memref<44160xf32, #tpu.memory_space<any>>) target_semaphore(%arg3 : memref<!tpu.dma_semaphore, #tpu.memory_space<semaphore_mem>>)
      %mul3A_84 = arith.constant 65536 : i32
      %mul3A_85 = arith.muli %arg0, %mul3A_84 : i32
      %add3A_86 = arith.constant 23400576 : i32
      %add3A_87 = arith.addi %add3A_86, %mul3A_85 : i32
      %dma_start3A_88 = arith.constant 9 : i32
      %dma_start3A_89 = tpu.memref_slice %arg2[%add3A_87] : memref<41601024xf32, #tpu.memory_space<any>> -> memref<44160xf32, #tpu.memory_space<any>>
      %dma_start3A_90 = arith.constant 0 : i32
      %dma_start3A_91 = tpu.memref_slice %arg1[%dma_start3A_88, %dma_start3A_90] : memref<16x65536xf32, #tpu.memory_space<vmem>> -> memref<1x44160xf32, #tpu.memory_space<vmem>>
      %dma_start3A_92 = tpu.memref_squeeze %dma_start3A_91 : memref<1x44160xf32, #tpu.memory_space<vmem>> -> memref<44160xf32, #tpu.memory_space<vmem>>
      tpu.enqueue_dma source(%dma_start3A_92 : memref<44160xf32, #tpu.memory_space<vmem>>) target(%dma_start3A_89 : memref<44160xf32, #tpu.memory_space<any>>) target_semaphore(%arg3 : memref<!tpu.dma_semaphore, #tpu.memory_space<semaphore_mem>>)
      %mul3A_93 = arith.constant 65536 : i32
      %mul3A_94 = arith.muli %arg0, %mul3A_93 : i32
      %add3A_95 = arith.constant 26000640 : i32
      %add3A_96 = arith.addi %add3A_95, %mul3A_94 : i32
      %dma_start3A_97 = arith.constant 10 : i32
      %dma_start3A_98 = tpu.memref_slice %arg2[%add3A_96] : memref<41601024xf32, #tpu.memory_space<any>> -> memref<44160xf32, #tpu.memory_space<any>>
      %dma_start3A_99 = arith.constant 0 : i32
      %dma_start3A_100 = tpu.memref_slice %arg1[%dma_start3A_97, %dma_start3A_99] : memref<16x65536xf32, #tpu.memory_space<vmem>> -> memref<1x44160xf32, #tpu.memory_space<vmem>>
      %dma_start3A_101 = tpu.memref_squeeze %dma_start3A_100 : memref<1x44160xf32, #tpu.memory_space<vmem>> -> memref<44160xf32, #tpu.memory_space<vmem>>
      tpu.enqueue_dma source(%dma_start3A_101 : memref<44160xf32, #tpu.memory_space<vmem>>) target(%dma_start3A_98 : memref<44160xf32, #tpu.memory_space<any>>) target_semaphore(%arg3 : memref<!tpu.dma_semaphore, #tpu.memory_space<semaphore_mem>>)
      %mul3A_102 = arith.constant 65536 : i32
      %mul3A_103 = arith.muli %arg0, %mul3A_102 : i32
      %add3A_104 = arith.constant 28600704 : i32
      %add3A_105 = arith.addi %add3A_104, %mul3A_103 : i32
      %dma_start3A_106 = arith.constant 11 : i32
      %dma_start3A_107 = tpu.memref_slice %arg2[%add3A_105] : memref<41601024xf32, #tpu.memory_space<any>> -> memref<44160xf32, #tpu.memory_space<any>>
      %dma_start3A_108 = arith.constant 0 : i32
      %dma_start3A_109 = tpu.memref_slice %arg1[%dma_start3A_106, %dma_start3A_108] : memref<16x65536xf32, #tpu.memory_space<vmem>> -> memref<1x44160xf32, #tpu.memory_space<vmem>>
      %dma_start3A_110 = tpu.memref_squeeze %dma_start3A_109 : memref<1x44160xf32, #tpu.memory_space<vmem>> -> memref<44160xf32, #tpu.memory_space<vmem>>
      tpu.enqueue_dma source(%dma_start3A_110 : memref<44160xf32, #tpu.memory_space<vmem>>) target(%dma_start3A_107 : memref<44160xf32, #tpu.memory_space<any>>) target_semaphore(%arg3 : memref<!tpu.dma_semaphore, #tpu.memory_space<semaphore_mem>>)
      %mul3A_111 = arith.constant 65536 : i32
      %mul3A_112 = arith.muli %arg0, %mul3A_111 : i32
      %add3A_113 = arith.constant 31200768 : i32
      %add3A_114 = arith.addi %add3A_113, %mul3A_112 : i32
      %dma_start3A_115 = arith.constant 12 : i32
      %dma_start3A_116 = tpu.memref_slice %arg2[%add3A_114] : memref<41601024xf32, #tpu.memory_space<any>> -> memref<44160xf32, #tpu.memory_space<any>>
      %dma_start3A_117 = arith.constant 0 : i32
      %dma_start3A_118 = tpu.memref_slice %arg1[%dma_start3A_115, %dma_start3A_117] : memref<16x65536xf32, #tpu.memory_space<vmem>> -> memref<1x44160xf32, #tpu.memory_space<vmem>>
      %dma_start3A_119 = tpu.memref_squeeze %dma_start3A_118 : memref<1x44160xf32, #tpu.memory_space<vmem>> -> memref<44160xf32, #tpu.memory_space<vmem>>
      tpu.enqueue_dma source(%dma_start3A_119 : memref<44160xf32, #tpu.memory_space<vmem>>) target(%dma_start3A_116 : memref<44160xf32, #tpu.memory_space<any>>) target_semaphore(%arg3 : memref<!tpu.dma_semaphore, #tpu.memory_space<semaphore_mem>>)
      %mul3A_120 = arith.constant 65536 : i32
      %mul3A_121 = arith.muli %arg0, %mul3A_120 : i32
      %add3A_122 = arith.constant 33800832 : i32
      %add3A_123 = arith.addi %add3A_122, %mul3A_121 : i32
      %dma_start3A_124 = arith.constant 13 : i32
      %dma_start3A_125 = tpu.memref_slice %arg2[%add3A_123] : memref<41601024xf32, #tpu.memory_space<any>> -> memref<44160xf32, #tpu.memory_space<any>>
      %dma_start3A_126 = arith.constant 0 : i32
      %dma_start3A_127 = tpu.memref_slice %arg1[%dma_start3A_124, %dma_start3A_126] : memref<16x65536xf32, #tpu.memory_space<vmem>> -> memref<1x44160xf32, #tpu.memory_space<vmem>>
      %dma_start3A_128 = tpu.memref_squeeze %dma_start3A_127 : memref<1x44160xf32, #tpu.memory_space<vmem>> -> memref<44160xf32, #tpu.memory_space<vmem>>
      tpu.enqueue_dma source(%dma_start3A_128 : memref<44160xf32, #tpu.memory_space<vmem>>) target(%dma_start3A_125 : memref<44160xf32, #tpu.memory_space<any>>) target_semaphore(%arg3 : memref<!tpu.dma_semaphore, #tpu.memory_space<semaphore_mem>>)
      %mul3A_129 = arith.constant 65536 : i32
      %mul3A_130 = arith.muli %arg0, %mul3A_129 : i32
      %add3A_131 = arith.constant 36400896 : i32
      %add3A_132 = arith.addi %add3A_131, %mul3A_130 : i32
      %dma_start3A_133 = arith.constant 14 : i32
      %dma_start3A_134 = tpu.memref_slice %arg2[%add3A_132] : memref<41601024xf32, #tpu.memory_space<any>> -> memref<44160xf32, #tpu.memory_space<any>>
      %dma_start3A_135 = arith.constant 0 : i32
      %dma_start3A_136 = tpu.memref_slice %arg1[%dma_start3A_133, %dma_start3A_135] : memref<16x65536xf32, #tpu.memory_space<vmem>> -> memref<1x44160xf32, #tpu.memory_space<vmem>>
      %dma_start3A_137 = tpu.memref_squeeze %dma_start3A_136 : memref<1x44160xf32, #tpu.memory_space<vmem>> -> memref<44160xf32, #tpu.memory_space<vmem>>
      tpu.enqueue_dma source(%dma_start3A_137 : memref<44160xf32, #tpu.memory_space<vmem>>) target(%dma_start3A_134 : memref<44160xf32, #tpu.memory_space<any>>) target_semaphore(%arg3 : memref<!tpu.dma_semaphore, #tpu.memory_space<semaphore_mem>>)
      %mul3A_138 = arith.constant 65536 : i32
      %mul3A_139 = arith.muli %arg0, %mul3A_138 : i32
      %add3A_140 = arith.constant 39000960 : i32
      %add3A_141 = arith.addi %add3A_140, %mul3A_139 : i32
      %dma_start3A_142 = arith.constant 15 : i32
      %dma_start3A_143 = tpu.memref_slice %arg2[%add3A_141] : memref<41601024xf32, #tpu.memory_space<any>> -> memref<44160xf32, #tpu.memory_space<any>>
      %dma_start3A_144 = arith.constant 0 : i32
      %dma_start3A_145 = tpu.memref_slice %arg1[%dma_start3A_142, %dma_start3A_144] : memref<16x65536xf32, #tpu.memory_space<vmem>> -> memref<1x44160xf32, #tpu.memory_space<vmem>>
      %dma_start3A_146 = tpu.memref_squeeze %dma_start3A_145 : memref<1x44160xf32, #tpu.memory_space<vmem>> -> memref<44160xf32, #tpu.memory_space<vmem>>
      tpu.enqueue_dma source(%dma_start3A_146 : memref<44160xf32, #tpu.memory_space<vmem>>) target(%dma_start3A_143 : memref<44160xf32, #tpu.memory_space<any>>) target_semaphore(%arg3 : memref<!tpu.dma_semaphore, #tpu.memory_space<semaphore_mem>>)
      %dma_wait3A = arith.constant 0 : i32
      %dma_wait3A_147 = arith.constant 0 : i32
      %dma_wait3A_148 = tpu.memref_slice %arg2[%dma_wait3A_147] : memref<41601024xf32, #tpu.memory_space<any>> -> memref<44160xf32, #tpu.memory_space<any>>
      %dma_wait3A_149 = arith.constant 0 : i32
      %dma_wait3A_150 = tpu.memref_slice %arg1[%dma_wait3A, %dma_wait3A_149] : memref<16x65536xf32, #tpu.memory_space<vmem>> -> memref<1x44160xf32, #tpu.memory_space<vmem>>
      %dma_wait3A_151 = tpu.memref_squeeze %dma_wait3A_150 : memref<1x44160xf32, #tpu.memory_space<vmem>> -> memref<44160xf32, #tpu.memory_space<vmem>>
      tpu.wait_dma2 semaphore(%arg3 : memref<!tpu.dma_semaphore, #tpu.memory_space<semaphore_mem>>) src(%dma_wait3A_151 : memref<44160xf32, #tpu.memory_space<vmem>>) dst(%dma_wait3A_148 : memref<44160xf32, #tpu.memory_space<any>>)
      %dma_wait3A_152 = arith.constant 1 : i32
      %dma_wait3A_153 = arith.constant 0 : i32
      %dma_wait3A_154 = tpu.memref_slice %arg2[%dma_wait3A_153] : memref<41601024xf32, #tpu.memory_space<any>> -> memref<44160xf32, #tpu.memory_space<any>>
      %dma_wait3A_155 = arith.constant 0 : i32
      %dma_wait3A_156 = tpu.memref_slice %arg1[%dma_wait3A_152, %dma_wait3A_155] : memref<16x65536xf32, #tpu.memory_space<vmem>> -> memref<1x44160xf32, #tpu.memory_space<vmem>>
      %dma_wait3A_157 = tpu.memref_squeeze %dma_wait3A_156 : memref<1x44160xf32, #tpu.memory_space<vmem>> -> memref<44160xf32, #tpu.memory_space<vmem>>
      tpu.wait_dma2 semaphore(%arg3 : memref<!tpu.dma_semaphore, #tpu.memory_space<semaphore_mem>>) src(%dma_wait3A_157 : memref<44160xf32, #tpu.memory_space<vmem>>) dst(%dma_wait3A_154 : memref<44160xf32, #tpu.memory_space<any>>)
      %dma_wait3A_158 = arith.constant 2 : i32
      %dma_wait3A_159 = arith.constant 0 : i32
      %dma_wait3A_160 = tpu.memref_slice %arg2[%dma_wait3A_159] : memref<41601024xf32, #tpu.memory_space<any>> -> memref<44160xf32, #tpu.memory_space<any>>
      %dma_wait3A_161 = arith.constant 0 : i32
      %dma_wait3A_162 = tpu.memref_slice %arg1[%dma_wait3A_158, %dma_wait3A_161] : memref<16x65536xf32, #tpu.memory_space<vmem>> -> memref<1x44160xf32, #tpu.memory_space<vmem>>
      %dma_wait3A_163 = tpu.memref_squeeze %dma_wait3A_162 : memref<1x44160xf32, #tpu.memory_space<vmem>> -> memref<44160xf32, #tpu.memory_space<vmem>>
      tpu.wait_dma2 semaphore(%arg3 : memref<!tpu.dma_semaphore, #tpu.memory_space<semaphore_mem>>) src(%dma_wait3A_163 : memref<44160xf32, #tpu.memory_space<vmem>>) dst(%dma_wait3A_160 : memref<44160xf32, #tpu.memory_space<any>>)
      %dma_wait3A_164 = arith.constant 3 : i32
      %dma_wait3A_165 = arith.constant 0 : i32
      %dma_wait3A_166 = tpu.memref_slice %arg2[%dma_wait3A_165] : memref<41601024xf32, #tpu.memory_space<any>> -> memref<44160xf32, #tpu.memory_space<any>>
      %dma_wait3A_167 = arith.constant 0 : i32
      %dma_wait3A_168 = tpu.memref_slice %arg1[%dma_wait3A_164, %dma_wait3A_167] : memref<16x65536xf32, #tpu.memory_space<vmem>> -> memref<1x44160xf32, #tpu.memory_space<vmem>>
      %dma_wait3A_169 = tpu.memref_squeeze %dma_wait3A_168 : memref<1x44160xf32, #tpu.memory_space<vmem>> -> memref<44160xf32, #tpu.memory_space<vmem>>
      tpu.wait_dma2 semaphore(%arg3 : memref<!tpu.dma_semaphore, #tpu.memory_space<semaphore_mem>>) src(%dma_wait3A_169 : memref<44160xf32, #tpu.memory_space<vmem>>) dst(%dma_wait3A_166 : memref<44160xf32, #tpu.memory_space<any>>)
      %dma_wait3A_170 = arith.constant 4 : i32
      %dma_wait3A_171 = arith.constant 0 : i32
      %dma_wait3A_172 = tpu.memref_slice %arg2[%dma_wait3A_171] : memref<41601024xf32, #tpu.memory_space<any>> -> memref<44160xf32, #tpu.memory_space<any>>
      %dma_wait3A_173 = arith.constant 0 : i32
      %dma_wait3A_174 = tpu.memref_slice %arg1[%dma_wait3A_170, %dma_wait3A_173] : memref<16x65536xf32, #tpu.memory_space<vmem>> -> memref<1x44160xf32, #tpu.memory_space<vmem>>
      %dma_wait3A_175 = tpu.memref_squeeze %dma_wait3A_174 : memref<1x44160xf32, #tpu.memory_space<vmem>> -> memref<44160xf32, #tpu.memory_space<vmem>>
      tpu.wait_dma2 semaphore(%arg3 : memref<!tpu.dma_semaphore, #tpu.memory_space<semaphore_mem>>) src(%dma_wait3A_175 : memref<44160xf32, #tpu.memory_space<vmem>>) dst(%dma_wait3A_172 : memref<44160xf32, #tpu.memory_space<any>>)
      %dma_wait3A_176 = arith.constant 5 : i32
      %dma_wait3A_177 = arith.constant 0 : i32
      %dma_wait3A_178 = tpu.memref_slice %arg2[%dma_wait3A_177] : memref<41601024xf32, #tpu.memory_space<any>> -> memref<44160xf32, #tpu.memory_space<any>>
      %dma_wait3A_179 = arith.constant 0 : i32
      %dma_wait3A_180 = tpu.memref_slice %arg1[%dma_wait3A_176, %dma_wait3A_179] : memref<16x65536xf32, #tpu.memory_space<vmem>> -> memref<1x44160xf32, #tpu.memory_space<vmem>>
      %dma_wait3A_181 = tpu.memref_squeeze %dma_wait3A_180 : memref<1x44160xf32, #tpu.memory_space<vmem>> -> memref<44160xf32, #tpu.memory_space<vmem>>
      tpu.wait_dma2 semaphore(%arg3 : memref<!tpu.dma_semaphore, #tpu.memory_space<semaphore_mem>>) src(%dma_wait3A_181 : memref<44160xf32, #tpu.memory_space<vmem>>) dst(%dma_wait3A_178 : memref<44160xf32, #tpu.memory_space<any>>)
      %dma_wait3A_182 = arith.constant 6 : i32
      %dma_wait3A_183 = arith.constant 0 : i32
      %dma_wait3A_184 = tpu.memref_slice %arg2[%dma_wait3A_183] : memref<41601024xf32, #tpu.memory_space<any>> -> memref<44160xf32, #tpu.memory_space<any>>
      %dma_wait3A_185 = arith.constant 0 : i32
      %dma_wait3A_186 = tpu.memref_slice %arg1[%dma_wait3A_182, %dma_wait3A_185] : memref<16x65536xf32, #tpu.memory_space<vmem>> -> memref<1x44160xf32, #tpu.memory_space<vmem>>
      %dma_wait3A_187 = tpu.memref_squeeze %dma_wait3A_186 : memref<1x44160xf32, #tpu.memory_space<vmem>> -> memref<44160xf32, #tpu.memory_space<vmem>>
      tpu.wait_dma2 semaphore(%arg3 : memref<!tpu.dma_semaphore, #tpu.memory_space<semaphore_mem>>) src(%dma_wait3A_187 : memref<44160xf32, #tpu.memory_space<vmem>>) dst(%dma_wait3A_184 : memref<44160xf32, #tpu.memory_space<any>>)
      %dma_wait3A_188 = arith.constant 7 : i32
      %dma_wait3A_189 = arith.constant 0 : i32
      %dma_wait3A_190 = tpu.memref_slice %arg2[%dma_wait3A_189] : memref<41601024xf32, #tpu.memory_space<any>> -> memref<44160xf32, #tpu.memory_space<any>>
      %dma_wait3A_191 = arith.constant 0 : i32
      %dma_wait3A_192 = tpu.memref_slice %arg1[%dma_wait3A_188, %dma_wait3A_191] : memref<16x65536xf32, #tpu.memory_space<vmem>> -> memref<1x44160xf32, #tpu.memory_space<vmem>>
      %dma_wait3A_193 = tpu.memref_squeeze %dma_wait3A_192 : memref<1x44160xf32, #tpu.memory_space<vmem>> -> memref<44160xf32, #tpu.memory_space<vmem>>
      tpu.wait_dma2 semaphore(%arg3 : memref<!tpu.dma_semaphore, #tpu.memory_space<semaphore_mem>>) src(%dma_wait3A_193 : memref<44160xf32, #tpu.memory_space<vmem>>) dst(%dma_wait3A_190 : memref<44160xf32, #tpu.memory_space<any>>)
      %dma_wait3A_194 = arith.constant 8 : i32
      %dma_wait3A_195 = arith.constant 0 : i32
      %dma_wait3A_196 = tpu.memref_slice %arg2[%dma_wait3A_195] : memref<41601024xf32, #tpu.memory_space<any>> -> memref<44160xf32, #tpu.memory_space<any>>
      %dma_wait3A_197 = arith.constant 0 : i32
      %dma_wait3A_198 = tpu.memref_slice %arg1[%dma_wait3A_194, %dma_wait3A_197] : memref<16x65536xf32, #tpu.memory_space<vmem>> -> memref<1x44160xf32, #tpu.memory_space<vmem>>
      %dma_wait3A_199 = tpu.memref_squeeze %dma_wait3A_198 : memref<1x44160xf32, #tpu.memory_space<vmem>> -> memref<44160xf32, #tpu.memory_space<vmem>>
      tpu.wait_dma2 semaphore(%arg3 : memref<!tpu.dma_semaphore, #tpu.memory_space<semaphore_mem>>) src(%dma_wait3A_199 : memref<44160xf32, #tpu.memory_space<vmem>>) dst(%dma_wait3A_196 : memref<44160xf32, #tpu.memory_space<any>>)
      %dma_wait3A_200 = arith.constant 9 : i32
      %dma_wait3A_201 = arith.constant 0 : i32
      %dma_wait3A_202 = tpu.memref_slice %arg2[%dma_wait3A_201] : memref<41601024xf32, #tpu.memory_space<any>> -> memref<44160xf32, #tpu.memory_space<any>>
      %dma_wait3A_203 = arith.constant 0 : i32
      %dma_wait3A_204 = tpu.memref_slice %arg1[%dma_wait3A_200, %dma_wait3A_203] : memref<16x65536xf32, #tpu.memory_space<vmem>> -> memref<1x44160xf32, #tpu.memory_space<vmem>>
      %dma_wait3A_205 = tpu.memref_squeeze %dma_wait3A_204 : memref<1x44160xf32, #tpu.memory_space<vmem>> -> memref<44160xf32, #tpu.memory_space<vmem>>
      tpu.wait_dma2 semaphore(%arg3 : memref<!tpu.dma_semaphore, #tpu.memory_space<semaphore_mem>>) src(%dma_wait3A_205 : memref<44160xf32, #tpu.memory_space<vmem>>) dst(%dma_wait3A_202 : memref<44160xf32, #tpu.memory_space<any>>)
      %dma_wait3A_206 = arith.constant 10 : i32
      %dma_wait3A_207 = arith.constant 0 : i32
      %dma_wait3A_208 = tpu.memref_slice %arg2[%dma_wait3A_207] : memref<41601024xf32, #tpu.memory_space<any>> -> memref<44160xf32, #tpu.memory_space<any>>
      %dma_wait3A_209 = arith.constant 0 : i32
      %dma_wait3A_210 = tpu.memref_slice %arg1[%dma_wait3A_206, %dma_wait3A_209] : memref<16x65536xf32, #tpu.memory_space<vmem>> -> memref<1x44160xf32, #tpu.memory_space<vmem>>
      %dma_wait3A_211 = tpu.memref_squeeze %dma_wait3A_210 : memref<1x44160xf32, #tpu.memory_space<vmem>> -> memref<44160xf32, #tpu.memory_space<vmem>>
      tpu.wait_dma2 semaphore(%arg3 : memref<!tpu.dma_semaphore, #tpu.memory_space<semaphore_mem>>) src(%dma_wait3A_211 : memref<44160xf32, #tpu.memory_space<vmem>>) dst(%dma_wait3A_208 : memref<44160xf32, #tpu.memory_space<any>>)
      %dma_wait3A_212 = arith.constant 11 : i32
      %dma_wait3A_213 = arith.constant 0 : i32
      %dma_wait3A_214 = tpu.memref_slice %arg2[%dma_wait3A_213] : memref<41601024xf32, #tpu.memory_space<any>> -> memref<44160xf32, #tpu.memory_space<any>>
      %dma_wait3A_215 = arith.constant 0 : i32
      %dma_wait3A_216 = tpu.memref_slice %arg1[%dma_wait3A_212, %dma_wait3A_215] : memref<16x65536xf32, #tpu.memory_space<vmem>> -> memref<1x44160xf32, #tpu.memory_space<vmem>>
      %dma_wait3A_217 = tpu.memref_squeeze %dma_wait3A_216 : memref<1x44160xf32, #tpu.memory_space<vmem>> -> memref<44160xf32, #tpu.memory_space<vmem>>
      tpu.wait_dma2 semaphore(%arg3 : memref<!tpu.dma_semaphore, #tpu.memory_space<semaphore_mem>>) src(%dma_wait3A_217 : memref<44160xf32, #tpu.memory_space<vmem>>) dst(%dma_wait3A_214 : memref<44160xf32, #tpu.memory_space<any>>)
      %dma_wait3A_218 = arith.constant 12 : i32
      %dma_wait3A_219 = arith.constant 0 : i32
      %dma_wait3A_220 = tpu.memref_slice %arg2[%dma_wait3A_219] : memref<41601024xf32, #tpu.memory_space<any>> -> memref<44160xf32, #tpu.memory_space<any>>
      %dma_wait3A_221 = arith.constant 0 : i32
      %dma_wait3A_222 = tpu.memref_slice %arg1[%dma_wait3A_218, %dma_wait3A_221] : memref<16x65536xf32, #tpu.memory_space<vmem>> -> memref<1x44160xf32, #tpu.memory_space<vmem>>
      %dma_wait3A_223 = tpu.memref_squeeze %dma_wait3A_222 : memref<1x44160xf32, #tpu.memory_space<vmem>> -> memref<44160xf32, #tpu.memory_space<vmem>>
      tpu.wait_dma2 semaphore(%arg3 : memref<!tpu.dma_semaphore, #tpu.memory_space<semaphore_mem>>) src(%dma_wait3A_223 : memref<44160xf32, #tpu.memory_space<vmem>>) dst(%dma_wait3A_220 : memref<44160xf32, #tpu.memory_space<any>>)
      %dma_wait3A_224 = arith.constant 13 : i32
      %dma_wait3A_225 = arith.constant 0 : i32
      %dma_wait3A_226 = tpu.memref_slice %arg2[%dma_wait3A_225] : memref<41601024xf32, #tpu.memory_space<any>> -> memref<44160xf32, #tpu.memory_space<any>>
      %dma_wait3A_227 = arith.constant 0 : i32
      %dma_wait3A_228 = tpu.memref_slice %arg1[%dma_wait3A_224, %dma_wait3A_227] : memref<16x65536xf32, #tpu.memory_space<vmem>> -> memref<1x44160xf32, #tpu.memory_space<vmem>>
      %dma_wait3A_229 = tpu.memref_squeeze %dma_wait3A_228 : memref<1x44160xf32, #tpu.memory_space<vmem>> -> memref<44160xf32, #tpu.memory_space<vmem>>
      tpu.wait_dma2 semaphore(%arg3 : memref<!tpu.dma_semaphore, #tpu.memory_space<semaphore_mem>>) src(%dma_wait3A_229 : memref<44160xf32, #tpu.memory_space<vmem>>) dst(%dma_wait3A_226 : memref<44160xf32, #tpu.memory_space<any>>)
      %dma_wait3A_230 = arith.constant 14 : i32
      %dma_wait3A_231 = arith.constant 0 : i32
      %dma_wait3A_232 = tpu.memref_slice %arg2[%dma_wait3A_231] : memref<41601024xf32, #tpu.memory_space<any>> -> memref<44160xf32, #tpu.memory_space<any>>
      %dma_wait3A_233 = arith.constant 0 : i32
      %dma_wait3A_234 = tpu.memref_slice %arg1[%dma_wait3A_230, %dma_wait3A_233] : memref<16x65536xf32, #tpu.memory_space<vmem>> -> memref<1x44160xf32, #tpu.memory_space<vmem>>
      %dma_wait3A_235 = tpu.memref_squeeze %dma_wait3A_234 : memref<1x44160xf32, #tpu.memory_space<vmem>> -> memref<44160xf32, #tpu.memory_space<vmem>>
      tpu.wait_dma2 semaphore(%arg3 : memref<!tpu.dma_semaphore, #tpu.memory_space<semaphore_mem>>) src(%dma_wait3A_235 : memref<44160xf32, #tpu.memory_space<vmem>>) dst(%dma_wait3A_232 : memref<44160xf32, #tpu.memory_space<any>>)
      %dma_wait3A_236 = arith.constant 15 : i32
      %dma_wait3A_237 = arith.constant 0 : i32
      %dma_wait3A_238 = tpu.memref_slice %arg2[%dma_wait3A_237] : memref<41601024xf32, #tpu.memory_space<any>> -> memref<44160xf32, #tpu.memory_space<any>>
      %dma_wait3A_239 = arith.constant 0 : i32
      %dma_wait3A_240 = tpu.memref_slice %arg1[%dma_wait3A_236, %dma_wait3A_239] : memref<16x65536xf32, #tpu.memory_space<vmem>> -> memref<1x44160xf32, #tpu.memory_space<vmem>>
      %dma_wait3A_241 = tpu.memref_squeeze %dma_wait3A_240 : memref<1x44160xf32, #tpu.memory_space<vmem>> -> memref<44160xf32, #tpu.memory_space<vmem>>
      tpu.wait_dma2 semaphore(%arg3 : memref<!tpu.dma_semaphore, #tpu.memory_space<semaphore_mem>>) src(%dma_wait3A_241 : memref<44160xf32, #tpu.memory_space<vmem>>) dst(%dma_wait3A_238 : memref<44160xf32, #tpu.memory_space<any>>)
    } else {
    }
    return
  }
  func.func @transform_0(%arg0: i32) -> (i32, i32) {
    %c0_i32 = arith.constant 0 : i32
    %c0_i32_0 = arith.constant 0 : i32
    return %c0_i32, %arg0 : i32, i32
  }
}

module attributes {stable_mosaic.version = 14 : i64} {
  func.func @_tc_body(%arg0: i32, %arg1: i32, %arg2: memref<512x13xf32, #tpu.memory_space<vmem>>, %arg3: memref<16x512x26xf32, #tpu.memory_space<vmem>>, %arg4: memref<512x26xf32, #tpu.memory_space<vmem>>, %arg5: memref<13x1xf32, #tpu.memory_space<vmem>>, %arg6: memref<13x256xf32, #tpu.memory_space<vmem>>, %arg7: memref<16x26x256xf32, #tpu.memory_space<vmem>>, %arg8: memref<1x256xf32, #tpu.memory_space<vmem>>, %arg9: memref<1x256xf32, #tpu.memory_space<vmem>>, %arg10: memref<1x256xf32, #tpu.memory_space<vmem>>, %arg11: memref<256x128xf32, #tpu.memory_space<vmem>>, %arg12: memref<1x128xf32, #tpu.memory_space<vmem>>, %arg13: memref<1x128xf32, #tpu.memory_space<vmem>>, %arg14: memref<1x128xf32, #tpu.memory_space<vmem>>, %arg15: memref<128x1xf32, #tpu.memory_space<vmem>>, %arg16: memref<1x1xf32, #tpu.memory_space<vmem>>, %arg17: memref<512x1xf32, #tpu.memory_space<vmem>>, %arg18: memref<4096x256xf32, #tpu.memory_space<vmem>>, %arg19: memref<4096x128xf32, #tpu.memory_space<vmem>>, %arg20: memref<1x256xf32, #tpu.memory_space<vmem>>, %arg21: memref<1x256xf32, #tpu.memory_space<vmem>>, %arg22: memref<1x128xf32, #tpu.memory_space<vmem>>, %arg23: memref<1x128xf32, #tpu.memory_space<vmem>>) attributes {dimension_semantics = [#tpu.dimension_semantics<arbitrary>, #tpu.dimension_semantics<arbitrary>], iteration_bounds = array<i64: 3, 8>, scalar_prefetch = 0 : i64, scratch_operands = 6 : i64, tpu.core_type = #tpu.core_type<tc>, window_params = [{transform_indices = @transform_0, window_bounds = array<i64: 512, 13>}, {transform_indices = @transform_1, window_bounds = array<i64: 16, 512, 26>}, {transform_indices = @transform_2, window_bounds = array<i64: 512, 26>}, {pipeline_mode = #tpu.pipeline_mode<synchronous>, transform_indices = @transform_3, window_bounds = array<i64: 13, 1>}, {pipeline_mode = #tpu.pipeline_mode<synchronous>, transform_indices = @transform_4, window_bounds = array<i64: 13, 256>}, {pipeline_mode = #tpu.pipeline_mode<synchronous>, transform_indices = @transform_5, window_bounds = array<i64: 16, 26, 256>}, {pipeline_mode = #tpu.pipeline_mode<synchronous>, transform_indices = @transform_6, window_bounds = array<i64: 1, 256>}, {pipeline_mode = #tpu.pipeline_mode<synchronous>, transform_indices = @transform_7, window_bounds = array<i64: 1, 256>}, {pipeline_mode = #tpu.pipeline_mode<synchronous>, transform_indices = @transform_8, window_bounds = array<i64: 1, 256>}, {pipeline_mode = #tpu.pipeline_mode<synchronous>, transform_indices = @transform_9, window_bounds = array<i64: 256, 128>}, {pipeline_mode = #tpu.pipeline_mode<synchronous>, transform_indices = @transform_10, window_bounds = array<i64: 1, 128>}, {pipeline_mode = #tpu.pipeline_mode<synchronous>, transform_indices = @transform_11, window_bounds = array<i64: 1, 128>}, {pipeline_mode = #tpu.pipeline_mode<synchronous>, transform_indices = @transform_12, window_bounds = array<i64: 1, 128>}, {pipeline_mode = #tpu.pipeline_mode<synchronous>, transform_indices = @transform_13, window_bounds = array<i64: 128, 1>}, {pipeline_mode = #tpu.pipeline_mode<synchronous>, transform_indices = @transform_14, window_bounds = array<i64: 1, 1>}, {transform_indices = @transform_15, window_bounds = array<i64: 512, 1>}]} {
    %eq3A = arith.constant 0 : i32
    %eq3A_0 = arith.cmpi eq, %arg0, %eq3A : i32
    %eq3A_1 = arith.constant 0 : i32
    %eq3A_2 = arith.cmpi eq, %arg1, %eq3A_1 : i32
    %and3A = arith.andi %eq3A_0, %eq3A_2 : i1
    %convert_element_type3A = arith.extui %and3A : i1 to i32
    %cond3A = arith.constant 0 : i32
    %cond3A_3 = arith.cmpi ne, %convert_element_type3A, %cond3A : i32
    scf.if %cond3A_3 {
      %broadcast_in_dim3A = arith.constant 0.000000e+00 : f32
      %broadcast_in_dim3A_19 = vector.broadcast %broadcast_in_dim3A : f32 to vector<1x256xf32>
      %swap3A = arith.constant 0 : index
      %swap3A_20 = arith.constant 0 : index
      %swap3A_21 = vector.load %arg20[%swap3A, %swap3A_20] : memref<1x256xf32, #tpu.memory_space<vmem>>, vector<1x256xf32>
      tpu.vector_store %arg20[%swap3A, %swap3A_20], %broadcast_in_dim3A_19 {strides = array<i32>} : memref<1x256xf32, #tpu.memory_space<vmem>>, vector<1x256xf32>,
      %broadcast_in_dim3A_22 = arith.constant 0.000000e+00 : f32
      %broadcast_in_dim3A_23 = vector.broadcast %broadcast_in_dim3A_22 : f32 to vector<1x256xf32>
      %swap3A_24 = arith.constant 0 : index
      %swap3A_25 = arith.constant 0 : index
      %swap3A_26 = vector.load %arg21[%swap3A_24, %swap3A_25] : memref<1x256xf32, #tpu.memory_space<vmem>>, vector<1x256xf32>
      tpu.vector_store %arg21[%swap3A_24, %swap3A_25], %broadcast_in_dim3A_23 {strides = array<i32>} : memref<1x256xf32, #tpu.memory_space<vmem>>, vector<1x256xf32>,
      %broadcast_in_dim3A_27 = arith.constant 0.000000e+00 : f32
      %broadcast_in_dim3A_28 = vector.broadcast %broadcast_in_dim3A_27 : f32 to vector<1x128xf32>
      %swap3A_29 = arith.constant 0 : index
      %swap3A_30 = arith.constant 0 : index
      %swap3A_31 = vector.load %arg22[%swap3A_29, %swap3A_30] : memref<1x128xf32, #tpu.memory_space<vmem>>, vector<1x128xf32>
      tpu.vector_store %arg22[%swap3A_29, %swap3A_30], %broadcast_in_dim3A_28 {strides = array<i32>} : memref<1x128xf32, #tpu.memory_space<vmem>>, vector<1x128xf32>,
      %broadcast_in_dim3A_32 = arith.constant 0.000000e+00 : f32
      %broadcast_in_dim3A_33 = vector.broadcast %broadcast_in_dim3A_32 : f32 to vector<1x128xf32>
      %swap3A_34 = arith.constant 0 : index
      %swap3A_35 = arith.constant 0 : index
      %swap3A_36 = vector.load %arg23[%swap3A_34, %swap3A_35] : memref<1x128xf32, #tpu.memory_space<vmem>>, vector<1x128xf32>
      tpu.vector_store %arg23[%swap3A_34, %swap3A_35], %broadcast_in_dim3A_33 {strides = array<i32>} : memref<1x128xf32, #tpu.memory_space<vmem>>, vector<1x128xf32>,
    } else {
    }
    %eq3A_4 = arith.constant 0 : i32
    %eq3A_5 = arith.cmpi eq, %arg0, %eq3A_4 : i32
    %convert_element_type3A_6 = arith.extui %eq3A_5 : i1 to i32
    %cond3A_7 = arith.constant 0 : i32
    %cond3A_8 = arith.cmpi ne, %convert_element_type3A_6, %cond3A_7 : i32
    scf.if %cond3A_8 {
      %get3A = arith.constant 0 : index
      %get3A_19 = arith.constant 0 : index
      %get3A_20 = vector.load %arg2[%get3A, %get3A_19] : memref<512x13xf32, #tpu.memory_space<vmem>>, vector<512x13xf32>
      %get3A_21 = arith.constant 0 : index
      %get3A_22 = arith.constant 0 : index
      %get3A_23 = vector.load %arg6[%get3A_21, %get3A_22] : memref<13x256xf32, #tpu.memory_space<vmem>>, vector<13x256xf32>
      %dot_general3A = arith.constant dense<0.000000e+00> : vector<512x256xf32>
      %dot_general3A_24 = tpu.matmul %get3A_20, %get3A_23, %dot_general3A {dimension_numbers = #tpu.dot_dimension_numbers<[1], [0], [0], [1], [0, 0, 1, 1], [], []>, precision = #tpu.contract_precision<fp32>, transpose_lhs_hint = false} : vector<512x13xf32>, vector<13x256xf32>, vector<512x256xf32> -> vector<512x256xf32>
      %get3A_25 = arith.constant 0 : index
      %get3A_26 = arith.constant 0 : index
      %get3A_27 = vector.load %arg8[%get3A_25, %get3A_26] : memref<1x256xf32, #tpu.memory_space<vmem>>, vector<1x256xf32>
      %add3A = vector.broadcast %get3A_27 : vector<1x256xf32> to vector<512x256xf32>
      %add3A_28 = arith.addf %dot_general3A_24, %add3A : vector<512x256xf32>
      %get3A_29 = arith.constant 0 : index
      %get3A_30 = arith.constant 0 : index
      %get3A_31 = arith.constant 0 : index
      %get3A_32 = vector.load %arg3[%get3A_29, %get3A_30, %get3A_31] : memref<16x512x26xf32, #tpu.memory_space<vmem>>, vector<1x512x26xf32>
      %get3A_33 = vector.shape_cast %get3A_32 : vector<1x512x26xf32> to vector<512x26xf32>
      %get3A_34 = arith.constant 0 : index
      %get3A_35 = arith.constant 0 : index
      %get3A_36 = arith.constant 0 : index
      %get3A_37 = vector.load %arg7[%get3A_34, %get3A_35, %get3A_36] : memref<16x26x256xf32, #tpu.memory_space<vmem>>, vector<1x26x256xf32>
      %get3A_38 = vector.shape_cast %get3A_37 : vector<1x26x256xf32> to vector<26x256xf32>
      %dot_general3A_39 = arith.constant dense<0.000000e+00> : vector<512x256xf32>
      %dot_general3A_40 = tpu.matmul %get3A_33, %get3A_38, %dot_general3A_39 {dimension_numbers = #tpu.dot_dimension_numbers<[1], [0], [0], [1], [0, 0, 1, 1], [], []>, precision = #tpu.contract_precision<fp32>, transpose_lhs_hint = false} : vector<512x26xf32>, vector<26x256xf32>, vector<512x256xf32> -> vector<512x256xf32>
      %add3A_41 = arith.addf %add3A_28, %dot_general3A_40 : vector<512x256xf32>
      %get3A_42 = arith.constant 1 : index
      %get3A_43 = arith.constant 0 : index
      %get3A_44 = arith.constant 0 : index
      %get3A_45 = vector.load %arg3[%get3A_42, %get3A_43, %get3A_44] : memref<16x512x26xf32, #tpu.memory_space<vmem>>, vector<1x512x26xf32>
      %get3A_46 = vector.shape_cast %get3A_45 : vector<1x512x26xf32> to vector<512x26xf32>
      %get3A_47 = arith.constant 1 : index
      %get3A_48 = arith.constant 0 : index
      %get3A_49 = arith.constant 0 : index
      %get3A_50 = vector.load %arg7[%get3A_47, %get3A_48, %get3A_49] : memref<16x26x256xf32, #tpu.memory_space<vmem>>, vector<1x26x256xf32>
      %get3A_51 = vector.shape_cast %get3A_50 : vector<1x26x256xf32> to vector<26x256xf32>
      %dot_general3A_52 = arith.constant dense<0.000000e+00> : vector<512x256xf32>
      %dot_general3A_53 = tpu.matmul %get3A_46, %get3A_51, %dot_general3A_52 {dimension_numbers = #tpu.dot_dimension_numbers<[1], [0], [0], [1], [0, 0, 1, 1], [], []>, precision = #tpu.contract_precision<fp32>, transpose_lhs_hint = false} : vector<512x26xf32>, vector<26x256xf32>, vector<512x256xf32> -> vector<512x256xf32>
      %add3A_54 = arith.addf %add3A_41, %dot_general3A_53 : vector<512x256xf32>
      %get3A_55 = arith.constant 2 : index
      %get3A_56 = arith.constant 0 : index
      %get3A_57 = arith.constant 0 : index
      %get3A_58 = vector.load %arg3[%get3A_55, %get3A_56, %get3A_57] : memref<16x512x26xf32, #tpu.memory_space<vmem>>, vector<1x512x26xf32>
      %get3A_59 = vector.shape_cast %get3A_58 : vector<1x512x26xf32> to vector<512x26xf32>
      %get3A_60 = arith.constant 2 : index
      %get3A_61 = arith.constant 0 : index
      %get3A_62 = arith.constant 0 : index
      %get3A_63 = vector.load %arg7[%get3A_60, %get3A_61, %get3A_62] : memref<16x26x256xf32, #tpu.memory_space<vmem>>, vector<1x26x256xf32>
      %get3A_64 = vector.shape_cast %get3A_63 : vector<1x26x256xf32> to vector<26x256xf32>
      %dot_general3A_65 = arith.constant dense<0.000000e+00> : vector<512x256xf32>
      %dot_general3A_66 = tpu.matmul %get3A_59, %get3A_64, %dot_general3A_65 {dimension_numbers = #tpu.dot_dimension_numbers<[1], [0], [0], [1], [0, 0, 1, 1], [], []>, precision = #tpu.contract_precision<fp32>, transpose_lhs_hint = false} : vector<512x26xf32>, vector<26x256xf32>, vector<512x256xf32> -> vector<512x256xf32>
      %add3A_67 = arith.addf %add3A_54, %dot_general3A_66 : vector<512x256xf32>
      %get3A_68 = arith.constant 3 : index
      %get3A_69 = arith.constant 0 : index
      %get3A_70 = arith.constant 0 : index
      %get3A_71 = vector.load %arg3[%get3A_68, %get3A_69, %get3A_70] : memref<16x512x26xf32, #tpu.memory_space<vmem>>, vector<1x512x26xf32>
      %get3A_72 = vector.shape_cast %get3A_71 : vector<1x512x26xf32> to vector<512x26xf32>
      %get3A_73 = arith.constant 3 : index
      %get3A_74 = arith.constant 0 : index
      %get3A_75 = arith.constant 0 : index
      %get3A_76 = vector.load %arg7[%get3A_73, %get3A_74, %get3A_75] : memref<16x26x256xf32, #tpu.memory_space<vmem>>, vector<1x26x256xf32>
      %get3A_77 = vector.shape_cast %get3A_76 : vector<1x26x256xf32> to vector<26x256xf32>
      %dot_general3A_78 = arith.constant dense<0.000000e+00> : vector<512x256xf32>
      %dot_general3A_79 = tpu.matmul %get3A_72, %get3A_77, %dot_general3A_78 {dimension_numbers = #tpu.dot_dimension_numbers<[1], [0], [0], [1], [0, 0, 1, 1], [], []>, precision = #tpu.contract_precision<fp32>, transpose_lhs_hint = false} : vector<512x26xf32>, vector<26x256xf32>, vector<512x256xf32> -> vector<512x256xf32>
      %add3A_80 = arith.addf %add3A_67, %dot_general3A_79 : vector<512x256xf32>
      %get3A_81 = arith.constant 4 : index
      %get3A_82 = arith.constant 0 : index
      %get3A_83 = arith.constant 0 : index
      %get3A_84 = vector.load %arg3[%get3A_81, %get3A_82, %get3A_83] : memref<16x512x26xf32, #tpu.memory_space<vmem>>, vector<1x512x26xf32>
      %get3A_85 = vector.shape_cast %get3A_84 : vector<1x512x26xf32> to vector<512x26xf32>
      %get3A_86 = arith.constant 4 : index
      %get3A_87 = arith.constant 0 : index
      %get3A_88 = arith.constant 0 : index
      %get3A_89 = vector.load %arg7[%get3A_86, %get3A_87, %get3A_88] : memref<16x26x256xf32, #tpu.memory_space<vmem>>, vector<1x26x256xf32>
      %get3A_90 = vector.shape_cast %get3A_89 : vector<1x26x256xf32> to vector<26x256xf32>
      %dot_general3A_91 = arith.constant dense<0.000000e+00> : vector<512x256xf32>
      %dot_general3A_92 = tpu.matmul %get3A_85, %get3A_90, %dot_general3A_91 {dimension_numbers = #tpu.dot_dimension_numbers<[1], [0], [0], [1], [0, 0, 1, 1], [], []>, precision = #tpu.contract_precision<fp32>, transpose_lhs_hint = false} : vector<512x26xf32>, vector<26x256xf32>, vector<512x256xf32> -> vector<512x256xf32>
      %add3A_93 = arith.addf %add3A_80, %dot_general3A_92 : vector<512x256xf32>
      %get3A_94 = arith.constant 5 : index
      %get3A_95 = arith.constant 0 : index
      %get3A_96 = arith.constant 0 : index
      %get3A_97 = vector.load %arg3[%get3A_94, %get3A_95, %get3A_96] : memref<16x512x26xf32, #tpu.memory_space<vmem>>, vector<1x512x26xf32>
      %get3A_98 = vector.shape_cast %get3A_97 : vector<1x512x26xf32> to vector<512x26xf32>
      %get3A_99 = arith.constant 5 : index
      %get3A_100 = arith.constant 0 : index
      %get3A_101 = arith.constant 0 : index
      %get3A_102 = vector.load %arg7[%get3A_99, %get3A_100, %get3A_101] : memref<16x26x256xf32, #tpu.memory_space<vmem>>, vector<1x26x256xf32>
      %get3A_103 = vector.shape_cast %get3A_102 : vector<1x26x256xf32> to vector<26x256xf32>
      %dot_general3A_104 = arith.constant dense<0.000000e+00> : vector<512x256xf32>
      %dot_general3A_105 = tpu.matmul %get3A_98, %get3A_103, %dot_general3A_104 {dimension_numbers = #tpu.dot_dimension_numbers<[1], [0], [0], [1], [0, 0, 1, 1], [], []>, precision = #tpu.contract_precision<fp32>, transpose_lhs_hint = false} : vector<512x26xf32>, vector<26x256xf32>, vector<512x256xf32> -> vector<512x256xf32>
      %add3A_106 = arith.addf %add3A_93, %dot_general3A_105 : vector<512x256xf32>
      %get3A_107 = arith.constant 6 : index
      %get3A_108 = arith.constant 0 : index
      %get3A_109 = arith.constant 0 : index
      %get3A_110 = vector.load %arg3[%get3A_107, %get3A_108, %get3A_109] : memref<16x512x26xf32, #tpu.memory_space<vmem>>, vector<1x512x26xf32>
      %get3A_111 = vector.shape_cast %get3A_110 : vector<1x512x26xf32> to vector<512x26xf32>
      %get3A_112 = arith.constant 6 : index
      %get3A_113 = arith.constant 0 : index
      %get3A_114 = arith.constant 0 : index
      %get3A_115 = vector.load %arg7[%get3A_112, %get3A_113, %get3A_114] : memref<16x26x256xf32, #tpu.memory_space<vmem>>, vector<1x26x256xf32>
      %get3A_116 = vector.shape_cast %get3A_115 : vector<1x26x256xf32> to vector<26x256xf32>
      %dot_general3A_117 = arith.constant dense<0.000000e+00> : vector<512x256xf32>
      %dot_general3A_118 = tpu.matmul %get3A_111, %get3A_116, %dot_general3A_117 {dimension_numbers = #tpu.dot_dimension_numbers<[1], [0], [0], [1], [0, 0, 1, 1], [], []>, precision = #tpu.contract_precision<fp32>, transpose_lhs_hint = false} : vector<512x26xf32>, vector<26x256xf32>, vector<512x256xf32> -> vector<512x256xf32>
      %add3A_119 = arith.addf %add3A_106, %dot_general3A_118 : vector<512x256xf32>
      %get3A_120 = arith.constant 7 : index
      %get3A_121 = arith.constant 0 : index
      %get3A_122 = arith.constant 0 : index
      %get3A_123 = vector.load %arg3[%get3A_120, %get3A_121, %get3A_122] : memref<16x512x26xf32, #tpu.memory_space<vmem>>, vector<1x512x26xf32>
      %get3A_124 = vector.shape_cast %get3A_123 : vector<1x512x26xf32> to vector<512x26xf32>
      %get3A_125 = arith.constant 7 : index
      %get3A_126 = arith.constant 0 : index
      %get3A_127 = arith.constant 0 : index
      %get3A_128 = vector.load %arg7[%get3A_125, %get3A_126, %get3A_127] : memref<16x26x256xf32, #tpu.memory_space<vmem>>, vector<1x26x256xf32>
      %get3A_129 = vector.shape_cast %get3A_128 : vector<1x26x256xf32> to vector<26x256xf32>
      %dot_general3A_130 = arith.constant dense<0.000000e+00> : vector<512x256xf32>
      %dot_general3A_131 = tpu.matmul %get3A_124, %get3A_129, %dot_general3A_130 {dimension_numbers = #tpu.dot_dimension_numbers<[1], [0], [0], [1], [0, 0, 1, 1], [], []>, precision = #tpu.contract_precision<fp32>, transpose_lhs_hint = false} : vector<512x26xf32>, vector<26x256xf32>, vector<512x256xf32> -> vector<512x256xf32>
      %add3A_132 = arith.addf %add3A_119, %dot_general3A_131 : vector<512x256xf32>
      %get3A_133 = arith.constant 8 : index
      %get3A_134 = arith.constant 0 : index
      %get3A_135 = arith.constant 0 : index
      %get3A_136 = vector.load %arg3[%get3A_133, %get3A_134, %get3A_135] : memref<16x512x26xf32, #tpu.memory_space<vmem>>, vector<1x512x26xf32>
      %get3A_137 = vector.shape_cast %get3A_136 : vector<1x512x26xf32> to vector<512x26xf32>
      %get3A_138 = arith.constant 8 : index
      %get3A_139 = arith.constant 0 : index
      %get3A_140 = arith.constant 0 : index
      %get3A_141 = vector.load %arg7[%get3A_138, %get3A_139, %get3A_140] : memref<16x26x256xf32, #tpu.memory_space<vmem>>, vector<1x26x256xf32>
      %get3A_142 = vector.shape_cast %get3A_141 : vector<1x26x256xf32> to vector<26x256xf32>
      %dot_general3A_143 = arith.constant dense<0.000000e+00> : vector<512x256xf32>
      %dot_general3A_144 = tpu.matmul %get3A_137, %get3A_142, %dot_general3A_143 {dimension_numbers = #tpu.dot_dimension_numbers<[1], [0], [0], [1], [0, 0, 1, 1], [], []>, precision = #tpu.contract_precision<fp32>, transpose_lhs_hint = false} : vector<512x26xf32>, vector<26x256xf32>, vector<512x256xf32> -> vector<512x256xf32>
      %add3A_145 = arith.addf %add3A_132, %dot_general3A_144 : vector<512x256xf32>
      %get3A_146 = arith.constant 9 : index
      %get3A_147 = arith.constant 0 : index
      %get3A_148 = arith.constant 0 : index
      %get3A_149 = vector.load %arg3[%get3A_146, %get3A_147, %get3A_148] : memref<16x512x26xf32, #tpu.memory_space<vmem>>, vector<1x512x26xf32>
      %get3A_150 = vector.shape_cast %get3A_149 : vector<1x512x26xf32> to vector<512x26xf32>
      %get3A_151 = arith.constant 9 : index
      %get3A_152 = arith.constant 0 : index
      %get3A_153 = arith.constant 0 : index
      %get3A_154 = vector.load %arg7[%get3A_151, %get3A_152, %get3A_153] : memref<16x26x256xf32, #tpu.memory_space<vmem>>, vector<1x26x256xf32>
      %get3A_155 = vector.shape_cast %get3A_154 : vector<1x26x256xf32> to vector<26x256xf32>
      %dot_general3A_156 = arith.constant dense<0.000000e+00> : vector<512x256xf32>
      %dot_general3A_157 = tpu.matmul %get3A_150, %get3A_155, %dot_general3A_156 {dimension_numbers = #tpu.dot_dimension_numbers<[1], [0], [0], [1], [0, 0, 1, 1], [], []>, precision = #tpu.contract_precision<fp32>, transpose_lhs_hint = false} : vector<512x26xf32>, vector<26x256xf32>, vector<512x256xf32> -> vector<512x256xf32>
      %add3A_158 = arith.addf %add3A_145, %dot_general3A_157 : vector<512x256xf32>
      %get3A_159 = arith.constant 10 : index
      %get3A_160 = arith.constant 0 : index
      %get3A_161 = arith.constant 0 : index
      %get3A_162 = vector.load %arg3[%get3A_159, %get3A_160, %get3A_161] : memref<16x512x26xf32, #tpu.memory_space<vmem>>, vector<1x512x26xf32>
      %get3A_163 = vector.shape_cast %get3A_162 : vector<1x512x26xf32> to vector<512x26xf32>
      %get3A_164 = arith.constant 10 : index
      %get3A_165 = arith.constant 0 : index
      %get3A_166 = arith.constant 0 : index
      %get3A_167 = vector.load %arg7[%get3A_164, %get3A_165, %get3A_166] : memref<16x26x256xf32, #tpu.memory_space<vmem>>, vector<1x26x256xf32>
      %get3A_168 = vector.shape_cast %get3A_167 : vector<1x26x256xf32> to vector<26x256xf32>
      %dot_general3A_169 = arith.constant dense<0.000000e+00> : vector<512x256xf32>
      %dot_general3A_170 = tpu.matmul %get3A_163, %get3A_168, %dot_general3A_169 {dimension_numbers = #tpu.dot_dimension_numbers<[1], [0], [0], [1], [0, 0, 1, 1], [], []>, precision = #tpu.contract_precision<fp32>, transpose_lhs_hint = false} : vector<512x26xf32>, vector<26x256xf32>, vector<512x256xf32> -> vector<512x256xf32>
      %add3A_171 = arith.addf %add3A_158, %dot_general3A_170 : vector<512x256xf32>
      %get3A_172 = arith.constant 11 : index
      %get3A_173 = arith.constant 0 : index
      %get3A_174 = arith.constant 0 : index
      %get3A_175 = vector.load %arg3[%get3A_172, %get3A_173, %get3A_174] : memref<16x512x26xf32, #tpu.memory_space<vmem>>, vector<1x512x26xf32>
      %get3A_176 = vector.shape_cast %get3A_175 : vector<1x512x26xf32> to vector<512x26xf32>
      %get3A_177 = arith.constant 11 : index
      %get3A_178 = arith.constant 0 : index
      %get3A_179 = arith.constant 0 : index
      %get3A_180 = vector.load %arg7[%get3A_177, %get3A_178, %get3A_179] : memref<16x26x256xf32, #tpu.memory_space<vmem>>, vector<1x26x256xf32>
      %get3A_181 = vector.shape_cast %get3A_180 : vector<1x26x256xf32> to vector<26x256xf32>
      %dot_general3A_182 = arith.constant dense<0.000000e+00> : vector<512x256xf32>
      %dot_general3A_183 = tpu.matmul %get3A_176, %get3A_181, %dot_general3A_182 {dimension_numbers = #tpu.dot_dimension_numbers<[1], [0], [0], [1], [0, 0, 1, 1], [], []>, precision = #tpu.contract_precision<fp32>, transpose_lhs_hint = false} : vector<512x26xf32>, vector<26x256xf32>, vector<512x256xf32> -> vector<512x256xf32>
      %add3A_184 = arith.addf %add3A_171, %dot_general3A_183 : vector<512x256xf32>
      %get3A_185 = arith.constant 12 : index
      %get3A_186 = arith.constant 0 : index
      %get3A_187 = arith.constant 0 : index
      %get3A_188 = vector.load %arg3[%get3A_185, %get3A_186, %get3A_187] : memref<16x512x26xf32, #tpu.memory_space<vmem>>, vector<1x512x26xf32>
      %get3A_189 = vector.shape_cast %get3A_188 : vector<1x512x26xf32> to vector<512x26xf32>
      %get3A_190 = arith.constant 12 : index
      %get3A_191 = arith.constant 0 : index
      %get3A_192 = arith.constant 0 : index
      %get3A_193 = vector.load %arg7[%get3A_190, %get3A_191, %get3A_192] : memref<16x26x256xf32, #tpu.memory_space<vmem>>, vector<1x26x256xf32>
      %get3A_194 = vector.shape_cast %get3A_193 : vector<1x26x256xf32> to vector<26x256xf32>
      %dot_general3A_195 = arith.constant dense<0.000000e+00> : vector<512x256xf32>
      %dot_general3A_196 = tpu.matmul %get3A_189, %get3A_194, %dot_general3A_195 {dimension_numbers = #tpu.dot_dimension_numbers<[1], [0], [0], [1], [0, 0, 1, 1], [], []>, precision = #tpu.contract_precision<fp32>, transpose_lhs_hint = false} : vector<512x26xf32>, vector<26x256xf32>, vector<512x256xf32> -> vector<512x256xf32>
      %add3A_197 = arith.addf %add3A_184, %dot_general3A_196 : vector<512x256xf32>
      %get3A_198 = arith.constant 13 : index
      %get3A_199 = arith.constant 0 : index
      %get3A_200 = arith.constant 0 : index
      %get3A_201 = vector.load %arg3[%get3A_198, %get3A_199, %get3A_200] : memref<16x512x26xf32, #tpu.memory_space<vmem>>, vector<1x512x26xf32>
      %get3A_202 = vector.shape_cast %get3A_201 : vector<1x512x26xf32> to vector<512x26xf32>
      %get3A_203 = arith.constant 13 : index
      %get3A_204 = arith.constant 0 : index
      %get3A_205 = arith.constant 0 : index
      %get3A_206 = vector.load %arg7[%get3A_203, %get3A_204, %get3A_205] : memref<16x26x256xf32, #tpu.memory_space<vmem>>, vector<1x26x256xf32>
      %get3A_207 = vector.shape_cast %get3A_206 : vector<1x26x256xf32> to vector<26x256xf32>
      %dot_general3A_208 = arith.constant dense<0.000000e+00> : vector<512x256xf32>
      %dot_general3A_209 = tpu.matmul %get3A_202, %get3A_207, %dot_general3A_208 {dimension_numbers = #tpu.dot_dimension_numbers<[1], [0], [0], [1], [0, 0, 1, 1], [], []>, precision = #tpu.contract_precision<fp32>, transpose_lhs_hint = false} : vector<512x26xf32>, vector<26x256xf32>, vector<512x256xf32> -> vector<512x256xf32>
      %add3A_210 = arith.addf %add3A_197, %dot_general3A_209 : vector<512x256xf32>
      %get3A_211 = arith.constant 14 : index
      %get3A_212 = arith.constant 0 : index
      %get3A_213 = arith.constant 0 : index
      %get3A_214 = vector.load %arg3[%get3A_211, %get3A_212, %get3A_213] : memref<16x512x26xf32, #tpu.memory_space<vmem>>, vector<1x512x26xf32>
      %get3A_215 = vector.shape_cast %get3A_214 : vector<1x512x26xf32> to vector<512x26xf32>
      %get3A_216 = arith.constant 14 : index
      %get3A_217 = arith.constant 0 : index
      %get3A_218 = arith.constant 0 : index
      %get3A_219 = vector.load %arg7[%get3A_216, %get3A_217, %get3A_218] : memref<16x26x256xf32, #tpu.memory_space<vmem>>, vector<1x26x256xf32>
      %get3A_220 = vector.shape_cast %get3A_219 : vector<1x26x256xf32> to vector<26x256xf32>
      %dot_general3A_221 = arith.constant dense<0.000000e+00> : vector<512x256xf32>
      %dot_general3A_222 = tpu.matmul %get3A_215, %get3A_220, %dot_general3A_221 {dimension_numbers = #tpu.dot_dimension_numbers<[1], [0], [0], [1], [0, 0, 1, 1], [], []>, precision = #tpu.contract_precision<fp32>, transpose_lhs_hint = false} : vector<512x26xf32>, vector<26x256xf32>, vector<512x256xf32> -> vector<512x256xf32>
      %add3A_223 = arith.addf %add3A_210, %dot_general3A_222 : vector<512x256xf32>
      %get3A_224 = arith.constant 15 : index
      %get3A_225 = arith.constant 0 : index
      %get3A_226 = arith.constant 0 : index
      %get3A_227 = vector.load %arg3[%get3A_224, %get3A_225, %get3A_226] : memref<16x512x26xf32, #tpu.memory_space<vmem>>, vector<1x512x26xf32>
      %get3A_228 = vector.shape_cast %get3A_227 : vector<1x512x26xf32> to vector<512x26xf32>
      %get3A_229 = arith.constant 15 : index
      %get3A_230 = arith.constant 0 : index
      %get3A_231 = arith.constant 0 : index
      %get3A_232 = vector.load %arg7[%get3A_229, %get3A_230, %get3A_231] : memref<16x26x256xf32, #tpu.memory_space<vmem>>, vector<1x26x256xf32>
      %get3A_233 = vector.shape_cast %get3A_232 : vector<1x26x256xf32> to vector<26x256xf32>
      %dot_general3A_234 = arith.constant dense<0.000000e+00> : vector<512x256xf32>
      %dot_general3A_235 = tpu.matmul %get3A_228, %get3A_233, %dot_general3A_234 {dimension_numbers = #tpu.dot_dimension_numbers<[1], [0], [0], [1], [0, 0, 1, 1], [], []>, precision = #tpu.contract_precision<fp32>, transpose_lhs_hint = false} : vector<512x26xf32>, vector<26x256xf32>, vector<512x256xf32> -> vector<512x256xf32>
      %add3A_236 = arith.addf %add3A_223, %dot_general3A_235 : vector<512x256xf32>
      %mul3A = arith.constant 512 : i32
      %mul3A_237 = arith.muli %arg1, %mul3A : i32
      %swap3A = arith.index_cast %mul3A_237 : i32 to index
      %swap3A_238 = arith.constant 0 : index
      %swap3A_239 = vector.load %arg18[%swap3A, %swap3A_238] : memref<4096x256xf32, #tpu.memory_space<vmem>>, vector<512x256xf32>
      tpu.vector_store %arg18[%swap3A, %swap3A_238], %add3A_236 {strides = array<i32>} : memref<4096x256xf32, #tpu.memory_space<vmem>>, vector<512x256xf32>,
      %get3A_240 = arith.constant 0 : index
      %get3A_241 = arith.constant 0 : index
      %get3A_242 = vector.load %arg20[%get3A_240, %get3A_241] : memref<1x256xf32, #tpu.memory_space<vmem>>, vector<1x256xf32>
      %reduce_sum3A = arith.constant dense<0.000000e+00> : vector<256xf32>
      %reduce_sum3A_243 = vector.multi_reduction <add>, %add3A_236, %reduce_sum3A [0] : vector<512x256xf32> to vector<256xf32>
      %broadcast_in_dim3A = vector.shape_cast %reduce_sum3A_243 : vector<256xf32> to vector<1x256xf32>
      %add3A_244 = arith.addf %get3A_242, %broadcast_in_dim3A : vector<1x256xf32>
      %swap3A_245 = arith.constant 0 : index
      %swap3A_246 = arith.constant 0 : index
      %swap3A_247 = vector.load %arg20[%swap3A_245, %swap3A_246] : memref<1x256xf32, #tpu.memory_space<vmem>>, vector<1x256xf32>
      tpu.vector_store %arg20[%swap3A_245, %swap3A_246], %add3A_244 {strides = array<i32>} : memref<1x256xf32, #tpu.memory_space<vmem>>, vector<1x256xf32>,
      %get3A_248 = arith.constant 0 : index
      %get3A_249 = arith.constant 0 : index
      %get3A_250 = vector.load %arg21[%get3A_248, %get3A_249] : memref<1x256xf32, #tpu.memory_space<vmem>>, vector<1x256xf32>
      %mul3A_251 = arith.mulf %add3A_236, %add3A_236 : vector<512x256xf32>
      %reduce_sum3A_252 = arith.constant dense<0.000000e+00> : vector<256xf32>
      %reduce_sum3A_253 = vector.multi_reduction <add>, %mul3A_251, %reduce_sum3A_252 [0] : vector<512x256xf32> to vector<256xf32>
      %broadcast_in_dim3A_254 = vector.shape_cast %reduce_sum3A_253 : vector<256xf32> to vector<1x256xf32>
      %add3A_255 = arith.addf %get3A_250, %broadcast_in_dim3A_254 : vector<1x256xf32>
      %swap3A_256 = arith.constant 0 : index
      %swap3A_257 = arith.constant 0 : index
      %swap3A_258 = vector.load %arg21[%swap3A_256, %swap3A_257] : memref<1x256xf32, #tpu.memory_space<vmem>>, vector<1x256xf32>
      tpu.vector_store %arg21[%swap3A_256, %swap3A_257], %add3A_255 {strides = array<i32>} : memref<1x256xf32, #tpu.memory_space<vmem>>, vector<1x256xf32>,
      %broadcast_in_dim3A_259 = arith.constant 0.000000e+00 : f32
      %broadcast_in_dim3A_260 = vector.broadcast %broadcast_in_dim3A_259 : f32 to vector<512x1xf32>
      %swap3A_261 = arith.constant 0 : index
      %swap3A_262 = arith.constant 0 : index
      %swap3A_263 = vector.load %arg17[%swap3A_261, %swap3A_262] : memref<512x1xf32, #tpu.memory_space<vmem>>, vector<512x1xf32>
      tpu.vector_store %arg17[%swap3A_261, %swap3A_262], %broadcast_in_dim3A_260 {strides = array<i32>} : memref<512x1xf32, #tpu.memory_space<vmem>>, vector<512x1xf32>,
    } else {
    }
    %eq3A_9 = arith.constant 1 : i32
    %eq3A_10 = arith.cmpi eq, %arg0, %eq3A_9 : i32
    %convert_element_type3A_11 = arith.extui %eq3A_10 : i1 to i32
    %cond3A_12 = arith.constant 0 : i32
    %cond3A_13 = arith.cmpi ne, %convert_element_type3A_11, %cond3A_12 : i32
    scf.if %cond3A_13 {
      %get3A = arith.constant 0 : index
      %get3A_19 = arith.constant 0 : index
      %get3A_20 = vector.load %arg20[%get3A, %get3A_19] : memref<1x256xf32, #tpu.memory_space<vmem>>, vector<1x256xf32>
      %mul3A = arith.constant 2.44140625E-4 : f32
      %mul3A_21 = vector.broadcast %mul3A : f32 to vector<1x256xf32>
      %mul3A_22 = arith.mulf %get3A_20, %mul3A_21 : vector<1x256xf32>
      %get3A_23 = arith.constant 0 : index
      %get3A_24 = arith.constant 0 : index
      %get3A_25 = vector.load %arg21[%get3A_23, %get3A_24] : memref<1x256xf32, #tpu.memory_space<vmem>>, vector<1x256xf32>
      %mul3A_26 = arith.constant 2.44140625E-4 : f32
      %mul3A_27 = vector.broadcast %mul3A_26 : f32 to vector<1x256xf32>
      %mul3A_28 = arith.mulf %get3A_25, %mul3A_27 : vector<1x256xf32>
      %mul3A_29 = arith.mulf %mul3A_22, %mul3A_22 : vector<1x256xf32>
      %sub3A = arith.subf %mul3A_28, %mul3A_29 : vector<1x256xf32>
      %mul3A_30 = arith.constant 512 : i32
      %mul3A_31 = arith.muli %arg1, %mul3A_30 : i32
      %get3A_32 = arith.index_cast %mul3A_31 : i32 to index
      %get3A_33 = arith.constant 0 : index
      %get3A_34 = vector.load %arg18[%get3A_32, %get3A_33] : memref<4096x256xf32, #tpu.memory_space<vmem>>, vector<512x256xf32>
      %sub3A_35 = vector.broadcast %mul3A_22 : vector<1x256xf32> to vector<512x256xf32>
      %sub3A_36 = arith.subf %get3A_34, %sub3A_35 : vector<512x256xf32>
      %add3A = arith.constant 9.99999974E-6 : f32
      %add3A_37 = vector.broadcast %add3A : f32 to vector<1x256xf32>
      %add3A_38 = arith.addf %sub3A, %add3A_37 : vector<1x256xf32>
      %rsqrt3A = math.rsqrt %add3A_38 : vector<1x256xf32>
      %mul3A_39 = vector.broadcast %rsqrt3A : vector<1x256xf32> to vector<512x256xf32>
      %mul3A_40 = arith.mulf %sub3A_36, %mul3A_39 : vector<512x256xf32>
      %get3A_41 = arith.constant 0 : index
      %get3A_42 = arith.constant 0 : index
      %get3A_43 = vector.load %arg9[%get3A_41, %get3A_42] : memref<1x256xf32, #tpu.memory_space<vmem>>, vector<1x256xf32>
      %mul3A_44 = vector.broadcast %get3A_43 : vector<1x256xf32> to vector<512x256xf32>
      %mul3A_45 = arith.mulf %mul3A_40, %mul3A_44 : vector<512x256xf32>
      %get3A_46 = arith.constant 0 : index
      %get3A_47 = arith.constant 0 : index
      %get3A_48 = vector.load %arg10[%get3A_46, %get3A_47] : memref<1x256xf32, #tpu.memory_space<vmem>>, vector<1x256xf32>
      %add3A_49 = vector.broadcast %get3A_48 : vector<1x256xf32> to vector<512x256xf32>
      %add3A_50 = arith.addf %mul3A_45, %add3A_49 : vector<512x256xf32>
      %max3A = arith.constant 0.000000e+00 : f32
      %max3A_51 = vector.broadcast %max3A : f32 to vector<512x256xf32>
      %max3A_52 = arith.maximumf %add3A_50, %max3A_51 : vector<512x256xf32>
      %get3A_53 = arith.constant 0 : index
      %get3A_54 = arith.constant 0 : index
      %get3A_55 = vector.load %arg11[%get3A_53, %get3A_54] : memref<256x128xf32, #tpu.memory_space<vmem>>, vector<256x128xf32>
      %dot_general3A = arith.constant dense<0.000000e+00> : vector<512x128xf32>
      %dot_general3A_56 = tpu.matmul %max3A_52, %get3A_55, %dot_general3A {dimension_numbers = #tpu.dot_dimension_numbers<[1], [0], [0], [1], [0, 0, 1, 1], [], []>, precision = #tpu.contract_precision<fp32>, transpose_lhs_hint = false} : vector<512x256xf32>, vector<256x128xf32>, vector<512x128xf32> -> vector<512x128xf32>
      %get3A_57 = arith.constant 0 : index
      %get3A_58 = arith.constant 0 : index
      %get3A_59 = vector.load %arg12[%get3A_57, %get3A_58] : memref<1x128xf32, #tpu.memory_space<vmem>>, vector<1x128xf32>
      %add3A_60 = vector.broadcast %get3A_59 : vector<1x128xf32> to vector<512x128xf32>
      %add3A_61 = arith.addf %dot_general3A_56, %add3A_60 : vector<512x128xf32>
      %mul3A_62 = arith.constant 512 : i32
      %mul3A_63 = arith.muli %arg1, %mul3A_62 : i32
      %swap3A = arith.index_cast %mul3A_63 : i32 to index
      %swap3A_64 = arith.constant 0 : index
      %swap3A_65 = vector.load %arg19[%swap3A, %swap3A_64] : memref<4096x128xf32, #tpu.memory_space<vmem>>, vector<512x128xf32>
      tpu.vector_store %arg19[%swap3A, %swap3A_64], %add3A_61 {strides = array<i32>} : memref<4096x128xf32, #tpu.memory_space<vmem>>, vector<512x128xf32>,
      %get3A_66 = arith.constant 0 : index
      %get3A_67 = arith.constant 0 : index
      %get3A_68 = vector.load %arg22[%get3A_66, %get3A_67] : memref<1x128xf32, #tpu.memory_space<vmem>>, vector<1x128xf32>
      %reduce_sum3A = arith.constant dense<0.000000e+00> : vector<128xf32>
      %reduce_sum3A_69 = vector.multi_reduction <add>, %add3A_61, %reduce_sum3A [0] : vector<512x128xf32> to vector<128xf32>
      %broadcast_in_dim3A = vector.shape_cast %reduce_sum3A_69 : vector<128xf32> to vector<1x128xf32>
      %add3A_70 = arith.addf %get3A_68, %broadcast_in_dim3A : vector<1x128xf32>
      %swap3A_71 = arith.constant 0 : index
      %swap3A_72 = arith.constant 0 : index
      %swap3A_73 = vector.load %arg22[%swap3A_71, %swap3A_72] : memref<1x128xf32, #tpu.memory_space<vmem>>, vector<1x128xf32>
      tpu.vector_store %arg22[%swap3A_71, %swap3A_72], %add3A_70 {strides = array<i32>} : memref<1x128xf32, #tpu.memory_space<vmem>>, vector<1x128xf32>,
      %get3A_74 = arith.constant 0 : index
      %get3A_75 = arith.constant 0 : index
      %get3A_76 = vector.load %arg23[%get3A_74, %get3A_75] : memref<1x128xf32, #tpu.memory_space<vmem>>, vector<1x128xf32>
      %mul3A_77 = arith.mulf %add3A_61, %add3A_61 : vector<512x128xf32>
      %reduce_sum3A_78 = arith.constant dense<0.000000e+00> : vector<128xf32>
      %reduce_sum3A_79 = vector.multi_reduction <add>, %mul3A_77, %reduce_sum3A_78 [0] : vector<512x128xf32> to vector<128xf32>
      %broadcast_in_dim3A_80 = vector.shape_cast %reduce_sum3A_79 : vector<128xf32> to vector<1x128xf32>
      %add3A_81 = arith.addf %get3A_76, %broadcast_in_dim3A_80 : vector<1x128xf32>
      %swap3A_82 = arith.constant 0 : index
      %swap3A_83 = arith.constant 0 : index
      %swap3A_84 = vector.load %arg23[%swap3A_82, %swap3A_83] : memref<1x128xf32, #tpu.memory_space<vmem>>, vector<1x128xf32>
      tpu.vector_store %arg23[%swap3A_82, %swap3A_83], %add3A_81 {strides = array<i32>} : memref<1x128xf32, #tpu.memory_space<vmem>>, vector<1x128xf32>,
      %broadcast_in_dim3A_85 = arith.constant 0.000000e+00 : f32
      %broadcast_in_dim3A_86 = vector.broadcast %broadcast_in_dim3A_85 : f32 to vector<512x1xf32>
      %swap3A_87 = arith.constant 0 : index
      %swap3A_88 = arith.constant 0 : index
      %swap3A_89 = vector.load %arg17[%swap3A_87, %swap3A_88] : memref<512x1xf32, #tpu.memory_space<vmem>>, vector<512x1xf32>
      tpu.vector_store %arg17[%swap3A_87, %swap3A_88], %broadcast_in_dim3A_86 {strides = array<i32>} : memref<512x1xf32, #tpu.memory_space<vmem>>, vector<512x1xf32>,
    } else {
    }
    %eq3A_14 = arith.constant 2 : i32
    %eq3A_15 = arith.cmpi eq, %arg0, %eq3A_14 : i32
    %convert_element_type3A_16 = arith.extui %eq3A_15 : i1 to i32
    %cond3A_17 = arith.constant 0 : i32
    %cond3A_18 = arith.cmpi ne, %convert_element_type3A_16, %cond3A_17 : i32
    scf.if %cond3A_18 {
      %get3A = arith.constant 0 : index
      %get3A_19 = arith.constant 0 : index
      %get3A_20 = vector.load %arg2[%get3A, %get3A_19] : memref<512x13xf32, #tpu.memory_space<vmem>>, vector<512x13xf32>
      %get3A_21 = arith.constant 0 : index
      %get3A_22 = arith.constant 0 : index
      %get3A_23 = vector.load %arg5[%get3A_21, %get3A_22] : memref<13x1xf32, #tpu.memory_space<vmem>>, vector<13x1xf32>
      %dot_general3A = arith.constant dense<0.000000e+00> : vector<512x1xf32>
      %dot_general3A_24 = tpu.matmul %get3A_20, %get3A_23, %dot_general3A {dimension_numbers = #tpu.dot_dimension_numbers<[1], [0], [0], [1], [0, 0, 1, 1], [], []>, precision = #tpu.contract_precision<fp32>, transpose_lhs_hint = false} : vector<512x13xf32>, vector<13x1xf32>, vector<512x1xf32> -> vector<512x1xf32>
      %get3A_25 = arith.constant 0 : index
      %get3A_26 = arith.constant 0 : index
      %get3A_27 = vector.load %arg4[%get3A_25, %get3A_26] : memref<512x26xf32, #tpu.memory_space<vmem>>, vector<512x26xf32>
      %reduce_sum3A = arith.constant dense<0.000000e+00> : vector<512xf32>
      %reduce_sum3A_28 = vector.multi_reduction <add>, %get3A_27, %reduce_sum3A [1] : vector<512x26xf32> to vector<512xf32>
      %broadcast_in_dim3A = vector.shape_cast %reduce_sum3A_28 : vector<512xf32> to vector<512x1xf32>
      %add3A = arith.addf %dot_general3A_24, %broadcast_in_dim3A : vector<512x1xf32>
      %broadcast_in_dim3A_29 = arith.constant 0.000000e+00 : f32
      %broadcast_in_dim3A_30 = vector.broadcast %broadcast_in_dim3A_29 : f32 to vector<512x1xf32>
      %get3A_31 = arith.constant 0 : index
      %get3A_32 = arith.constant 0 : index
      %get3A_33 = arith.constant 0 : index
      %get3A_34 = vector.load %arg3[%get3A_31, %get3A_32, %get3A_33] : memref<16x512x26xf32, #tpu.memory_space<vmem>>, vector<1x512x26xf32>
      %get3A_35 = vector.shape_cast %get3A_34 : vector<1x512x26xf32> to vector<512x26xf32>
      %reduce_sum3A_36 = arith.constant dense<0.000000e+00> : vector<512xf32>
      %reduce_sum3A_37 = vector.multi_reduction <add>, %get3A_35, %reduce_sum3A_36 [1] : vector<512x26xf32> to vector<512xf32>
      %broadcast_in_dim3A_38 = vector.shape_cast %reduce_sum3A_37 : vector<512xf32> to vector<512x1xf32>
      %mul3A = arith.mulf %get3A_35, %get3A_35 : vector<512x26xf32>
      %reduce_sum3A_39 = arith.constant dense<0.000000e+00> : vector<512xf32>
      %reduce_sum3A_40 = vector.multi_reduction <add>, %mul3A, %reduce_sum3A_39 [1] : vector<512x26xf32> to vector<512xf32>
      %broadcast_in_dim3A_41 = vector.shape_cast %reduce_sum3A_40 : vector<512xf32> to vector<512x1xf32>
      %mul3A_42 = arith.mulf %broadcast_in_dim3A_38, %broadcast_in_dim3A_38 : vector<512x1xf32>
      %sub3A = arith.subf %mul3A_42, %broadcast_in_dim3A_41 : vector<512x1xf32>
      %add3A_43 = arith.addf %broadcast_in_dim3A_30, %sub3A : vector<512x1xf32>
      %get3A_44 = arith.constant 1 : index
      %get3A_45 = arith.constant 0 : index
      %get3A_46 = arith.constant 0 : index
      %get3A_47 = vector.load %arg3[%get3A_44, %get3A_45, %get3A_46] : memref<16x512x26xf32, #tpu.memory_space<vmem>>, vector<1x512x26xf32>
      %get3A_48 = vector.shape_cast %get3A_47 : vector<1x512x26xf32> to vector<512x26xf32>
      %reduce_sum3A_49 = arith.constant dense<0.000000e+00> : vector<512xf32>
      %reduce_sum3A_50 = vector.multi_reduction <add>, %get3A_48, %reduce_sum3A_49 [1] : vector<512x26xf32> to vector<512xf32>
      %broadcast_in_dim3A_51 = vector.shape_cast %reduce_sum3A_50 : vector<512xf32> to vector<512x1xf32>
      %mul3A_52 = arith.mulf %get3A_48, %get3A_48 : vector<512x26xf32>
      %reduce_sum3A_53 = arith.constant dense<0.000000e+00> : vector<512xf32>
      %reduce_sum3A_54 = vector.multi_reduction <add>, %mul3A_52, %reduce_sum3A_53 [1] : vector<512x26xf32> to vector<512xf32>
      %broadcast_in_dim3A_55 = vector.shape_cast %reduce_sum3A_54 : vector<512xf32> to vector<512x1xf32>
      %mul3A_56 = arith.mulf %broadcast_in_dim3A_51, %broadcast_in_dim3A_51 : vector<512x1xf32>
      %sub3A_57 = arith.subf %mul3A_56, %broadcast_in_dim3A_55 : vector<512x1xf32>
      %add3A_58 = arith.addf %add3A_43, %sub3A_57 : vector<512x1xf32>
      %get3A_59 = arith.constant 2 : index
      %get3A_60 = arith.constant 0 : index
      %get3A_61 = arith.constant 0 : index
      %get3A_62 = vector.load %arg3[%get3A_59, %get3A_60, %get3A_61] : memref<16x512x26xf32, #tpu.memory_space<vmem>>, vector<1x512x26xf32>
      %get3A_63 = vector.shape_cast %get3A_62 : vector<1x512x26xf32> to vector<512x26xf32>
      %reduce_sum3A_64 = arith.constant dense<0.000000e+00> : vector<512xf32>
      %reduce_sum3A_65 = vector.multi_reduction <add>, %get3A_63, %reduce_sum3A_64 [1] : vector<512x26xf32> to vector<512xf32>
      %broadcast_in_dim3A_66 = vector.shape_cast %reduce_sum3A_65 : vector<512xf32> to vector<512x1xf32>
      %mul3A_67 = arith.mulf %get3A_63, %get3A_63 : vector<512x26xf32>
      %reduce_sum3A_68 = arith.constant dense<0.000000e+00> : vector<512xf32>
      %reduce_sum3A_69 = vector.multi_reduction <add>, %mul3A_67, %reduce_sum3A_68 [1] : vector<512x26xf32> to vector<512xf32>
      %broadcast_in_dim3A_70 = vector.shape_cast %reduce_sum3A_69 : vector<512xf32> to vector<512x1xf32>
      %mul3A_71 = arith.mulf %broadcast_in_dim3A_66, %broadcast_in_dim3A_66 : vector<512x1xf32>
      %sub3A_72 = arith.subf %mul3A_71, %broadcast_in_dim3A_70 : vector<512x1xf32>
      %add3A_73 = arith.addf %add3A_58, %sub3A_72 : vector<512x1xf32>
      %get3A_74 = arith.constant 3 : index
      %get3A_75 = arith.constant 0 : index
      %get3A_76 = arith.constant 0 : index
      %get3A_77 = vector.load %arg3[%get3A_74, %get3A_75, %get3A_76] : memref<16x512x26xf32, #tpu.memory_space<vmem>>, vector<1x512x26xf32>
      %get3A_78 = vector.shape_cast %get3A_77 : vector<1x512x26xf32> to vector<512x26xf32>
      %reduce_sum3A_79 = arith.constant dense<0.000000e+00> : vector<512xf32>
      %reduce_sum3A_80 = vector.multi_reduction <add>, %get3A_78, %reduce_sum3A_79 [1] : vector<512x26xf32> to vector<512xf32>
      %broadcast_in_dim3A_81 = vector.shape_cast %reduce_sum3A_80 : vector<512xf32> to vector<512x1xf32>
      %mul3A_82 = arith.mulf %get3A_78, %get3A_78 : vector<512x26xf32>
      %reduce_sum3A_83 = arith.constant dense<0.000000e+00> : vector<512xf32>
      %reduce_sum3A_84 = vector.multi_reduction <add>, %mul3A_82, %reduce_sum3A_83 [1] : vector<512x26xf32> to vector<512xf32>
      %broadcast_in_dim3A_85 = vector.shape_cast %reduce_sum3A_84 : vector<512xf32> to vector<512x1xf32>
      %mul3A_86 = arith.mulf %broadcast_in_dim3A_81, %broadcast_in_dim3A_81 : vector<512x1xf32>
      %sub3A_87 = arith.subf %mul3A_86, %broadcast_in_dim3A_85 : vector<512x1xf32>
      %add3A_88 = arith.addf %add3A_73, %sub3A_87 : vector<512x1xf32>
      %get3A_89 = arith.constant 4 : index
      %get3A_90 = arith.constant 0 : index
      %get3A_91 = arith.constant 0 : index
      %get3A_92 = vector.load %arg3[%get3A_89, %get3A_90, %get3A_91] : memref<16x512x26xf32, #tpu.memory_space<vmem>>, vector<1x512x26xf32>
      %get3A_93 = vector.shape_cast %get3A_92 : vector<1x512x26xf32> to vector<512x26xf32>
      %reduce_sum3A_94 = arith.constant dense<0.000000e+00> : vector<512xf32>
      %reduce_sum3A_95 = vector.multi_reduction <add>, %get3A_93, %reduce_sum3A_94 [1] : vector<512x26xf32> to vector<512xf32>
      %broadcast_in_dim3A_96 = vector.shape_cast %reduce_sum3A_95 : vector<512xf32> to vector<512x1xf32>
      %mul3A_97 = arith.mulf %get3A_93, %get3A_93 : vector<512x26xf32>
      %reduce_sum3A_98 = arith.constant dense<0.000000e+00> : vector<512xf32>
      %reduce_sum3A_99 = vector.multi_reduction <add>, %mul3A_97, %reduce_sum3A_98 [1] : vector<512x26xf32> to vector<512xf32>
      %broadcast_in_dim3A_100 = vector.shape_cast %reduce_sum3A_99 : vector<512xf32> to vector<512x1xf32>
      %mul3A_101 = arith.mulf %broadcast_in_dim3A_96, %broadcast_in_dim3A_96 : vector<512x1xf32>
      %sub3A_102 = arith.subf %mul3A_101, %broadcast_in_dim3A_100 : vector<512x1xf32>
      %add3A_103 = arith.addf %add3A_88, %sub3A_102 : vector<512x1xf32>
      %get3A_104 = arith.constant 5 : index
      %get3A_105 = arith.constant 0 : index
      %get3A_106 = arith.constant 0 : index
      %get3A_107 = vector.load %arg3[%get3A_104, %get3A_105, %get3A_106] : memref<16x512x26xf32, #tpu.memory_space<vmem>>, vector<1x512x26xf32>
      %get3A_108 = vector.shape_cast %get3A_107 : vector<1x512x26xf32> to vector<512x26xf32>
      %reduce_sum3A_109 = arith.constant dense<0.000000e+00> : vector<512xf32>
      %reduce_sum3A_110 = vector.multi_reduction <add>, %get3A_108, %reduce_sum3A_109 [1] : vector<512x26xf32> to vector<512xf32>
      %broadcast_in_dim3A_111 = vector.shape_cast %reduce_sum3A_110 : vector<512xf32> to vector<512x1xf32>
      %mul3A_112 = arith.mulf %get3A_108, %get3A_108 : vector<512x26xf32>
      %reduce_sum3A_113 = arith.constant dense<0.000000e+00> : vector<512xf32>
      %reduce_sum3A_114 = vector.multi_reduction <add>, %mul3A_112, %reduce_sum3A_113 [1] : vector<512x26xf32> to vector<512xf32>
      %broadcast_in_dim3A_115 = vector.shape_cast %reduce_sum3A_114 : vector<512xf32> to vector<512x1xf32>
      %mul3A_116 = arith.mulf %broadcast_in_dim3A_111, %broadcast_in_dim3A_111 : vector<512x1xf32>
      %sub3A_117 = arith.subf %mul3A_116, %broadcast_in_dim3A_115 : vector<512x1xf32>
      %add3A_118 = arith.addf %add3A_103, %sub3A_117 : vector<512x1xf32>
      %get3A_119 = arith.constant 6 : index
      %get3A_120 = arith.constant 0 : index
      %get3A_121 = arith.constant 0 : index
      %get3A_122 = vector.load %arg3[%get3A_119, %get3A_120, %get3A_121] : memref<16x512x26xf32, #tpu.memory_space<vmem>>, vector<1x512x26xf32>
      %get3A_123 = vector.shape_cast %get3A_122 : vector<1x512x26xf32> to vector<512x26xf32>
      %reduce_sum3A_124 = arith.constant dense<0.000000e+00> : vector<512xf32>
      %reduce_sum3A_125 = vector.multi_reduction <add>, %get3A_123, %reduce_sum3A_124 [1] : vector<512x26xf32> to vector<512xf32>
      %broadcast_in_dim3A_126 = vector.shape_cast %reduce_sum3A_125 : vector<512xf32> to vector<512x1xf32>
      %mul3A_127 = arith.mulf %get3A_123, %get3A_123 : vector<512x26xf32>
      %reduce_sum3A_128 = arith.constant dense<0.000000e+00> : vector<512xf32>
      %reduce_sum3A_129 = vector.multi_reduction <add>, %mul3A_127, %reduce_sum3A_128 [1] : vector<512x26xf32> to vector<512xf32>
      %broadcast_in_dim3A_130 = vector.shape_cast %reduce_sum3A_129 : vector<512xf32> to vector<512x1xf32>
      %mul3A_131 = arith.mulf %broadcast_in_dim3A_126, %broadcast_in_dim3A_126 : vector<512x1xf32>
      %sub3A_132 = arith.subf %mul3A_131, %broadcast_in_dim3A_130 : vector<512x1xf32>
      %add3A_133 = arith.addf %add3A_118, %sub3A_132 : vector<512x1xf32>
      %get3A_134 = arith.constant 7 : index
      %get3A_135 = arith.constant 0 : index
      %get3A_136 = arith.constant 0 : index
      %get3A_137 = vector.load %arg3[%get3A_134, %get3A_135, %get3A_136] : memref<16x512x26xf32, #tpu.memory_space<vmem>>, vector<1x512x26xf32>
      %get3A_138 = vector.shape_cast %get3A_137 : vector<1x512x26xf32> to vector<512x26xf32>
      %reduce_sum3A_139 = arith.constant dense<0.000000e+00> : vector<512xf32>
      %reduce_sum3A_140 = vector.multi_reduction <add>, %get3A_138, %reduce_sum3A_139 [1] : vector<512x26xf32> to vector<512xf32>
      %broadcast_in_dim3A_141 = vector.shape_cast %reduce_sum3A_140 : vector<512xf32> to vector<512x1xf32>
      %mul3A_142 = arith.mulf %get3A_138, %get3A_138 : vector<512x26xf32>
      %reduce_sum3A_143 = arith.constant dense<0.000000e+00> : vector<512xf32>
      %reduce_sum3A_144 = vector.multi_reduction <add>, %mul3A_142, %reduce_sum3A_143 [1] : vector<512x26xf32> to vector<512xf32>
      %broadcast_in_dim3A_145 = vector.shape_cast %reduce_sum3A_144 : vector<512xf32> to vector<512x1xf32>
      %mul3A_146 = arith.mulf %broadcast_in_dim3A_141, %broadcast_in_dim3A_141 : vector<512x1xf32>
      %sub3A_147 = arith.subf %mul3A_146, %broadcast_in_dim3A_145 : vector<512x1xf32>
      %add3A_148 = arith.addf %add3A_133, %sub3A_147 : vector<512x1xf32>
      %get3A_149 = arith.constant 8 : index
      %get3A_150 = arith.constant 0 : index
      %get3A_151 = arith.constant 0 : index
      %get3A_152 = vector.load %arg3[%get3A_149, %get3A_150, %get3A_151] : memref<16x512x26xf32, #tpu.memory_space<vmem>>, vector<1x512x26xf32>
      %get3A_153 = vector.shape_cast %get3A_152 : vector<1x512x26xf32> to vector<512x26xf32>
      %reduce_sum3A_154 = arith.constant dense<0.000000e+00> : vector<512xf32>
      %reduce_sum3A_155 = vector.multi_reduction <add>, %get3A_153, %reduce_sum3A_154 [1] : vector<512x26xf32> to vector<512xf32>
      %broadcast_in_dim3A_156 = vector.shape_cast %reduce_sum3A_155 : vector<512xf32> to vector<512x1xf32>
      %mul3A_157 = arith.mulf %get3A_153, %get3A_153 : vector<512x26xf32>
      %reduce_sum3A_158 = arith.constant dense<0.000000e+00> : vector<512xf32>
      %reduce_sum3A_159 = vector.multi_reduction <add>, %mul3A_157, %reduce_sum3A_158 [1] : vector<512x26xf32> to vector<512xf32>
      %broadcast_in_dim3A_160 = vector.shape_cast %reduce_sum3A_159 : vector<512xf32> to vector<512x1xf32>
      %mul3A_161 = arith.mulf %broadcast_in_dim3A_156, %broadcast_in_dim3A_156 : vector<512x1xf32>
      %sub3A_162 = arith.subf %mul3A_161, %broadcast_in_dim3A_160 : vector<512x1xf32>
      %add3A_163 = arith.addf %add3A_148, %sub3A_162 : vector<512x1xf32>
      %get3A_164 = arith.constant 9 : index
      %get3A_165 = arith.constant 0 : index
      %get3A_166 = arith.constant 0 : index
      %get3A_167 = vector.load %arg3[%get3A_164, %get3A_165, %get3A_166] : memref<16x512x26xf32, #tpu.memory_space<vmem>>, vector<1x512x26xf32>
      %get3A_168 = vector.shape_cast %get3A_167 : vector<1x512x26xf32> to vector<512x26xf32>
      %reduce_sum3A_169 = arith.constant dense<0.000000e+00> : vector<512xf32>
      %reduce_sum3A_170 = vector.multi_reduction <add>, %get3A_168, %reduce_sum3A_169 [1] : vector<512x26xf32> to vector<512xf32>
      %broadcast_in_dim3A_171 = vector.shape_cast %reduce_sum3A_170 : vector<512xf32> to vector<512x1xf32>
      %mul3A_172 = arith.mulf %get3A_168, %get3A_168 : vector<512x26xf32>
      %reduce_sum3A_173 = arith.constant dense<0.000000e+00> : vector<512xf32>
      %reduce_sum3A_174 = vector.multi_reduction <add>, %mul3A_172, %reduce_sum3A_173 [1] : vector<512x26xf32> to vector<512xf32>
      %broadcast_in_dim3A_175 = vector.shape_cast %reduce_sum3A_174 : vector<512xf32> to vector<512x1xf32>
      %mul3A_176 = arith.mulf %broadcast_in_dim3A_171, %broadcast_in_dim3A_171 : vector<512x1xf32>
      %sub3A_177 = arith.subf %mul3A_176, %broadcast_in_dim3A_175 : vector<512x1xf32>
      %add3A_178 = arith.addf %add3A_163, %sub3A_177 : vector<512x1xf32>
      %get3A_179 = arith.constant 10 : index
      %get3A_180 = arith.constant 0 : index
      %get3A_181 = arith.constant 0 : index
      %get3A_182 = vector.load %arg3[%get3A_179, %get3A_180, %get3A_181] : memref<16x512x26xf32, #tpu.memory_space<vmem>>, vector<1x512x26xf32>
      %get3A_183 = vector.shape_cast %get3A_182 : vector<1x512x26xf32> to vector<512x26xf32>
      %reduce_sum3A_184 = arith.constant dense<0.000000e+00> : vector<512xf32>
      %reduce_sum3A_185 = vector.multi_reduction <add>, %get3A_183, %reduce_sum3A_184 [1] : vector<512x26xf32> to vector<512xf32>
      %broadcast_in_dim3A_186 = vector.shape_cast %reduce_sum3A_185 : vector<512xf32> to vector<512x1xf32>
      %mul3A_187 = arith.mulf %get3A_183, %get3A_183 : vector<512x26xf32>
      %reduce_sum3A_188 = arith.constant dense<0.000000e+00> : vector<512xf32>
      %reduce_sum3A_189 = vector.multi_reduction <add>, %mul3A_187, %reduce_sum3A_188 [1] : vector<512x26xf32> to vector<512xf32>
      %broadcast_in_dim3A_190 = vector.shape_cast %reduce_sum3A_189 : vector<512xf32> to vector<512x1xf32>
      %mul3A_191 = arith.mulf %broadcast_in_dim3A_186, %broadcast_in_dim3A_186 : vector<512x1xf32>
      %sub3A_192 = arith.subf %mul3A_191, %broadcast_in_dim3A_190 : vector<512x1xf32>
      %add3A_193 = arith.addf %add3A_178, %sub3A_192 : vector<512x1xf32>
      %get3A_194 = arith.constant 11 : index
      %get3A_195 = arith.constant 0 : index
      %get3A_196 = arith.constant 0 : index
      %get3A_197 = vector.load %arg3[%get3A_194, %get3A_195, %get3A_196] : memref<16x512x26xf32, #tpu.memory_space<vmem>>, vector<1x512x26xf32>
      %get3A_198 = vector.shape_cast %get3A_197 : vector<1x512x26xf32> to vector<512x26xf32>
      %reduce_sum3A_199 = arith.constant dense<0.000000e+00> : vector<512xf32>
      %reduce_sum3A_200 = vector.multi_reduction <add>, %get3A_198, %reduce_sum3A_199 [1] : vector<512x26xf32> to vector<512xf32>
      %broadcast_in_dim3A_201 = vector.shape_cast %reduce_sum3A_200 : vector<512xf32> to vector<512x1xf32>
      %mul3A_202 = arith.mulf %get3A_198, %get3A_198 : vector<512x26xf32>
      %reduce_sum3A_203 = arith.constant dense<0.000000e+00> : vector<512xf32>
      %reduce_sum3A_204 = vector.multi_reduction <add>, %mul3A_202, %reduce_sum3A_203 [1] : vector<512x26xf32> to vector<512xf32>
      %broadcast_in_dim3A_205 = vector.shape_cast %reduce_sum3A_204 : vector<512xf32> to vector<512x1xf32>
      %mul3A_206 = arith.mulf %broadcast_in_dim3A_201, %broadcast_in_dim3A_201 : vector<512x1xf32>
      %sub3A_207 = arith.subf %mul3A_206, %broadcast_in_dim3A_205 : vector<512x1xf32>
      %add3A_208 = arith.addf %add3A_193, %sub3A_207 : vector<512x1xf32>
      %get3A_209 = arith.constant 12 : index
      %get3A_210 = arith.constant 0 : index
      %get3A_211 = arith.constant 0 : index
      %get3A_212 = vector.load %arg3[%get3A_209, %get3A_210, %get3A_211] : memref<16x512x26xf32, #tpu.memory_space<vmem>>, vector<1x512x26xf32>
      %get3A_213 = vector.shape_cast %get3A_212 : vector<1x512x26xf32> to vector<512x26xf32>
      %reduce_sum3A_214 = arith.constant dense<0.000000e+00> : vector<512xf32>
      %reduce_sum3A_215 = vector.multi_reduction <add>, %get3A_213, %reduce_sum3A_214 [1] : vector<512x26xf32> to vector<512xf32>
      %broadcast_in_dim3A_216 = vector.shape_cast %reduce_sum3A_215 : vector<512xf32> to vector<512x1xf32>
      %mul3A_217 = arith.mulf %get3A_213, %get3A_213 : vector<512x26xf32>
      %reduce_sum3A_218 = arith.constant dense<0.000000e+00> : vector<512xf32>
      %reduce_sum3A_219 = vector.multi_reduction <add>, %mul3A_217, %reduce_sum3A_218 [1] : vector<512x26xf32> to vector<512xf32>
      %broadcast_in_dim3A_220 = vector.shape_cast %reduce_sum3A_219 : vector<512xf32> to vector<512x1xf32>
      %mul3A_221 = arith.mulf %broadcast_in_dim3A_216, %broadcast_in_dim3A_216 : vector<512x1xf32>
      %sub3A_222 = arith.subf %mul3A_221, %broadcast_in_dim3A_220 : vector<512x1xf32>
      %add3A_223 = arith.addf %add3A_208, %sub3A_222 : vector<512x1xf32>
      %get3A_224 = arith.constant 13 : index
      %get3A_225 = arith.constant 0 : index
      %get3A_226 = arith.constant 0 : index
      %get3A_227 = vector.load %arg3[%get3A_224, %get3A_225, %get3A_226] : memref<16x512x26xf32, #tpu.memory_space<vmem>>, vector<1x512x26xf32>
      %get3A_228 = vector.shape_cast %get3A_227 : vector<1x512x26xf32> to vector<512x26xf32>
      %reduce_sum3A_229 = arith.constant dense<0.000000e+00> : vector<512xf32>
      %reduce_sum3A_230 = vector.multi_reduction <add>, %get3A_228, %reduce_sum3A_229 [1] : vector<512x26xf32> to vector<512xf32>
      %broadcast_in_dim3A_231 = vector.shape_cast %reduce_sum3A_230 : vector<512xf32> to vector<512x1xf32>
      %mul3A_232 = arith.mulf %get3A_228, %get3A_228 : vector<512x26xf32>
      %reduce_sum3A_233 = arith.constant dense<0.000000e+00> : vector<512xf32>
      %reduce_sum3A_234 = vector.multi_reduction <add>, %mul3A_232, %reduce_sum3A_233 [1] : vector<512x26xf32> to vector<512xf32>
      %broadcast_in_dim3A_235 = vector.shape_cast %reduce_sum3A_234 : vector<512xf32> to vector<512x1xf32>
      %mul3A_236 = arith.mulf %broadcast_in_dim3A_231, %broadcast_in_dim3A_231 : vector<512x1xf32>
      %sub3A_237 = arith.subf %mul3A_236, %broadcast_in_dim3A_235 : vector<512x1xf32>
      %add3A_238 = arith.addf %add3A_223, %sub3A_237 : vector<512x1xf32>
      %get3A_239 = arith.constant 14 : index
      %get3A_240 = arith.constant 0 : index
      %get3A_241 = arith.constant 0 : index
      %get3A_242 = vector.load %arg3[%get3A_239, %get3A_240, %get3A_241] : memref<16x512x26xf32, #tpu.memory_space<vmem>>, vector<1x512x26xf32>
      %get3A_243 = vector.shape_cast %get3A_242 : vector<1x512x26xf32> to vector<512x26xf32>
      %reduce_sum3A_244 = arith.constant dense<0.000000e+00> : vector<512xf32>
      %reduce_sum3A_245 = vector.multi_reduction <add>, %get3A_243, %reduce_sum3A_244 [1] : vector<512x26xf32> to vector<512xf32>
      %broadcast_in_dim3A_246 = vector.shape_cast %reduce_sum3A_245 : vector<512xf32> to vector<512x1xf32>
      %mul3A_247 = arith.mulf %get3A_243, %get3A_243 : vector<512x26xf32>
      %reduce_sum3A_248 = arith.constant dense<0.000000e+00> : vector<512xf32>
      %reduce_sum3A_249 = vector.multi_reduction <add>, %mul3A_247, %reduce_sum3A_248 [1] : vector<512x26xf32> to vector<512xf32>
      %broadcast_in_dim3A_250 = vector.shape_cast %reduce_sum3A_249 : vector<512xf32> to vector<512x1xf32>
      %mul3A_251 = arith.mulf %broadcast_in_dim3A_246, %broadcast_in_dim3A_246 : vector<512x1xf32>
      %sub3A_252 = arith.subf %mul3A_251, %broadcast_in_dim3A_250 : vector<512x1xf32>
      %add3A_253 = arith.addf %add3A_238, %sub3A_252 : vector<512x1xf32>
      %get3A_254 = arith.constant 15 : index
      %get3A_255 = arith.constant 0 : index
      %get3A_256 = arith.constant 0 : index
      %get3A_257 = vector.load %arg3[%get3A_254, %get3A_255, %get3A_256] : memref<16x512x26xf32, #tpu.memory_space<vmem>>, vector<1x512x26xf32>
      %get3A_258 = vector.shape_cast %get3A_257 : vector<1x512x26xf32> to vector<512x26xf32>
      %reduce_sum3A_259 = arith.constant dense<0.000000e+00> : vector<512xf32>
      %reduce_sum3A_260 = vector.multi_reduction <add>, %get3A_258, %reduce_sum3A_259 [1] : vector<512x26xf32> to vector<512xf32>
      %broadcast_in_dim3A_261 = vector.shape_cast %reduce_sum3A_260 : vector<512xf32> to vector<512x1xf32>
      %mul3A_262 = arith.mulf %get3A_258, %get3A_258 : vector<512x26xf32>
      %reduce_sum3A_263 = arith.constant dense<0.000000e+00> : vector<512xf32>
      %reduce_sum3A_264 = vector.multi_reduction <add>, %mul3A_262, %reduce_sum3A_263 [1] : vector<512x26xf32> to vector<512xf32>
      %broadcast_in_dim3A_265 = vector.shape_cast %reduce_sum3A_264 : vector<512xf32> to vector<512x1xf32>
      %mul3A_266 = arith.mulf %broadcast_in_dim3A_261, %broadcast_in_dim3A_261 : vector<512x1xf32>
      %sub3A_267 = arith.subf %mul3A_266, %broadcast_in_dim3A_265 : vector<512x1xf32>
      %add3A_268 = arith.addf %add3A_253, %sub3A_267 : vector<512x1xf32>
      %mul3A_269 = arith.constant 5.000000e-01 : f32
      %mul3A_270 = vector.broadcast %mul3A_269 : f32 to vector<512x1xf32>
      %mul3A_271 = arith.mulf %mul3A_270, %add3A_268 : vector<512x1xf32>
      %get3A_272 = arith.constant 0 : index
      %get3A_273 = arith.constant 0 : index
      %get3A_274 = vector.load %arg22[%get3A_272, %get3A_273] : memref<1x128xf32, #tpu.memory_space<vmem>>, vector<1x128xf32>
      %mul3A_275 = arith.constant 2.44140625E-4 : f32
      %mul3A_276 = vector.broadcast %mul3A_275 : f32 to vector<1x128xf32>
      %mul3A_277 = arith.mulf %get3A_274, %mul3A_276 : vector<1x128xf32>
      %get3A_278 = arith.constant 0 : index
      %get3A_279 = arith.constant 0 : index
      %get3A_280 = vector.load %arg23[%get3A_278, %get3A_279] : memref<1x128xf32, #tpu.memory_space<vmem>>, vector<1x128xf32>
      %mul3A_281 = arith.constant 2.44140625E-4 : f32
      %mul3A_282 = vector.broadcast %mul3A_281 : f32 to vector<1x128xf32>
      %mul3A_283 = arith.mulf %get3A_280, %mul3A_282 : vector<1x128xf32>
      %mul3A_284 = arith.mulf %mul3A_277, %mul3A_277 : vector<1x128xf32>
      %sub3A_285 = arith.subf %mul3A_283, %mul3A_284 : vector<1x128xf32>
      %mul3A_286 = arith.constant 512 : i32
      %mul3A_287 = arith.muli %arg1, %mul3A_286 : i32
      %get3A_288 = arith.index_cast %mul3A_287 : i32 to index
      %get3A_289 = arith.constant 0 : index
      %get3A_290 = vector.load %arg19[%get3A_288, %get3A_289] : memref<4096x128xf32, #tpu.memory_space<vmem>>, vector<512x128xf32>
      %sub3A_291 = vector.broadcast %mul3A_277 : vector<1x128xf32> to vector<512x128xf32>
      %sub3A_292 = arith.subf %get3A_290, %sub3A_291 : vector<512x128xf32>
      %add3A_293 = arith.constant 9.99999974E-6 : f32
      %add3A_294 = vector.broadcast %add3A_293 : f32 to vector<1x128xf32>
      %add3A_295 = arith.addf %sub3A_285, %add3A_294 : vector<1x128xf32>
      %rsqrt3A = math.rsqrt %add3A_295 : vector<1x128xf32>
      %mul3A_296 = vector.broadcast %rsqrt3A : vector<1x128xf32> to vector<512x128xf32>
      %mul3A_297 = arith.mulf %sub3A_292, %mul3A_296 : vector<512x128xf32>
      %get3A_298 = arith.constant 0 : index
      %get3A_299 = arith.constant 0 : index
      %get3A_300 = vector.load %arg13[%get3A_298, %get3A_299] : memref<1x128xf32, #tpu.memory_space<vmem>>, vector<1x128xf32>
      %mul3A_301 = vector.broadcast %get3A_300 : vector<1x128xf32> to vector<512x128xf32>
      %mul3A_302 = arith.mulf %mul3A_297, %mul3A_301 : vector<512x128xf32>
      %get3A_303 = arith.constant 0 : index
      %get3A_304 = arith.constant 0 : index
      %get3A_305 = vector.load %arg14[%get3A_303, %get3A_304] : memref<1x128xf32, #tpu.memory_space<vmem>>, vector<1x128xf32>
      %add3A_306 = vector.broadcast %get3A_305 : vector<1x128xf32> to vector<512x128xf32>
      %add3A_307 = arith.addf %mul3A_302, %add3A_306 : vector<512x128xf32>
      %max3A = arith.constant 0.000000e+00 : f32
      %max3A_308 = vector.broadcast %max3A : f32 to vector<512x128xf32>
      %max3A_309 = arith.maximumf %add3A_307, %max3A_308 : vector<512x128xf32>
      %get3A_310 = arith.constant 0 : index
      %get3A_311 = arith.constant 0 : index
      %get3A_312 = vector.load %arg15[%get3A_310, %get3A_311] : memref<128x1xf32, #tpu.memory_space<vmem>>, vector<128x1xf32>
      %dot_general3A_313 = arith.constant dense<0.000000e+00> : vector<512x1xf32>
      %dot_general3A_314 = tpu.matmul %max3A_309, %get3A_312, %dot_general3A_313 {dimension_numbers = #tpu.dot_dimension_numbers<[1], [0], [0], [1], [0, 0, 1, 1], [], []>, precision = #tpu.contract_precision<fp32>, transpose_lhs_hint = false} : vector<512x128xf32>, vector<128x1xf32>, vector<512x1xf32> -> vector<512x1xf32>
      %add3A_315 = arith.addf %add3A, %mul3A_271 : vector<512x1xf32>
      %add3A_316 = arith.addf %add3A_315, %dot_general3A_314 : vector<512x1xf32>
      %get3A_317 = arith.constant 0 : index
      %get3A_318 = arith.constant 0 : index
      %get3A_319 = vector.load %arg16[%get3A_317, %get3A_318] : memref<1x1xf32, #tpu.memory_space<vmem>>, vector<1x1xf32>
      %add3A_320 = vector.broadcast %get3A_319 : vector<1x1xf32> to vector<512x1xf32>
      %add3A_321 = arith.addf %add3A_316, %add3A_320 : vector<512x1xf32>
      %swap3A = arith.constant 0 : index
      %swap3A_322 = arith.constant 0 : index
      %swap3A_323 = vector.load %arg17[%swap3A, %swap3A_322] : memref<512x1xf32, #tpu.memory_space<vmem>>, vector<512x1xf32>
      tpu.vector_store %arg17[%swap3A, %swap3A_322], %add3A_321 {strides = array<i32>} : memref<512x1xf32, #tpu.memory_space<vmem>>, vector<512x1xf32>,
    } else {
    }
    return
  }
  func.func @transform_0(%arg0: i32, %arg1: i32) -> (i32, i32) {
    %c0_i32 = arith.constant 0 : i32
    %c0_i32_0 = arith.constant 0 : i32
    return %arg1, %c0_i32 : i32, i32
  }
  func.func @transform_1(%arg0: i32, %arg1: i32) -> (i32, i32, i32) {
    %c0_i32 = arith.constant 0 : i32
    %c0_i32_0 = arith.constant 0 : i32
    %c0_i32_1 = arith.constant 0 : i32
    return %c0_i32, %arg1, %c0_i32_0 : i32, i32, i32
  }
  func.func @transform_2(%arg0: i32, %arg1: i32) -> (i32, i32) {
    %c0_i32 = arith.constant 0 : i32
    %c0_i32_0 = arith.constant 0 : i32
    return %arg1, %c0_i32 : i32, i32
  }
  func.func @transform_3(%arg0: i32, %arg1: i32) -> (i32, i32) {
    %c0_i32 = arith.constant 0 : i32
    %c0_i32_0 = arith.constant 0 : i32
    %c0_i32_1 = arith.constant 0 : i32
    return %c0_i32, %c0_i32_0 : i32, i32
  }
  func.func @transform_4(%arg0: i32, %arg1: i32) -> (i32, i32) {
    %c0_i32 = arith.constant 0 : i32
    %c0_i32_0 = arith.constant 0 : i32
    %c0_i32_1 = arith.constant 0 : i32
    return %c0_i32, %c0_i32_0 : i32, i32
  }
  func.func @transform_5(%arg0: i32, %arg1: i32) -> (i32, i32, i32) {
    %c0_i32 = arith.constant 0 : i32
    %c0_i32_0 = arith.constant 0 : i32
    %c0_i32_1 = arith.constant 0 : i32
    %c0_i32_2 = arith.constant 0 : i32
    return %c0_i32, %c0_i32_0, %c0_i32_1 : i32, i32, i32
  }
  func.func @transform_6(%arg0: i32, %arg1: i32) -> (i32, i32) {
    %c0_i32 = arith.constant 0 : i32
    %c0_i32_0 = arith.constant 0 : i32
    %c0_i32_1 = arith.constant 0 : i32
    return %c0_i32, %c0_i32_0 : i32, i32
  }
  func.func @transform_7(%arg0: i32, %arg1: i32) -> (i32, i32) {
    %c0_i32 = arith.constant 0 : i32
    %c0_i32_0 = arith.constant 0 : i32
    %c0_i32_1 = arith.constant 0 : i32
    return %c0_i32, %c0_i32_0 : i32, i32
  }
  func.func @transform_8(%arg0: i32, %arg1: i32) -> (i32, i32) {
    %c0_i32 = arith.constant 0 : i32
    %c0_i32_0 = arith.constant 0 : i32
    %c0_i32_1 = arith.constant 0 : i32
    return %c0_i32, %c0_i32_0 : i32, i32
  }
  func.func @transform_9(%arg0: i32, %arg1: i32) -> (i32, i32) {
    %c0_i32 = arith.constant 0 : i32
    %c0_i32_0 = arith.constant 0 : i32
    %c0_i32_1 = arith.constant 0 : i32
    return %c0_i32, %c0_i32_0 : i32, i32
  }
  func.func @transform_10(%arg0: i32, %arg1: i32) -> (i32, i32) {
    %c0_i32 = arith.constant 0 : i32
    %c0_i32_0 = arith.constant 0 : i32
    %c0_i32_1 = arith.constant 0 : i32
    return %c0_i32, %c0_i32_0 : i32, i32
  }
  func.func @transform_11(%arg0: i32, %arg1: i32) -> (i32, i32) {
    %c0_i32 = arith.constant 0 : i32
    %c0_i32_0 = arith.constant 0 : i32
    %c0_i32_1 = arith.constant 0 : i32
    return %c0_i32, %c0_i32_0 : i32, i32
  }
  func.func @transform_12(%arg0: i32, %arg1: i32) -> (i32, i32) {
    %c0_i32 = arith.constant 0 : i32
    %c0_i32_0 = arith.constant 0 : i32
    %c0_i32_1 = arith.constant 0 : i32
    return %c0_i32, %c0_i32_0 : i32, i32
  }
  func.func @transform_13(%arg0: i32, %arg1: i32) -> (i32, i32) {
    %c0_i32 = arith.constant 0 : i32
    %c0_i32_0 = arith.constant 0 : i32
    %c0_i32_1 = arith.constant 0 : i32
    return %c0_i32, %c0_i32_0 : i32, i32
  }
  func.func @transform_14(%arg0: i32, %arg1: i32) -> (i32, i32) {
    %c0_i32 = arith.constant 0 : i32
    %c0_i32_0 = arith.constant 0 : i32
    %c0_i32_1 = arith.constant 0 : i32
    return %c0_i32, %c0_i32_0 : i32, i32
  }
  func.func @transform_15(%arg0: i32, %arg1: i32) -> (i32, i32) {
    %c0_i32 = arith.constant 0 : i32
    %c0_i32_0 = arith.constant 0 : i32
    return %arg1, %c0_i32 : i32, i32
  }
}

</mosaic_0001>

<sc_bundles>
// kernel: kernel.5.cloned.1.call-start
scs
__scs_entry_jumppad:
0x0: {  	(pc) =	sbr.rel $0x88, $3  }
0x1: {  	(tag) =	ssettag $0x0;
	lr =	simm.s32 $0x1  }
0x2: {  	[smem:$0x3F91] =	sst lr;
	_ =	strace $0xD0000000  }
0x3: {  	_ = 	snop  }
0x4: {  	_ = 	snop  }
0x5: {  	_ = 	snop  }
0x6: {  	_ = 	snop  }
0x7: {  	_ = 	snop  }
__scs_overlays_trampoline_lowered:
0x8: {  	[smem:$0x3FA0] =	sst s0  }
0x9: {  	[smem:$0x3FA1] =	sst s1  }
0xa: {  	[smem:$0x3FA2] =	sst s2  }
0xb: {  	[smem:$0x3FA3] =	sst s3  }
0xc: {  	[smem:$0x3FA4] =	sst s4  }
0xd: {  	[smem:$0x3FA5] =	sst s5  }
0xe: {  	[smem:$0x3FA6] =	sst s6  }
0xf: {  	[smem:$0x3FA7] =	sst s7  }
0x10: {  	[smem:$0x3FA8] =	sst s8  }
0x11: {  	[smem:$0x3FA9] =	sst s9;
	s0 =	simm.s32 @!p0 $0x0  }
0x12: {  	s1 =	sld [smem:$0x3F8F];
	s0 =	simm.s32 @p0 $0x1  }
0x13: {  	[smem:$0x3FAA] =	sst s0;
	s0 =	simm.s32 @!p1 $0x0  }
0x14: {  	s2 =	sld [smem:$0x3F8E];
	s0 =	simm.s32 @p1 $0x1  }
0x15: {  	[smem:$0x3FAB] =	sst s0;
	s0 =	simm.s32 @!p2 $0x0  }
0x16: {  	s3 =	sld [smem:$0x3FDB];
	s0 =	simm.s32 @p2 $0x1  }
0x17: {  	s4 =	simm.s32 $0x1BF5;
	[smem:$0x3FAD] =	sst s0  }
0x18: {  	s0 =	sld [smem:$0x3F90];
	_ =	swait.ge [sflag:s4], $0x0  }
0x19: {  	s7 =	sld [smem:$0x3F91]  }
0x1a: {  	s8 =	sadd.s32 $0xFFFFE003, lr  }
0x1b: {  	s9 =	sadd.s32 $0xFFFFFEF7, lr;
	s5 =	simm.s32 $0xFFFFFFFF;
	p2 =	slt.u32 s8, $0xFFFFF086  }
0x1c: {  	p1 =	slt.u32 s9, $0xF7A;
	s5 =	simm.s32 @!p2 $0x0  }
0x1d: {  	s5 =	simm.s32 @p1 $0x1;
	p0 =	seq.s32 s7, s2  }
0x1e: {  	s7 =	smul.u32 @!p0 $0xF7A, s2;
	p2 =	seq.s32 @!p0 s5, $0x0  }
0x1f: {  	s9 =	smul.u32 $0xF7A, s1;
	s8 =	simm.s32 @!p0 $0x1BF5;
	p2 =	por !p2, p0  }
0x20: {  	[sflag:s8] =	ssyncset.s32 @!p0 $0xFFFFF086;
	s6 =	sadd.s32 @!p0 s3, s7;
	s7 =	simm.s32 @!p0 $0x108  }
0x21: {  	s3 =	sadd.s32 s3, s9;
	s6 =	sadd.s32 @!p0 $0x88, s6;
	s7 =	simm.s32 @p2 $0x1082  }
0x22: {  	[simem:s7], [sflag:s8] =	dma.local @!p0 [hbm:s6], $0xF7A  }
0x23: {  	s9 =	sor.u32 $0xD0000000, s2;
	s6 =	simm.s32 $0x108;
	_ =	swait.ge @!p0 [sflag:s8], $0x0  }
0x24: {  	s3 =	sadd.s32 $0x88, s3;
	s6 =	simm.s32 @!p1 $0x1082;
	[sflag:s4] =	ssyncset.s32 $0xFFFFF086  }
0x25: {  	[simem:s6], [sflag:s4] =	dma.local [hbm:s3], $0xF7A  }
0x26: {  	[smem:$0x3F91] =	sst s1;
	(tag) =	ssettag s2;
	_ =	strace s9  }
0x27: {  	s1 =	sld [smem:$0x3FA1]  }
0x28: {  	s2 =	sld [smem:$0x3FA2]  }
0x29: {  	s4 =	sld [smem:$0x3FA4]  }
0x2a: {  	p0 =	seq.s32 s5, $0x0;
	s5 =	sld [smem:$0x3FA5]  }
0x2b: {  	s6 =	sld [smem:$0x3FA6]  }
0x2c: {  	s7 =	sld [smem:$0x3FA7]  }
0x2d: {  	s3 =	simm.s32 $0x108;
	s8 =	sld [smem:$0x3FA8]  }
0x2e: {  	s3 =	simm.s32 @!p0 $0x1082;
	s9 =	sld [smem:$0x3FA9]  }
0x2f: {  	lr =	sadd.s32 s0, s3;
	s0 =	sld [smem:$0x3FA0]  }
0x30: {  	s3 =	sld [smem:$0x3FA3]  }
0x31: {  	[smem:$0x3FAC] =	sst s10  }
0x32: {  	s10 =	sld [smem:$0x3FAA];
	_ =	sdelay $0x3  }
0x33: {  	p0 =	seq.s32 s10, $0x1;
	s10 =	sld [smem:$0x3FAC];
	_ =	sdelay $0x3  }
0x34: {  	[smem:$0x3FAC] =	sst s10  }
0x35: {  	s10 =	sld [smem:$0x3FAB];
	_ =	sdelay $0x3  }
0x36: {  	p1 =	seq.s32 s10, $0x1;
	s10 =	sld [smem:$0x3FAC];
	_ =	sdelay $0x3  }
0x37: {  	[smem:$0x3FAC] =	sst s10  }
0x38: {  	s10 =	sld [smem:$0x3FAD]  }
0x39: {  	_ = 	snop;
	(pc) =	sbr.ind lr, $3  }
0x3a: {  	_ = 	snop  }
0x3b: {  	_ = 	snop  }
0x3c: {  	p2 =	seq.s32 s10, $0x1;
	s10 =	sld [smem:$0x3FAC]  }
0x3d: {  	_ =	shalt  }
0x3e: {  	_ =	shalt  }
0x3f: {  	_ =	shalt  }
0x40: {  	_ =	shalt  }
0x41: {  	_ =	shalt  }
0x42: {  	_ =	shalt  }
0x43: {  	_ =	shalt  }
0x44: {  	_ =	shalt  }
0x45: {  	_ =	shalt  }
0x46: {  	_ =	shalt  }
0x47: {  	_ =	shalt  }
0x48: {  	_ =	shalt  }
0x49: {  	_ =	shalt  }
0x4a: {  	_ =	shalt  }
0x4b: {  	_ =	shalt  }
0x4c: {  	_ =	shalt  }
0x4d: {  	_ =	shalt  }
0x4e: {  	_ =	shalt  }
0x4f: {  	_ =	shalt  }
0x50: {  	_ =	shalt  }
0x51: {  	_ =	shalt  }
0x52: {  	_ =	shalt  }
0x53: {  	_ =	shalt  }
0x54: {  	_ =	shalt  }
0x55: {  	_ =	shalt  }
0x56: {  	_ =	shalt  }
0x57: {  	_ =	shalt  }
0x58: {  	_ =	shalt  }
0x59: {  	_ =	shalt  }
0x5a: {  	_ =	shalt  }
0x5b: {  	_ =	shalt  }
0x5c: {  	_ =	shalt  }
0x5d: {  	_ =	shalt  }
0x5e: {  	_ =	shalt  }
0x5f: {  	_ =	shalt  }
0x60: {  	_ =	shalt  }
0x61: {  	_ =	shalt  }
0x62: {  	_ =	shalt  }
0x63: {  	_ =	shalt  }
0x64: {  	_ =	shalt  }
0x65: {  	_ =	shalt  }
0x66: {  	_ =	shalt  }
0x67: {  	_ =	shalt  }
0x68: {  	_ =	shalt  }
0x69: {  	_ =	shalt  }
0x6a: {  	_ =	shalt  }
0x6b: {  	_ =	shalt  }
0x6c: {  	_ =	shalt  }
0x6d: {  	_ =	shalt  }
0x6e: {  	_ =	shalt  }
0x6f: {  	_ =	shalt  }
0x70: {  	_ =	shalt  }
0x71: {  	_ =	shalt  }
0x72: {  	_ =	shalt  }
0x73: {  	_ =	shalt  }
0x74: {  	_ =	shalt  }
0x75: {  	_ =	shalt  }
0x76: {  	_ =	shalt  }
0x77: {  	_ =	shalt  }
0x78: {  	_ =	shalt  }
0x79: {  	_ =	shalt  }
0x7a: {  	_ =	shalt  }
0x7b: {  	_ =	shalt  }
0x7c: {  	_ =	shalt  }
0x7d: {  	_ =	shalt  }
0x7e: {  	_ =	shalt  }
0x7f: {  	_ =	shalt  }
0x80: {  	_ =	shalt  }
0x81: {  	_ =	shalt  }
0x82: {  	_ =	shalt  }
0x83: {  	_ =	shalt  }
0x84: {  	_ =	shalt  }
0x85: {  	_ =	shalt  }
0x86: {  	_ =	shalt  }
0x87: {  	_ =	shalt  }
.Lfunc_end0:
.L_simem_size_0:
called_computation_lowered:
.L_overlay_start_0:
0x88: {  	s2 =	sld [smem:$0x3FD9]  }
0x89: {  	s3 =	sld [smem:$0x3FFE];
	_ =	sdelay $0x1  }
0x8a: {  	s1 =	srdreg.scid  }
0x8b: {  	s0 =	sand.u32 $0x1, s1  }
0x8c: {  	s17 =	sshll.u32 s0, $0xA;
	s2 =	sadd.s32 s3, s2  }
0x8d: {  	s2 =	sadd.s32 s2, s17  }
0x8e: {  	[smem:$0x3FB8] =	sst s2  }
0x8f: {  	_ = 	snop  }
0x90: {  	s2 =	sld [smem:$0x3FC6];
	(tm) =	ssettm $0x1  }
0x91: {  	s18 =	sld [smem:$0x3FFB];
	_ =	sdelay $0x3  }
0x92: {  	_ =	strace s18  }
0x93: {  	s3 =	sld [smem:$0x3FFC];
	_ =	sdelay $0x3  }
0x94: {  	_ =	strace s3  }
0x95: {  	s3 =	sld [smem:$0x3FFD];
	_ =	sdelay $0x3  }
0x96: {  	_ =	strace s3  }
0x97: {  	_ =	strace $0x8FFFFFFF  }
0x98: {  	s19 =	sld [smem:$0x3FDB];
	_ =	sdelay $0x1  }
0x99: {  	s4 =	simm.s32 $_scs_section_size  }
0x9a: {  	s5 =	simm.s32 $_size__tile_overlayer_lowered;
	s6 =	simm.s32 $_tile_overlayer_lowered  }
0x9b: {  	s22 =	simm.s32 $0x1BFF;
	s21 =	sshll.u32 s6, $0x1;
	s3 =	sadd.s32 s4, s19  }
0x9c: {  	s7 =	simm.s32 $0x0;
	s20 =	sshll.u32 s5, $0x1;
	s5 =	sadd.s32 s21, s3  }
0x9d: {  	[timem:s7], [sflag:s22] =	dma.local [hbm:s5], s20  }
0x9e: {  	_ =	swait.ge [sflag:s22], s20  }
0x9f: {  	s4 =	ssub.s32 $0x0, s20;
	[sflag:s22] =	ssyncset.done $0x0  }
0xa0: {  	[sflag:s22] =	ssyncadd.s32 s4;
	_ =	sdelay $0x1  }
0xa1: {  	s23 =	simm.s32 $0x1B8B  }
0xa2: {  	_ =	swait.ge [sflag:s23], $0x1  }
0xa3: {  	[sflag:s23] =	ssyncset.done $0x0  }
0xa4: {  	s25 =	simm.s32 $0x1B8E;
	s24 =	sld [smem:$0x3FFE];
	[sflag:s23] =	ssyncadd.s32 $0xFFFFFFFF  }
0xa5: {  	s26 =	simm.s32 $execute0_lowered;
	[smem:$0x3FD2] =	sst s25  }
0xa6: {  	s5 =	sshll.u32 s26, $0x1;
	_ =	strace $0x80000046;
	[dreg:$0x1] =	wrdreg $0xFFFFFFFF  }
0xa7: {  	s28 =	simm.s32 $_size_execute0_lowered;
	s3 =	sadd.s32 s3, s5;
	[dreg:$0x0] =	wrdreg $0x0  }
0xa8: {  	s5 =	sshll.u32 s28, $0x1;
	[dreg:$0x2] =	wrdreg s3  }
0xa9: {  	[dreg:$0x3] =	wrdreg s5  }
0xaa: {  	[dreg:$0x4] =	wrdreg $0xC0  }
0xab: {  	_ =	task [dreg:s7], $0x5FFFF  }
0xac: {  	[dreg:$0x1] =	wrdreg $0xFFFFFFFF  }
0xad: {  	[dreg:$0x0] =	wrdreg $0x60  }
0xae: {  	[dreg:$0x2] =	wrdreg s24  }
0xaf: {  	[dreg:$0x3] =	wrdreg s2  }
0xb0: {  	[dreg:$0x4] =	wrdreg $0x9  }
0xb1: {  	_ =	task.clear_ibuf [dreg:s7], $0x5FFFF;
	_ =	strace $0x90000046  }
0xb2: {  	s29 =	simm.s32 $0x9;
	_ =	strace $0x80000048  }
0xb3: {  	_ =	swait.ge [sflag:s29], $0x1  }
0xb4: {  	[sflag:s29] =	ssyncadd.s32 $0xFFFFFFFF  }
0xb5: {  	_ =	strace $0x90000048  }
0xb6: {  	_ =	sfence  }
0xb7: {  	s30 =	sld [smem:$0x0];
	_ =	sdelay $0x2  }
0xb8: {  	s31 =	sshll.u32 s1, $0xD;
	s1 =	sshrl.u32 s1, $0x2  }
0xb9: {  	s3 =	sand.u32 $0x4000, s31;
	s1 =	sadd.s32 s1, s30  }
0xba: {  	s0 =	sor.u32 s3, s0;
	s1 =	sshll.u32 s1, $0x11  }
0xbb: {  	s0 =	sor.u32 s1, s0  }
0xbc: {  	s0 =	sadd.s32 $0x8F2B, s0  }
0xbd: {  	[sflag:s0] =	ssyncadd.remote.s32 $0x1  }
0xbe: {  	_ =	sfence.sel $0xFFFF  }
0xbf: {  	[dreg:$0x0] =	wrdreg $0xFFFFFFFF;
	(pc) =	sbr.abs _section_cstart, $3  }
0xc0: {  	[dreg:$0x1] =	wrdreg $0xFFFFFFFF  }
0xc1: {  	_ =	task.clear_ibuf [dreg:s7], $0x2FFFF;
	_ =	strace $0x9FFFFFFF  }
0xc2: {  	(tm) =	ssettm $0x7FFFFFFF  }
0xc3: {  	_ =	shalt  }
tec
execute0_lowered:
.L_overlay_start_1:
0x0: {  	(tag) =	ssettag $0x1  }
0x1: {  	s0 =	rddreg [dreg:$0x0];
	s1 =	srdreg.scid  }
0x2: {  	s2 =	stileid.u32;
	s4 =	simm.s32 $0x0;
	s6 =	simm.s32 $0xD00  }
0x3: {  	s12 =	simm.s32 $0x80;
	s13 =	simm.s32 $0x1A00;
	s14 =	simm.s32 $0x2200  }
0x4: {  	s16 =	simm.s32 $0x2A00;
	s18 =	simm.s32 $0x3200;
	s20 =	simm.s32 $0x3A00  }
0x5: {  	s22 =	simm.s32 $0x4200;
	s24 =	simm.s32 $0x4A00;
	s28 =	simm.s32 $0x1  }
0x6: {  	s29 =	simm.s32 $0x2;
	s1 =	sand.u32 $0x1, s1;
	s2 =	sshll.u32 s2, $0x1  }
0x7: {  	s11 =	simm.s32 $0x7;
	s2 =	sor.u32 s1, s2;
	s1 =	ssub.s32 $0x2, s1  }
0x8: {  	[smem:$0x7FF] =	sst s4;
	s2 =	smul.u32 $0x1A0, s2;
	s3 =	sshrl.u32 s1, $0x1  }
0x9: {  	s5 =	sadd.s32 $0x8600, s0;
	_ =	strace $0x80000047;
	s1 =	ssub.s32 s1, s3  }
0xa: {  	[dreg:$0x3] =	wrdreg s5;
	s0 =	sadd.s32 s2, s0;
	s31 =	smax.u32 s1, $0x1  }
0xb: {  	s7 =	simm.s32 $0x0;
	s2 =	sadd.s32 $0x5200, s0;
	[dreg:$0x8] =	wrdreg s31  }
0xc: {  	s5 =	simm.s32 $0x8;
	s26 =	sadd.s32 $0x1E00, s0;
	[dreg:$0x4] =	wrdreg s2  }
0xd: {  	s3 =	simm.s32 $0x9;
	s30 =	sadd.s32 $0x4FE000, s0;
	[dreg:$0x5] =	wrdreg s26  }
0xe: {  	v0 =	vlaneseq.u32;
	s1 =	simm.s32 $0x5;
	s0 =	sadd.s32 $0x532000, s0;
	[dreg:$0x6] =	wrdreg s30  }
0xf: {  	v0 =	vmul.u32 $0x10, v0;
	[dreg:$0x7] =	wrdreg s0;
	s26 =	simm.s32 $0x5200;
	s0 =	simm.s32 $0x6  }
.LBB2_1:
0x10: {  	[dreg:$0x9] =	wrdreg s7  }
0x11: {  	s2 =	rddreg [dreg:$0x4];
	s9 =	simm.s32 $0x5A80;
	s10 =	simm.s32 $0x5B80  }
0x12: {  	[tilespmem:s4], [sflag:$0x9] =	stream.linear.gather [hbm4b:s2+s4], $0xD00, $0x38;
	[tilespmem:$0x13700] =	vst v63  }
0x13: {  	s8 =	simm.s32 $0x5C00;
	s15 =	simm.s32 $0x5C80;
	_ =	swait.ge [sflag:s3], $0xD00  }
0x14: {  	s17 =	simm.s32 $0x5D00;
	s19 =	simm.s32 $0x5D80;
	[sflag:s3] =	ssyncset.done $0x0  }
0x15: {  	s7 =	simm.s32 $0x6400;
	s25 =	rddreg [dreg:$0x5];
	[sflag:s3] =	ssyncadd.s32 $0xFFFFF300  }
0x16: {  	[tilespmem:s6], [sflag:$0x9] =	stream.linear.gather [hbm4b:s25+s4], $0xD00, $0x38;
	[tilespmem:$0x13700] =	vst v63  }
0x17: {  	s21 =	simm.s32 $0x6480;
	_ =	swait.ge [sflag:s3], $0xD00;
	[dreg:$0xe] =	wrdreg s7  }
0x18: {  	s30 =	simm.s32 $0x6280;
	s4 =	simm.s32 $0x6500;
	[dreg:$0xf] =	wrdreg s21  }
0x19: {  	s23 =	simm.s32 $0x6300;
	s6 =	simm.s32 $0x6580;
	[dreg:$0x10] =	wrdreg s4  }
0x1a: {  	s31 =	simm.s32 $0x6380;
	[dreg:$0x11] =	wrdreg s6;
	s7 =	simm.s32 $0x6600  }
0x1b: {  	s25 =	simm.s32 $0x6200;
	s21 =	simm.s32 $0x6680;
	[dreg:$0x12] =	wrdreg s7  }
0x1c: {  	s6 =	simm.s32 $0x5A00;
	[sflag:s3] =	ssyncset.done $0x0;
	[dreg:$0x13] =	wrdreg s21  }
0x1d: {  	s7 =	simm.s32 $0x0;
	[sflag:s3] =	ssyncadd.s32 $0xFFFFF300;
	s3 =	simm.s32 $0x5B00  }
.LBB2_2:
0x1e: {  	s2 =	smul.u32 $0x4F590, s7  }
0x1f: {  	s4 =	rddreg [dreg:$0x3]  }
0x20: {  	[dreg:$0x14] =	wrdreg s7;
	s7 =	sadd.s32 s4, s2;
	s4 =	simm.s32 $0x0  }
0x21: {  	[tilespmem:s13], [sflag:$0x1] =	stream.indirect.gather [hbm4b:s7+s12], $0x10, s4, s12, $0xb8;
	[tilespmem:$0x13700] =	vst v63  }
0x22: {  	_ = 	snop  }
0x23: {  	[tilespmem:s14], [sflag:$0x2] =	stream.indirect.gather [hbm4b:s7+s12], $0x10, s12, s12, $0xb8;
	[tilespmem:$0x13700] =	vst v63  }
0x24: {  	[dreg:$0xd] =	wrdreg s31;
	s31 =	simm.s32 $0x100  }
0x25: {  	[tilespmem:s16], [sflag:$0x3] =	stream.indirect.gather [hbm4b:s7+s12], $0x10, s31, s12, $0xb8;
	[tilespmem:$0x13700] =	vst v63  }
0x26: {  	s21 =	simm.s32 $0x180  }
0x27: {  	[tilespmem:s18], [sflag:$0x4] =	stream.indirect.gather [hbm4b:s7+s12], $0x10, s21, s12, $0xb8;
	[tilespmem:$0x13700] =	vst v63  }
0x28: {  	[dreg:$0xc] =	wrdreg s23;
	s23 =	simm.s32 $0x200  }
0x29: {  	[tilespmem:s20], [sflag:$0x5] =	stream.indirect.gather [hbm4b:s7+s12], $0x10, s23, s12, $0xb8;
	[tilespmem:$0x13700] =	vst v63  }
0x2a: {  	[dreg:$0xa] =	wrdreg s25;
	s25 =	simm.s32 $0x280  }
0x2b: {  	[tilespmem:s22], [sflag:$0x6] =	stream.indirect.gather [hbm4b:s7+s12], $0x10, s25, s12, $0xb8;
	[tilespmem:$0x13700] =	vst v63  }
0x2c: {  	[dreg:$0xb] =	wrdreg s30;
	s30 =	simm.s32 $0x300  }
0x2d: {  	[tilespmem:s24], [sflag:$0x7] =	stream.indirect.gather [hbm4b:s7+s12], $0x10, s30, s12, $0xb8;
	[tilespmem:$0x13700] =	vst v63  }
0x2e: {  	p1 =	por $0x1, $0x1;
	s31 =	simm.s32 $0x380;
	s21 =	simm.s32 $0x0  }
0x2f: {  	[tilespmem:s26], [sflag:$0x8] =	stream.indirect.gather [hbm4b:s7+s12], $0x10, s31, s12, $0xb8;
	[tilespmem:$0x13700] =	vst v63  }
.LBB2_3:
0x30: {  	_ =	swait.ge [sflag:s28], $0x800;
	s2 =	sshll.u32 s21, $0xC  }
0x31: {  	[sflag:s28] =	ssyncset.done $0x0;
	s2 =	sshra.s32 s2, $0x2  }
0x32: {  	[sflag:s28] =	ssyncadd.s32 $0xFFFFF800;
	s25 =	sadd.s32 $0xD00, s2  }
0x33: {  	v1 =	vld [tilespmem:s25+$0x0];
	_ =	sdelay $0x2  }
0x34: {  	v2 =	vmov s4  }
0x35: {  	v2 =	vshll.u32 v2, $0x4  }
0x36: {  	v2 =	vor.u32 v0, v2;
	v3 =	vand.u32 $0xFFFFFFF8, v1  }
0x37: {  	v1 =	vand.u32 $0x7, v1;
	v2 =	vadd.s32 v2, v3  }
0x38: {  	v1 =	vor.u32 v1, v2;
	_ =	sdelay $0x4  }
0x39: {  	v1 =	vld.idx.msk [tilespmem:v1+s13+$0x0], $0xffff;
	_ =	sdelay $0x3  }
0x3a: {  	s23 =	sadd.s32 s2, s6  }
0x3b: {  	s25 =	sadd.s32 $0x10, s25;
	[tilespmem:s23+$0x0] =	vst v1  }
0x3c: {  	p0 =	por p1, p1;
	s30 =	simm.s32 $0x10;
	s31 =	simm.s32 $0x20;
	v1 =	vld [tilespmem:s25+$0x0]  }
.LBB2_4:
0x3d: {  	p1 =	sne.s32 s31, $0x70;
	_ =	sdelay $0x1  }
0x3e: {  	v2 =	vmov s30;
	s30 =	smov.u32 s31  }
0x3f: {  	v2 =	vshll.u32 v2, $0x4  }
0x40: {  	v2 =	vor.u32 v0, v2;
	v3 =	vand.u32 $0xFFFFFFF8, v1  }
0x41: {  	v1 =	vand.u32 $0x7, v1;
	v2 =	vadd.s32 v2, v3  }
0x42: {  	v1 =	vor.u32 v1, v2;
	_ =	sdelay $0x4  }
0x43: {  	v1 =	vld.idx.msk [tilespmem:v1+s13+$0x0], $0xffff;
	_ =	sdelay $0x2  }
.Ltmp0:
0x44: {  	(pc) =	sbr.rel @p1 .LBB2_4-.Ltmp0, $4  }
0x45: {  	_ = 	snop  }
0x46: {  	s23 =	sadd.s32 $0x10, s23  }
0x47: {  	s25 =	sadd.s32 $0x10, s25;
	[tilespmem:s23+$0x0] =	vst v1  }
0x48: {  	s31 =	sadd.s32 $0x10, s31;
	v1 =	vld [tilespmem:s25+$0x0]  }
0x49: {  	_ =	sdelay $0x1  }
0x4a: {  	v2 =	vmov s30  }
0x4b: {  	v2 =	vshll.u32 v2, $0x4  }
0x4c: {  	v2 =	vor.u32 v0, v2;
	v3 =	vand.u32 $0xFFFFFFF8, v1  }
0x4d: {  	v1 =	vand.u32 $0x7, v1;
	v2 =	vadd.s32 v2, v3  }
0x4e: {  	v1 =	vor.u32 v1, v2;
	_ =	sdelay $0x4  }
0x4f: {  	v1 =	vld.idx.msk [tilespmem:v1+s13+$0x0], $0xffff;
	_ =	sdelay $0x3  }
0x50: {  	s23 =	sadd.s32 $0x10, s23  }
0x51: {  	s25 =	sadd.s32 $0x400, s2;
	[tilespmem:s23+$0x0] =	vst v1  }
0x52: {  	[tilespmem:s13], [sflag:$0x1] =	stream.indirect.gather [hbm4b:s7+s12], $0x10, s25, s12, $0xb8;
	[tilespmem:$0x13700] =	vst v63  }
0x53: {  	_ =	swait.ge [sflag:s29], $0x800  }
0x54: {  	s21 =	sshll.u32 s21, $0xA;
	[sflag:s29] =	ssyncset.done $0x0  }
0x55: {  	s25 =	sadd.s32 $0xD80, s21;
	[sflag:s29] =	ssyncadd.s32 $0xFFFFF800  }
0x56: {  	v1 =	vld [tilespmem:s25+$0x0];
	_ =	sdelay $0x1  }
0x57: {  	s23 =	simm.s32 $0x0  }
0x58: {  	v2 =	vmov s23  }
0x59: {  	v2 =	vshll.u32 v2, $0x4  }
0x5a: {  	v2 =	vor.u32 v0, v2;
	v3 =	vand.u32 $0xFFFFFFF8, v1  }
0x5b: {  	v1 =	vand.u32 $0x7, v1;
	v2 =	vadd.s32 v2, v3  }
0x5c: {  	v1 =	vor.u32 v1, v2;
	_ =	sdelay $0x4  }
0x5d: {  	v1 =	vld.idx.msk [tilespmem:v1+s14+$0x0], $0xffff;
	_ =	sdelay $0x3  }
0x5e: {  	s23 =	sadd.s32 s2, s9  }
0x5f: {  	s25 =	sadd.s32 $0x10, s25;
	[tilespmem:s23+$0x0] =	vst v1  }
0x60: {  	s30 =	simm.s32 $0x10;
	s31 =	simm.s32 $0x20;
	v1 =	vld [tilespmem:s25+$0x0]  }
.LBB2_6:
0x61: {  	p1 =	sne.s32 s31, $0x70;
	_ =	sdelay $0x1  }
0x62: {  	v2 =	vmov s30;
	s30 =	smov.u32 s31  }
0x63: {  	v2 =	vshll.u32 v2, $0x4  }
0x64: {  	v2 =	vor.u32 v0, v2;
	v3 =	vand.u32 $0xFFFFFFF8, v1  }
0x65: {  	v1 =	vand.u32 $0x7, v1;
	v2 =	vadd.s32 v2, v3  }
0x66: {  	v1 =	vor.u32 v1, v2;
	_ =	sdelay $0x4  }
0x67: {  	v1 =	vld.idx.msk [tilespmem:v1+s14+$0x0], $0xffff;
	_ =	sdelay $0x2  }
.Ltmp1:
0x68: {  	(pc) =	sbr.rel @p1 .LBB2_6-.Ltmp1, $4  }
0x69: {  	_ = 	snop  }
0x6a: {  	s23 =	sadd.s32 $0x10, s23  }
0x6b: {  	s25 =	sadd.s32 $0x10, s25;
	[tilespmem:s23+$0x0] =	vst v1  }
0x6c: {  	s31 =	sadd.s32 $0x10, s31;
	v1 =	vld [tilespmem:s25+$0x0]  }
0x6d: {  	_ =	sdelay $0x1  }
0x6e: {  	v2 =	vmov s30  }
0x6f: {  	v2 =	vshll.u32 v2, $0x4  }
0x70: {  	v2 =	vor.u32 v0, v2;
	v3 =	vand.u32 $0xFFFFFFF8, v1  }
0x71: {  	v1 =	vand.u32 $0x7, v1;
	v2 =	vadd.s32 v2, v3  }
0x72: {  	v1 =	vor.u32 v1, v2;
	_ =	sdelay $0x4  }
0x73: {  	v1 =	vld.idx.msk [tilespmem:v1+s14+$0x0], $0xffff;
	_ =	sdelay $0x3  }
0x74: {  	s23 =	sadd.s32 $0x10, s23  }
0x75: {  	s25 =	sadd.s32 $0x480, s2;
	[tilespmem:s23+$0x0] =	vst v1  }
0x76: {  	[tilespmem:s14], [sflag:$0x2] =	stream.indirect.gather [hbm4b:s7+s12], $0x10, s25, s12, $0xb8;
	[tilespmem:$0x13700] =	vst v63  }
0x77: {  	s25 =	simm.s32 $0x3  }
0x78: {  	_ =	swait.ge [sflag:s25], $0x800  }
0x79: {  	[sflag:s25] =	ssyncset.done $0x0  }
0x7a: {  	[sflag:s25] =	ssyncadd.s32 $0xFFFFF800;
	s25 =	sadd.s32 $0xE00, s21  }
0x7b: {  	v1 =	vld [tilespmem:s25+$0x0];
	_ =	sdelay $0x1  }
0x7c: {  	s23 =	simm.s32 $0x0  }
0x7d: {  	v2 =	vmov s23  }
0x7e: {  	v2 =	vshll.u32 v2, $0x4  }
0x7f: {  	v2 =	vor.u32 v0, v2;
	v3 =	vand.u32 $0xFFFFFFF8, v1  }
0x80: {  	v1 =	vand.u32 $0x7, v1;
	v2 =	vadd.s32 v2, v3  }
0x81: {  	v1 =	vor.u32 v1, v2;
	_ =	sdelay $0x4  }
0x82: {  	v1 =	vld.idx.msk [tilespmem:v1+s16+$0x0], $0xffff;
	_ =	sdelay $0x3  }
0x83: {  	s23 =	sadd.s32 s2, s3  }
0x84: {  	s25 =	sadd.s32 $0x10, s25;
	[tilespmem:s23+$0x0] =	vst v1  }
0x85: {  	s30 =	simm.s32 $0x10;
	s31 =	simm.s32 $0x20;
	v1 =	vld [tilespmem:s25+$0x0]  }
.LBB2_8:
0x86: {  	p1 =	sne.s32 s31, $0x70;
	_ =	sdelay $0x1  }
0x87: {  	v2 =	vmov s30;
	s30 =	smov.u32 s31  }
0x88: {  	v2 =	vshll.u32 v2, $0x4  }
0x89: {  	v2 =	vor.u32 v0, v2;
	v3 =	vand.u32 $0xFFFFFFF8, v1  }
0x8a: {  	v1 =	vand.u32 $0x7, v1;
	v2 =	vadd.s32 v2, v3  }
0x8b: {  	v1 =	vor.u32 v1, v2;
	_ =	sdelay $0x4  }
0x8c: {  	v1 =	vld.idx.msk [tilespmem:v1+s16+$0x0], $0xffff;
	_ =	sdelay $0x2  }
.Ltmp2:
0x8d: {  	(pc) =	sbr.rel @p1 .LBB2_8-.Ltmp2, $4  }
0x8e: {  	_ = 	snop  }
0x8f: {  	s23 =	sadd.s32 $0x10, s23  }
0x90: {  	s25 =	sadd.s32 $0x10, s25;
	[tilespmem:s23+$0x0] =	vst v1  }
0x91: {  	s31 =	sadd.s32 $0x10, s31;
	v1 =	vld [tilespmem:s25+$0x0]  }
0x92: {  	_ =	sdelay $0x1  }
0x93: {  	v2 =	vmov s30  }
0x94: {  	v2 =	vshll.u32 v2, $0x4  }
0x95: {  	v2 =	vor.u32 v0, v2;
	v3 =	vand.u32 $0xFFFFFFF8, v1  }
0x96: {  	v1 =	vand.u32 $0x7, v1;
	v2 =	vadd.s32 v2, v3  }
0x97: {  	v1 =	vor.u32 v1, v2;
	_ =	sdelay $0x4  }
0x98: {  	v1 =	vld.idx.msk [tilespmem:v1+s16+$0x0], $0xffff;
	_ =	sdelay $0x3  }
0x99: {  	s23 =	sadd.s32 $0x10, s23  }
0x9a: {  	s25 =	sadd.s32 $0x500, s2;
	[tilespmem:s23+$0x0] =	vst v1  }
0x9b: {  	[tilespmem:s16], [sflag:$0x3] =	stream.indirect.gather [hbm4b:s7+s12], $0x10, s25, s12, $0xb8;
	[tilespmem:$0x13700] =	vst v63  }
0x9c: {  	s25 =	simm.s32 $0x4  }
0x9d: {  	_ =	swait.ge [sflag:s25], $0x800  }
0x9e: {  	[sflag:s25] =	ssyncset.done $0x0  }
0x9f: {  	[sflag:s25] =	ssyncadd.s32 $0xFFFFF800;
	s25 =	sadd.s32 $0xE80, s21  }
0xa0: {  	v1 =	vld [tilespmem:s25+$0x0];
	_ =	sdelay $0x1  }
0xa1: {  	s23 =	simm.s32 $0x0  }
0xa2: {  	v2 =	vmov s23  }
0xa3: {  	v2 =	vshll.u32 v2, $0x4  }
0xa4: {  	v2 =	vor.u32 v0, v2;
	v3 =	vand.u32 $0xFFFFFFF8, v1  }
0xa5: {  	v1 =	vand.u32 $0x7, v1;
	v2 =	vadd.s32 v2, v3  }
0xa6: {  	v1 =	vor.u32 v1, v2;
	_ =	sdelay $0x4  }
0xa7: {  	v1 =	vld.idx.msk [tilespmem:v1+s18+$0x0], $0xffff;
	_ =	sdelay $0x3  }
0xa8: {  	s23 =	sadd.s32 s2, s10  }
0xa9: {  	s25 =	sadd.s32 $0x10, s25;
	[tilespmem:s23+$0x0] =	vst v1  }
0xaa: {  	s30 =	simm.s32 $0x10;
	s31 =	simm.s32 $0x20;
	v1 =	vld [tilespmem:s25+$0x0]  }
.LBB2_10:
0xab: {  	p1 =	sne.s32 s31, $0x70;
	_ =	sdelay $0x1  }
0xac: {  	v2 =	vmov s30;
	s30 =	smov.u32 s31  }
0xad: {  	v2 =	vshll.u32 v2, $0x4  }
0xae: {  	v2 =	vor.u32 v0, v2;
	v3 =	vand.u32 $0xFFFFFFF8, v1  }
0xaf: {  	v1 =	vand.u32 $0x7, v1;
	v2 =	vadd.s32 v2, v3  }
0xb0: {  	v1 =	vor.u32 v1, v2;
	_ =	sdelay $0x4  }
0xb1: {  	v1 =	vld.idx.msk [tilespmem:v1+s18+$0x0], $0xffff;
	_ =	sdelay $0x2  }
.Ltmp3:
0xb2: {  	(pc) =	sbr.rel @p1 .LBB2_10-.Ltmp3, $4  }
0xb3: {  	_ = 	snop  }
0xb4: {  	s23 =	sadd.s32 $0x10, s23  }
0xb5: {  	s25 =	sadd.s32 $0x10, s25;
	[tilespmem:s23+$0x0] =	vst v1  }
0xb6: {  	s31 =	sadd.s32 $0x10, s31;
	v1 =	vld [tilespmem:s25+$0x0]  }
0xb7: {  	_ =	sdelay $0x1  }
0xb8: {  	v2 =	vmov s30  }
0xb9: {  	v2 =	vshll.u32 v2, $0x4  }
0xba: {  	v2 =	vor.u32 v0, v2;
	v3 =	vand.u32 $0xFFFFFFF8, v1  }
0xbb: {  	v1 =	vand.u32 $0x7, v1;
	v2 =	vadd.s32 v2, v3  }
0xbc: {  	v1 =	vor.u32 v1, v2;
	_ =	sdelay $0x4  }
0xbd: {  	v1 =	vld.idx.msk [tilespmem:v1+s18+$0x0], $0xffff;
	_ =	sdelay $0x3  }
0xbe: {  	s23 =	sadd.s32 $0x10, s23  }
0xbf: {  	s25 =	sadd.s32 $0x580, s2;
	[tilespmem:s23+$0x0] =	vst v1  }
0xc0: {  	[tilespmem:s18], [sflag:$0x4] =	stream.indirect.gather [hbm4b:s7+s12], $0x10, s25, s12, $0xb8;
	[tilespmem:$0x13700] =	vst v63  }
0xc1: {  	_ =	swait.ge [sflag:s1], $0x800  }
0xc2: {  	[sflag:s1] =	ssyncset.done $0x0  }
0xc3: {  	s25 =	sadd.s32 $0xF00, s21;
	[sflag:s1] =	ssyncadd.s32 $0xFFFFF800  }
0xc4: {  	v1 =	vld [tilespmem:s25+$0x0];
	_ =	sdelay $0x1  }
0xc5: {  	s23 =	simm.s32 $0x0  }
0xc6: {  	v2 =	vmov s23  }
0xc7: {  	v2 =	vshll.u32 v2, $0x4  }
0xc8: {  	v2 =	vor.u32 v0, v2;
	v3 =	vand.u32 $0xFFFFFFF8, v1  }
0xc9: {  	v1 =	vand.u32 $0x7, v1;
	v2 =	vadd.s32 v2, v3  }
0xca: {  	v1 =	vor.u32 v1, v2;
	_ =	sdelay $0x4  }
0xcb: {  	v1 =	vld.idx.msk [tilespmem:v1+s20+$0x0], $0xffff;
	_ =	sdelay $0x3  }
0xcc: {  	s23 =	sadd.s32 s2, s8  }
0xcd: {  	s25 =	sadd.s32 $0x10, s25;
	[tilespmem:s23+$0x0] =	vst v1  }
0xce: {  	s30 =	simm.s32 $0x10;
	s31 =	simm.s32 $0x20;
	v1 =	vld [tilespmem:s25+$0x0]  }
.LBB2_12:
0xcf: {  	p1 =	sne.s32 s31, $0x70;
	_ =	sdelay $0x1  }
0xd0: {  	v2 =	vmov s30;
	s30 =	smov.u32 s31  }
0xd1: {  	v2 =	vshll.u32 v2, $0x4  }
0xd2: {  	v2 =	vor.u32 v0, v2;
	v3 =	vand.u32 $0xFFFFFFF8, v1  }
0xd3: {  	v1 =	vand.u32 $0x7, v1;
	v2 =	vadd.s32 v2, v3  }
0xd4: {  	v1 =	vor.u32 v1, v2;
	_ =	sdelay $0x4  }
0xd5: {  	v1 =	vld.idx.msk [tilespmem:v1+s20+$0x0], $0xffff;
	_ =	sdelay $0x2  }
.Ltmp4:
0xd6: {  	(pc) =	sbr.rel @p1 .LBB2_12-.Ltmp4, $4  }
0xd7: {  	_ = 	snop  }
0xd8: {  	s23 =	sadd.s32 $0x10, s23  }
0xd9: {  	s25 =	sadd.s32 $0x10, s25;
	[tilespmem:s23+$0x0] =	vst v1  }
0xda: {  	s31 =	sadd.s32 $0x10, s31;
	v1 =	vld [tilespmem:s25+$0x0]  }
0xdb: {  	_ =	sdelay $0x1  }
0xdc: {  	v2 =	vmov s30  }
0xdd: {  	v2 =	vshll.u32 v2, $0x4  }
0xde: {  	v2 =	vor.u32 v0, v2;
	v3 =	vand.u32 $0xFFFFFFF8, v1  }
0xdf: {  	v1 =	vand.u32 $0x7, v1;
	v2 =	vadd.s32 v2, v3  }
0xe0: {  	v1 =	vor.u32 v1, v2;
	_ =	sdelay $0x4  }
0xe1: {  	v1 =	vld.idx.msk [tilespmem:v1+s20+$0x0], $0xffff;
	_ =	sdelay $0x3  }
0xe2: {  	s23 =	sadd.s32 $0x10, s23  }
0xe3: {  	s25 =	sadd.s32 $0x600, s2;
	[tilespmem:s23+$0x0] =	vst v1  }
0xe4: {  	[tilespmem:s20], [sflag:$0x5] =	stream.indirect.gather [hbm4b:s7+s12], $0x10, s25, s12, $0xb8;
	[tilespmem:$0x13700] =	vst v63  }
0xe5: {  	_ =	swait.ge [sflag:s0], $0x800  }
0xe6: {  	[sflag:s0] =	ssyncset.done $0x0  }
0xe7: {  	s25 =	sadd.s32 $0xF80, s21;
	[sflag:s0] =	ssyncadd.s32 $0xFFFFF800  }
0xe8: {  	v1 =	vld [tilespmem:s25+$0x0];
	_ =	sdelay $0x1  }
0xe9: {  	s23 =	simm.s32 $0x0  }
0xea: {  	v2 =	vmov s23  }
0xeb: {  	v2 =	vshll.u32 v2, $0x4  }
0xec: {  	v2 =	vor.u32 v0, v2;
	v3 =	vand.u32 $0xFFFFFFF8, v1  }
0xed: {  	v1 =	vand.u32 $0x7, v1;
	v2 =	vadd.s32 v2, v3  }
0xee: {  	v1 =	vor.u32 v1, v2;
	_ =	sdelay $0x4  }
0xef: {  	v1 =	vld.idx.msk [tilespmem:v1+s22+$0x0], $0xffff;
	_ =	sdelay $0x3  }
0xf0: {  	s23 =	sadd.s32 s2, s15  }
0xf1: {  	s25 =	sadd.s32 $0x10, s25;
	[tilespmem:s23+$0x0] =	vst v1  }
0xf2: {  	s30 =	simm.s32 $0x10;
	s31 =	simm.s32 $0x20;
	v1 =	vld [tilespmem:s25+$0x0]  }
.LBB2_14:
0xf3: {  	p1 =	sne.s32 s31, $0x70;
	_ =	sdelay $0x1  }
0xf4: {  	v2 =	vmov s30;
	s30 =	smov.u32 s31  }
0xf5: {  	v2 =	vshll.u32 v2, $0x4  }
0xf6: {  	v2 =	vor.u32 v0, v2;
	v3 =	vand.u32 $0xFFFFFFF8, v1  }
0xf7: {  	v1 =	vand.u32 $0x7, v1;
	v2 =	vadd.s32 v2, v3  }
0xf8: {  	v1 =	vor.u32 v1, v2;
	_ =	sdelay $0x4  }
0xf9: {  	v1 =	vld.idx.msk [tilespmem:v1+s22+$0x0], $0xffff;
	_ =	sdelay $0x2  }
.Ltmp5:
0xfa: {  	(pc) =	sbr.rel @p1 .LBB2_14-.Ltmp5, $4  }
0xfb: {  	_ = 	snop  }
0xfc: {  	s23 =	sadd.s32 $0x10, s23  }
0xfd: {  	s25 =	sadd.s32 $0x10, s25;
	[tilespmem:s23+$0x0] =	vst v1  }
0xfe: {  	s31 =	sadd.s32 $0x10, s31;
	v1 =	vld [tilespmem:s25+$0x0]  }
0xff: {  	_ =	sdelay $0x1  }
0x100: {  	v2 =	vmov s30  }
0x101: {  	v2 =	vshll.u32 v2, $0x4  }
0x102: {  	v2 =	vor.u32 v0, v2;
	v3 =	vand.u32 $0xFFFFFFF8, v1  }
0x103: {  	v1 =	vand.u32 $0x7, v1;
	v2 =	vadd.s32 v2, v3  }
0x104: {  	v1 =	vor.u32 v1, v2;
	_ =	sdelay $0x4  }
0x105: {  	v1 =	vld.idx.msk [tilespmem:v1+s22+$0x0], $0xffff;
	_ =	sdelay $0x3  }
0x106: {  	s23 =	sadd.s32 $0x10, s23  }
0x107: {  	s25 =	sadd.s32 $0x680, s2;
	[tilespmem:s23+$0x0] =	vst v1  }
0x108: {  	[tilespmem:s22], [sflag:$0x6] =	stream.indirect.gather [hbm4b:s7+s12], $0x10, s25, s12, $0xb8;
	[tilespmem:$0x13700] =	vst v63  }
0x109: {  	_ =	swait.ge [sflag:s11], $0x800  }
0x10a: {  	[sflag:s11] =	ssyncset.done $0x0  }
0x10b: {  	s25 =	sadd.s32 $0x1000, s21;
	[sflag:s11] =	ssyncadd.s32 $0xFFFFF800  }
0x10c: {  	v1 =	vld [tilespmem:s25+$0x0];
	_ =	sdelay $0x1  }
0x10d: {  	s23 =	simm.s32 $0x0  }
0x10e: {  	v2 =	vmov s23  }
0x10f: {  	v2 =	vshll.u32 v2, $0x4  }
0x110: {  	v2 =	vor.u32 v0, v2;
	v3 =	vand.u32 $0xFFFFFFF8, v1  }
0x111: {  	v1 =	vand.u32 $0x7, v1;
	v2 =	vadd.s32 v2, v3  }
0x112: {  	v1 =	vor.u32 v1, v2;
	_ =	sdelay $0x4  }
0x113: {  	v1 =	vld.idx.msk [tilespmem:v1+s24+$0x0], $0xffff;
	_ =	sdelay $0x3  }
0x114: {  	s23 =	sadd.s32 s2, s17  }
0x115: {  	s25 =	sadd.s32 $0x10, s25;
	[tilespmem:s23+$0x0] =	vst v1  }
0x116: {  	s30 =	simm.s32 $0x10;
	s31 =	simm.s32 $0x20;
	v1 =	vld [tilespmem:s25+$0x0]  }
.LBB2_16:
0x117: {  	p1 =	sne.s32 s31, $0x70;
	_ =	sdelay $0x1  }
0x118: {  	v2 =	vmov s30;
	s30 =	smov.u32 s31  }
0x119: {  	v2 =	vshll.u32 v2, $0x4  }
0x11a: {  	v2 =	vor.u32 v0, v2;
	v3 =	vand.u32 $0xFFFFFFF8, v1  }
0x11b: {  	v1 =	vand.u32 $0x7, v1;
	v2 =	vadd.s32 v2, v3  }
0x11c: {  	v1 =	vor.u32 v1, v2;
	_ =	sdelay $0x4  }
0x11d: {  	v1 =	vld.idx.msk [tilespmem:v1+s24+$0x0], $0xffff;
	_ =	sdelay $0x2  }
.Ltmp6:
0x11e: {  	(pc) =	sbr.rel @p1 .LBB2_16-.Ltmp6, $4  }
0x11f: {  	_ = 	snop  }
0x120: {  	s23 =	sadd.s32 $0x10, s23  }
0x121: {  	s25 =	sadd.s32 $0x10, s25;
	[tilespmem:s23+$0x0] =	vst v1  }
0x122: {  	s31 =	sadd.s32 $0x10, s31;
	v1 =	vld [tilespmem:s25+$0x0]  }
0x123: {  	_ =	sdelay $0x1  }
0x124: {  	v2 =	vmov s30  }
0x125: {  	v2 =	vshll.u32 v2, $0x4  }
0x126: {  	v2 =	vor.u32 v0, v2;
	v3 =	vand.u32 $0xFFFFFFF8, v1  }
0x127: {  	v1 =	vand.u32 $0x7, v1;
	v2 =	vadd.s32 v2, v3  }
0x128: {  	v1 =	vor.u32 v1, v2;
	_ =	sdelay $0x4  }
0x129: {  	v1 =	vld.idx.msk [tilespmem:v1+s24+$0x0], $0xffff;
	_ =	sdelay $0x3  }
0x12a: {  	s23 =	sadd.s32 $0x10, s23  }
0x12b: {  	s31 =	sadd.s32 $0x700, s2;
	[tilespmem:s23+$0x0] =	vst v1  }
0x12c: {  	[tilespmem:s24], [sflag:$0x7] =	stream.indirect.gather [hbm4b:s7+s12], $0x10, s31, s12, $0xb8;
	[tilespmem:$0x13700] =	vst v63  }
0x12d: {  	_ =	swait.ge [sflag:s5], $0x800  }
0x12e: {  	[sflag:s5] =	ssyncset.done $0x0  }
0x12f: {  	s25 =	sadd.s32 $0x1080, s21;
	[sflag:s5] =	ssyncadd.s32 $0xFFFFF800  }
0x130: {  	v1 =	vld [tilespmem:s25+$0x0];
	_ =	sdelay $0x1  }
0x131: {  	s31 =	simm.s32 $0x0  }
0x132: {  	v2 =	vmov s31  }
0x133: {  	v2 =	vshll.u32 v2, $0x4  }
0x134: {  	v2 =	vor.u32 v0, v2;
	v3 =	vand.u32 $0xFFFFFFF8, v1  }
0x135: {  	v1 =	vand.u32 $0x7, v1;
	v2 =	vadd.s32 v2, v3  }
0x136: {  	v1 =	vor.u32 v1, v2;
	_ =	sdelay $0x4  }
0x137: {  	v1 =	vld.idx.msk [tilespmem:v1+s26+$0x0], $0xffff;
	_ =	sdelay $0x3  }
0x138: {  	s21 =	sadd.s32 s2, s19  }
0x139: {  	s23 =	sadd.s32 $0x10, s25;
	[tilespmem:s21+$0x0] =	vst v1  }
0x13a: {  	s30 =	simm.s32 $0x20;
	s25 =	simm.s32 $0x10;
	v1 =	vld [tilespmem:s23+$0x0]  }
.LBB2_18:
0x13b: {  	p1 =	sne.s32 s30, $0x70;
	_ =	sdelay $0x1  }
0x13c: {  	v2 =	vmov s25;
	s25 =	smov.u32 s30  }
0x13d: {  	v2 =	vshll.u32 v2, $0x4  }
0x13e: {  	v2 =	vor.u32 v0, v2;
	v3 =	vand.u32 $0xFFFFFFF8, v1  }
0x13f: {  	v1 =	vand.u32 $0x7, v1;
	v2 =	vadd.s32 v2, v3  }
0x140: {  	v1 =	vor.u32 v1, v2;
	_ =	sdelay $0x4  }
0x141: {  	v1 =	vld.idx.msk [tilespmem:v1+s26+$0x0], $0xffff;
	_ =	sdelay $0x2  }
.Ltmp7:
0x142: {  	(pc) =	sbr.rel @p1 .LBB2_18-.Ltmp7, $4  }
0x143: {  	_ = 	snop  }
0x144: {  	s21 =	sadd.s32 $0x10, s21  }
0x145: {  	s23 =	sadd.s32 $0x10, s23;
	[tilespmem:s21+$0x0] =	vst v1  }
0x146: {  	s30 =	sadd.s32 $0x10, s30;
	v1 =	vld [tilespmem:s23+$0x0]  }
0x147: {  	_ =	sdelay $0x1  }
0x148: {  	v2 =	vmov s25  }
0x149: {  	v2 =	vshll.u32 v2, $0x4  }
0x14a: {  	v2 =	vor.u32 v0, v2;
	v3 =	vand.u32 $0xFFFFFFF8, v1  }
0x14b: {  	v1 =	vand.u32 $0x7, v1;
	v2 =	vadd.s32 v2, v3  }
0x14c: {  	v1 =	vor.u32 v1, v2;
	_ =	sdelay $0x4  }
0x14d: {  	v1 =	vld.idx.msk [tilespmem:v1+s26+$0x0], $0xffff;
	_ =	sdelay $0x1  }
.Ltmp8:
0x14e: {  	_ = 	snop;
	(pc) =	sbr.rel @p0 .LBB2_3-.Ltmp8, $4  }
0x14f: {  	_ = 	snop  }
0x150: {  	s21 =	sadd.s32 $0x10, s21  }
0x151: {  	s2 =	sadd.s32 $0x780, s2;
	p1 =	por $0x0, $0x0;
	[tilespmem:s21+$0x0] =	vst v1;
	s21 =	simm.s32 $0x1  }
0x152: {  	[tilespmem:s26], [sflag:$0x8] =	stream.indirect.gather [hbm4b:s7+s12], $0x10, s2, s12, $0xb8;
	[tilespmem:$0x13700] =	vst v63  }
0x153: {  	_ =	swait.ge [sflag:s28], $0x800  }
0x154: {  	[sflag:s28] =	ssyncset.done $0x0  }
0x155: {  	s2 =	simm.s32 $0x1500;
	[sflag:s28] =	ssyncadd.s32 $0xFFFFF800  }
0x156: {  	v1 =	vld [tilespmem:s2+$0x0];
	_ =	sdelay $0x1  }
0x157: {  	s31 =	simm.s32 $0x0  }
0x158: {  	v2 =	vmov s31  }
0x159: {  	v2 =	vshll.u32 v2, $0x4  }
0x15a: {  	v2 =	vor.u32 v0, v2;
	v3 =	vand.u32 $0xFFFFFFF8, v1  }
0x15b: {  	v1 =	vand.u32 $0x7, v1;
	v2 =	vadd.s32 v2, v3  }
0x15c: {  	v1 =	vor.u32 v1, v2;
	_ =	sdelay $0x4  }
0x15d: {  	v1 =	vld.idx.msk [tilespmem:v1+s13+$0x0], $0xffff;
	_ =	sdelay $0x3  }
0x15e: {  	s25 =	rddreg [dreg:$0xa]  }
0x15f: {  	s4 =	simm.s32 $0x1510;
	[tilespmem:s25+$0x0] =	vst v1  }
0x160: {  	s21 =	simm.s32 $0x10;
	s23 =	simm.s32 $0x20;
	s2 =	smov.u32 s25;
	v1 =	vld [tilespmem:s4+$0x0]  }
.LBB2_21:
0x161: {  	p0 =	sne.s32 s23, $0x70;
	_ =	sdelay $0x1  }
0x162: {  	v2 =	vmov s21;
	s21 =	smov.u32 s23  }
0x163: {  	v2 =	vshll.u32 v2, $0x4  }
0x164: {  	v2 =	vor.u32 v0, v2;
	v3 =	vand.u32 $0xFFFFFFF8, v1  }
0x165: {  	v1 =	vand.u32 $0x7, v1;
	v2 =	vadd.s32 v2, v3  }
0x166: {  	v1 =	vor.u32 v1, v2;
	_ =	sdelay $0x4  }
0x167: {  	v1 =	vld.idx.msk [tilespmem:v1+s13+$0x0], $0xffff;
	_ =	sdelay $0x2  }
.Ltmp9:
0x168: {  	(pc) =	sbr.rel @p0 .LBB2_21-.Ltmp9, $4  }
0x169: {  	_ = 	snop  }
0x16a: {  	s2 =	sadd.s32 $0x10, s2  }
0x16b: {  	s4 =	sadd.s32 $0x10, s4;
	[tilespmem:s2+$0x0] =	vst v1  }
0x16c: {  	s23 =	sadd.s32 $0x10, s23;
	v1 =	vld [tilespmem:s4+$0x0]  }
0x16d: {  	_ =	sdelay $0x1  }
0x16e: {  	v2 =	vmov s21  }
0x16f: {  	v2 =	vshll.u32 v2, $0x4  }
0x170: {  	v2 =	vor.u32 v0, v2;
	v3 =	vand.u32 $0xFFFFFFF8, v1  }
0x171: {  	v1 =	vand.u32 $0x7, v1;
	v2 =	vadd.s32 v2, v3  }
0x172: {  	v1 =	vor.u32 v1, v2;
	_ =	sdelay $0x4  }
0x173: {  	v1 =	vld.idx.msk [tilespmem:v1+s13+$0x0], $0xffff;
	_ =	sdelay $0x3  }
0x174: {  	s2 =	sadd.s32 $0x10, s2  }
0x175: {  	s4 =	simm.s32 $0xC00;
	[tilespmem:s2+$0x0] =	vst v1  }
0x176: {  	[tilespmem:s13], [sflag:$0x1] =	stream.indirect.gather [hbm4b:s7+s12], $0x10, s4, s12, $0xb8;
	[tilespmem:$0x13700] =	vst v63  }
0x177: {  	_ =	swait.ge [sflag:s29], $0x800  }
0x178: {  	[sflag:s29] =	ssyncset.done $0x0  }
0x179: {  	s21 =	simm.s32 $0x1580;
	[sflag:s29] =	ssyncadd.s32 $0xFFFFF800  }
0x17a: {  	v1 =	vld [tilespmem:s21+$0x0];
	_ =	sdelay $0x1  }
0x17b: {  	s23 =	simm.s32 $0x0  }
0x17c: {  	v2 =	vmov s23  }
0x17d: {  	v2 =	vshll.u32 v2, $0x4  }
0x17e: {  	v2 =	vor.u32 v0, v2;
	v3 =	vand.u32 $0xFFFFFFF8, v1  }
0x17f: {  	v1 =	vand.u32 $0x7, v1;
	v2 =	vadd.s32 v2, v3  }
0x180: {  	v1 =	vor.u32 v1, v2;
	_ =	sdelay $0x4  }
0x181: {  	v1 =	vld.idx.msk [tilespmem:v1+s14+$0x0], $0xffff;
	_ =	sdelay $0x3  }
0x182: {  	s30 =	rddreg [dreg:$0xb]  }
0x183: {  	s23 =	simm.s32 $0x20;
	s4 =	simm.s32 $0x1590;
	[tilespmem:s30+$0x0] =	vst v1  }
0x184: {  	s31 =	rddreg [dreg:$0xd];
	s2 =	smov.u32 s30;
	s21 =	simm.s32 $0x10;
	v1 =	vld [tilespmem:s4+$0x0]  }
.LBB2_23:
0x185: {  	p0 =	sne.s32 s23, $0x70;
	_ =	sdelay $0x1  }
0x186: {  	v2 =	vmov s21;
	s21 =	smov.u32 s23  }
0x187: {  	v2 =	vshll.u32 v2, $0x4  }
0x188: {  	v2 =	vor.u32 v0, v2;
	v3 =	vand.u32 $0xFFFFFFF8, v1  }
0x189: {  	v1 =	vand.u32 $0x7, v1;
	v2 =	vadd.s32 v2, v3  }
0x18a: {  	v1 =	vor.u32 v1, v2;
	_ =	sdelay $0x4  }
0x18b: {  	v1 =	vld.idx.msk [tilespmem:v1+s14+$0x0], $0xffff;
	_ =	sdelay $0x2  }
.Ltmp10:
0x18c: {  	(pc) =	sbr.rel @p0 .LBB2_23-.Ltmp10, $4  }
0x18d: {  	_ = 	snop  }
0x18e: {  	s2 =	sadd.s32 $0x10, s2  }
0x18f: {  	s4 =	sadd.s32 $0x10, s4;
	[tilespmem:s2+$0x0] =	vst v1  }
0x190: {  	s23 =	sadd.s32 $0x10, s23;
	v1 =	vld [tilespmem:s4+$0x0]  }
0x191: {  	_ =	sdelay $0x1  }
0x192: {  	v2 =	vmov s21  }
0x193: {  	v2 =	vshll.u32 v2, $0x4  }
0x194: {  	v2 =	vor.u32 v0, v2;
	v3 =	vand.u32 $0xFFFFFFF8, v1  }
0x195: {  	v1 =	vand.u32 $0x7, v1;
	v2 =	vadd.s32 v2, v3  }
0x196: {  	v1 =	vor.u32 v1, v2;
	_ =	sdelay $0x4  }
0x197: {  	v1 =	vld.idx.msk [tilespmem:v1+s14+$0x0], $0xffff;
	_ =	sdelay $0x3  }
0x198: {  	s2 =	sadd.s32 $0x10, s2  }
0x199: {  	s4 =	simm.s32 $0xC80;
	[tilespmem:s2+$0x0] =	vst v1  }
0x19a: {  	[tilespmem:s14], [sflag:$0x2] =	stream.indirect.gather [hbm4b:s7+s12], $0x10, s4, s12, $0xb8;
	[tilespmem:$0x13700] =	vst v63  }
0x19b: {  	s7 =	simm.s32 $0x3  }
0x19c: {  	_ =	swait.ge [sflag:s7], $0x800  }
0x19d: {  	[sflag:s7] =	ssyncset.done $0x0  }
0x19e: {  	s21 =	simm.s32 $0x1600;
	[sflag:s7] =	ssyncadd.s32 $0xFFFFF800  }
0x19f: {  	v1 =	vld [tilespmem:s21+$0x0];
	_ =	sdelay $0x1  }
0x1a0: {  	s23 =	simm.s32 $0x0  }
0x1a1: {  	v2 =	vmov s23  }
0x1a2: {  	v2 =	vshll.u32 v2, $0x4  }
0x1a3: {  	v2 =	vor.u32 v0, v2;
	v3 =	vand.u32 $0xFFFFFFF8, v1  }
0x1a4: {  	v1 =	vand.u32 $0x7, v1;
	v2 =	vadd.s32 v2, v3  }
0x1a5: {  	v1 =	vor.u32 v1, v2;
	_ =	sdelay $0x4  }
0x1a6: {  	v1 =	vld.idx.msk [tilespmem:v1+s16+$0x0], $0xffff;
	_ =	sdelay $0x3  }
0x1a7: {  	s23 =	rddreg [dreg:$0xc]  }
0x1a8: {  	s4 =	simm.s32 $0x1610;
	[tilespmem:s23+$0x0] =	vst v1  }
0x1a9: {  	s7 =	simm.s32 $0x10;
	s2 =	smov.u32 s23;
	s21 =	simm.s32 $0x20;
	v1 =	vld [tilespmem:s4+$0x0]  }
.LBB2_25:
0x1aa: {  	p0 =	sne.s32 s21, $0x70;
	_ =	sdelay $0x1  }
0x1ab: {  	v2 =	vmov s7;
	s7 =	smov.u32 s21  }
0x1ac: {  	v2 =	vshll.u32 v2, $0x4  }
0x1ad: {  	v2 =	vor.u32 v0, v2;
	v3 =	vand.u32 $0xFFFFFFF8, v1  }
0x1ae: {  	v1 =	vand.u32 $0x7, v1;
	v2 =	vadd.s32 v2, v3  }
0x1af: {  	v1 =	vor.u32 v1, v2;
	_ =	sdelay $0x4  }
0x1b0: {  	v1 =	vld.idx.msk [tilespmem:v1+s16+$0x0], $0xffff;
	_ =	sdelay $0x2  }
.Ltmp11:
0x1b1: {  	(pc) =	sbr.rel @p0 .LBB2_25-.Ltmp11, $4  }
0x1b2: {  	_ = 	snop  }
0x1b3: {  	s2 =	sadd.s32 $0x10, s2  }
0x1b4: {  	s4 =	sadd.s32 $0x10, s4;
	[tilespmem:s2+$0x0] =	vst v1  }
0x1b5: {  	s21 =	sadd.s32 $0x10, s21;
	v1 =	vld [tilespmem:s4+$0x0]  }
0x1b6: {  	_ =	sdelay $0x1  }
0x1b7: {  	v2 =	vmov s7  }
0x1b8: {  	v2 =	vshll.u32 v2, $0x4  }
0x1b9: {  	v2 =	vor.u32 v0, v2;
	v3 =	vand.u32 $0xFFFFFFF8, v1  }
0x1ba: {  	v1 =	vand.u32 $0x7, v1;
	v2 =	vadd.s32 v2, v3  }
0x1bb: {  	v1 =	vor.u32 v1, v2;
	_ =	sdelay $0x4  }
0x1bc: {  	v1 =	vld.idx.msk [tilespmem:v1+s16+$0x0], $0xffff;
	_ =	sdelay $0x3  }
0x1bd: {  	s2 =	sadd.s32 $0x10, s2  }
0x1be: {  	s4 =	simm.s32 $0x4;
	[tilespmem:s2+$0x0] =	vst v1  }
0x1bf: {  	_ =	swait.ge [sflag:s4], $0x800  }
0x1c0: {  	[sflag:s4] =	ssyncset.done $0x0  }
0x1c1: {  	s7 =	simm.s32 $0x1680;
	[sflag:s4] =	ssyncadd.s32 $0xFFFFF800  }
0x1c2: {  	v1 =	vld [tilespmem:s7+$0x0];
	_ =	sdelay $0x1  }
0x1c3: {  	s21 =	simm.s32 $0x0  }
0x1c4: {  	v2 =	vmov s21  }
0x1c5: {  	v2 =	vshll.u32 v2, $0x4  }
0x1c6: {  	v2 =	vor.u32 v0, v2;
	v3 =	vand.u32 $0xFFFFFFF8, v1  }
0x1c7: {  	v1 =	vand.u32 $0x7, v1;
	v2 =	vadd.s32 v2, v3  }
0x1c8: {  	v1 =	vor.u32 v1, v2;
	_ =	sdelay $0x4  }
0x1c9: {  	v1 =	vld.idx.msk [tilespmem:v1+s18+$0x0], $0xffff;
	_ =	sdelay $0x4  }
0x1ca: {  	s4 =	simm.s32 $0x1690;
	[tilespmem:s31+$0x0] =	vst v1  }
0x1cb: {  	s21 =	simm.s32 $0x20;
	s2 =	smov.u32 s31;
	s7 =	simm.s32 $0x10;
	v1 =	vld [tilespmem:s4+$0x0]  }
.LBB2_27:
0x1cc: {  	p0 =	sne.s32 s21, $0x70;
	_ =	sdelay $0x1  }
0x1cd: {  	v2 =	vmov s7;
	s7 =	smov.u32 s21  }
0x1ce: {  	v2 =	vshll.u32 v2, $0x4  }
0x1cf: {  	v2 =	vor.u32 v0, v2;
	v3 =	vand.u32 $0xFFFFFFF8, v1  }
0x1d0: {  	v1 =	vand.u32 $0x7, v1;
	v2 =	vadd.s32 v2, v3  }
0x1d1: {  	v1 =	vor.u32 v1, v2;
	_ =	sdelay $0x4  }
0x1d2: {  	v1 =	vld.idx.msk [tilespmem:v1+s18+$0x0], $0xffff;
	_ =	sdelay $0x2  }
.Ltmp12:
0x1d3: {  	(pc) =	sbr.rel @p0 .LBB2_27-.Ltmp12, $4  }
0x1d4: {  	_ = 	snop  }
0x1d5: {  	s2 =	sadd.s32 $0x10, s2  }
0x1d6: {  	s4 =	sadd.s32 $0x10, s4;
	[tilespmem:s2+$0x0] =	vst v1  }
0x1d7: {  	s21 =	sadd.s32 $0x10, s21;
	v1 =	vld [tilespmem:s4+$0x0]  }
0x1d8: {  	_ =	sdelay $0x1  }
0x1d9: {  	v2 =	vmov s7  }
0x1da: {  	v2 =	vshll.u32 v2, $0x4  }
0x1db: {  	v2 =	vor.u32 v0, v2;
	v3 =	vand.u32 $0xFFFFFFF8, v1  }
0x1dc: {  	v1 =	vand.u32 $0x7, v1;
	v2 =	vadd.s32 v2, v3  }
0x1dd: {  	v1 =	vor.u32 v1, v2;
	_ =	sdelay $0x4  }
0x1de: {  	v1 =	vld.idx.msk [tilespmem:v1+s18+$0x0], $0xffff;
	_ =	sdelay $0x3  }
0x1df: {  	s2 =	sadd.s32 $0x10, s2  }
0x1e0: {  	[tilespmem:s2+$0x0] =	vst v1  }
0x1e1: {  	_ =	swait.ge [sflag:s1], $0x800  }
0x1e2: {  	[sflag:s1] =	ssyncset.done $0x0  }
0x1e3: {  	s7 =	simm.s32 $0x1700;
	[sflag:s1] =	ssyncadd.s32 $0xFFFFF800  }
0x1e4: {  	v1 =	vld [tilespmem:s7+$0x0];
	_ =	sdelay $0x1  }
0x1e5: {  	s21 =	simm.s32 $0x0  }
0x1e6: {  	v2 =	vmov s21  }
0x1e7: {  	v2 =	vshll.u32 v2, $0x4  }
0x1e8: {  	v2 =	vor.u32 v0, v2;
	v3 =	vand.u32 $0xFFFFFFF8, v1  }
0x1e9: {  	v1 =	vand.u32 $0x7, v1;
	v2 =	vadd.s32 v2, v3  }
0x1ea: {  	v1 =	vor.u32 v1, v2;
	_ =	sdelay $0x4  }
0x1eb: {  	v1 =	vld.idx.msk [tilespmem:v1+s20+$0x0], $0xffff;
	_ =	sdelay $0x3  }
0x1ec: {  	s2 =	rddreg [dreg:$0xe]  }
0x1ed: {  	s4 =	simm.s32 $0x1710;
	[tilespmem:s2+$0x0] =	vst v1  }
0x1ee: {  	s21 =	simm.s32 $0x20;
	s7 =	simm.s32 $0x10;
	v1 =	vld [tilespmem:s4+$0x0]  }
.LBB2_29:
0x1ef: {  	p0 =	sne.s32 s21, $0x70;
	_ =	sdelay $0x1  }
0x1f0: {  	v2 =	vmov s7;
	s7 =	smov.u32 s21  }
0x1f1: {  	v2 =	vshll.u32 v2, $0x4  }
0x1f2: {  	v2 =	vor.u32 v0, v2;
	v3 =	vand.u32 $0xFFFFFFF8, v1  }
0x1f3: {  	v1 =	vand.u32 $0x7, v1;
	v2 =	vadd.s32 v2, v3  }
0x1f4: {  	v1 =	vor.u32 v1, v2;
	_ =	sdelay $0x4  }
0x1f5: {  	v1 =	vld.idx.msk [tilespmem:v1+s20+$0x0], $0xffff;
	_ =	sdelay $0x2  }
.Ltmp13:
0x1f6: {  	(pc) =	sbr.rel @p0 .LBB2_29-.Ltmp13, $4  }
0x1f7: {  	_ = 	snop  }
0x1f8: {  	s2 =	sadd.s32 $0x10, s2  }
0x1f9: {  	s4 =	sadd.s32 $0x10, s4;
	[tilespmem:s2+$0x0] =	vst v1  }
0x1fa: {  	s21 =	sadd.s32 $0x10, s21;
	v1 =	vld [tilespmem:s4+$0x0]  }
0x1fb: {  	_ =	sdelay $0x1  }
0x1fc: {  	v2 =	vmov s7  }
0x1fd: {  	v2 =	vshll.u32 v2, $0x4  }
0x1fe: {  	v2 =	vor.u32 v0, v2;
	v3 =	vand.u32 $0xFFFFFFF8, v1  }
0x1ff: {  	v1 =	vand.u32 $0x7, v1;
	v2 =	vadd.s32 v2, v3  }
0x200: {  	v1 =	vor.u32 v1, v2;
	_ =	sdelay $0x4  }
0x201: {  	v1 =	vld.idx.msk [tilespmem:v1+s20+$0x0], $0xffff;
	_ =	sdelay $0x3  }
0x202: {  	s2 =	sadd.s32 $0x10, s2  }
0x203: {  	[tilespmem:s2+$0x0] =	vst v1  }
0x204: {  	_ =	swait.ge [sflag:s0], $0x800  }
0x205: {  	[sflag:s0] =	ssyncset.done $0x0  }
0x206: {  	s7 =	simm.s32 $0x1780;
	[sflag:s0] =	ssyncadd.s32 $0xFFFFF800  }
0x207: {  	v1 =	vld [tilespmem:s7+$0x0];
	_ =	sdelay $0x1  }
0x208: {  	s21 =	simm.s32 $0x0  }
0x209: {  	v2 =	vmov s21  }
0x20a: {  	v2 =	vshll.u32 v2, $0x4  }
0x20b: {  	v2 =	vor.u32 v0, v2;
	v3 =	vand.u32 $0xFFFFFFF8, v1  }
0x20c: {  	v1 =	vand.u32 $0x7, v1;
	v2 =	vadd.s32 v2, v3  }
0x20d: {  	v1 =	vor.u32 v1, v2;
	_ =	sdelay $0x4  }
0x20e: {  	v1 =	vld.idx.msk [tilespmem:v1+s22+$0x0], $0xffff;
	_ =	sdelay $0x3  }
0x20f: {  	s2 =	rddreg [dreg:$0xf]  }
0x210: {  	s4 =	simm.s32 $0x1790;
	[tilespmem:s2+$0x0] =	vst v1  }
0x211: {  	s21 =	simm.s32 $0x20;
	s7 =	simm.s32 $0x10;
	v1 =	vld [tilespmem:s4+$0x0]  }
.LBB2_31:
0x212: {  	p0 =	sne.s32 s21, $0x70;
	_ =	sdelay $0x1  }
0x213: {  	v2 =	vmov s7;
	s7 =	smov.u32 s21  }
0x214: {  	v2 =	vshll.u32 v2, $0x4  }
0x215: {  	v2 =	vor.u32 v0, v2;
	v3 =	vand.u32 $0xFFFFFFF8, v1  }
0x216: {  	v1 =	vand.u32 $0x7, v1;
	v2 =	vadd.s32 v2, v3  }
0x217: {  	v1 =	vor.u32 v1, v2;
	_ =	sdelay $0x4  }
0x218: {  	v1 =	vld.idx.msk [tilespmem:v1+s22+$0x0], $0xffff;
	_ =	sdelay $0x2  }
.Ltmp14:
0x219: {  	(pc) =	sbr.rel @p0 .LBB2_31-.Ltmp14, $4  }
0x21a: {  	_ = 	snop  }
0x21b: {  	s2 =	sadd.s32 $0x10, s2  }
0x21c: {  	s4 =	sadd.s32 $0x10, s4;
	[tilespmem:s2+$0x0] =	vst v1  }
0x21d: {  	s21 =	sadd.s32 $0x10, s21;
	v1 =	vld [tilespmem:s4+$0x0]  }
0x21e: {  	_ =	sdelay $0x1  }
0x21f: {  	v2 =	vmov s7  }
0x220: {  	v2 =	vshll.u32 v2, $0x4  }
0x221: {  	v2 =	vor.u32 v0, v2;
	v3 =	vand.u32 $0xFFFFFFF8, v1  }
0x222: {  	v1 =	vand.u32 $0x7, v1;
	v2 =	vadd.s32 v2, v3  }
0x223: {  	v1 =	vor.u32 v1, v2;
	_ =	sdelay $0x4  }
0x224: {  	v1 =	vld.idx.msk [tilespmem:v1+s22+$0x0], $0xffff;
	_ =	sdelay $0x3  }
0x225: {  	s2 =	sadd.s32 $0x10, s2  }
0x226: {  	[tilespmem:s2+$0x0] =	vst v1  }
0x227: {  	_ =	swait.ge [sflag:s11], $0x800  }
0x228: {  	[sflag:s11] =	ssyncset.done $0x0  }
0x229: {  	s7 =	simm.s32 $0x1800;
	[sflag:s11] =	ssyncadd.s32 $0xFFFFF800  }
0x22a: {  	v1 =	vld [tilespmem:s7+$0x0];
	_ =	sdelay $0x1  }
0x22b: {  	s21 =	simm.s32 $0x0  }
0x22c: {  	v2 =	vmov s21  }
0x22d: {  	v2 =	vshll.u32 v2, $0x4  }
0x22e: {  	v2 =	vor.u32 v0, v2;
	v3 =	vand.u32 $0xFFFFFFF8, v1  }
0x22f: {  	v1 =	vand.u32 $0x7, v1;
	v2 =	vadd.s32 v2, v3  }
0x230: {  	v1 =	vor.u32 v1, v2;
	_ =	sdelay $0x4  }
0x231: {  	v1 =	vld.idx.msk [tilespmem:v1+s24+$0x0], $0xffff;
	_ =	sdelay $0x3  }
0x232: {  	s2 =	rddreg [dreg:$0x10]  }
0x233: {  	s4 =	simm.s32 $0x1810;
	[tilespmem:s2+$0x0] =	vst v1  }
0x234: {  	s21 =	simm.s32 $0x20;
	s7 =	simm.s32 $0x10;
	v1 =	vld [tilespmem:s4+$0x0]  }
.LBB2_33:
0x235: {  	p0 =	sne.s32 s21, $0x70;
	_ =	sdelay $0x1  }
0x236: {  	v2 =	vmov s7;
	s7 =	smov.u32 s21  }
0x237: {  	v2 =	vshll.u32 v2, $0x4  }
0x238: {  	v2 =	vor.u32 v0, v2;
	v3 =	vand.u32 $0xFFFFFFF8, v1  }
0x239: {  	v1 =	vand.u32 $0x7, v1;
	v2 =	vadd.s32 v2, v3  }
0x23a: {  	v1 =	vor.u32 v1, v2;
	_ =	sdelay $0x4  }
0x23b: {  	v1 =	vld.idx.msk [tilespmem:v1+s24+$0x0], $0xffff;
	_ =	sdelay $0x2  }
.Ltmp15:
0x23c: {  	(pc) =	sbr.rel @p0 .LBB2_33-.Ltmp15, $4  }
0x23d: {  	_ = 	snop  }
0x23e: {  	s2 =	sadd.s32 $0x10, s2  }
0x23f: {  	s4 =	sadd.s32 $0x10, s4;
	[tilespmem:s2+$0x0] =	vst v1  }
0x240: {  	s21 =	sadd.s32 $0x10, s21;
	v1 =	vld [tilespmem:s4+$0x0]  }
0x241: {  	_ =	sdelay $0x1  }
0x242: {  	v2 =	vmov s7  }
0x243: {  	v2 =	vshll.u32 v2, $0x4  }
0x244: {  	v2 =	vor.u32 v0, v2;
	v3 =	vand.u32 $0xFFFFFFF8, v1  }
0x245: {  	v1 =	vand.u32 $0x7, v1;
	v2 =	vadd.s32 v2, v3  }
0x246: {  	v1 =	vor.u32 v1, v2;
	_ =	sdelay $0x4  }
0x247: {  	v1 =	vld.idx.msk [tilespmem:v1+s24+$0x0], $0xffff;
	_ =	sdelay $0x3  }
0x248: {  	s2 =	sadd.s32 $0x10, s2  }
0x249: {  	[tilespmem:s2+$0x0] =	vst v1  }
0x24a: {  	_ =	swait.ge [sflag:s5], $0x800  }
0x24b: {  	[sflag:s5] =	ssyncset.done $0x0  }
0x24c: {  	s7 =	simm.s32 $0x1880;
	[sflag:s5] =	ssyncadd.s32 $0xFFFFF800  }
0x24d: {  	v1 =	vld [tilespmem:s7+$0x0];
	_ =	sdelay $0x1  }
0x24e: {  	s21 =	simm.s32 $0x0  }
0x24f: {  	v2 =	vmov s21  }
0x250: {  	v2 =	vshll.u32 v2, $0x4  }
0x251: {  	v2 =	vor.u32 v0, v2;
	v3 =	vand.u32 $0xFFFFFFF8, v1  }
0x252: {  	v1 =	vand.u32 $0x7, v1;
	v2 =	vadd.s32 v2, v3  }
0x253: {  	v1 =	vor.u32 v1, v2;
	_ =	sdelay $0x4  }
0x254: {  	v1 =	vld.idx.msk [tilespmem:v1+s26+$0x0], $0xffff;
	_ =	sdelay $0x3  }
0x255: {  	s2 =	rddreg [dreg:$0x11]  }
0x256: {  	s4 =	simm.s32 $0x1890;
	[tilespmem:s2+$0x0] =	vst v1  }
0x257: {  	s21 =	simm.s32 $0x20;
	s7 =	simm.s32 $0x10;
	v1 =	vld [tilespmem:s4+$0x0]  }
.LBB2_35:
0x258: {  	p0 =	sne.s32 s21, $0x70;
	_ =	sdelay $0x1  }
0x259: {  	v2 =	vmov s7;
	s7 =	smov.u32 s21  }
0x25a: {  	v2 =	vshll.u32 v2, $0x4  }
0x25b: {  	v2 =	vor.u32 v0, v2;
	v3 =	vand.u32 $0xFFFFFFF8, v1  }
0x25c: {  	v1 =	vand.u32 $0x7, v1;
	v2 =	vadd.s32 v2, v3  }
0x25d: {  	v1 =	vor.u32 v1, v2;
	_ =	sdelay $0x4  }
0x25e: {  	v1 =	vld.idx.msk [tilespmem:v1+s26+$0x0], $0xffff;
	_ =	sdelay $0x2  }
.Ltmp16:
0x25f: {  	(pc) =	sbr.rel @p0 .LBB2_35-.Ltmp16, $4  }
0x260: {  	_ = 	snop  }
0x261: {  	s2 =	sadd.s32 $0x10, s2  }
0x262: {  	s4 =	sadd.s32 $0x10, s4;
	[tilespmem:s2+$0x0] =	vst v1  }
0x263: {  	s21 =	sadd.s32 $0x10, s21;
	v1 =	vld [tilespmem:s4+$0x0]  }
0x264: {  	_ =	sdelay $0x1  }
0x265: {  	v2 =	vmov s7  }
0x266: {  	v2 =	vshll.u32 v2, $0x4  }
0x267: {  	v2 =	vor.u32 v0, v2;
	v3 =	vand.u32 $0xFFFFFFF8, v1  }
0x268: {  	v1 =	vand.u32 $0x7, v1;
	v2 =	vadd.s32 v2, v3  }
0x269: {  	v1 =	vor.u32 v1, v2;
	_ =	sdelay $0x4  }
0x26a: {  	v1 =	vld.idx.msk [tilespmem:v1+s26+$0x0], $0xffff;
	_ =	sdelay $0x3  }
0x26b: {  	s2 =	sadd.s32 $0x10, s2  }
0x26c: {  	[tilespmem:s2+$0x0] =	vst v1  }
0x26d: {  	_ =	swait.ge [sflag:s28], $0x800  }
0x26e: {  	[sflag:s28] =	ssyncset.done $0x0  }
0x26f: {  	s7 =	simm.s32 $0x1900;
	[sflag:s28] =	ssyncadd.s32 $0xFFFFF800  }
0x270: {  	v1 =	vld [tilespmem:s7+$0x0];
	_ =	sdelay $0x1  }
0x271: {  	s21 =	simm.s32 $0x0  }
0x272: {  	v2 =	vmov s21  }
0x273: {  	v2 =	vshll.u32 v2, $0x4  }
0x274: {  	v2 =	vor.u32 v0, v2;
	v3 =	vand.u32 $0xFFFFFFF8, v1  }
0x275: {  	v1 =	vand.u32 $0x7, v1;
	v2 =	vadd.s32 v2, v3  }
0x276: {  	v1 =	vor.u32 v1, v2;
	_ =	sdelay $0x4  }
0x277: {  	v1 =	vld.idx.msk [tilespmem:v1+s13+$0x0], $0xffff;
	_ =	sdelay $0x3  }
0x278: {  	s2 =	rddreg [dreg:$0x12]  }
0x279: {  	s4 =	simm.s32 $0x1910;
	[tilespmem:s2+$0x0] =	vst v1  }
0x27a: {  	s21 =	simm.s32 $0x20;
	s7 =	simm.s32 $0x10;
	v1 =	vld [tilespmem:s4+$0x0]  }
.LBB2_37:
0x27b: {  	p0 =	sne.s32 s21, $0x70;
	_ =	sdelay $0x1  }
0x27c: {  	v2 =	vmov s7;
	s7 =	smov.u32 s21  }
0x27d: {  	v2 =	vshll.u32 v2, $0x4  }
0x27e: {  	v2 =	vor.u32 v0, v2;
	v3 =	vand.u32 $0xFFFFFFF8, v1  }
0x27f: {  	v1 =	vand.u32 $0x7, v1;
	v2 =	vadd.s32 v2, v3  }
0x280: {  	v1 =	vor.u32 v1, v2;
	_ =	sdelay $0x4  }
0x281: {  	v1 =	vld.idx.msk [tilespmem:v1+s13+$0x0], $0xffff;
	_ =	sdelay $0x2  }
.Ltmp17:
0x282: {  	(pc) =	sbr.rel @p0 .LBB2_37-.Ltmp17, $4  }
0x283: {  	_ = 	snop  }
0x284: {  	s2 =	sadd.s32 $0x10, s2  }
0x285: {  	s4 =	sadd.s32 $0x10, s4;
	[tilespmem:s2+$0x0] =	vst v1  }
0x286: {  	s21 =	sadd.s32 $0x10, s21;
	v1 =	vld [tilespmem:s4+$0x0]  }
0x287: {  	_ =	sdelay $0x1  }
0x288: {  	v2 =	vmov s7  }
0x289: {  	v2 =	vshll.u32 v2, $0x4  }
0x28a: {  	v2 =	vor.u32 v0, v2;
	v3 =	vand.u32 $0xFFFFFFF8, v1  }
0x28b: {  	v1 =	vand.u32 $0x7, v1;
	v2 =	vadd.s32 v2, v3  }
0x28c: {  	v1 =	vor.u32 v1, v2;
	_ =	sdelay $0x4  }
0x28d: {  	v1 =	vld.idx.msk [tilespmem:v1+s13+$0x0], $0xffff;
	_ =	sdelay $0x3  }
0x28e: {  	s2 =	sadd.s32 $0x10, s2  }
0x28f: {  	[tilespmem:s2+$0x0] =	vst v1  }
0x290: {  	_ =	swait.ge [sflag:s29], $0x800  }
0x291: {  	[sflag:s29] =	ssyncset.done $0x0  }
0x292: {  	s7 =	simm.s32 $0x1980;
	[sflag:s29] =	ssyncadd.s32 $0xFFFFF800  }
0x293: {  	v1 =	vld [tilespmem:s7+$0x0];
	_ =	sdelay $0x1  }
0x294: {  	s21 =	simm.s32 $0x0  }
0x295: {  	v2 =	vmov s21  }
0x296: {  	v2 =	vshll.u32 v2, $0x4  }
0x297: {  	v2 =	vor.u32 v0, v2;
	v3 =	vand.u32 $0xFFFFFFF8, v1  }
0x298: {  	v1 =	vand.u32 $0x7, v1;
	v2 =	vadd.s32 v2, v3  }
0x299: {  	v1 =	vor.u32 v1, v2;
	_ =	sdelay $0x4  }
0x29a: {  	v1 =	vld.idx.msk [tilespmem:v1+s14+$0x0], $0xffff;
	_ =	sdelay $0x3  }
0x29b: {  	s2 =	rddreg [dreg:$0x13]  }
0x29c: {  	s4 =	simm.s32 $0x1990;
	[tilespmem:s2+$0x0] =	vst v1  }
0x29d: {  	s21 =	simm.s32 $0x20;
	s7 =	simm.s32 $0x10;
	v1 =	vld [tilespmem:s4+$0x0]  }
.LBB2_39:
0x29e: {  	p0 =	sne.s32 s21, $0x70;
	_ =	sdelay $0x1  }
0x29f: {  	v2 =	vmov s7;
	s7 =	smov.u32 s21  }
0x2a0: {  	v2 =	vshll.u32 v2, $0x4  }
0x2a1: {  	v2 =	vor.u32 v0, v2;
	v3 =	vand.u32 $0xFFFFFFF8, v1  }
0x2a2: {  	v1 =	vand.u32 $0x7, v1;
	v2 =	vadd.s32 v2, v3  }
0x2a3: {  	v1 =	vor.u32 v1, v2;
	_ =	sdelay $0x4  }
0x2a4: {  	v1 =	vld.idx.msk [tilespmem:v1+s14+$0x0], $0xffff;
	_ =	sdelay $0x2  }
.Ltmp18:
0x2a5: {  	(pc) =	sbr.rel @p0 .LBB2_39-.Ltmp18, $4  }
0x2a6: {  	_ = 	snop  }
0x2a7: {  	s2 =	sadd.s32 $0x10, s2  }
0x2a8: {  	s4 =	sadd.s32 $0x10, s4;
	[tilespmem:s2+$0x0] =	vst v1  }
0x2a9: {  	s21 =	sadd.s32 $0x10, s21;
	v1 =	vld [tilespmem:s4+$0x0]  }
0x2aa: {  	_ =	sdelay $0x1  }
0x2ab: {  	v2 =	vmov s7  }
0x2ac: {  	v2 =	vshll.u32 v2, $0x4  }
0x2ad: {  	v2 =	vor.u32 v0, v2;
	v3 =	vand.u32 $0xFFFFFFF8, v1  }
0x2ae: {  	v1 =	vand.u32 $0x7, v1;
	v2 =	vadd.s32 v2, v3  }
0x2af: {  	v1 =	vor.u32 v1, v2  }
0x2b0: {  	s4 =	rddreg [dreg:$0x14]  }
0x2b1: {  	s7 =	sadd.s32 $0x1, s4;
	s4 =	rddreg [dreg:$0xe]  }
0x2b2: {  	s21 =	rddreg [dreg:$0xf];
	s4 =	sadd.s32 $0xD00, s4  }
0x2b3: {  	s2 =	sadd.s32 $0x10, s2;
	s6 =	sadd.s32 $0xD00, s6;
	[dreg:$0xe] =	wrdreg s4  }
0x2b4: {  	s9 =	sadd.s32 $0xD00, s9;
	s4 =	sadd.s32 $0xD00, s21;
	s21 =	rddreg [dreg:$0x10];
	v1 =	vld.idx.msk [tilespmem:v1+s14+$0x0], $0xffff  }
0x2b5: {  	s3 =	sadd.s32 $0xD00, s3;
	s10 =	sadd.s32 $0xD00, s10;
	[dreg:$0xf] =	wrdreg s4  }
0x2b6: {  	s8 =	sadd.s32 $0xD00, s8;
	s4 =	sadd.s32 $0xD00, s21;
	s21 =	rddreg [dreg:$0x11]  }
0x2b7: {  	s15 =	sadd.s32 $0xD00, s15;
	p0 =	sne.s32 s7, $0x10;
	[dreg:$0x10] =	wrdreg s4  }
.Ltmp19:
0x2b8: {  	s17 =	sadd.s32 $0xD00, s17;
	s4 =	rddreg [dreg:$0x12];
	(pc) =	sbr.rel @p0 .LBB2_2-.Ltmp19, $4  }
0x2b9: {  	s19 =	sadd.s32 $0xD00, s19;
	[tilespmem:s2+$0x0] =	vst v1;
	s2 =	sadd.s32 $0xD00, s21;
	s21 =	rddreg [dreg:$0x13]  }
0x2ba: {  	s25 =	sadd.s32 $0xD00, s25;
	[dreg:$0x11] =	wrdreg s2;
	s2 =	sadd.s32 $0xD00, s4  }
0x2bb: {  	s30 =	sadd.s32 $0xD00, s30;
	[dreg:$0x12] =	wrdreg s2;
	s2 =	sadd.s32 $0xD00, s21  }
0x2bc: {  	s23 =	sadd.s32 $0xD00, s23;
	s31 =	sadd.s32 $0xD00, s31;
	[dreg:$0x13] =	wrdreg s2  }
0x2bd: {  	s2 =	simm.s32 $0x0;
	s10 =	rddreg [dreg:$0x1]  }
0x2be: {  	[tilespmem:s13], [sflag:$0x1] =	stream.indirect.gather [hbm4b:s10+s12], $0x10, s2, s12, $0xb8;
	[tilespmem:$0x13700] =	vst v63  }
0x2bf: {  	_ = 	snop  }
0x2c0: {  	[tilespmem:s14], [sflag:$0x2] =	stream.indirect.gather [hbm4b:s10+s12], $0x10, s12, s12, $0xb8;
	[tilespmem:$0x13700] =	vst v63  }
0x2c1: {  	s3 =	simm.s32 $0x100  }
0x2c2: {  	[tilespmem:s16], [sflag:$0x3] =	stream.indirect.gather [hbm4b:s10+s12], $0x10, s3, s12, $0xb8;
	[tilespmem:$0x13700] =	vst v63  }
0x2c3: {  	s21 =	simm.s32 $0x180  }
0x2c4: {  	[tilespmem:s18], [sflag:$0x4] =	stream.indirect.gather [hbm4b:s10+s12], $0x10, s21, s12, $0xb8;
	[tilespmem:$0x13700] =	vst v63  }
0x2c5: {  	s23 =	simm.s32 $0x200  }
0x2c6: {  	[tilespmem:s20], [sflag:$0x5] =	stream.indirect.gather [hbm4b:s10+s12], $0x10, s23, s12, $0xb8;
	[tilespmem:$0x13700] =	vst v63  }
0x2c7: {  	s25 =	simm.s32 $0x280  }
0x2c8: {  	[tilespmem:s22], [sflag:$0x6] =	stream.indirect.gather [hbm4b:s10+s12], $0x10, s25, s12, $0xb8;
	[tilespmem:$0x13700] =	vst v63  }
0x2c9: {  	s30 =	simm.s32 $0x300  }
0x2ca: {  	[tilespmem:s24], [sflag:$0x7] =	stream.indirect.gather [hbm4b:s10+s12], $0x10, s30, s12, $0xb8;
	[tilespmem:$0x13700] =	vst v63  }
0x2cb: {  	s31 =	simm.s32 $0x380;
	p1 =	por $0x1, $0x1;
	s4 =	simm.s32 $0x0  }
0x2cc: {  	[tilespmem:s26], [sflag:$0x8] =	stream.indirect.gather [hbm4b:s10+s12], $0x10, s31, s12, $0xb8;
	[tilespmem:$0x13700] =	vst v63  }
.LBB2_42:
0x2cd: {  	_ =	swait.ge [sflag:s28], $0x800;
	s3 =	sshll.u32 s4, $0xC  }
0x2ce: {  	[sflag:s28] =	ssyncset.done $0x0;
	s3 =	sshra.s32 s3, $0x2  }
0x2cf: {  	[sflag:s28] =	ssyncadd.s32 $0xFFFFF800;
	s7 =	sadd.s32 $0xD00, s3  }
0x2d0: {  	v1 =	vld [tilespmem:s7+$0x0];
	_ =	sdelay $0x2  }
0x2d1: {  	v2 =	vmov s2  }
0x2d2: {  	v2 =	vshll.u32 v2, $0x4  }
0x2d3: {  	v2 =	vor.u32 v0, v2;
	v3 =	vand.u32 $0xFFFFFFF8, v1  }
0x2d4: {  	v1 =	vand.u32 $0x7, v1;
	v2 =	vadd.s32 v2, v3  }
0x2d5: {  	v1 =	vor.u32 v1, v2;
	_ =	sdelay $0x4  }
0x2d6: {  	v1 =	vld.idx.msk [tilespmem:v1+s13+$0x0], $0xffff;
	_ =	sdelay $0x3  }
0x2d7: {  	s6 =	sadd.s32 $0x12A00, s3  }
0x2d8: {  	s7 =	sadd.s32 $0x10, s7;
	[tilespmem:s6+$0x0] =	vst v1  }
0x2d9: {  	p0 =	por p1, p1;
	s8 =	simm.s32 $0x10;
	s9 =	simm.s32 $0x20;
	v1 =	vld [tilespmem:s7+$0x0]  }
.LBB2_43:
0x2da: {  	p1 =	sne.s32 s9, $0x70;
	_ =	sdelay $0x1  }
0x2db: {  	v2 =	vmov s8;
	s8 =	smov.u32 s9  }
0x2dc: {  	v2 =	vshll.u32 v2, $0x4  }
0x2dd: {  	v2 =	vor.u32 v0, v2;
	v3 =	vand.u32 $0xFFFFFFF8, v1  }
0x2de: {  	v1 =	vand.u32 $0x7, v1;
	v2 =	vadd.s32 v2, v3  }
0x2df: {  	v1 =	vor.u32 v1, v2;
	_ =	sdelay $0x4  }
0x2e0: {  	v1 =	vld.idx.msk [tilespmem:v1+s13+$0x0], $0xffff;
	_ =	sdelay $0x2  }
.Ltmp20:
0x2e1: {  	(pc) =	sbr.rel @p1 .LBB2_43-.Ltmp20, $4  }
0x2e2: {  	_ = 	snop  }
0x2e3: {  	s6 =	sadd.s32 $0x10, s6  }
0x2e4: {  	s7 =	sadd.s32 $0x10, s7;
	[tilespmem:s6+$0x0] =	vst v1  }
0x2e5: {  	s9 =	sadd.s32 $0x10, s9;
	v1 =	vld [tilespmem:s7+$0x0]  }
0x2e6: {  	_ =	sdelay $0x1  }
0x2e7: {  	v2 =	vmov s8  }
0x2e8: {  	v2 =	vshll.u32 v2, $0x4  }
0x2e9: {  	v2 =	vor.u32 v0, v2;
	v3 =	vand.u32 $0xFFFFFFF8, v1  }
0x2ea: {  	v1 =	vand.u32 $0x7, v1;
	v2 =	vadd.s32 v2, v3  }
0x2eb: {  	v1 =	vor.u32 v1, v2;
	_ =	sdelay $0x4  }
0x2ec: {  	v1 =	vld.idx.msk [tilespmem:v1+s13+$0x0], $0xffff;
	_ =	sdelay $0x3  }
0x2ed: {  	s6 =	sadd.s32 $0x10, s6  }
0x2ee: {  	s30 =	sadd.s32 $0x400, s3;
	[tilespmem:s6+$0x0] =	vst v1  }
0x2ef: {  	[tilespmem:s13], [sflag:$0x1] =	stream.indirect.gather [hbm4b:s10+s12], $0x10, s30, s12, $0xb8;
	[tilespmem:$0x13700] =	vst v63  }
0x2f0: {  	_ =	swait.ge [sflag:s29], $0x800  }
0x2f1: {  	s4 =	sshll.u32 s4, $0xA;
	[sflag:s29] =	ssyncset.done $0x0  }
0x2f2: {  	s7 =	sadd.s32 $0xD80, s4;
	[sflag:s29] =	ssyncadd.s32 $0xFFFFF800  }
0x2f3: {  	v1 =	vld [tilespmem:s7+$0x0];
	_ =	sdelay $0x1  }
0x2f4: {  	s31 =	simm.s32 $0x0  }
0x2f5: {  	v2 =	vmov s31  }
0x2f6: {  	v2 =	vshll.u32 v2, $0x4  }
0x2f7: {  	v2 =	vor.u32 v0, v2;
	v3 =	vand.u32 $0xFFFFFFF8, v1  }
0x2f8: {  	v1 =	vand.u32 $0x7, v1;
	v2 =	vadd.s32 v2, v3  }
0x2f9: {  	v1 =	vor.u32 v1, v2;
	_ =	sdelay $0x4  }
0x2fa: {  	v1 =	vld.idx.msk [tilespmem:v1+s14+$0x0], $0xffff;
	_ =	sdelay $0x3  }
0x2fb: {  	s6 =	sadd.s32 $0x12A80, s3  }
0x2fc: {  	s7 =	sadd.s32 $0x10, s7;
	[tilespmem:s6+$0x0] =	vst v1  }
0x2fd: {  	s8 =	simm.s32 $0x10;
	s9 =	simm.s32 $0x20;
	v1 =	vld [tilespmem:s7+$0x0]  }
.LBB2_45:
0x2fe: {  	p1 =	sne.s32 s9, $0x70;
	_ =	sdelay $0x1  }
0x2ff: {  	v2 =	vmov s8;
	s8 =	smov.u32 s9  }
0x300: {  	v2 =	vshll.u32 v2, $0x4  }
0x301: {  	v2 =	vor.u32 v0, v2;
	v3 =	vand.u32 $0xFFFFFFF8, v1  }
0x302: {  	v1 =	vand.u32 $0x7, v1;
	v2 =	vadd.s32 v2, v3  }
0x303: {  	v1 =	vor.u32 v1, v2;
	_ =	sdelay $0x4  }
0x304: {  	v1 =	vld.idx.msk [tilespmem:v1+s14+$0x0], $0xffff;
	_ =	sdelay $0x2  }
.Ltmp21:
0x305: {  	(pc) =	sbr.rel @p1 .LBB2_45-.Ltmp21, $4  }
0x306: {  	_ = 	snop  }
0x307: {  	s6 =	sadd.s32 $0x10, s6  }
0x308: {  	s7 =	sadd.s32 $0x10, s7;
	[tilespmem:s6+$0x0] =	vst v1  }
0x309: {  	s9 =	sadd.s32 $0x10, s9;
	v1 =	vld [tilespmem:s7+$0x0]  }
0x30a: {  	_ =	sdelay $0x1  }
0x30b: {  	v2 =	vmov s8  }
0x30c: {  	v2 =	vshll.u32 v2, $0x4  }
0x30d: {  	v2 =	vor.u32 v0, v2;
	v3 =	vand.u32 $0xFFFFFFF8, v1  }
0x30e: {  	v1 =	vand.u32 $0x7, v1;
	v2 =	vadd.s32 v2, v3  }
0x30f: {  	v1 =	vor.u32 v1, v2;
	_ =	sdelay $0x4  }
0x310: {  	v1 =	vld.idx.msk [tilespmem:v1+s14+$0x0], $0xffff;
	_ =	sdelay $0x3  }
0x311: {  	s6 =	sadd.s32 $0x10, s6  }
0x312: {  	s25 =	sadd.s32 $0x480, s3;
	s30 =	simm.s32 $0x3;
	[tilespmem:s6+$0x0] =	vst v1  }
0x313: {  	[tilespmem:s14], [sflag:$0x2] =	stream.indirect.gather [hbm4b:s10+s12], $0x10, s25, s12, $0xb8;
	[tilespmem:$0x13700] =	vst v63  }
0x314: {  	_ =	swait.ge [sflag:s30], $0x800  }
0x315: {  	[sflag:s30] =	ssyncset.done $0x0  }
0x316: {  	s7 =	sadd.s32 $0xE00, s4;
	[sflag:s30] =	ssyncadd.s32 $0xFFFFF800  }
0x317: {  	v1 =	vld [tilespmem:s7+$0x0];
	_ =	sdelay $0x1  }
0x318: {  	s31 =	simm.s32 $0x0  }
0x319: {  	v2 =	vmov s31  }
0x31a: {  	v2 =	vshll.u32 v2, $0x4  }
0x31b: {  	v2 =	vor.u32 v0, v2;
	v3 =	vand.u32 $0xFFFFFFF8, v1  }
0x31c: {  	v1 =	vand.u32 $0x7, v1;
	v2 =	vadd.s32 v2, v3  }
0x31d: {  	v1 =	vor.u32 v1, v2;
	_ =	sdelay $0x4  }
0x31e: {  	v1 =	vld.idx.msk [tilespmem:v1+s16+$0x0], $0xffff;
	_ =	sdelay $0x3  }
0x31f: {  	s6 =	sadd.s32 $0x12B00, s3  }
0x320: {  	s7 =	sadd.s32 $0x10, s7;
	[tilespmem:s6+$0x0] =	vst v1  }
0x321: {  	s8 =	simm.s32 $0x10;
	s9 =	simm.s32 $0x20;
	v1 =	vld [tilespmem:s7+$0x0]  }
.LBB2_47:
0x322: {  	p1 =	sne.s32 s9, $0x70;
	_ =	sdelay $0x1  }
0x323: {  	v2 =	vmov s8;
	s8 =	smov.u32 s9  }
0x324: {  	v2 =	vshll.u32 v2, $0x4  }
0x325: {  	v2 =	vor.u32 v0, v2;
	v3 =	vand.u32 $0xFFFFFFF8, v1  }
0x326: {  	v1 =	vand.u32 $0x7, v1;
	v2 =	vadd.s32 v2, v3  }
0x327: {  	v1 =	vor.u32 v1, v2;
	_ =	sdelay $0x4  }
0x328: {  	v1 =	vld.idx.msk [tilespmem:v1+s16+$0x0], $0xffff;
	_ =	sdelay $0x2  }
.Ltmp22:
0x329: {  	(pc) =	sbr.rel @p1 .LBB2_47-.Ltmp22, $4  }
0x32a: {  	_ = 	snop  }
0x32b: {  	s6 =	sadd.s32 $0x10, s6  }
0x32c: {  	s7 =	sadd.s32 $0x10, s7;
	[tilespmem:s6+$0x0] =	vst v1  }
0x32d: {  	s9 =	sadd.s32 $0x10, s9;
	v1 =	vld [tilespmem:s7+$0x0]  }
0x32e: {  	_ =	sdelay $0x1  }
0x32f: {  	v2 =	vmov s8  }
0x330: {  	v2 =	vshll.u32 v2, $0x4  }
0x331: {  	v2 =	vor.u32 v0, v2;
	v3 =	vand.u32 $0xFFFFFFF8, v1  }
0x332: {  	v1 =	vand.u32 $0x7, v1;
	v2 =	vadd.s32 v2, v3  }
0x333: {  	v1 =	vor.u32 v1, v2;
	_ =	sdelay $0x4  }
0x334: {  	v1 =	vld.idx.msk [tilespmem:v1+s16+$0x0], $0xffff;
	_ =	sdelay $0x3  }
0x335: {  	s6 =	sadd.s32 $0x10, s6  }
0x336: {  	s25 =	sadd.s32 $0x500, s3;
	s30 =	simm.s32 $0x4;
	[tilespmem:s6+$0x0] =	vst v1  }
0x337: {  	[tilespmem:s16], [sflag:$0x3] =	stream.indirect.gather [hbm4b:s10+s12], $0x10, s25, s12, $0xb8;
	[tilespmem:$0x13700] =	vst v63  }
0x338: {  	_ =	swait.ge [sflag:s30], $0x800  }
0x339: {  	[sflag:s30] =	ssyncset.done $0x0  }
0x33a: {  	s7 =	sadd.s32 $0xE80, s4;
	[sflag:s30] =	ssyncadd.s32 $0xFFFFF800  }
0x33b: {  	v1 =	vld [tilespmem:s7+$0x0];
	_ =	sdelay $0x1  }
0x33c: {  	s31 =	simm.s32 $0x0  }
0x33d: {  	v2 =	vmov s31  }
0x33e: {  	v2 =	vshll.u32 v2, $0x4  }
0x33f: {  	v2 =	vor.u32 v0, v2;
	v3 =	vand.u32 $0xFFFFFFF8, v1  }
0x340: {  	v1 =	vand.u32 $0x7, v1;
	v2 =	vadd.s32 v2, v3  }
0x341: {  	v1 =	vor.u32 v1, v2;
	_ =	sdelay $0x4  }
0x342: {  	v1 =	vld.idx.msk [tilespmem:v1+s18+$0x0], $0xffff;
	_ =	sdelay $0x3  }
0x343: {  	s6 =	sadd.s32 $0x12B80, s3  }
0x344: {  	s7 =	sadd.s32 $0x10, s7;
	[tilespmem:s6+$0x0] =	vst v1  }
0x345: {  	s8 =	simm.s32 $0x10;
	s9 =	simm.s32 $0x20;
	v1 =	vld [tilespmem:s7+$0x0]  }
.LBB2_49:
0x346: {  	p1 =	sne.s32 s9, $0x70;
	_ =	sdelay $0x1  }
0x347: {  	v2 =	vmov s8;
	s8 =	smov.u32 s9  }
0x348: {  	v2 =	vshll.u32 v2, $0x4  }
0x349: {  	v2 =	vor.u32 v0, v2;
	v3 =	vand.u32 $0xFFFFFFF8, v1  }
0x34a: {  	v1 =	vand.u32 $0x7, v1;
	v2 =	vadd.s32 v2, v3  }
0x34b: {  	v1 =	vor.u32 v1, v2;
	_ =	sdelay $0x4  }
0x34c: {  	v1 =	vld.idx.msk [tilespmem:v1+s18+$0x0], $0xffff;
	_ =	sdelay $0x2  }
.Ltmp23:
0x34d: {  	(pc) =	sbr.rel @p1 .LBB2_49-.Ltmp23, $4  }
0x34e: {  	_ = 	snop  }
0x34f: {  	s6 =	sadd.s32 $0x10, s6  }
0x350: {  	s7 =	sadd.s32 $0x10, s7;
	[tilespmem:s6+$0x0] =	vst v1  }
0x351: {  	s9 =	sadd.s32 $0x10, s9;
	v1 =	vld [tilespmem:s7+$0x0]  }
0x352: {  	_ =	sdelay $0x1  }
0x353: {  	v2 =	vmov s8  }
0x354: {  	v2 =	vshll.u32 v2, $0x4  }
0x355: {  	v2 =	vor.u32 v0, v2;
	v3 =	vand.u32 $0xFFFFFFF8, v1  }
0x356: {  	v1 =	vand.u32 $0x7, v1;
	v2 =	vadd.s32 v2, v3  }
0x357: {  	v1 =	vor.u32 v1, v2;
	_ =	sdelay $0x4  }
0x358: {  	v1 =	vld.idx.msk [tilespmem:v1+s18+$0x0], $0xffff;
	_ =	sdelay $0x3  }
0x359: {  	s6 =	sadd.s32 $0x10, s6  }
0x35a: {  	s30 =	sadd.s32 $0x580, s3;
	[tilespmem:s6+$0x0] =	vst v1  }
0x35b: {  	[tilespmem:s18], [sflag:$0x4] =	stream.indirect.gather [hbm4b:s10+s12], $0x10, s30, s12, $0xb8;
	[tilespmem:$0x13700] =	vst v63  }
0x35c: {  	_ =	swait.ge [sflag:s1], $0x800  }
0x35d: {  	[sflag:s1] =	ssyncset.done $0x0  }
0x35e: {  	s7 =	sadd.s32 $0xF00, s4;
	[sflag:s1] =	ssyncadd.s32 $0xFFFFF800  }
0x35f: {  	v1 =	vld [tilespmem:s7+$0x0];
	_ =	sdelay $0x1  }
0x360: {  	s31 =	simm.s32 $0x0  }
0x361: {  	v2 =	vmov s31  }
0x362: {  	v2 =	vshll.u32 v2, $0x4  }
0x363: {  	v2 =	vor.u32 v0, v2;
	v3 =	vand.u32 $0xFFFFFFF8, v1  }
0x364: {  	v1 =	vand.u32 $0x7, v1;
	v2 =	vadd.s32 v2, v3  }
0x365: {  	v1 =	vor.u32 v1, v2;
	_ =	sdelay $0x4  }
0x366: {  	v1 =	vld.idx.msk [tilespmem:v1+s20+$0x0], $0xffff;
	_ =	sdelay $0x3  }
0x367: {  	s6 =	sadd.s32 $0x12C00, s3  }
0x368: {  	s7 =	sadd.s32 $0x10, s7;
	[tilespmem:s6+$0x0] =	vst v1  }
0x369: {  	s8 =	simm.s32 $0x10;
	s9 =	simm.s32 $0x20;
	v1 =	vld [tilespmem:s7+$0x0]  }
.LBB2_51:
0x36a: {  	p1 =	sne.s32 s9, $0x70;
	_ =	sdelay $0x1  }
0x36b: {  	v2 =	vmov s8;
	s8 =	smov.u32 s9  }
0x36c: {  	v2 =	vshll.u32 v2, $0x4  }
0x36d: {  	v2 =	vor.u32 v0, v2;
	v3 =	vand.u32 $0xFFFFFFF8, v1  }
0x36e: {  	v1 =	vand.u32 $0x7, v1;
	v2 =	vadd.s32 v2, v3  }
0x36f: {  	v1 =	vor.u32 v1, v2;
	_ =	sdelay $0x4  }
0x370: {  	v1 =	vld.idx.msk [tilespmem:v1+s20+$0x0], $0xffff;
	_ =	sdelay $0x2  }
.Ltmp24:
0x371: {  	(pc) =	sbr.rel @p1 .LBB2_51-.Ltmp24, $4  }
0x372: {  	_ = 	snop  }
0x373: {  	s6 =	sadd.s32 $0x10, s6  }
0x374: {  	s7 =	sadd.s32 $0x10, s7;
	[tilespmem:s6+$0x0] =	vst v1  }
0x375: {  	s9 =	sadd.s32 $0x10, s9;
	v1 =	vld [tilespmem:s7+$0x0]  }
0x376: {  	_ =	sdelay $0x1  }
0x377: {  	v2 =	vmov s8  }
0x378: {  	v2 =	vshll.u32 v2, $0x4  }
0x379: {  	v2 =	vor.u32 v0, v2;
	v3 =	vand.u32 $0xFFFFFFF8, v1  }
0x37a: {  	v1 =	vand.u32 $0x7, v1;
	v2 =	vadd.s32 v2, v3  }
0x37b: {  	v1 =	vor.u32 v1, v2;
	_ =	sdelay $0x4  }
0x37c: {  	v1 =	vld.idx.msk [tilespmem:v1+s20+$0x0], $0xffff;
	_ =	sdelay $0x3  }
0x37d: {  	s6 =	sadd.s32 $0x10, s6  }
0x37e: {  	s30 =	sadd.s32 $0x600, s3;
	[tilespmem:s6+$0x0] =	vst v1  }
0x37f: {  	[tilespmem:s20], [sflag:$0x5] =	stream.indirect.gather [hbm4b:s10+s12], $0x10, s30, s12, $0xb8;
	[tilespmem:$0x13700] =	vst v63  }
0x380: {  	_ =	swait.ge [sflag:s0], $0x800  }
0x381: {  	[sflag:s0] =	ssyncset.done $0x0  }
0x382: {  	s7 =	sadd.s32 $0xF80, s4;
	[sflag:s0] =	ssyncadd.s32 $0xFFFFF800  }
0x383: {  	v1 =	vld [tilespmem:s7+$0x0];
	_ =	sdelay $0x1  }
0x384: {  	s31 =	simm.s32 $0x0  }
0x385: {  	v2 =	vmov s31  }
0x386: {  	v2 =	vshll.u32 v2, $0x4  }
0x387: {  	v2 =	vor.u32 v0, v2;
	v3 =	vand.u32 $0xFFFFFFF8, v1  }
0x388: {  	v1 =	vand.u32 $0x7, v1;
	v2 =	vadd.s32 v2, v3  }
0x389: {  	v1 =	vor.u32 v1, v2;
	_ =	sdelay $0x4  }
0x38a: {  	v1 =	vld.idx.msk [tilespmem:v1+s22+$0x0], $0xffff;
	_ =	sdelay $0x3  }
0x38b: {  	s6 =	sadd.s32 $0x12C80, s3  }
0x38c: {  	s7 =	sadd.s32 $0x10, s7;
	[tilespmem:s6+$0x0] =	vst v1  }
0x38d: {  	s8 =	simm.s32 $0x10;
	s9 =	simm.s32 $0x20;
	v1 =	vld [tilespmem:s7+$0x0]  }
.LBB2_53:
0x38e: {  	p1 =	sne.s32 s9, $0x70;
	_ =	sdelay $0x1  }
0x38f: {  	v2 =	vmov s8;
	s8 =	smov.u32 s9  }
0x390: {  	v2 =	vshll.u32 v2, $0x4  }
0x391: {  	v2 =	vor.u32 v0, v2;
	v3 =	vand.u32 $0xFFFFFFF8, v1  }
0x392: {  	v1 =	vand.u32 $0x7, v1;
	v2 =	vadd.s32 v2, v3  }
0x393: {  	v1 =	vor.u32 v1, v2;
	_ =	sdelay $0x4  }
0x394: {  	v1 =	vld.idx.msk [tilespmem:v1+s22+$0x0], $0xffff;
	_ =	sdelay $0x2  }
.Ltmp25:
0x395: {  	(pc) =	sbr.rel @p1 .LBB2_53-.Ltmp25, $4  }
0x396: {  	_ = 	snop  }
0x397: {  	s6 =	sadd.s32 $0x10, s6  }
0x398: {  	s7 =	sadd.s32 $0x10, s7;
	[tilespmem:s6+$0x0] =	vst v1  }
0x399: {  	s9 =	sadd.s32 $0x10, s9;
	v1 =	vld [tilespmem:s7+$0x0]  }
0x39a: {  	_ =	sdelay $0x1  }
0x39b: {  	v2 =	vmov s8  }
0x39c: {  	v2 =	vshll.u32 v2, $0x4  }
0x39d: {  	v2 =	vor.u32 v0, v2;
	v3 =	vand.u32 $0xFFFFFFF8, v1  }
0x39e: {  	v1 =	vand.u32 $0x7, v1;
	v2 =	vadd.s32 v2, v3  }
0x39f: {  	v1 =	vor.u32 v1, v2;
	_ =	sdelay $0x4  }
0x3a0: {  	v1 =	vld.idx.msk [tilespmem:v1+s22+$0x0], $0xffff;
	_ =	sdelay $0x3  }
0x3a1: {  	s6 =	sadd.s32 $0x10, s6  }
0x3a2: {  	s30 =	sadd.s32 $0x680, s3;
	[tilespmem:s6+$0x0] =	vst v1  }
0x3a3: {  	[tilespmem:s22], [sflag:$0x6] =	stream.indirect.gather [hbm4b:s10+s12], $0x10, s30, s12, $0xb8;
	[tilespmem:$0x13700] =	vst v63  }
0x3a4: {  	_ =	swait.ge [sflag:s11], $0x800  }
0x3a5: {  	[sflag:s11] =	ssyncset.done $0x0  }
0x3a6: {  	s7 =	sadd.s32 $0x1000, s4;
	[sflag:s11] =	ssyncadd.s32 $0xFFFFF800  }
0x3a7: {  	v1 =	vld [tilespmem:s7+$0x0];
	_ =	sdelay $0x1  }
0x3a8: {  	s31 =	simm.s32 $0x0  }
0x3a9: {  	v2 =	vmov s31  }
0x3aa: {  	v2 =	vshll.u32 v2, $0x4  }
0x3ab: {  	v2 =	vor.u32 v0, v2;
	v3 =	vand.u32 $0xFFFFFFF8, v1  }
0x3ac: {  	v1 =	vand.u32 $0x7, v1;
	v2 =	vadd.s32 v2, v3  }
0x3ad: {  	v1 =	vor.u32 v1, v2;
	_ =	sdelay $0x4  }
0x3ae: {  	v1 =	vld.idx.msk [tilespmem:v1+s24+$0x0], $0xffff;
	_ =	sdelay $0x3  }
0x3af: {  	s6 =	sadd.s32 $0x12D00, s3  }
0x3b0: {  	s7 =	sadd.s32 $0x10, s7;
	[tilespmem:s6+$0x0] =	vst v1  }
0x3b1: {  	s8 =	simm.s32 $0x10;
	s9 =	simm.s32 $0x20;
	v1 =	vld [tilespmem:s7+$0x0]  }
.LBB2_55:
0x3b2: {  	p1 =	sne.s32 s9, $0x70;
	_ =	sdelay $0x1  }
0x3b3: {  	v2 =	vmov s8;
	s8 =	smov.u32 s9  }
0x3b4: {  	v2 =	vshll.u32 v2, $0x4  }
0x3b5: {  	v2 =	vor.u32 v0, v2;
	v3 =	vand.u32 $0xFFFFFFF8, v1  }
0x3b6: {  	v1 =	vand.u32 $0x7, v1;
	v2 =	vadd.s32 v2, v3  }
0x3b7: {  	v1 =	vor.u32 v1, v2;
	_ =	sdelay $0x4  }
0x3b8: {  	v1 =	vld.idx.msk [tilespmem:v1+s24+$0x0], $0xffff;
	_ =	sdelay $0x2  }
.Ltmp26:
0x3b9: {  	(pc) =	sbr.rel @p1 .LBB2_55-.Ltmp26, $4  }
0x3ba: {  	_ = 	snop  }
0x3bb: {  	s6 =	sadd.s32 $0x10, s6  }
0x3bc: {  	s7 =	sadd.s32 $0x10, s7;
	[tilespmem:s6+$0x0] =	vst v1  }
0x3bd: {  	s9 =	sadd.s32 $0x10, s9;
	v1 =	vld [tilespmem:s7+$0x0]  }
0x3be: {  	_ =	sdelay $0x1  }
0x3bf: {  	v2 =	vmov s8  }
0x3c0: {  	v2 =	vshll.u32 v2, $0x4  }
0x3c1: {  	v2 =	vor.u32 v0, v2;
	v3 =	vand.u32 $0xFFFFFFF8, v1  }
0x3c2: {  	v1 =	vand.u32 $0x7, v1;
	v2 =	vadd.s32 v2, v3  }
0x3c3: {  	v1 =	vor.u32 v1, v2;
	_ =	sdelay $0x4  }
0x3c4: {  	v1 =	vld.idx.msk [tilespmem:v1+s24+$0x0], $0xffff;
	_ =	sdelay $0x3  }
0x3c5: {  	s6 =	sadd.s32 $0x10, s6  }
0x3c6: {  	s25 =	sadd.s32 $0x700, s3;
	[tilespmem:s6+$0x0] =	vst v1  }
0x3c7: {  	[tilespmem:s24], [sflag:$0x7] =	stream.indirect.gather [hbm4b:s10+s12], $0x10, s25, s12, $0xb8;
	[tilespmem:$0x13700] =	vst v63  }
0x3c8: {  	_ =	swait.ge [sflag:s5], $0x800  }
0x3c9: {  	[sflag:s5] =	ssyncset.done $0x0  }
0x3ca: {  	s30 =	sadd.s32 $0x1080, s4;
	[sflag:s5] =	ssyncadd.s32 $0xFFFFF800  }
0x3cb: {  	v1 =	vld [tilespmem:s30+$0x0];
	_ =	sdelay $0x1  }
0x3cc: {  	s31 =	simm.s32 $0x0  }
0x3cd: {  	v2 =	vmov s31  }
0x3ce: {  	v2 =	vshll.u32 v2, $0x4  }
0x3cf: {  	v2 =	vor.u32 v0, v2;
	v3 =	vand.u32 $0xFFFFFFF8, v1  }
0x3d0: {  	v1 =	vand.u32 $0x7, v1;
	v2 =	vadd.s32 v2, v3  }
0x3d1: {  	v1 =	vor.u32 v1, v2;
	_ =	sdelay $0x4  }
0x3d2: {  	v1 =	vld.idx.msk [tilespmem:v1+s26+$0x0], $0xffff;
	_ =	sdelay $0x3  }
0x3d3: {  	s4 =	sadd.s32 $0x12D80, s3  }
0x3d4: {  	s6 =	sadd.s32 $0x10, s30;
	[tilespmem:s4+$0x0] =	vst v1  }
0x3d5: {  	s7 =	simm.s32 $0x10;
	s8 =	simm.s32 $0x20;
	v1 =	vld [tilespmem:s6+$0x0]  }
.LBB2_57:
0x3d6: {  	p1 =	sne.s32 s8, $0x70;
	_ =	sdelay $0x1  }
0x3d7: {  	v2 =	vmov s7;
	s7 =	smov.u32 s8  }
0x3d8: {  	v2 =	vshll.u32 v2, $0x4  }
0x3d9: {  	v2 =	vor.u32 v0, v2;
	v3 =	vand.u32 $0xFFFFFFF8, v1  }
0x3da: {  	v1 =	vand.u32 $0x7, v1;
	v2 =	vadd.s32 v2, v3  }
0x3db: {  	v1 =	vor.u32 v1, v2;
	_ =	sdelay $0x4  }
0x3dc: {  	v1 =	vld.idx.msk [tilespmem:v1+s26+$0x0], $0xffff;
	_ =	sdelay $0x2  }
.Ltmp27:
0x3dd: {  	(pc) =	sbr.rel @p1 .LBB2_57-.Ltmp27, $4  }
0x3de: {  	_ = 	snop  }
0x3df: {  	s4 =	sadd.s32 $0x10, s4  }
0x3e0: {  	s6 =	sadd.s32 $0x10, s6;
	[tilespmem:s4+$0x0] =	vst v1  }
0x3e1: {  	s8 =	sadd.s32 $0x10, s8;
	v1 =	vld [tilespmem:s6+$0x0]  }
0x3e2: {  	_ =	sdelay $0x1  }
0x3e3: {  	v2 =	vmov s7  }
0x3e4: {  	v2 =	vshll.u32 v2, $0x4  }
0x3e5: {  	v2 =	vor.u32 v0, v2;
	v3 =	vand.u32 $0xFFFFFFF8, v1  }
0x3e6: {  	v1 =	vand.u32 $0x7, v1;
	v2 =	vadd.s32 v2, v3  }
0x3e7: {  	v1 =	vor.u32 v1, v2;
	_ =	sdelay $0x4  }
0x3e8: {  	v1 =	vld.idx.msk [tilespmem:v1+s26+$0x0], $0xffff;
	_ =	sdelay $0x1  }
.Ltmp28:
0x3e9: {  	_ = 	snop;
	(pc) =	sbr.rel @p0 .LBB2_42-.Ltmp28, $4  }
0x3ea: {  	_ = 	snop  }
0x3eb: {  	s4 =	sadd.s32 $0x10, s4  }
0x3ec: {  	s3 =	sadd.s32 $0x780, s3;
	p1 =	por $0x0, $0x0;
	[tilespmem:s4+$0x0] =	vst v1;
	s4 =	simm.s32 $0x1  }
0x3ed: {  	[tilespmem:s26], [sflag:$0x8] =	stream.indirect.gather [hbm4b:s10+s12], $0x10, s3, s12, $0xb8;
	[tilespmem:$0x13700] =	vst v63  }
0x3ee: {  	_ =	swait.ge [sflag:s28], $0x800  }
0x3ef: {  	[sflag:s28] =	ssyncset.done $0x0  }
0x3f0: {  	s2 =	simm.s32 $0x1500;
	[sflag:s28] =	ssyncadd.s32 $0xFFFFF800  }
0x3f1: {  	v1 =	vld [tilespmem:s2+$0x0];
	_ =	sdelay $0x1  }
0x3f2: {  	s31 =	simm.s32 $0x0  }
0x3f3: {  	v2 =	vmov s31  }
0x3f4: {  	v2 =	vshll.u32 v2, $0x4  }
0x3f5: {  	v2 =	vor.u32 v0, v2;
	v3 =	vand.u32 $0xFFFFFFF8, v1  }
0x3f6: {  	v1 =	vand.u32 $0x7, v1;
	v2 =	vadd.s32 v2, v3  }
0x3f7: {  	v1 =	vor.u32 v1, v2;
	_ =	sdelay $0x4  }
0x3f8: {  	v1 =	vld.idx.msk [tilespmem:v1+s13+$0x0], $0xffff;
	_ =	sdelay $0x3  }
0x3f9: {  	s2 =	simm.s32 $0x13200  }
0x3fa: {  	s3 =	simm.s32 $0x1510;
	[tilespmem:s2+$0x0] =	vst v1  }
0x3fb: {  	s4 =	simm.s32 $0x10;
	s6 =	simm.s32 $0x20;
	v1 =	vld [tilespmem:s3+$0x0]  }
.LBB2_60:
0x3fc: {  	p0 =	sne.s32 s6, $0x70;
	_ =	sdelay $0x1  }
0x3fd: {  	v2 =	vmov s4;
	s4 =	smov.u32 s6  }
0x3fe: {  	v2 =	vshll.u32 v2, $0x4  }
0x3ff: {  	v2 =	vor.u32 v0, v2;
	v3 =	vand.u32 $0xFFFFFFF8, v1  }
0x400: {  	v1 =	vand.u32 $0x7, v1;
	v2 =	vadd.s32 v2, v3  }
0x401: {  	v1 =	vor.u32 v1, v2;
	_ =	sdelay $0x4  }
0x402: {  	v1 =	vld.idx.msk [tilespmem:v1+s13+$0x0], $0xffff;
	_ =	sdelay $0x2  }
.Ltmp29:
0x403: {  	(pc) =	sbr.rel @p0 .LBB2_60-.Ltmp29, $4  }
0x404: {  	_ = 	snop  }
0x405: {  	s2 =	sadd.s32 $0x10, s2  }
0x406: {  	s3 =	sadd.s32 $0x10, s3;
	[tilespmem:s2+$0x0] =	vst v1  }
0x407: {  	s6 =	sadd.s32 $0x10, s6;
	v1 =	vld [tilespmem:s3+$0x0]  }
0x408: {  	_ =	sdelay $0x1  }
0x409: {  	v2 =	vmov s4  }
0x40a: {  	v2 =	vshll.u32 v2, $0x4  }
0x40b: {  	v2 =	vor.u32 v0, v2;
	v3 =	vand.u32 $0xFFFFFFF8, v1  }
0x40c: {  	v1 =	vand.u32 $0x7, v1;
	v2 =	vadd.s32 v2, v3  }
0x40d: {  	v1 =	vor.u32 v1, v2;
	_ =	sdelay $0x4  }
0x40e: {  	v1 =	vld.idx.msk [tilespmem:v1+s13+$0x0], $0xffff;
	_ =	sdelay $0x3  }
0x40f: {  	s2 =	sadd.s32 $0x10, s2  }
0x410: {  	s25 =	simm.s32 $0xC00;
	[tilespmem:s2+$0x0] =	vst v1  }
0x411: {  	[tilespmem:s13], [sflag:$0x1] =	stream.indirect.gather [hbm4b:s10+s12], $0x10, s25, s12, $0xb8;
	[tilespmem:$0x13700] =	vst v63  }
0x412: {  	_ =	swait.ge [sflag:s29], $0x800  }
0x413: {  	[sflag:s29] =	ssyncset.done $0x0  }
0x414: {  	s30 =	simm.s32 $0x1580;
	[sflag:s29] =	ssyncadd.s32 $0xFFFFF800  }
0x415: {  	v1 =	vld [tilespmem:s30+$0x0];
	_ =	sdelay $0x1  }
0x416: {  	s31 =	simm.s32 $0x0  }
0x417: {  	v2 =	vmov s31  }
0x418: {  	v2 =	vshll.u32 v2, $0x4  }
0x419: {  	v2 =	vor.u32 v0, v2;
	v3 =	vand.u32 $0xFFFFFFF8, v1  }
0x41a: {  	v1 =	vand.u32 $0x7, v1;
	v2 =	vadd.s32 v2, v3  }
0x41b: {  	v1 =	vor.u32 v1, v2;
	_ =	sdelay $0x4  }
0x41c: {  	v1 =	vld.idx.msk [tilespmem:v1+s14+$0x0], $0xffff;
	_ =	sdelay $0x3  }
0x41d: {  	s2 =	simm.s32 $0x13280  }
0x41e: {  	s3 =	simm.s32 $0x1590;
	[tilespmem:s2+$0x0] =	vst v1  }
0x41f: {  	s4 =	simm.s32 $0x10;
	s6 =	simm.s32 $0x20;
	v1 =	vld [tilespmem:s3+$0x0]  }
.LBB2_62:
0x420: {  	p0 =	sne.s32 s6, $0x70;
	_ =	sdelay $0x1  }
0x421: {  	v2 =	vmov s4;
	s4 =	smov.u32 s6  }
0x422: {  	v2 =	vshll.u32 v2, $0x4  }
0x423: {  	v2 =	vor.u32 v0, v2;
	v3 =	vand.u32 $0xFFFFFFF8, v1  }
0x424: {  	v1 =	vand.u32 $0x7, v1;
	v2 =	vadd.s32 v2, v3  }
0x425: {  	v1 =	vor.u32 v1, v2;
	_ =	sdelay $0x4  }
0x426: {  	v1 =	vld.idx.msk [tilespmem:v1+s14+$0x0], $0xffff;
	_ =	sdelay $0x2  }
.Ltmp30:
0x427: {  	(pc) =	sbr.rel @p0 .LBB2_62-.Ltmp30, $4  }
0x428: {  	_ = 	snop  }
0x429: {  	s2 =	sadd.s32 $0x10, s2  }
0x42a: {  	s3 =	sadd.s32 $0x10, s3;
	[tilespmem:s2+$0x0] =	vst v1  }
0x42b: {  	s6 =	sadd.s32 $0x10, s6;
	v1 =	vld [tilespmem:s3+$0x0]  }
0x42c: {  	_ =	sdelay $0x1  }
0x42d: {  	v2 =	vmov s4  }
0x42e: {  	v2 =	vshll.u32 v2, $0x4  }
0x42f: {  	v2 =	vor.u32 v0, v2;
	v3 =	vand.u32 $0xFFFFFFF8, v1  }
0x430: {  	v1 =	vand.u32 $0x7, v1;
	v2 =	vadd.s32 v2, v3  }
0x431: {  	v1 =	vor.u32 v1, v2;
	_ =	sdelay $0x4  }
0x432: {  	v1 =	vld.idx.msk [tilespmem:v1+s14+$0x0], $0xffff;
	_ =	sdelay $0x3  }
0x433: {  	s2 =	sadd.s32 $0x10, s2  }
0x434: {  	s23 =	simm.s32 $0xC80;
	s25 =	simm.s32 $0x3;
	[tilespmem:s2+$0x0] =	vst v1  }
0x435: {  	[tilespmem:s14], [sflag:$0x2] =	stream.indirect.gather [hbm4b:s10+s12], $0x10, s23, s12, $0xb8;
	[tilespmem:$0x13700] =	vst v63  }
0x436: {  	_ =	swait.ge [sflag:s25], $0x800  }
0x437: {  	[sflag:s25] =	ssyncset.done $0x0  }
0x438: {  	s30 =	simm.s32 $0x1600;
	[sflag:s25] =	ssyncadd.s32 $0xFFFFF800  }
0x439: {  	v1 =	vld [tilespmem:s30+$0x0];
	_ =	sdelay $0x1  }
0x43a: {  	s31 =	simm.s32 $0x0  }
0x43b: {  	v2 =	vmov s31  }
0x43c: {  	v2 =	vshll.u32 v2, $0x4  }
0x43d: {  	v2 =	vor.u32 v0, v2;
	v3 =	vand.u32 $0xFFFFFFF8, v1  }
0x43e: {  	v1 =	vand.u32 $0x7, v1;
	v2 =	vadd.s32 v2, v3  }
0x43f: {  	v1 =	vor.u32 v1, v2;
	_ =	sdelay $0x4  }
0x440: {  	v1 =	vld.idx.msk [tilespmem:v1+s16+$0x0], $0xffff;
	_ =	sdelay $0x3  }
0x441: {  	s2 =	simm.s32 $0x13300  }
0x442: {  	s3 =	simm.s32 $0x1610;
	[tilespmem:s2+$0x0] =	vst v1  }
0x443: {  	s4 =	simm.s32 $0x10;
	s6 =	simm.s32 $0x20;
	v1 =	vld [tilespmem:s3+$0x0]  }
.LBB2_64:
0x444: {  	p0 =	sne.s32 s6, $0x70;
	_ =	sdelay $0x1  }
0x445: {  	v2 =	vmov s4;
	s4 =	smov.u32 s6  }
0x446: {  	v2 =	vshll.u32 v2, $0x4  }
0x447: {  	v2 =	vor.u32 v0, v2;
	v3 =	vand.u32 $0xFFFFFFF8, v1  }
0x448: {  	v1 =	vand.u32 $0x7, v1;
	v2 =	vadd.s32 v2, v3  }
0x449: {  	v1 =	vor.u32 v1, v2;
	_ =	sdelay $0x4  }
0x44a: {  	v1 =	vld.idx.msk [tilespmem:v1+s16+$0x0], $0xffff;
	_ =	sdelay $0x2  }
.Ltmp31:
0x44b: {  	(pc) =	sbr.rel @p0 .LBB2_64-.Ltmp31, $4  }
0x44c: {  	_ = 	snop  }
0x44d: {  	s2 =	sadd.s32 $0x10, s2  }
0x44e: {  	s3 =	sadd.s32 $0x10, s3;
	[tilespmem:s2+$0x0] =	vst v1  }
0x44f: {  	s6 =	sadd.s32 $0x10, s6;
	v1 =	vld [tilespmem:s3+$0x0]  }
0x450: {  	_ =	sdelay $0x1  }
0x451: {  	v2 =	vmov s4  }
0x452: {  	v2 =	vshll.u32 v2, $0x4  }
0x453: {  	v2 =	vor.u32 v0, v2;
	v3 =	vand.u32 $0xFFFFFFF8, v1  }
0x454: {  	v1 =	vand.u32 $0x7, v1;
	v2 =	vadd.s32 v2, v3  }
0x455: {  	v1 =	vor.u32 v1, v2;
	_ =	sdelay $0x4  }
0x456: {  	v1 =	vld.idx.msk [tilespmem:v1+s16+$0x0], $0xffff;
	_ =	sdelay $0x3  }
0x457: {  	s2 =	sadd.s32 $0x10, s2  }
0x458: {  	s25 =	simm.s32 $0x4;
	[tilespmem:s2+$0x0] =	vst v1  }
0x459: {  	_ =	swait.ge [sflag:s25], $0x800  }
0x45a: {  	[sflag:s25] =	ssyncset.done $0x0  }
0x45b: {  	s30 =	simm.s32 $0x1680;
	[sflag:s25] =	ssyncadd.s32 $0xFFFFF800  }
0x45c: {  	v1 =	vld [tilespmem:s30+$0x0];
	_ =	sdelay $0x1  }
0x45d: {  	s31 =	simm.s32 $0x0  }
0x45e: {  	v2 =	vmov s31  }
0x45f: {  	v2 =	vshll.u32 v2, $0x4  }
0x460: {  	v2 =	vor.u32 v0, v2;
	v3 =	vand.u32 $0xFFFFFFF8, v1  }
0x461: {  	v1 =	vand.u32 $0x7, v1;
	v2 =	vadd.s32 v2, v3  }
0x462: {  	v1 =	vor.u32 v1, v2;
	_ =	sdelay $0x4  }
0x463: {  	v1 =	vld.idx.msk [tilespmem:v1+s18+$0x0], $0xffff;
	_ =	sdelay $0x3  }
0x464: {  	s2 =	simm.s32 $0x13380  }
0x465: {  	s3 =	simm.s32 $0x1690;
	[tilespmem:s2+$0x0] =	vst v1  }
0x466: {  	s4 =	simm.s32 $0x10;
	s6 =	simm.s32 $0x20;
	v1 =	vld [tilespmem:s3+$0x0]  }
.LBB2_66:
0x467: {  	p0 =	sne.s32 s6, $0x70;
	_ =	sdelay $0x1  }
0x468: {  	v2 =	vmov s4;
	s4 =	smov.u32 s6  }
0x469: {  	v2 =	vshll.u32 v2, $0x4  }
0x46a: {  	v2 =	vor.u32 v0, v2;
	v3 =	vand.u32 $0xFFFFFFF8, v1  }
0x46b: {  	v1 =	vand.u32 $0x7, v1;
	v2 =	vadd.s32 v2, v3  }
0x46c: {  	v1 =	vor.u32 v1, v2;
	_ =	sdelay $0x4  }
0x46d: {  	v1 =	vld.idx.msk [tilespmem:v1+s18+$0x0], $0xffff;
	_ =	sdelay $0x2  }
.Ltmp32:
0x46e: {  	(pc) =	sbr.rel @p0 .LBB2_66-.Ltmp32, $4  }
0x46f: {  	_ = 	snop  }
0x470: {  	s2 =	sadd.s32 $0x10, s2  }
0x471: {  	s3 =	sadd.s32 $0x10, s3;
	[tilespmem:s2+$0x0] =	vst v1  }
0x472: {  	s6 =	sadd.s32 $0x10, s6;
	v1 =	vld [tilespmem:s3+$0x0]  }
0x473: {  	_ =	sdelay $0x1  }
0x474: {  	v2 =	vmov s4  }
0x475: {  	v2 =	vshll.u32 v2, $0x4  }
0x476: {  	v2 =	vor.u32 v0, v2;
	v3 =	vand.u32 $0xFFFFFFF8, v1  }
0x477: {  	v1 =	vand.u32 $0x7, v1;
	v2 =	vadd.s32 v2, v3  }
0x478: {  	v1 =	vor.u32 v1, v2;
	_ =	sdelay $0x4  }
0x479: {  	v1 =	vld.idx.msk [tilespmem:v1+s18+$0x0], $0xffff;
	_ =	sdelay $0x3  }
0x47a: {  	s2 =	sadd.s32 $0x10, s2  }
0x47b: {  	[tilespmem:s2+$0x0] =	vst v1  }
0x47c: {  	_ =	swait.ge [sflag:s1], $0x800  }
0x47d: {  	[sflag:s1] =	ssyncset.done $0x0  }
0x47e: {  	s30 =	simm.s32 $0x1700;
	[sflag:s1] =	ssyncadd.s32 $0xFFFFF800  }
0x47f: {  	v1 =	vld [tilespmem:s30+$0x0];
	_ =	sdelay $0x1  }
0x480: {  	s31 =	simm.s32 $0x0  }
0x481: {  	v2 =	vmov s31  }
0x482: {  	v2 =	vshll.u32 v2, $0x4  }
0x483: {  	v2 =	vor.u32 v0, v2;
	v3 =	vand.u32 $0xFFFFFFF8, v1  }
0x484: {  	v1 =	vand.u32 $0x7, v1;
	v2 =	vadd.s32 v2, v3  }
0x485: {  	v1 =	vor.u32 v1, v2;
	_ =	sdelay $0x4  }
0x486: {  	v1 =	vld.idx.msk [tilespmem:v1+s20+$0x0], $0xffff;
	_ =	sdelay $0x3  }
0x487: {  	s2 =	simm.s32 $0x13400  }
0x488: {  	s3 =	simm.s32 $0x1710;
	[tilespmem:s2+$0x0] =	vst v1  }
0x489: {  	s4 =	simm.s32 $0x10;
	s6 =	simm.s32 $0x20;
	v1 =	vld [tilespmem:s3+$0x0]  }
.LBB2_68:
0x48a: {  	p0 =	sne.s32 s6, $0x70;
	_ =	sdelay $0x1  }
0x48b: {  	v2 =	vmov s4;
	s4 =	smov.u32 s6  }
0x48c: {  	v2 =	vshll.u32 v2, $0x4  }
0x48d: {  	v2 =	vor.u32 v0, v2;
	v3 =	vand.u32 $0xFFFFFFF8, v1  }
0x48e: {  	v1 =	vand.u32 $0x7, v1;
	v2 =	vadd.s32 v2, v3  }
0x48f: {  	v1 =	vor.u32 v1, v2;
	_ =	sdelay $0x4  }
0x490: {  	v1 =	vld.idx.msk [tilespmem:v1+s20+$0x0], $0xffff;
	_ =	sdelay $0x2  }
.Ltmp33:
0x491: {  	(pc) =	sbr.rel @p0 .LBB2_68-.Ltmp33, $4  }
0x492: {  	_ = 	snop  }
0x493: {  	s2 =	sadd.s32 $0x10, s2  }
0x494: {  	s3 =	sadd.s32 $0x10, s3;
	[tilespmem:s2+$0x0] =	vst v1  }
0x495: {  	s6 =	sadd.s32 $0x10, s6;
	v1 =	vld [tilespmem:s3+$0x0]  }
0x496: {  	_ =	sdelay $0x1  }
0x497: {  	v2 =	vmov s4  }
0x498: {  	v2 =	vshll.u32 v2, $0x4  }
0x499: {  	v2 =	vor.u32 v0, v2;
	v3 =	vand.u32 $0xFFFFFFF8, v1  }
0x49a: {  	v1 =	vand.u32 $0x7, v1;
	v2 =	vadd.s32 v2, v3  }
0x49b: {  	v1 =	vor.u32 v1, v2;
	_ =	sdelay $0x4  }
0x49c: {  	v1 =	vld.idx.msk [tilespmem:v1+s20+$0x0], $0xffff;
	_ =	sdelay $0x3  }
0x49d: {  	s2 =	sadd.s32 $0x10, s2  }
0x49e: {  	[tilespmem:s2+$0x0] =	vst v1  }
0x49f: {  	_ =	swait.ge [sflag:s0], $0x800  }
0x4a0: {  	[sflag:s0] =	ssyncset.done $0x0  }
0x4a1: {  	s30 =	simm.s32 $0x1780;
	[sflag:s0] =	ssyncadd.s32 $0xFFFFF800  }
0x4a2: {  	v1 =	vld [tilespmem:s30+$0x0];
	_ =	sdelay $0x1  }
0x4a3: {  	s31 =	simm.s32 $0x0  }
0x4a4: {  	v2 =	vmov s31  }
0x4a5: {  	v2 =	vshll.u32 v2, $0x4  }
0x4a6: {  	v2 =	vor.u32 v0, v2;
	v3 =	vand.u32 $0xFFFFFFF8, v1  }
0x4a7: {  	v1 =	vand.u32 $0x7, v1;
	v2 =	vadd.s32 v2, v3  }
0x4a8: {  	v1 =	vor.u32 v1, v2;
	_ =	sdelay $0x4  }
0x4a9: {  	v1 =	vld.idx.msk [tilespmem:v1+s22+$0x0], $0xffff;
	_ =	sdelay $0x3  }
0x4aa: {  	s2 =	simm.s32 $0x13480  }
0x4ab: {  	s3 =	simm.s32 $0x1790;
	[tilespmem:s2+$0x0] =	vst v1  }
0x4ac: {  	s4 =	simm.s32 $0x10;
	s6 =	simm.s32 $0x20;
	v1 =	vld [tilespmem:s3+$0x0]  }
.LBB2_70:
0x4ad: {  	p0 =	sne.s32 s6, $0x70;
	_ =	sdelay $0x1  }
0x4ae: {  	v2 =	vmov s4;
	s4 =	smov.u32 s6  }
0x4af: {  	v2 =	vshll.u32 v2, $0x4  }
0x4b0: {  	v2 =	vor.u32 v0, v2;
	v3 =	vand.u32 $0xFFFFFFF8, v1  }
0x4b1: {  	v1 =	vand.u32 $0x7, v1;
	v2 =	vadd.s32 v2, v3  }
0x4b2: {  	v1 =	vor.u32 v1, v2;
	_ =	sdelay $0x4  }
0x4b3: {  	v1 =	vld.idx.msk [tilespmem:v1+s22+$0x0], $0xffff;
	_ =	sdelay $0x2  }
.Ltmp34:
0x4b4: {  	(pc) =	sbr.rel @p0 .LBB2_70-.Ltmp34, $4  }
0x4b5: {  	_ = 	snop  }
0x4b6: {  	s2 =	sadd.s32 $0x10, s2  }
0x4b7: {  	s3 =	sadd.s32 $0x10, s3;
	[tilespmem:s2+$0x0] =	vst v1  }
0x4b8: {  	s6 =	sadd.s32 $0x10, s6;
	v1 =	vld [tilespmem:s3+$0x0]  }
0x4b9: {  	_ =	sdelay $0x1  }
0x4ba: {  	v2 =	vmov s4  }
0x4bb: {  	v2 =	vshll.u32 v2, $0x4  }
0x4bc: {  	v2 =	vor.u32 v0, v2;
	v3 =	vand.u32 $0xFFFFFFF8, v1  }
0x4bd: {  	v1 =	vand.u32 $0x7, v1;
	v2 =	vadd.s32 v2, v3  }
0x4be: {  	v1 =	vor.u32 v1, v2;
	_ =	sdelay $0x4  }
0x4bf: {  	v1 =	vld.idx.msk [tilespmem:v1+s22+$0x0], $0xffff;
	_ =	sdelay $0x3  }
0x4c0: {  	s2 =	sadd.s32 $0x10, s2  }
0x4c1: {  	[tilespmem:s2+$0x0] =	vst v1  }
0x4c2: {  	_ =	swait.ge [sflag:s11], $0x800  }
0x4c3: {  	[sflag:s11] =	ssyncset.done $0x0  }
0x4c4: {  	s30 =	simm.s32 $0x1800;
	[sflag:s11] =	ssyncadd.s32 $0xFFFFF800  }
0x4c5: {  	v1 =	vld [tilespmem:s30+$0x0];
	_ =	sdelay $0x1  }
0x4c6: {  	s31 =	simm.s32 $0x0  }
0x4c7: {  	v2 =	vmov s31  }
0x4c8: {  	v2 =	vshll.u32 v2, $0x4  }
0x4c9: {  	v2 =	vor.u32 v0, v2;
	v3 =	vand.u32 $0xFFFFFFF8, v1  }
0x4ca: {  	v1 =	vand.u32 $0x7, v1;
	v2 =	vadd.s32 v2, v3  }
0x4cb: {  	v1 =	vor.u32 v1, v2;
	_ =	sdelay $0x4  }
0x4cc: {  	v1 =	vld.idx.msk [tilespmem:v1+s24+$0x0], $0xffff;
	_ =	sdelay $0x3  }
0x4cd: {  	s2 =	simm.s32 $0x13500  }
0x4ce: {  	s3 =	simm.s32 $0x1810;
	[tilespmem:s2+$0x0] =	vst v1  }
0x4cf: {  	s4 =	simm.s32 $0x10;
	s6 =	simm.s32 $0x20;
	v1 =	vld [tilespmem:s3+$0x0]  }
.LBB2_72:
0x4d0: {  	p0 =	sne.s32 s6, $0x70;
	_ =	sdelay $0x1  }
0x4d1: {  	v2 =	vmov s4;
	s4 =	smov.u32 s6  }
0x4d2: {  	v2 =	vshll.u32 v2, $0x4  }
0x4d3: {  	v2 =	vor.u32 v0, v2;
	v3 =	vand.u32 $0xFFFFFFF8, v1  }
0x4d4: {  	v1 =	vand.u32 $0x7, v1;
	v2 =	vadd.s32 v2, v3  }
0x4d5: {  	v1 =	vor.u32 v1, v2;
	_ =	sdelay $0x4  }
0x4d6: {  	v1 =	vld.idx.msk [tilespmem:v1+s24+$0x0], $0xffff;
	_ =	sdelay $0x2  }
.Ltmp35:
0x4d7: {  	(pc) =	sbr.rel @p0 .LBB2_72-.Ltmp35, $4  }
0x4d8: {  	_ = 	snop  }
0x4d9: {  	s2 =	sadd.s32 $0x10, s2  }
0x4da: {  	s3 =	sadd.s32 $0x10, s3;
	[tilespmem:s2+$0x0] =	vst v1  }
0x4db: {  	s6 =	sadd.s32 $0x10, s6;
	v1 =	vld [tilespmem:s3+$0x0]  }
0x4dc: {  	_ =	sdelay $0x1  }
0x4dd: {  	v2 =	vmov s4  }
0x4de: {  	v2 =	vshll.u32 v2, $0x4  }
0x4df: {  	v2 =	vor.u32 v0, v2;
	v3 =	vand.u32 $0xFFFFFFF8, v1  }
0x4e0: {  	v1 =	vand.u32 $0x7, v1;
	v2 =	vadd.s32 v2, v3  }
0x4e1: {  	v1 =	vor.u32 v1, v2;
	_ =	sdelay $0x4  }
0x4e2: {  	v1 =	vld.idx.msk [tilespmem:v1+s24+$0x0], $0xffff;
	_ =	sdelay $0x3  }
0x4e3: {  	s2 =	sadd.s32 $0x10, s2  }
0x4e4: {  	[tilespmem:s2+$0x0] =	vst v1  }
0x4e5: {  	_ =	swait.ge [sflag:s5], $0x800  }
0x4e6: {  	[sflag:s5] =	ssyncset.done $0x0  }
0x4e7: {  	s30 =	simm.s32 $0x1880;
	[sflag:s5] =	ssyncadd.s32 $0xFFFFF800  }
0x4e8: {  	v1 =	vld [tilespmem:s30+$0x0];
	_ =	sdelay $0x1  }
0x4e9: {  	s31 =	simm.s32 $0x0  }
0x4ea: {  	v2 =	vmov s31  }
0x4eb: {  	v2 =	vshll.u32 v2, $0x4  }
0x4ec: {  	v2 =	vor.u32 v0, v2;
	v3 =	vand.u32 $0xFFFFFFF8, v1  }
0x4ed: {  	v1 =	vand.u32 $0x7, v1;
	v2 =	vadd.s32 v2, v3  }
0x4ee: {  	v1 =	vor.u32 v1, v2;
	_ =	sdelay $0x4  }
0x4ef: {  	v1 =	vld.idx.msk [tilespmem:v1+s26+$0x0], $0xffff;
	_ =	sdelay $0x3  }
0x4f0: {  	s2 =	simm.s32 $0x13580  }
0x4f1: {  	s3 =	simm.s32 $0x1890;
	[tilespmem:s2+$0x0] =	vst v1  }
0x4f2: {  	s4 =	simm.s32 $0x10;
	s6 =	simm.s32 $0x20;
	v1 =	vld [tilespmem:s3+$0x0]  }
.LBB2_74:
0x4f3: {  	p0 =	sne.s32 s6, $0x70;
	_ =	sdelay $0x1  }
0x4f4: {  	v2 =	vmov s4;
	s4 =	smov.u32 s6  }
0x4f5: {  	v2 =	vshll.u32 v2, $0x4  }
0x4f6: {  	v2 =	vor.u32 v0, v2;
	v3 =	vand.u32 $0xFFFFFFF8, v1  }
0x4f7: {  	v1 =	vand.u32 $0x7, v1;
	v2 =	vadd.s32 v2, v3  }
0x4f8: {  	v1 =	vor.u32 v1, v2;
	_ =	sdelay $0x4  }
0x4f9: {  	v1 =	vld.idx.msk [tilespmem:v1+s26+$0x0], $0xffff;
	_ =	sdelay $0x2  }
.Ltmp36:
0x4fa: {  	(pc) =	sbr.rel @p0 .LBB2_74-.Ltmp36, $4  }
0x4fb: {  	_ = 	snop  }
0x4fc: {  	s2 =	sadd.s32 $0x10, s2  }
0x4fd: {  	s3 =	sadd.s32 $0x10, s3;
	[tilespmem:s2+$0x0] =	vst v1  }
0x4fe: {  	s6 =	sadd.s32 $0x10, s6;
	v1 =	vld [tilespmem:s3+$0x0]  }
0x4ff: {  	_ =	sdelay $0x1  }
0x500: {  	v2 =	vmov s4  }
0x501: {  	v2 =	vshll.u32 v2, $0x4  }
0x502: {  	v2 =	vor.u32 v0, v2;
	v3 =	vand.u32 $0xFFFFFFF8, v1  }
0x503: {  	v1 =	vand.u32 $0x7, v1;
	v2 =	vadd.s32 v2, v3  }
0x504: {  	v1 =	vor.u32 v1, v2;
	_ =	sdelay $0x4  }
0x505: {  	v1 =	vld.idx.msk [tilespmem:v1+s26+$0x0], $0xffff;
	_ =	sdelay $0x3  }
0x506: {  	s2 =	sadd.s32 $0x10, s2  }
0x507: {  	[tilespmem:s2+$0x0] =	vst v1  }
0x508: {  	_ =	swait.ge [sflag:s28], $0x800  }
0x509: {  	[sflag:s28] =	ssyncset.done $0x0  }
0x50a: {  	s30 =	simm.s32 $0x1900;
	[sflag:s28] =	ssyncadd.s32 $0xFFFFF800  }
0x50b: {  	v1 =	vld [tilespmem:s30+$0x0];
	_ =	sdelay $0x1  }
0x50c: {  	s31 =	simm.s32 $0x0  }
0x50d: {  	v2 =	vmov s31  }
0x50e: {  	v2 =	vshll.u32 v2, $0x4  }
0x50f: {  	v2 =	vor.u32 v0, v2;
	v3 =	vand.u32 $0xFFFFFFF8, v1  }
0x510: {  	v1 =	vand.u32 $0x7, v1;
	v2 =	vadd.s32 v2, v3  }
0x511: {  	v1 =	vor.u32 v1, v2;
	_ =	sdelay $0x4  }
0x512: {  	v1 =	vld.idx.msk [tilespmem:v1+s13+$0x0], $0xffff;
	_ =	sdelay $0x3  }
0x513: {  	s2 =	simm.s32 $0x13600  }
0x514: {  	s3 =	simm.s32 $0x1910;
	[tilespmem:s2+$0x0] =	vst v1  }
0x515: {  	s4 =	simm.s32 $0x10;
	s6 =	simm.s32 $0x20;
	v1 =	vld [tilespmem:s3+$0x0]  }
.LBB2_76:
0x516: {  	p0 =	sne.s32 s6, $0x70;
	_ =	sdelay $0x1  }
0x517: {  	v2 =	vmov s4;
	s4 =	smov.u32 s6  }
0x518: {  	v2 =	vshll.u32 v2, $0x4  }
0x519: {  	v2 =	vor.u32 v0, v2;
	v3 =	vand.u32 $0xFFFFFFF8, v1  }
0x51a: {  	v1 =	vand.u32 $0x7, v1;
	v2 =	vadd.s32 v2, v3  }
0x51b: {  	v1 =	vor.u32 v1, v2;
	_ =	sdelay $0x4  }
0x51c: {  	v1 =	vld.idx.msk [tilespmem:v1+s13+$0x0], $0xffff;
	_ =	sdelay $0x2  }
.Ltmp37:
0x51d: {  	(pc) =	sbr.rel @p0 .LBB2_76-.Ltmp37, $4  }
0x51e: {  	_ = 	snop  }
0x51f: {  	s2 =	sadd.s32 $0x10, s2  }
0x520: {  	s3 =	sadd.s32 $0x10, s3;
	[tilespmem:s2+$0x0] =	vst v1  }
0x521: {  	s6 =	sadd.s32 $0x10, s6;
	v1 =	vld [tilespmem:s3+$0x0]  }
0x522: {  	_ =	sdelay $0x1  }
0x523: {  	v2 =	vmov s4  }
0x524: {  	v2 =	vshll.u32 v2, $0x4  }
0x525: {  	v2 =	vor.u32 v0, v2;
	v3 =	vand.u32 $0xFFFFFFF8, v1  }
0x526: {  	v1 =	vand.u32 $0x7, v1;
	v2 =	vadd.s32 v2, v3  }
0x527: {  	v1 =	vor.u32 v1, v2;
	_ =	sdelay $0x4  }
0x528: {  	v1 =	vld.idx.msk [tilespmem:v1+s13+$0x0], $0xffff;
	_ =	sdelay $0x3  }
0x529: {  	s2 =	sadd.s32 $0x10, s2  }
0x52a: {  	[tilespmem:s2+$0x0] =	vst v1  }
0x52b: {  	_ =	swait.ge [sflag:s29], $0x800  }
0x52c: {  	[sflag:s29] =	ssyncset.done $0x0  }
0x52d: {  	s30 =	simm.s32 $0x1980;
	[sflag:s29] =	ssyncadd.s32 $0xFFFFF800  }
0x52e: {  	v1 =	vld [tilespmem:s30+$0x0];
	_ =	sdelay $0x1  }
0x52f: {  	s31 =	simm.s32 $0x0  }
0x530: {  	v2 =	vmov s31  }
0x531: {  	v2 =	vshll.u32 v2, $0x4  }
0x532: {  	v2 =	vor.u32 v0, v2;
	v3 =	vand.u32 $0xFFFFFFF8, v1  }
0x533: {  	v1 =	vand.u32 $0x7, v1;
	v2 =	vadd.s32 v2, v3  }
0x534: {  	v1 =	vor.u32 v1, v2;
	_ =	sdelay $0x4  }
0x535: {  	v1 =	vld.idx.msk [tilespmem:v1+s14+$0x0], $0xffff;
	_ =	sdelay $0x3  }
0x536: {  	s2 =	simm.s32 $0x13680  }
0x537: {  	s3 =	simm.s32 $0x1990;
	[tilespmem:s2+$0x0] =	vst v1  }
0x538: {  	s4 =	simm.s32 $0x10;
	s6 =	simm.s32 $0x20;
	v1 =	vld [tilespmem:s3+$0x0]  }
.LBB2_78:
0x539: {  	p0 =	sne.s32 s6, $0x70;
	_ =	sdelay $0x1  }
0x53a: {  	v2 =	vmov s4;
	s4 =	smov.u32 s6  }
0x53b: {  	v2 =	vshll.u32 v2, $0x4  }
0x53c: {  	v2 =	vor.u32 v0, v2;
	v3 =	vand.u32 $0xFFFFFFF8, v1  }
0x53d: {  	v1 =	vand.u32 $0x7, v1;
	v2 =	vadd.s32 v2, v3  }
0x53e: {  	v1 =	vor.u32 v1, v2;
	_ =	sdelay $0x4  }
0x53f: {  	v1 =	vld.idx.msk [tilespmem:v1+s14+$0x0], $0xffff;
	_ =	sdelay $0x2  }
.Ltmp38:
0x540: {  	(pc) =	sbr.rel @p0 .LBB2_78-.Ltmp38, $4  }
0x541: {  	_ = 	snop  }
0x542: {  	s2 =	sadd.s32 $0x10, s2  }
0x543: {  	s3 =	sadd.s32 $0x10, s3;
	[tilespmem:s2+$0x0] =	vst v1  }
0x544: {  	s6 =	sadd.s32 $0x10, s6;
	v1 =	vld [tilespmem:s3+$0x0]  }
0x545: {  	_ =	sdelay $0x1  }
0x546: {  	v2 =	vmov s4  }
0x547: {  	v2 =	vshll.u32 v2, $0x4  }
0x548: {  	v2 =	vor.u32 v0, v2;
	v3 =	vand.u32 $0xFFFFFFF8, v1  }
0x549: {  	v1 =	vand.u32 $0x7, v1;
	v2 =	vadd.s32 v2, v3  }
0x54a: {  	v1 =	vor.u32 v1, v2;
	_ =	sdelay $0x4  }
0x54b: {  	v1 =	vld.idx.msk [tilespmem:v1+s14+$0x0], $0xffff;
	_ =	sdelay $0x3  }
0x54c: {  	s2 =	sadd.s32 $0x10, s2;
	s21 =	rddreg [dreg:$0x6]  }
0x54d: {  	s6 =	simm.s32 $0xD00;
	s3 =	simm.s32 $0x1A000;
	s23 =	simm.s32 $0x5A00;
	[tilespmem:s2+$0x0] =	vst v1  }
0x54e: {  	[hbm4b:s21+s6] =	stream.strided.scatter [tilespmem:s23], [sflag:$0x9], $0xD000, s3, s6, $0x38;
	[tilespmem:$0x13700] =	vst v63  }
0x54f: {  	s3 =	simm.s32 $0x9  }
0x550: {  	_ =	swait.ge [sflag:s3], $0xD000  }
0x551: {  	s4 =	simm.s32 $0x0;
	[sflag:s3] =	ssyncset.done $0x0  }
0x552: {  	s7 =	simm.s32 $0x12A00;
	s25 =	rddreg [dreg:$0x7];
	[sflag:s3] =	ssyncadd.s32 $0xFFFF3000  }
0x553: {  	[hbm4b:s25+s4] =	stream.linear.scatter [tilespmem:s7], [sflag:$0x9], $0xD00, $0x38;
	[tilespmem:$0x13700] =	vst v63  }
0x554: {  	_ =	swait.ge [sflag:s3], $0xD00  }
0x555: {  	s30 =	rddreg [dreg:$0x9]  }
0x556: {  	s31 =	rddreg [dreg:$0x8];
	s7 =	sadd.s32 $0x1, s30  }
0x557: {  	p0 =	sne.s32 s7, s31  }
.Ltmp39:
0x558: {  	_ = 	snop;
	(pc) =	sbr.rel @p0 .LBB2_1-.Ltmp39, $3  }
0x559: {  	_ =	sdelay $0x1  }
0x55a: {  	[sflag:s3] =	ssyncset.done $0x0  }
0x55b: {  	[sflag:s3] =	ssyncadd.s32 $0xFFFFF300  }
0x55c: {  	_ =	sfence.sel $0x180000  }
0x55d: {  	[bflag:$0x0] =	sbarrier.arrive $0xFFFF  }
0x55e: {  	_ =	strace $0x90000047  }
0x55f: {  	s0 =	stileid.u32;
	[bflag:$0x2] =	sbarrier.arrive $0xFFFF  }
0x560: {  	p0 =	sne.s32 s0, $0x0;
	s0 =	rddreg [dreg:$0x2]  }
0x561: {  	s0 =	sadd.s32 @!p0 $0x100000, s0  }
0x562: {  	[sflag:s0] =	ssyncadd.tile.s32 @!p0 $0x1;
	_ =	shalt  }
.Lfunc_end2:
_tile_overlayer_lowered:
.L_overlay_start_2:
0x563: {  	(tag) =	ssettag $0x2  }
0x564: {  	s0 =	rddreg [dreg:$0x0];
	s2 =	stileid.u32  }
0x565: {  	s1 =	rddreg [dreg:$0x1];
	p0 =	sne.s32 s2, $0x0  }
0x566: {  	s3 =	rddreg [dreg:$0x2];
	[bflag:$0x3] =	sbarrier.arrive $0xFFFF;
	s2 =	simm.s32 @!p0 $0x1C09  }
0x567: {  	[timem:s3], [sflag:s2] =	dma.local @!p0 [hbm:s0], s1  }
0x568: {  	s0 =	simm.s32 @!p0 $0x9  }
0x569: {  	_ =	swait.ge @!p0 [sflag:s0], s1  }
0x56a: {  	s1 =	ssub.s32 @!p0 $0x0, s1;
	[sflag:s0] =	ssyncset.done @!p0 $0x0  }
0x56b: {  	[sflag:s0] =	ssyncadd.s32 @!p0 s1  }
0x56c: {  	[bflag:$0x3] =	sbarrier.arrive $0xFFFF  }
0x56d: {  	_ =	shalt  }

</sc_bundles>
